<compile_context>
chip_gen: v7x
topology: tpu7x:2x2x1
jax: 0.10.2.dev20260603
libtpu: 0.0.44.dev20260713+nightly
codegen_flags: <defaults>
</compile_context>

<pallas_src>
import functools
import math

import jax
import jax.numpy as jnp
from jax import lax
from jax.experimental import pallas as pl
from jax.experimental.pallas import tpu as pltpu
from jax.experimental.pallas import tpu_sc as plsc

D_MODEL = 64
LANES = 16
NUM_CORES = 2
NUM_SUBCORES = 16
NUM_WORKERS = NUM_CORES * NUM_SUBCORES
SCALE = math.sqrt(D_MODEL)

B = 4096
L = 200
BT = B // 128
LT = L // 8
G = 2
N_ITEM = G * 128
PER_W = L // 2
OUT_LEN = B * L * D_MODEL
IDX_ALL = LT * G * 8 * 128


def _make_kernel():
    mesh = plsc.VectorSubcoreMesh(core_axis_name="c", subcore_axis_name="s")

    scratch = (
        [pltpu.VMEM((IDX_ALL,), jnp.int32)]
        + [pltpu.VMEM((N_ITEM, D_MODEL), jnp.float32) for _ in range(2)]
        + [pltpu.VMEM((N_ITEM * D_MODEL,), jnp.float32) for _ in range(2)]
        + [pltpu.SemaphoreType.DMA for _ in range(5)]
    )

    @functools.partial(
        pl.kernel,
        mesh=mesh,
        out_type=jax.ShapeDtypeStruct((OUT_LEN,), jnp.float32),
        scratch_types=scratch,
        compiler_params=pltpu.CompilerParams(
            use_tc_tiling_on_sc=False, needs_layout_passes=False),
    )
    def emb_kernel(x_hbm, table_hbm, out_hbm,
                   idx_all, rows0, rows1, st0, st1,
                   isem, gsem0, gsem1, osem0, osem1):
        rows = (rows0, rows1)
        stage = (st0, st1)
        gsem = (gsem0, gsem1)
        osem = (osem0, osem1)

        wid = lax.axis_index("s") * NUM_CORES + lax.axis_index("c")
        base_l = wid // 16
        bt0 = (wid % 16) * G

        for lt in range(LT):
            for g in range(G):
                pltpu.async_copy(
                    x_hbm.at[pl.ds((lt * BT + bt0 + g) * 1024, 1024)],
                    idx_all.at[pl.ds((lt * G + g) * 1024, 1024)], isem)
        for _ in range(LT * G):
            pltpu.make_async_copy(
                x_hbm.at[pl.ds(0, 1024)], idx_all.at[pl.ds(0, 1024)],
                isem).wait()

        def item_l(k):
            return base_l + 2 * k

        def gather_start(k, s):
            l = item_l(k)
            lt = l // 8
            r = l - lt * 8
            for g in range(G):
                pltpu.async_copy(
                    table_hbm.at[idx_all.at[
                        pl.ds(((lt * G + g) * 8 + r) * 128, 128)]],
                    rows[s].at[pl.ds(g * 128, 128)], gsem[s])

        def gather_wait(k, s):
            l = item_l(k)
            lt = l // 8
            r = l - lt * 8
            for g in range(G):
                pltpu.make_async_copy(
                    table_hbm.at[idx_all.at[
                        pl.ds(((lt * G + g) * 8 + r) * 128, 128)]],
                    rows[s].at[pl.ds(g * 128, 128)], gsem[s]).wait()

        def out_off(l, dt):
            return ((l * 8 + dt) * BT + bt0) * 1024

        def store_start(k, s):
            l = item_l(k)
            for dt in range(8):
                pltpu.async_copy(
                    stage[s].at[pl.ds(dt * G * 1024, G * 1024)],
                    out_hbm.at[pl.ds(out_off(l, dt), G * 1024)],
                    osem[s])

        def store_wait(k, s):
            l = item_l(k)
            for dt in range(8):
                pltpu.make_async_copy(
                    stage[s].at[pl.ds(dt * G * 1024, G * 1024)],
                    out_hbm.at[pl.ds(out_off(l, dt), G * 1024)],
                    osem[s]).wait()

        def transpose_scale(s):
            r = rows[s]
            st = stage[s]
            iota = lax.broadcasted_iota(jnp.int32, (LANES,), 0)
            offs = [((d0 + iota) // 8) * 2048 + ((d0 + iota) % 8) * 128
                    for d0 in (0, 16, 32, 48)]

            def body(t, c):
                for u in range(4):
                    row = t * 4 + u
                    dyn = (row // 128) * 1024 + (row % 128)
                    for q in range(4):
                        v = r[row, pl.ds(q * 16, 16)] * SCALE
                        plsc.store_scatter(st, [offs[q] + dyn], v)
                return c

            lax.fori_loop(0, 64, body, 0)

        gather_start(0, 0)

        def step(kk, carry):
            gather_start(2 * kk + 1, 1)
            gather_wait(2 * kk, 0)

            @pl.when(kk > 0)
            def _():
                store_wait(2 * kk - 2, 0)

            transpose_scale(0)
            store_start(2 * kk, 0)

            @pl.when(kk < PER_W // 2 - 1)
            def _():
                gather_start(2 * kk + 2, 0)

            gather_wait(2 * kk + 1, 1)

            @pl.when(kk > 0)
            def _():
                store_wait(2 * kk - 1, 1)

            transpose_scale(1)
            store_start(2 * kk + 1, 1)
            return carry

        lax.fori_loop(0, PER_W // 2, step, 0)

        store_wait(PER_W - 2, 0)
        store_wait(PER_W - 1, 1)

    return emb_kernel


@jax.jit
def kernel(x, table):
    x1d = (x.astype(jnp.int32).T
           .reshape(LT, 8, BT, 128).transpose(0, 2, 1, 3).reshape(-1))
    o1d = _make_kernel()(x1d, table)
    return (o1d.reshape(L, 8, BT, 8, 128)
            .transpose(2, 4, 0, 1, 3).reshape(B, L, D_MODEL))

# --- scband reference (transcript-rebuilt; emitter-appended) ---
"""Pipeline reference for scband-input-embedding-60129542144660 (READ-ONLY COPY).

The authoritative reference and input builder live on the scoring server;
editing this copy changes nothing except your own understanding.
"""

import jax, jax.numpy as jnp
import numpy as np
import math

VOCAB_SIZE = 1000000
D_MODEL = 64

def setup_inputs(seed: int = 0) -> dict:
    key = jax.random.key(seed)
    k1, k2 = jax.random.split(key)
    x = jax.random.randint(k1, (4096, 200), 0, VOCAB_SIZE, dtype=jnp.int64 if jax.config.jax_enable_x64 else jnp.int32)
    table = jax.random.normal(k2, (VOCAB_SIZE, D_MODEL), dtype=jnp.float32)
    return {"x": x, "table": table}

def reference(x, table):
    # nn.Embedding lookup followed by sqrt(d_model) scaling
    emb = jnp.take(table, x, axis=0)  # (B, L, d_model)
    return emb * math.sqrt(D_MODEL)

if __name__ == "__main__":
    import jax
    _d = setup_inputs()
    print(jax.jit(kernel)(*tuple(_d.values())))

</pallas_src>

<mosaic_0001>
#map = affine_map<(d0, d1) -> (0)>
#map1 = affine_map<(d0, d1) -> (0, 0)>
module attributes {stable_mosaic.version = 14 : i64} {
  func.func @emb_kernel(%arg0: i32, %arg1: i32, %arg2: memref<819200xi32, #tpu.memory_space<hbm>>, %arg3: memref<1000000x64xf32, #tpu.memory_space<hbm>>, %arg4: memref<52428800xf32, #tpu.memory_space<hbm>>, %arg5: memref<51200xi32, #tpu.memory_space<vmem>>, %arg6: memref<256x64xf32, #tpu.memory_space<vmem>>, %arg7: memref<256x64xf32, #tpu.memory_space<vmem>>, %arg8: memref<16384xf32, #tpu.memory_space<vmem>>, %arg9: memref<16384xf32, #tpu.memory_space<vmem>>, %arg10: memref<!tpu.dma_semaphore, #tpu.memory_space<semaphore_mem>>, %arg11: memref<!tpu.dma_semaphore, #tpu.memory_space<semaphore_mem>>, %arg12: memref<!tpu.dma_semaphore, #tpu.memory_space<semaphore_mem>>, %arg13: memref<!tpu.dma_semaphore, #tpu.memory_space<semaphore_mem>>, %arg14: memref<!tpu.dma_semaphore, #tpu.memory_space<semaphore_mem>>) attributes {dimension_semantics = [#tpu.dimension_semantics<core_parallel>, #tpu.dimension_semantics<subcore_parallel>], iteration_bounds = array<i64: 2, 16>, scalar_prefetch = 0 : i64, scratch_operands = 10 : i64, tpu.core_type = #tpu.core_type<sc_vector_subcore>, window_params = [{transform_indices = #map}, {transform_indices = #map1}, {transform_indices = #map}]} {
    %mul3A = arith.constant 2 : i32
    %mul3A_0 = arith.muli %arg1, %mul3A : i32
    %add3A = arith.addi %mul3A_0, %arg0 : i32
    %jit3A = arith.constant 16 : i32
    %div3A = arith.divsi %add3A, %jit3A : i32
    %sign3A = arith.constant 0 : i32
    %sign3A_1 = arith.cmpi sgt, %add3A, %sign3A : i32
    %sign3A_2 = arith.extui %sign3A_1 : i1 to i32
    %sign3A_3 = arith.constant 0 : i32
    %sign3A_4 = arith.cmpi slt, %add3A, %sign3A_3 : i32
    %sign3A_5 = arith.extui %sign3A_4 : i1 to i32
    %sign3A_6 = arith.subi %sign3A_2, %sign3A_5 : i32
    %sign3A_7 = arith.constant 0 : i32
    %sign3A_8 = arith.cmpi sgt, %jit3A, %sign3A_7 : i32
    %sign3A_9 = arith.extui %sign3A_8 : i1 to i32
    %sign3A_10 = arith.constant 0 : i32
    %sign3A_11 = arith.cmpi slt, %jit3A, %sign3A_10 : i32
    %sign3A_12 = arith.extui %sign3A_11 : i1 to i32
    %sign3A_13 = arith.subi %sign3A_9, %sign3A_12 : i32
    %ne3A = arith.cmpi ne, %sign3A_6, %sign3A_13 : i32
    %rem3A = arith.remsi %add3A, %jit3A : i32
    %ne3A_14 = arith.constant 0 : i32
    %ne3A_15 = arith.cmpi ne, %rem3A, %ne3A_14 : i32
    %and3A = arith.andi %ne3A, %ne3A_15 : i1
    %sub3A = arith.constant 1 : i32
    %sub3A_16 = arith.subi %div3A, %sub3A : i32
    %select_n3A = arith.select %and3A, %sub3A_16, %div3A : i32
    %jit3A_17 = arith.constant 16 : i32
    %eq3A = arith.constant 0 : i32
    %eq3A_18 = arith.cmpi eq, %jit3A_17, %eq3A : i32
    %jit3A_19 = arith.constant 1 : i32
    %select_n3A_20 = arith.select %eq3A_18, %jit3A_19, %jit3A_17 : i32
    %rem3A_21 = arith.remsi %add3A, %select_n3A_20 : i32
    %ne3A_22 = arith.constant 0 : i32
    %ne3A_23 = arith.cmpi ne, %rem3A_21, %ne3A_22 : i32
    %lt3A = arith.constant 0 : i32
    %lt3A_24 = arith.cmpi slt, %rem3A_21, %lt3A : i32
    %lt3A_25 = arith.constant 0 : i32
    %lt3A_26 = arith.cmpi slt, %select_n3A_20, %lt3A_25 : i32
    %ne3A_27 = arith.xori %lt3A_24, %lt3A_26 : i1
    %and3A_28 = arith.andi %ne3A_27, %ne3A_23 : i1
    %add3A_29 = arith.addi %rem3A_21, %select_n3A_20 : i32
    %select_n3A_30 = arith.select %and3A_28, %add3A_29, %rem3A_21 : i32
    %mul3A_31 = arith.constant 2 : i32
    %mul3A_32 = arith.muli %select_n3A_30, %mul3A_31 : i32
    %add3A_33 = arith.constant 0 : i32
    %add3A_34 = arith.addi %add3A_33, %mul3A_32 : i32
    %add3A_35 = arith.constant 0 : i32
    %add3A_36 = arith.addi %add3A_34, %add3A_35 : i32
    %mul3A_37 = arith.constant 1024 : i32
    %mul3A_38 = arith.muli %add3A_36, %mul3A_37 : i32
    %dma_start3A = arith.constant 0 : i32
    %dma_start3A_39 = tpu.memref_slice %arg5[%dma_start3A] : memref<51200xi32, #tpu.memory_space<vmem>> -> memref<1024xi32, #tpu.memory_space<vmem>>
    %dma_start3A_40 = tpu.memref_slice %arg2[%mul3A_38] : memref<819200xi32, #tpu.memory_space<hbm>> -> memref<1024xi32, #tpu.memory_space<hbm>>
    %dma_start3A_41 = arith.constant 0 : i32
    %dma_start3A_42 = tpu.memref_slice %arg5[%dma_start3A_41] : memref<51200xi32, #tpu.memory_space<vmem>> -> memref<1024xi32, #tpu.memory_space<vmem>>
    %dma_start3A_43 = tpu.memref_slice %arg2[%mul3A_38] : memref<819200xi32, #tpu.memory_space<hbm>> -> memref<1024xi32, #tpu.memory_space<hbm>>
    tpu.enqueue_dma source(%dma_start3A_43 : memref<1024xi32, #tpu.memory_space<hbm>>) target(%dma_start3A_42 : memref<1024xi32, #tpu.memory_space<vmem>>) target_semaphore(%arg10 : memref<!tpu.dma_semaphore, #tpu.memory_space<semaphore_mem>>)
    %add3A_44 = arith.constant 0 : i32
    %add3A_45 = arith.addi %add3A_44, %mul3A_32 : i32
    %add3A_46 = arith.constant 1 : i32
    %add3A_47 = arith.addi %add3A_45, %add3A_46 : i32
    %mul3A_48 = arith.constant 1024 : i32
    %mul3A_49 = arith.muli %add3A_47, %mul3A_48 : i32
    %dma_start3A_50 = arith.constant 1024 : i32
    %dma_start3A_51 = tpu.memref_slice %arg5[%dma_start3A_50] : memref<51200xi32, #tpu.memory_space<vmem>> -> memref<1024xi32, #tpu.memory_space<vmem>>
    %dma_start3A_52 = tpu.memref_slice %arg2[%mul3A_49] : memref<819200xi32, #tpu.memory_space<hbm>> -> memref<1024xi32, #tpu.memory_space<hbm>>
    %dma_start3A_53 = arith.constant 1024 : i32
    %dma_start3A_54 = tpu.memref_slice %arg5[%dma_start3A_53] : memref<51200xi32, #tpu.memory_space<vmem>> -> memref<1024xi32, #tpu.memory_space<vmem>>
    %dma_start3A_55 = tpu.memref_slice %arg2[%mul3A_49] : memref<819200xi32, #tpu.memory_space<hbm>> -> memref<1024xi32, #tpu.memory_space<hbm>>
    tpu.enqueue_dma source(%dma_start3A_55 : memref<1024xi32, #tpu.memory_space<hbm>>) target(%dma_start3A_54 : memref<1024xi32, #tpu.memory_space<vmem>>) target_semaphore(%arg10 : memref<!tpu.dma_semaphore, #tpu.memory_space<semaphore_mem>>)
    %add3A_56 = arith.constant 32 : i32
    %add3A_57 = arith.addi %add3A_56, %mul3A_32 : i32
    %add3A_58 = arith.constant 0 : i32
    %add3A_59 = arith.addi %add3A_57, %add3A_58 : i32
    %mul3A_60 = arith.constant 1024 : i32
    %mul3A_61 = arith.muli %add3A_59, %mul3A_60 : i32
    %dma_start3A_62 = arith.constant 2048 : i32
    %dma_start3A_63 = tpu.memref_slice %arg5[%dma_start3A_62] : memref<51200xi32, #tpu.memory_space<vmem>> -> memref<1024xi32, #tpu.memory_space<vmem>>
    %dma_start3A_64 = tpu.memref_slice %arg2[%mul3A_61] : memref<819200xi32, #tpu.memory_space<hbm>> -> memref<1024xi32, #tpu.memory_space<hbm>>
    %dma_start3A_65 = arith.constant 2048 : i32
    %dma_start3A_66 = tpu.memref_slice %arg5[%dma_start3A_65] : memref<51200xi32, #tpu.memory_space<vmem>> -> memref<1024xi32, #tpu.memory_space<vmem>>
    %dma_start3A_67 = tpu.memref_slice %arg2[%mul3A_61] : memref<819200xi32, #tpu.memory_space<hbm>> -> memref<1024xi32, #tpu.memory_space<hbm>>
    tpu.enqueue_dma source(%dma_start3A_67 : memref<1024xi32, #tpu.memory_space<hbm>>) target(%dma_start3A_66 : memref<1024xi32, #tpu.memory_space<vmem>>) target_semaphore(%arg10 : memref<!tpu.dma_semaphore, #tpu.memory_space<semaphore_mem>>)
    %add3A_68 = arith.constant 32 : i32
    %add3A_69 = arith.addi %add3A_68, %mul3A_32 : i32
    %add3A_70 = arith.constant 1 : i32
    %add3A_71 = arith.addi %add3A_69, %add3A_70 : i32
    %mul3A_72 = arith.constant 1024 : i32
    %mul3A_73 = arith.muli %add3A_71, %mul3A_72 : i32
    %dma_start3A_74 = arith.constant 3072 : i32
    %dma_start3A_75 = tpu.memref_slice %arg5[%dma_start3A_74] : memref<51200xi32, #tpu.memory_space<vmem>> -> memref<1024xi32, #tpu.memory_space<vmem>>
    %dma_start3A_76 = tpu.memref_slice %arg2[%mul3A_73] : memref<819200xi32, #tpu.memory_space<hbm>> -> memref<1024xi32, #tpu.memory_space<hbm>>
    %dma_start3A_77 = arith.constant 3072 : i32
    %dma_start3A_78 = tpu.memref_slice %arg5[%dma_start3A_77] : memref<51200xi32, #tpu.memory_space<vmem>> -> memref<1024xi32, #tpu.memory_space<vmem>>
    %dma_start3A_79 = tpu.memref_slice %arg2[%mul3A_73] : memref<819200xi32, #tpu.memory_space<hbm>> -> memref<1024xi32, #tpu.memory_space<hbm>>
    tpu.enqueue_dma source(%dma_start3A_79 : memref<1024xi32, #tpu.memory_space<hbm>>) target(%dma_start3A_78 : memref<1024xi32, #tpu.memory_space<vmem>>) target_semaphore(%arg10 : memref<!tpu.dma_semaphore, #tpu.memory_space<semaphore_mem>>)
    %add3A_80 = arith.constant 64 : i32
    %add3A_81 = arith.addi %add3A_80, %mul3A_32 : i32
    %add3A_82 = arith.constant 0 : i32
    %add3A_83 = arith.addi %add3A_81, %add3A_82 : i32
    %mul3A_84 = arith.constant 1024 : i32
    %mul3A_85 = arith.muli %add3A_83, %mul3A_84 : i32
    %dma_start3A_86 = arith.constant 4096 : i32
    %dma_start3A_87 = tpu.memref_slice %arg5[%dma_start3A_86] : memref<51200xi32, #tpu.memory_space<vmem>> -> memref<1024xi32, #tpu.memory_space<vmem>>
    %dma_start3A_88 = tpu.memref_slice %arg2[%mul3A_85] : memref<819200xi32, #tpu.memory_space<hbm>> -> memref<1024xi32, #tpu.memory_space<hbm>>
    %dma_start3A_89 = arith.constant 4096 : i32
    %dma_start3A_90 = tpu.memref_slice %arg5[%dma_start3A_89] : memref<51200xi32, #tpu.memory_space<vmem>> -> memref<1024xi32, #tpu.memory_space<vmem>>
    %dma_start3A_91 = tpu.memref_slice %arg2[%mul3A_85] : memref<819200xi32, #tpu.memory_space<hbm>> -> memref<1024xi32, #tpu.memory_space<hbm>>
    tpu.enqueue_dma source(%dma_start3A_91 : memref<1024xi32, #tpu.memory_space<hbm>>) target(%dma_start3A_90 : memref<1024xi32, #tpu.memory_space<vmem>>) target_semaphore(%arg10 : memref<!tpu.dma_semaphore, #tpu.memory_space<semaphore_mem>>)
    %add3A_92 = arith.constant 64 : i32
    %add3A_93 = arith.addi %add3A_92, %mul3A_32 : i32
    %add3A_94 = arith.constant 1 : i32
    %add3A_95 = arith.addi %add3A_93, %add3A_94 : i32
    %mul3A_96 = arith.constant 1024 : i32
    %mul3A_97 = arith.muli %add3A_95, %mul3A_96 : i32
    %dma_start3A_98 = arith.constant 5120 : i32
    %dma_start3A_99 = tpu.memref_slice %arg5[%dma_start3A_98] : memref<51200xi32, #tpu.memory_space<vmem>> -> memref<1024xi32, #tpu.memory_space<vmem>>
    %dma_start3A_100 = tpu.memref_slice %arg2[%mul3A_97] : memref<819200xi32, #tpu.memory_space<hbm>> -> memref<1024xi32, #tpu.memory_space<hbm>>
    %dma_start3A_101 = arith.constant 5120 : i32
    %dma_start3A_102 = tpu.memref_slice %arg5[%dma_start3A_101] : memref<51200xi32, #tpu.memory_space<vmem>> -> memref<1024xi32, #tpu.memory_space<vmem>>
    %dma_start3A_103 = tpu.memref_slice %arg2[%mul3A_97] : memref<819200xi32, #tpu.memory_space<hbm>> -> memref<1024xi32, #tpu.memory_space<hbm>>
    tpu.enqueue_dma source(%dma_start3A_103 : memref<1024xi32, #tpu.memory_space<hbm>>) target(%dma_start3A_102 : memref<1024xi32, #tpu.memory_space<vmem>>) target_semaphore(%arg10 : memref<!tpu.dma_semaphore, #tpu.memory_space<semaphore_mem>>)
    %add3A_104 = arith.constant 96 : i32
    %add3A_105 = arith.addi %add3A_104, %mul3A_32 : i32
    %add3A_106 = arith.constant 0 : i32
    %add3A_107 = arith.addi %add3A_105, %add3A_106 : i32
    %mul3A_108 = arith.constant 1024 : i32
    %mul3A_109 = arith.muli %add3A_107, %mul3A_108 : i32
    %dma_start3A_110 = arith.constant 6144 : i32
    %dma_start3A_111 = tpu.memref_slice %arg5[%dma_start3A_110] : memref<51200xi32, #tpu.memory_space<vmem>> -> memref<1024xi32, #tpu.memory_space<vmem>>
    %dma_start3A_112 = tpu.memref_slice %arg2[%mul3A_109] : memref<819200xi32, #tpu.memory_space<hbm>> -> memref<1024xi32, #tpu.memory_space<hbm>>
    %dma_start3A_113 = arith.constant 6144 : i32
    %dma_start3A_114 = tpu.memref_slice %arg5[%dma_start3A_113] : memref<51200xi32, #tpu.memory_space<vmem>> -> memref<1024xi32, #tpu.memory_space<vmem>>
    %dma_start3A_115 = tpu.memref_slice %arg2[%mul3A_109] : memref<819200xi32, #tpu.memory_space<hbm>> -> memref<1024xi32, #tpu.memory_space<hbm>>
    tpu.enqueue_dma source(%dma_start3A_115 : memref<1024xi32, #tpu.memory_space<hbm>>) target(%dma_start3A_114 : memref<1024xi32, #tpu.memory_space<vmem>>) target_semaphore(%arg10 : memref<!tpu.dma_semaphore, #tpu.memory_space<semaphore_mem>>)
    %add3A_116 = arith.constant 96 : i32
    %add3A_117 = arith.addi %add3A_116, %mul3A_32 : i32
    %add3A_118 = arith.constant 1 : i32
    %add3A_119 = arith.addi %add3A_117, %add3A_118 : i32
    %mul3A_120 = arith.constant 1024 : i32
    %mul3A_121 = arith.muli %add3A_119, %mul3A_120 : i32
    %dma_start3A_122 = arith.constant 7168 : i32
    %dma_start3A_123 = tpu.memref_slice %arg5[%dma_start3A_122] : memref<51200xi32, #tpu.memory_space<vmem>> -> memref<1024xi32, #tpu.memory_space<vmem>>
    %dma_start3A_124 = tpu.memref_slice %arg2[%mul3A_121] : memref<819200xi32, #tpu.memory_space<hbm>> -> memref<1024xi32, #tpu.memory_space<hbm>>
    %dma_start3A_125 = arith.constant 7168 : i32
    %dma_start3A_126 = tpu.memref_slice %arg5[%dma_start3A_125] : memref<51200xi32, #tpu.memory_space<vmem>> -> memref<1024xi32, #tpu.memory_space<vmem>>
    %dma_start3A_127 = tpu.memref_slice %arg2[%mul3A_121] : memref<819200xi32, #tpu.memory_space<hbm>> -> memref<1024xi32, #tpu.memory_space<hbm>>
    tpu.enqueue_dma source(%dma_start3A_127 : memref<1024xi32, #tpu.memory_space<hbm>>) target(%dma_start3A_126 : memref<1024xi32, #tpu.memory_space<vmem>>) target_semaphore(%arg10 : memref<!tpu.dma_semaphore, #tpu.memory_space<semaphore_mem>>)
    %add3A_128 = arith.constant 128 : i32
    %add3A_129 = arith.addi %add3A_128, %mul3A_32 : i32
    %add3A_130 = arith.constant 0 : i32
    %add3A_131 = arith.addi %add3A_129, %add3A_130 : i32
    %mul3A_132 = arith.constant 1024 : i32
    %mul3A_133 = arith.muli %add3A_131, %mul3A_132 : i32
    %dma_start3A_134 = arith.constant 8192 : i32
    %dma_start3A_135 = tpu.memref_slice %arg5[%dma_start3A_134] : memref<51200xi32, #tpu.memory_space<vmem>> -> memref<1024xi32, #tpu.memory_space<vmem>>
    %dma_start3A_136 = tpu.memref_slice %arg2[%mul3A_133] : memref<819200xi32, #tpu.memory_space<hbm>> -> memref<1024xi32, #tpu.memory_space<hbm>>
    %dma_start3A_137 = arith.constant 8192 : i32
    %dma_start3A_138 = tpu.memref_slice %arg5[%dma_start3A_137] : memref<51200xi32, #tpu.memory_space<vmem>> -> memref<1024xi32, #tpu.memory_space<vmem>>
    %dma_start3A_139 = tpu.memref_slice %arg2[%mul3A_133] : memref<819200xi32, #tpu.memory_space<hbm>> -> memref<1024xi32, #tpu.memory_space<hbm>>
    tpu.enqueue_dma source(%dma_start3A_139 : memref<1024xi32, #tpu.memory_space<hbm>>) target(%dma_start3A_138 : memref<1024xi32, #tpu.memory_space<vmem>>) target_semaphore(%arg10 : memref<!tpu.dma_semaphore, #tpu.memory_space<semaphore_mem>>)
    %add3A_140 = arith.constant 128 : i32
    %add3A_141 = arith.addi %add3A_140, %mul3A_32 : i32
    %add3A_142 = arith.constant 1 : i32
    %add3A_143 = arith.addi %add3A_141, %add3A_142 : i32
    %mul3A_144 = arith.constant 1024 : i32
    %mul3A_145 = arith.muli %add3A_143, %mul3A_144 : i32
    %dma_start3A_146 = arith.constant 9216 : i32
    %dma_start3A_147 = tpu.memref_slice %arg5[%dma_start3A_146] : memref<51200xi32, #tpu.memory_space<vmem>> -> memref<1024xi32, #tpu.memory_space<vmem>>
    %dma_start3A_148 = tpu.memref_slice %arg2[%mul3A_145] : memref<819200xi32, #tpu.memory_space<hbm>> -> memref<1024xi32, #tpu.memory_space<hbm>>
    %dma_start3A_149 = arith.constant 9216 : i32
    %dma_start3A_150 = tpu.memref_slice %arg5[%dma_start3A_149] : memref<51200xi32, #tpu.memory_space<vmem>> -> memref<1024xi32, #tpu.memory_space<vmem>>
    %dma_start3A_151 = tpu.memref_slice %arg2[%mul3A_145] : memref<819200xi32, #tpu.memory_space<hbm>> -> memref<1024xi32, #tpu.memory_space<hbm>>
    tpu.enqueue_dma source(%dma_start3A_151 : memref<1024xi32, #tpu.memory_space<hbm>>) target(%dma_start3A_150 : memref<1024xi32, #tpu.memory_space<vmem>>) target_semaphore(%arg10 : memref<!tpu.dma_semaphore, #tpu.memory_space<semaphore_mem>>)
    %add3A_152 = arith.constant 160 : i32
    %add3A_153 = arith.addi %add3A_152, %mul3A_32 : i32
    %add3A_154 = arith.constant 0 : i32
    %add3A_155 = arith.addi %add3A_153, %add3A_154 : i32
    %mul3A_156 = arith.constant 1024 : i32
    %mul3A_157 = arith.muli %add3A_155, %mul3A_156 : i32
    %dma_start3A_158 = arith.constant 10240 : i32
    %dma_start3A_159 = tpu.memref_slice %arg5[%dma_start3A_158] : memref<51200xi32, #tpu.memory_space<vmem>> -> memref<1024xi32, #tpu.memory_space<vmem>>
    %dma_start3A_160 = tpu.memref_slice %arg2[%mul3A_157] : memref<819200xi32, #tpu.memory_space<hbm>> -> memref<1024xi32, #tpu.memory_space<hbm>>
    %dma_start3A_161 = arith.constant 10240 : i32
    %dma_start3A_162 = tpu.memref_slice %arg5[%dma_start3A_161] : memref<51200xi32, #tpu.memory_space<vmem>> -> memref<1024xi32, #tpu.memory_space<vmem>>
    %dma_start3A_163 = tpu.memref_slice %arg2[%mul3A_157] : memref<819200xi32, #tpu.memory_space<hbm>> -> memref<1024xi32, #tpu.memory_space<hbm>>
    tpu.enqueue_dma source(%dma_start3A_163 : memref<1024xi32, #tpu.memory_space<hbm>>) target(%dma_start3A_162 : memref<1024xi32, #tpu.memory_space<vmem>>) target_semaphore(%arg10 : memref<!tpu.dma_semaphore, #tpu.memory_space<semaphore_mem>>)
    %add3A_164 = arith.constant 160 : i32
    %add3A_165 = arith.addi %add3A_164, %mul3A_32 : i32
    %add3A_166 = arith.constant 1 : i32
    %add3A_167 = arith.addi %add3A_165, %add3A_166 : i32
    %mul3A_168 = arith.constant 1024 : i32
    %mul3A_169 = arith.muli %add3A_167, %mul3A_168 : i32
    %dma_start3A_170 = arith.constant 11264 : i32
    %dma_start3A_171 = tpu.memref_slice %arg5[%dma_start3A_170] : memref<51200xi32, #tpu.memory_space<vmem>> -> memref<1024xi32, #tpu.memory_space<vmem>>
    %dma_start3A_172 = tpu.memref_slice %arg2[%mul3A_169] : memref<819200xi32, #tpu.memory_space<hbm>> -> memref<1024xi32, #tpu.memory_space<hbm>>
    %dma_start3A_173 = arith.constant 11264 : i32
    %dma_start3A_174 = tpu.memref_slice %arg5[%dma_start3A_173] : memref<51200xi32, #tpu.memory_space<vmem>> -> memref<1024xi32, #tpu.memory_space<vmem>>
    %dma_start3A_175 = tpu.memref_slice %arg2[%mul3A_169] : memref<819200xi32, #tpu.memory_space<hbm>> -> memref<1024xi32, #tpu.memory_space<hbm>>
    tpu.enqueue_dma source(%dma_start3A_175 : memref<1024xi32, #tpu.memory_space<hbm>>) target(%dma_start3A_174 : memref<1024xi32, #tpu.memory_space<vmem>>) target_semaphore(%arg10 : memref<!tpu.dma_semaphore, #tpu.memory_space<semaphore_mem>>)
    %add3A_176 = arith.constant 192 : i32
    %add3A_177 = arith.addi %add3A_176, %mul3A_32 : i32
    %add3A_178 = arith.constant 0 : i32
    %add3A_179 = arith.addi %add3A_177, %add3A_178 : i32
    %mul3A_180 = arith.constant 1024 : i32
    %mul3A_181 = arith.muli %add3A_179, %mul3A_180 : i32
    %dma_start3A_182 = arith.constant 12288 : i32
    %dma_start3A_183 = tpu.memref_slice %arg5[%dma_start3A_182] : memref<51200xi32, #tpu.memory_space<vmem>> -> memref<1024xi32, #tpu.memory_space<vmem>>
    %dma_start3A_184 = tpu.memref_slice %arg2[%mul3A_181] : memref<819200xi32, #tpu.memory_space<hbm>> -> memref<1024xi32, #tpu.memory_space<hbm>>
    %dma_start3A_185 = arith.constant 12288 : i32
    %dma_start3A_186 = tpu.memref_slice %arg5[%dma_start3A_185] : memref<51200xi32, #tpu.memory_space<vmem>> -> memref<1024xi32, #tpu.memory_space<vmem>>
    %dma_start3A_187 = tpu.memref_slice %arg2[%mul3A_181] : memref<819200xi32, #tpu.memory_space<hbm>> -> memref<1024xi32, #tpu.memory_space<hbm>>
    tpu.enqueue_dma source(%dma_start3A_187 : memref<1024xi32, #tpu.memory_space<hbm>>) target(%dma_start3A_186 : memref<1024xi32, #tpu.memory_space<vmem>>) target_semaphore(%arg10 : memref<!tpu.dma_semaphore, #tpu.memory_space<semaphore_mem>>)
    %add3A_188 = arith.constant 192 : i32
    %add3A_189 = arith.addi %add3A_188, %mul3A_32 : i32
    %add3A_190 = arith.constant 1 : i32
    %add3A_191 = arith.addi %add3A_189, %add3A_190 : i32
    %mul3A_192 = arith.constant 1024 : i32
    %mul3A_193 = arith.muli %add3A_191, %mul3A_192 : i32
    %dma_start3A_194 = arith.constant 13312 : i32
    %dma_start3A_195 = tpu.memref_slice %arg5[%dma_start3A_194] : memref<51200xi32, #tpu.memory_space<vmem>> -> memref<1024xi32, #tpu.memory_space<vmem>>
    %dma_start3A_196 = tpu.memref_slice %arg2[%mul3A_193] : memref<819200xi32, #tpu.memory_space<hbm>> -> memref<1024xi32, #tpu.memory_space<hbm>>
    %dma_start3A_197 = arith.constant 13312 : i32
    %dma_start3A_198 = tpu.memref_slice %arg5[%dma_start3A_197] : memref<51200xi32, #tpu.memory_space<vmem>> -> memref<1024xi32, #tpu.memory_space<vmem>>
    %dma_start3A_199 = tpu.memref_slice %arg2[%mul3A_193] : memref<819200xi32, #tpu.memory_space<hbm>> -> memref<1024xi32, #tpu.memory_space<hbm>>
    tpu.enqueue_dma source(%dma_start3A_199 : memref<1024xi32, #tpu.memory_space<hbm>>) target(%dma_start3A_198 : memref<1024xi32, #tpu.memory_space<vmem>>) target_semaphore(%arg10 : memref<!tpu.dma_semaphore, #tpu.memory_space<semaphore_mem>>)
    %add3A_200 = arith.constant 224 : i32
    %add3A_201 = arith.addi %add3A_200, %mul3A_32 : i32
    %add3A_202 = arith.constant 0 : i32
    %add3A_203 = arith.addi %add3A_201, %add3A_202 : i32
    %mul3A_204 = arith.constant 1024 : i32
    %mul3A_205 = arith.muli %add3A_203, %mul3A_204 : i32
    %dma_start3A_206 = arith.constant 14336 : i32
    %dma_start3A_207 = tpu.memref_slice %arg5[%dma_start3A_206] : memref<51200xi32, #tpu.memory_space<vmem>> -> memref<1024xi32, #tpu.memory_space<vmem>>
    %dma_start3A_208 = tpu.memref_slice %arg2[%mul3A_205] : memref<819200xi32, #tpu.memory_space<hbm>> -> memref<1024xi32, #tpu.memory_space<hbm>>
    %dma_start3A_209 = arith.constant 14336 : i32
    %dma_start3A_210 = tpu.memref_slice %arg5[%dma_start3A_209] : memref<51200xi32, #tpu.memory_space<vmem>> -> memref<1024xi32, #tpu.memory_space<vmem>>
    %dma_start3A_211 = tpu.memref_slice %arg2[%mul3A_205] : memref<819200xi32, #tpu.memory_space<hbm>> -> memref<1024xi32, #tpu.memory_space<hbm>>
    tpu.enqueue_dma source(%dma_start3A_211 : memref<1024xi32, #tpu.memory_space<hbm>>) target(%dma_start3A_210 : memref<1024xi32, #tpu.memory_space<vmem>>) target_semaphore(%arg10 : memref<!tpu.dma_semaphore, #tpu.memory_space<semaphore_mem>>)
    %add3A_212 = arith.constant 224 : i32
    %add3A_213 = arith.addi %add3A_212, %mul3A_32 : i32
    %add3A_214 = arith.constant 1 : i32
    %add3A_215 = arith.addi %add3A_213, %add3A_214 : i32
    %mul3A_216 = arith.constant 1024 : i32
    %mul3A_217 = arith.muli %add3A_215, %mul3A_216 : i32
    %dma_start3A_218 = arith.constant 15360 : i32
    %dma_start3A_219 = tpu.memref_slice %arg5[%dma_start3A_218] : memref<51200xi32, #tpu.memory_space<vmem>> -> memref<1024xi32, #tpu.memory_space<vmem>>
    %dma_start3A_220 = tpu.memref_slice %arg2[%mul3A_217] : memref<819200xi32, #tpu.memory_space<hbm>> -> memref<1024xi32, #tpu.memory_space<hbm>>
    %dma_start3A_221 = arith.constant 15360 : i32
    %dma_start3A_222 = tpu.memref_slice %arg5[%dma_start3A_221] : memref<51200xi32, #tpu.memory_space<vmem>> -> memref<1024xi32, #tpu.memory_space<vmem>>
    %dma_start3A_223 = tpu.memref_slice %arg2[%mul3A_217] : memref<819200xi32, #tpu.memory_space<hbm>> -> memref<1024xi32, #tpu.memory_space<hbm>>
    tpu.enqueue_dma source(%dma_start3A_223 : memref<1024xi32, #tpu.memory_space<hbm>>) target(%dma_start3A_222 : memref<1024xi32, #tpu.memory_space<vmem>>) target_semaphore(%arg10 : memref<!tpu.dma_semaphore, #tpu.memory_space<semaphore_mem>>)
    %add3A_224 = arith.constant 256 : i32
    %add3A_225 = arith.addi %add3A_224, %mul3A_32 : i32
    %add3A_226 = arith.constant 0 : i32
    %add3A_227 = arith.addi %add3A_225, %add3A_226 : i32
    %mul3A_228 = arith.constant 1024 : i32
    %mul3A_229 = arith.muli %add3A_227, %mul3A_228 : i32
    %dma_start3A_230 = arith.constant 16384 : i32
    %dma_start3A_231 = tpu.memref_slice %arg5[%dma_start3A_230] : memref<51200xi32, #tpu.memory_space<vmem>> -> memref<1024xi32, #tpu.memory_space<vmem>>
    %dma_start3A_232 = tpu.memref_slice %arg2[%mul3A_229] : memref<819200xi32, #tpu.memory_space<hbm>> -> memref<1024xi32, #tpu.memory_space<hbm>>
    %dma_start3A_233 = arith.constant 16384 : i32
    %dma_start3A_234 = tpu.memref_slice %arg5[%dma_start3A_233] : memref<51200xi32, #tpu.memory_space<vmem>> -> memref<1024xi32, #tpu.memory_space<vmem>>
    %dma_start3A_235 = tpu.memref_slice %arg2[%mul3A_229] : memref<819200xi32, #tpu.memory_space<hbm>> -> memref<1024xi32, #tpu.memory_space<hbm>>
    tpu.enqueue_dma source(%dma_start3A_235 : memref<1024xi32, #tpu.memory_space<hbm>>) target(%dma_start3A_234 : memref<1024xi32, #tpu.memory_space<vmem>>) target_semaphore(%arg10 : memref<!tpu.dma_semaphore, #tpu.memory_space<semaphore_mem>>)
    %add3A_236 = arith.constant 256 : i32
    %add3A_237 = arith.addi %add3A_236, %mul3A_32 : i32
    %add3A_238 = arith.constant 1 : i32
    %add3A_239 = arith.addi %add3A_237, %add3A_238 : i32
    %mul3A_240 = arith.constant 1024 : i32
    %mul3A_241 = arith.muli %add3A_239, %mul3A_240 : i32
    %dma_start3A_242 = arith.constant 17408 : i32
    %dma_start3A_243 = tpu.memref_slice %arg5[%dma_start3A_242] : memref<51200xi32, #tpu.memory_space<vmem>> -> memref<1024xi32, #tpu.memory_space<vmem>>
    %dma_start3A_244 = tpu.memref_slice %arg2[%mul3A_241] : memref<819200xi32, #tpu.memory_space<hbm>> -> memref<1024xi32, #tpu.memory_space<hbm>>
    %dma_start3A_245 = arith.constant 17408 : i32
    %dma_start3A_246 = tpu.memref_slice %arg5[%dma_start3A_245] : memref<51200xi32, #tpu.memory_space<vmem>> -> memref<1024xi32, #tpu.memory_space<vmem>>
    %dma_start3A_247 = tpu.memref_slice %arg2[%mul3A_241] : memref<819200xi32, #tpu.memory_space<hbm>> -> memref<1024xi32, #tpu.memory_space<hbm>>
    tpu.enqueue_dma source(%dma_start3A_247 : memref<1024xi32, #tpu.memory_space<hbm>>) target(%dma_start3A_246 : memref<1024xi32, #tpu.memory_space<vmem>>) target_semaphore(%arg10 : memref<!tpu.dma_semaphore, #tpu.memory_space<semaphore_mem>>)
    %add3A_248 = arith.constant 288 : i32
    %add3A_249 = arith.addi %add3A_248, %mul3A_32 : i32
    %add3A_250 = arith.constant 0 : i32
    %add3A_251 = arith.addi %add3A_249, %add3A_250 : i32
    %mul3A_252 = arith.constant 1024 : i32
    %mul3A_253 = arith.muli %add3A_251, %mul3A_252 : i32
    %dma_start3A_254 = arith.constant 18432 : i32
    %dma_start3A_255 = tpu.memref_slice %arg5[%dma_start3A_254] : memref<51200xi32, #tpu.memory_space<vmem>> -> memref<1024xi32, #tpu.memory_space<vmem>>
    %dma_start3A_256 = tpu.memref_slice %arg2[%mul3A_253] : memref<819200xi32, #tpu.memory_space<hbm>> -> memref<1024xi32, #tpu.memory_space<hbm>>
    %dma_start3A_257 = arith.constant 18432 : i32
    %dma_start3A_258 = tpu.memref_slice %arg5[%dma_start3A_257] : memref<51200xi32, #tpu.memory_space<vmem>> -> memref<1024xi32, #tpu.memory_space<vmem>>
    %dma_start3A_259 = tpu.memref_slice %arg2[%mul3A_253] : memref<819200xi32, #tpu.memory_space<hbm>> -> memref<1024xi32, #tpu.memory_space<hbm>>
    tpu.enqueue_dma source(%dma_start3A_259 : memref<1024xi32, #tpu.memory_space<hbm>>) target(%dma_start3A_258 : memref<1024xi32, #tpu.memory_space<vmem>>) target_semaphore(%arg10 : memref<!tpu.dma_semaphore, #tpu.memory_space<semaphore_mem>>)
    %add3A_260 = arith.constant 288 : i32
    %add3A_261 = arith.addi %add3A_260, %mul3A_32 : i32
    %add3A_262 = arith.constant 1 : i32
    %add3A_263 = arith.addi %add3A_261, %add3A_262 : i32
    %mul3A_264 = arith.constant 1024 : i32
    %mul3A_265 = arith.muli %add3A_263, %mul3A_264 : i32
    %dma_start3A_266 = arith.constant 19456 : i32
    %dma_start3A_267 = tpu.memref_slice %arg5[%dma_start3A_266] : memref<51200xi32, #tpu.memory_space<vmem>> -> memref<1024xi32, #tpu.memory_space<vmem>>
    %dma_start3A_268 = tpu.memref_slice %arg2[%mul3A_265] : memref<819200xi32, #tpu.memory_space<hbm>> -> memref<1024xi32, #tpu.memory_space<hbm>>
    %dma_start3A_269 = arith.constant 19456 : i32
    %dma_start3A_270 = tpu.memref_slice %arg5[%dma_start3A_269] : memref<51200xi32, #tpu.memory_space<vmem>> -> memref<1024xi32, #tpu.memory_space<vmem>>
    %dma_start3A_271 = tpu.memref_slice %arg2[%mul3A_265] : memref<819200xi32, #tpu.memory_space<hbm>> -> memref<1024xi32, #tpu.memory_space<hbm>>
    tpu.enqueue_dma source(%dma_start3A_271 : memref<1024xi32, #tpu.memory_space<hbm>>) target(%dma_start3A_270 : memref<1024xi32, #tpu.memory_space<vmem>>) target_semaphore(%arg10 : memref<!tpu.dma_semaphore, #tpu.memory_space<semaphore_mem>>)
    %add3A_272 = arith.constant 320 : i32
    %add3A_273 = arith.addi %add3A_272, %mul3A_32 : i32
    %add3A_274 = arith.constant 0 : i32
    %add3A_275 = arith.addi %add3A_273, %add3A_274 : i32
    %mul3A_276 = arith.constant 1024 : i32
    %mul3A_277 = arith.muli %add3A_275, %mul3A_276 : i32
    %dma_start3A_278 = arith.constant 20480 : i32
    %dma_start3A_279 = tpu.memref_slice %arg5[%dma_start3A_278] : memref<51200xi32, #tpu.memory_space<vmem>> -> memref<1024xi32, #tpu.memory_space<vmem>>
    %dma_start3A_280 = tpu.memref_slice %arg2[%mul3A_277] : memref<819200xi32, #tpu.memory_space<hbm>> -> memref<1024xi32, #tpu.memory_space<hbm>>
    %dma_start3A_281 = arith.constant 20480 : i32
    %dma_start3A_282 = tpu.memref_slice %arg5[%dma_start3A_281] : memref<51200xi32, #tpu.memory_space<vmem>> -> memref<1024xi32, #tpu.memory_space<vmem>>
    %dma_start3A_283 = tpu.memref_slice %arg2[%mul3A_277] : memref<819200xi32, #tpu.memory_space<hbm>> -> memref<1024xi32, #tpu.memory_space<hbm>>
    tpu.enqueue_dma source(%dma_start3A_283 : memref<1024xi32, #tpu.memory_space<hbm>>) target(%dma_start3A_282 : memref<1024xi32, #tpu.memory_space<vmem>>) target_semaphore(%arg10 : memref<!tpu.dma_semaphore, #tpu.memory_space<semaphore_mem>>)
    %add3A_284 = arith.constant 320 : i32
    %add3A_285 = arith.addi %add3A_284, %mul3A_32 : i32
    %add3A_286 = arith.constant 1 : i32
    %add3A_287 = arith.addi %add3A_285, %add3A_286 : i32
    %mul3A_288 = arith.constant 1024 : i32
    %mul3A_289 = arith.muli %add3A_287, %mul3A_288 : i32
    %dma_start3A_290 = arith.constant 21504 : i32
    %dma_start3A_291 = tpu.memref_slice %arg5[%dma_start3A_290] : memref<51200xi32, #tpu.memory_space<vmem>> -> memref<1024xi32, #tpu.memory_space<vmem>>
    %dma_start3A_292 = tpu.memref_slice %arg2[%mul3A_289] : memref<819200xi32, #tpu.memory_space<hbm>> -> memref<1024xi32, #tpu.memory_space<hbm>>
    %dma_start3A_293 = arith.constant 21504 : i32
    %dma_start3A_294 = tpu.memref_slice %arg5[%dma_start3A_293] : memref<51200xi32, #tpu.memory_space<vmem>> -> memref<1024xi32, #tpu.memory_space<vmem>>
    %dma_start3A_295 = tpu.memref_slice %arg2[%mul3A_289] : memref<819200xi32, #tpu.memory_space<hbm>> -> memref<1024xi32, #tpu.memory_space<hbm>>
    tpu.enqueue_dma source(%dma_start3A_295 : memref<1024xi32, #tpu.memory_space<hbm>>) target(%dma_start3A_294 : memref<1024xi32, #tpu.memory_space<vmem>>) target_semaphore(%arg10 : memref<!tpu.dma_semaphore, #tpu.memory_space<semaphore_mem>>)
    %add3A_296 = arith.constant 352 : i32
    %add3A_297 = arith.addi %add3A_296, %mul3A_32 : i32
    %add3A_298 = arith.constant 0 : i32
    %add3A_299 = arith.addi %add3A_297, %add3A_298 : i32
    %mul3A_300 = arith.constant 1024 : i32
    %mul3A_301 = arith.muli %add3A_299, %mul3A_300 : i32
    %dma_start3A_302 = arith.constant 22528 : i32
    %dma_start3A_303 = tpu.memref_slice %arg5[%dma_start3A_302] : memref<51200xi32, #tpu.memory_space<vmem>> -> memref<1024xi32, #tpu.memory_space<vmem>>
    %dma_start3A_304 = tpu.memref_slice %arg2[%mul3A_301] : memref<819200xi32, #tpu.memory_space<hbm>> -> memref<1024xi32, #tpu.memory_space<hbm>>
    %dma_start3A_305 = arith.constant 22528 : i32
    %dma_start3A_306 = tpu.memref_slice %arg5[%dma_start3A_305] : memref<51200xi32, #tpu.memory_space<vmem>> -> memref<1024xi32, #tpu.memory_space<vmem>>
    %dma_start3A_307 = tpu.memref_slice %arg2[%mul3A_301] : memref<819200xi32, #tpu.memory_space<hbm>> -> memref<1024xi32, #tpu.memory_space<hbm>>
    tpu.enqueue_dma source(%dma_start3A_307 : memref<1024xi32, #tpu.memory_space<hbm>>) target(%dma_start3A_306 : memref<1024xi32, #tpu.memory_space<vmem>>) target_semaphore(%arg10 : memref<!tpu.dma_semaphore, #tpu.memory_space<semaphore_mem>>)
    %add3A_308 = arith.constant 352 : i32
    %add3A_309 = arith.addi %add3A_308, %mul3A_32 : i32
    %add3A_310 = arith.constant 1 : i32
    %add3A_311 = arith.addi %add3A_309, %add3A_310 : i32
    %mul3A_312 = arith.constant 1024 : i32
    %mul3A_313 = arith.muli %add3A_311, %mul3A_312 : i32
    %dma_start3A_314 = arith.constant 23552 : i32
    %dma_start3A_315 = tpu.memref_slice %arg5[%dma_start3A_314] : memref<51200xi32, #tpu.memory_space<vmem>> -> memref<1024xi32, #tpu.memory_space<vmem>>
    %dma_start3A_316 = tpu.memref_slice %arg2[%mul3A_313] : memref<819200xi32, #tpu.memory_space<hbm>> -> memref<1024xi32, #tpu.memory_space<hbm>>
    %dma_start3A_317 = arith.constant 23552 : i32
    %dma_start3A_318 = tpu.memref_slice %arg5[%dma_start3A_317] : memref<51200xi32, #tpu.memory_space<vmem>> -> memref<1024xi32, #tpu.memory_space<vmem>>
    %dma_start3A_319 = tpu.memref_slice %arg2[%mul3A_313] : memref<819200xi32, #tpu.memory_space<hbm>> -> memref<1024xi32, #tpu.memory_space<hbm>>
    tpu.enqueue_dma source(%dma_start3A_319 : memref<1024xi32, #tpu.memory_space<hbm>>) target(%dma_start3A_318 : memref<1024xi32, #tpu.memory_space<vmem>>) target_semaphore(%arg10 : memref<!tpu.dma_semaphore, #tpu.memory_space<semaphore_mem>>)
    %add3A_320 = arith.constant 384 : i32
    %add3A_321 = arith.addi %add3A_320, %mul3A_32 : i32
    %add3A_322 = arith.constant 0 : i32
    %add3A_323 = arith.addi %add3A_321, %add3A_322 : i32
    %mul3A_324 = arith.constant 1024 : i32
    %mul3A_325 = arith.muli %add3A_323, %mul3A_324 : i32
    %dma_start3A_326 = arith.constant 24576 : i32
    %dma_start3A_327 = tpu.memref_slice %arg5[%dma_start3A_326] : memref<51200xi32, #tpu.memory_space<vmem>> -> memref<1024xi32, #tpu.memory_space<vmem>>
    %dma_start3A_328 = tpu.memref_slice %arg2[%mul3A_325] : memref<819200xi32, #tpu.memory_space<hbm>> -> memref<1024xi32, #tpu.memory_space<hbm>>
    %dma_start3A_329 = arith.constant 24576 : i32
    %dma_start3A_330 = tpu.memref_slice %arg5[%dma_start3A_329] : memref<51200xi32, #tpu.memory_space<vmem>> -> memref<1024xi32, #tpu.memory_space<vmem>>
    %dma_start3A_331 = tpu.memref_slice %arg2[%mul3A_325] : memref<819200xi32, #tpu.memory_space<hbm>> -> memref<1024xi32, #tpu.memory_space<hbm>>
    tpu.enqueue_dma source(%dma_start3A_331 : memref<1024xi32, #tpu.memory_space<hbm>>) target(%dma_start3A_330 : memref<1024xi32, #tpu.memory_space<vmem>>) target_semaphore(%arg10 : memref<!tpu.dma_semaphore, #tpu.memory_space<semaphore_mem>>)
    %add3A_332 = arith.constant 384 : i32
    %add3A_333 = arith.addi %add3A_332, %mul3A_32 : i32
    %add3A_334 = arith.constant 1 : i32
    %add3A_335 = arith.addi %add3A_333, %add3A_334 : i32
    %mul3A_336 = arith.constant 1024 : i32
    %mul3A_337 = arith.muli %add3A_335, %mul3A_336 : i32
    %dma_start3A_338 = arith.constant 25600 : i32
    %dma_start3A_339 = tpu.memref_slice %arg5[%dma_start3A_338] : memref<51200xi32, #tpu.memory_space<vmem>> -> memref<1024xi32, #tpu.memory_space<vmem>>
    %dma_start3A_340 = tpu.memref_slice %arg2[%mul3A_337] : memref<819200xi32, #tpu.memory_space<hbm>> -> memref<1024xi32, #tpu.memory_space<hbm>>
    %dma_start3A_341 = arith.constant 25600 : i32
    %dma_start3A_342 = tpu.memref_slice %arg5[%dma_start3A_341] : memref<51200xi32, #tpu.memory_space<vmem>> -> memref<1024xi32, #tpu.memory_space<vmem>>
    %dma_start3A_343 = tpu.memref_slice %arg2[%mul3A_337] : memref<819200xi32, #tpu.memory_space<hbm>> -> memref<1024xi32, #tpu.memory_space<hbm>>
    tpu.enqueue_dma source(%dma_start3A_343 : memref<1024xi32, #tpu.memory_space<hbm>>) target(%dma_start3A_342 : memref<1024xi32, #tpu.memory_space<vmem>>) target_semaphore(%arg10 : memref<!tpu.dma_semaphore, #tpu.memory_space<semaphore_mem>>)
    %add3A_344 = arith.constant 416 : i32
    %add3A_345 = arith.addi %add3A_344, %mul3A_32 : i32
    %add3A_346 = arith.constant 0 : i32
    %add3A_347 = arith.addi %add3A_345, %add3A_346 : i32
    %mul3A_348 = arith.constant 1024 : i32
    %mul3A_349 = arith.muli %add3A_347, %mul3A_348 : i32
    %dma_start3A_350 = arith.constant 26624 : i32
    %dma_start3A_351 = tpu.memref_slice %arg5[%dma_start3A_350] : memref<51200xi32, #tpu.memory_space<vmem>> -> memref<1024xi32, #tpu.memory_space<vmem>>
    %dma_start3A_352 = tpu.memref_slice %arg2[%mul3A_349] : memref<819200xi32, #tpu.memory_space<hbm>> -> memref<1024xi32, #tpu.memory_space<hbm>>
    %dma_start3A_353 = arith.constant 26624 : i32
    %dma_start3A_354 = tpu.memref_slice %arg5[%dma_start3A_353] : memref<51200xi32, #tpu.memory_space<vmem>> -> memref<1024xi32, #tpu.memory_space<vmem>>
    %dma_start3A_355 = tpu.memref_slice %arg2[%mul3A_349] : memref<819200xi32, #tpu.memory_space<hbm>> -> memref<1024xi32, #tpu.memory_space<hbm>>
    tpu.enqueue_dma source(%dma_start3A_355 : memref<1024xi32, #tpu.memory_space<hbm>>) target(%dma_start3A_354 : memref<1024xi32, #tpu.memory_space<vmem>>) target_semaphore(%arg10 : memref<!tpu.dma_semaphore, #tpu.memory_space<semaphore_mem>>)
    %add3A_356 = arith.constant 416 : i32
    %add3A_357 = arith.addi %add3A_356, %mul3A_32 : i32
    %add3A_358 = arith.constant 1 : i32
    %add3A_359 = arith.addi %add3A_357, %add3A_358 : i32
    %mul3A_360 = arith.constant 1024 : i32
    %mul3A_361 = arith.muli %add3A_359, %mul3A_360 : i32
    %dma_start3A_362 = arith.constant 27648 : i32
    %dma_start3A_363 = tpu.memref_slice %arg5[%dma_start3A_362] : memref<51200xi32, #tpu.memory_space<vmem>> -> memref<1024xi32, #tpu.memory_space<vmem>>
    %dma_start3A_364 = tpu.memref_slice %arg2[%mul3A_361] : memref<819200xi32, #tpu.memory_space<hbm>> -> memref<1024xi32, #tpu.memory_space<hbm>>
    %dma_start3A_365 = arith.constant 27648 : i32
    %dma_start3A_366 = tpu.memref_slice %arg5[%dma_start3A_365] : memref<51200xi32, #tpu.memory_space<vmem>> -> memref<1024xi32, #tpu.memory_space<vmem>>
    %dma_start3A_367 = tpu.memref_slice %arg2[%mul3A_361] : memref<819200xi32, #tpu.memory_space<hbm>> -> memref<1024xi32, #tpu.memory_space<hbm>>
    tpu.enqueue_dma source(%dma_start3A_367 : memref<1024xi32, #tpu.memory_space<hbm>>) target(%dma_start3A_366 : memref<1024xi32, #tpu.memory_space<vmem>>) target_semaphore(%arg10 : memref<!tpu.dma_semaphore, #tpu.memory_space<semaphore_mem>>)
    %add3A_368 = arith.constant 448 : i32
    %add3A_369 = arith.addi %add3A_368, %mul3A_32 : i32
    %add3A_370 = arith.constant 0 : i32
    %add3A_371 = arith.addi %add3A_369, %add3A_370 : i32
    %mul3A_372 = arith.constant 1024 : i32
    %mul3A_373 = arith.muli %add3A_371, %mul3A_372 : i32
    %dma_start3A_374 = arith.constant 28672 : i32
    %dma_start3A_375 = tpu.memref_slice %arg5[%dma_start3A_374] : memref<51200xi32, #tpu.memory_space<vmem>> -> memref<1024xi32, #tpu.memory_space<vmem>>
    %dma_start3A_376 = tpu.memref_slice %arg2[%mul3A_373] : memref<819200xi32, #tpu.memory_space<hbm>> -> memref<1024xi32, #tpu.memory_space<hbm>>
    %dma_start3A_377 = arith.constant 28672 : i32
    %dma_start3A_378 = tpu.memref_slice %arg5[%dma_start3A_377] : memref<51200xi32, #tpu.memory_space<vmem>> -> memref<1024xi32, #tpu.memory_space<vmem>>
    %dma_start3A_379 = tpu.memref_slice %arg2[%mul3A_373] : memref<819200xi32, #tpu.memory_space<hbm>> -> memref<1024xi32, #tpu.memory_space<hbm>>
    tpu.enqueue_dma source(%dma_start3A_379 : memref<1024xi32, #tpu.memory_space<hbm>>) target(%dma_start3A_378 : memref<1024xi32, #tpu.memory_space<vmem>>) target_semaphore(%arg10 : memref<!tpu.dma_semaphore, #tpu.memory_space<semaphore_mem>>)
    %add3A_380 = arith.constant 448 : i32
    %add3A_381 = arith.addi %add3A_380, %mul3A_32 : i32
    %add3A_382 = arith.constant 1 : i32
    %add3A_383 = arith.addi %add3A_381, %add3A_382 : i32
    %mul3A_384 = arith.constant 1024 : i32
    %mul3A_385 = arith.muli %add3A_383, %mul3A_384 : i32
    %dma_start3A_386 = arith.constant 29696 : i32
    %dma_start3A_387 = tpu.memref_slice %arg5[%dma_start3A_386] : memref<51200xi32, #tpu.memory_space<vmem>> -> memref<1024xi32, #tpu.memory_space<vmem>>
    %dma_start3A_388 = tpu.memref_slice %arg2[%mul3A_385] : memref<819200xi32, #tpu.memory_space<hbm>> -> memref<1024xi32, #tpu.memory_space<hbm>>
    %dma_start3A_389 = arith.constant 29696 : i32
    %dma_start3A_390 = tpu.memref_slice %arg5[%dma_start3A_389] : memref<51200xi32, #tpu.memory_space<vmem>> -> memref<1024xi32, #tpu.memory_space<vmem>>
    %dma_start3A_391 = tpu.memref_slice %arg2[%mul3A_385] : memref<819200xi32, #tpu.memory_space<hbm>> -> memref<1024xi32, #tpu.memory_space<hbm>>
    tpu.enqueue_dma source(%dma_start3A_391 : memref<1024xi32, #tpu.memory_space<hbm>>) target(%dma_start3A_390 : memref<1024xi32, #tpu.memory_space<vmem>>) target_semaphore(%arg10 : memref<!tpu.dma_semaphore, #tpu.memory_space<semaphore_mem>>)
    %add3A_392 = arith.constant 480 : i32
    %add3A_393 = arith.addi %add3A_392, %mul3A_32 : i32
    %add3A_394 = arith.constant 0 : i32
    %add3A_395 = arith.addi %add3A_393, %add3A_394 : i32
    %mul3A_396 = arith.constant 1024 : i32
    %mul3A_397 = arith.muli %add3A_395, %mul3A_396 : i32
    %dma_start3A_398 = arith.constant 30720 : i32
    %dma_start3A_399 = tpu.memref_slice %arg5[%dma_start3A_398] : memref<51200xi32, #tpu.memory_space<vmem>> -> memref<1024xi32, #tpu.memory_space<vmem>>
    %dma_start3A_400 = tpu.memref_slice %arg2[%mul3A_397] : memref<819200xi32, #tpu.memory_space<hbm>> -> memref<1024xi32, #tpu.memory_space<hbm>>
    %dma_start3A_401 = arith.constant 30720 : i32
    %dma_start3A_402 = tpu.memref_slice %arg5[%dma_start3A_401] : memref<51200xi32, #tpu.memory_space<vmem>> -> memref<1024xi32, #tpu.memory_space<vmem>>
    %dma_start3A_403 = tpu.memref_slice %arg2[%mul3A_397] : memref<819200xi32, #tpu.memory_space<hbm>> -> memref<1024xi32, #tpu.memory_space<hbm>>
    tpu.enqueue_dma source(%dma_start3A_403 : memref<1024xi32, #tpu.memory_space<hbm>>) target(%dma_start3A_402 : memref<1024xi32, #tpu.memory_space<vmem>>) target_semaphore(%arg10 : memref<!tpu.dma_semaphore, #tpu.memory_space<semaphore_mem>>)
    %add3A_404 = arith.constant 480 : i32
    %add3A_405 = arith.addi %add3A_404, %mul3A_32 : i32
    %add3A_406 = arith.constant 1 : i32
    %add3A_407 = arith.addi %add3A_405, %add3A_406 : i32
    %mul3A_408 = arith.constant 1024 : i32
    %mul3A_409 = arith.muli %add3A_407, %mul3A_408 : i32
    %dma_start3A_410 = arith.constant 31744 : i32
    %dma_start3A_411 = tpu.memref_slice %arg5[%dma_start3A_410] : memref<51200xi32, #tpu.memory_space<vmem>> -> memref<1024xi32, #tpu.memory_space<vmem>>
    %dma_start3A_412 = tpu.memref_slice %arg2[%mul3A_409] : memref<819200xi32, #tpu.memory_space<hbm>> -> memref<1024xi32, #tpu.memory_space<hbm>>
    %dma_start3A_413 = arith.constant 31744 : i32
    %dma_start3A_414 = tpu.memref_slice %arg5[%dma_start3A_413] : memref<51200xi32, #tpu.memory_space<vmem>> -> memref<1024xi32, #tpu.memory_space<vmem>>
    %dma_start3A_415 = tpu.memref_slice %arg2[%mul3A_409] : memref<819200xi32, #tpu.memory_space<hbm>> -> memref<1024xi32, #tpu.memory_space<hbm>>
    tpu.enqueue_dma source(%dma_start3A_415 : memref<1024xi32, #tpu.memory_space<hbm>>) target(%dma_start3A_414 : memref<1024xi32, #tpu.memory_space<vmem>>) target_semaphore(%arg10 : memref<!tpu.dma_semaphore, #tpu.memory_space<semaphore_mem>>)
    %add3A_416 = arith.constant 512 : i32
    %add3A_417 = arith.addi %add3A_416, %mul3A_32 : i32
    %add3A_418 = arith.constant 0 : i32
    %add3A_419 = arith.addi %add3A_417, %add3A_418 : i32
    %mul3A_420 = arith.constant 1024 : i32
    %mul3A_421 = arith.muli %add3A_419, %mul3A_420 : i32
    %dma_start3A_422 = arith.constant 32768 : i32
    %dma_start3A_423 = tpu.memref_slice %arg5[%dma_start3A_422] : memref<51200xi32, #tpu.memory_space<vmem>> -> memref<1024xi32, #tpu.memory_space<vmem>>
    %dma_start3A_424 = tpu.memref_slice %arg2[%mul3A_421] : memref<819200xi32, #tpu.memory_space<hbm>> -> memref<1024xi32, #tpu.memory_space<hbm>>
    %dma_start3A_425 = arith.constant 32768 : i32
    %dma_start3A_426 = tpu.memref_slice %arg5[%dma_start3A_425] : memref<51200xi32, #tpu.memory_space<vmem>> -> memref<1024xi32, #tpu.memory_space<vmem>>
    %dma_start3A_427 = tpu.memref_slice %arg2[%mul3A_421] : memref<819200xi32, #tpu.memory_space<hbm>> -> memref<1024xi32, #tpu.memory_space<hbm>>
    tpu.enqueue_dma source(%dma_start3A_427 : memref<1024xi32, #tpu.memory_space<hbm>>) target(%dma_start3A_426 : memref<1024xi32, #tpu.memory_space<vmem>>) target_semaphore(%arg10 : memref<!tpu.dma_semaphore, #tpu.memory_space<semaphore_mem>>)
    %add3A_428 = arith.constant 512 : i32
    %add3A_429 = arith.addi %add3A_428, %mul3A_32 : i32
    %add3A_430 = arith.constant 1 : i32
    %add3A_431 = arith.addi %add3A_429, %add3A_430 : i32
    %mul3A_432 = arith.constant 1024 : i32
    %mul3A_433 = arith.muli %add3A_431, %mul3A_432 : i32
    %dma_start3A_434 = arith.constant 33792 : i32
    %dma_start3A_435 = tpu.memref_slice %arg5[%dma_start3A_434] : memref<51200xi32, #tpu.memory_space<vmem>> -> memref<1024xi32, #tpu.memory_space<vmem>>
    %dma_start3A_436 = tpu.memref_slice %arg2[%mul3A_433] : memref<819200xi32, #tpu.memory_space<hbm>> -> memref<1024xi32, #tpu.memory_space<hbm>>
    %dma_start3A_437 = arith.constant 33792 : i32
    %dma_start3A_438 = tpu.memref_slice %arg5[%dma_start3A_437] : memref<51200xi32, #tpu.memory_space<vmem>> -> memref<1024xi32, #tpu.memory_space<vmem>>
    %dma_start3A_439 = tpu.memref_slice %arg2[%mul3A_433] : memref<819200xi32, #tpu.memory_space<hbm>> -> memref<1024xi32, #tpu.memory_space<hbm>>
    tpu.enqueue_dma source(%dma_start3A_439 : memref<1024xi32, #tpu.memory_space<hbm>>) target(%dma_start3A_438 : memref<1024xi32, #tpu.memory_space<vmem>>) target_semaphore(%arg10 : memref<!tpu.dma_semaphore, #tpu.memory_space<semaphore_mem>>)
    %add3A_440 = arith.constant 544 : i32
    %add3A_441 = arith.addi %add3A_440, %mul3A_32 : i32
    %add3A_442 = arith.constant 0 : i32
    %add3A_443 = arith.addi %add3A_441, %add3A_442 : i32
    %mul3A_444 = arith.constant 1024 : i32
    %mul3A_445 = arith.muli %add3A_443, %mul3A_444 : i32
    %dma_start3A_446 = arith.constant 34816 : i32
    %dma_start3A_447 = tpu.memref_slice %arg5[%dma_start3A_446] : memref<51200xi32, #tpu.memory_space<vmem>> -> memref<1024xi32, #tpu.memory_space<vmem>>
    %dma_start3A_448 = tpu.memref_slice %arg2[%mul3A_445] : memref<819200xi32, #tpu.memory_space<hbm>> -> memref<1024xi32, #tpu.memory_space<hbm>>
    %dma_start3A_449 = arith.constant 34816 : i32
    %dma_start3A_450 = tpu.memref_slice %arg5[%dma_start3A_449] : memref<51200xi32, #tpu.memory_space<vmem>> -> memref<1024xi32, #tpu.memory_space<vmem>>
    %dma_start3A_451 = tpu.memref_slice %arg2[%mul3A_445] : memref<819200xi32, #tpu.memory_space<hbm>> -> memref<1024xi32, #tpu.memory_space<hbm>>
    tpu.enqueue_dma source(%dma_start3A_451 : memref<1024xi32, #tpu.memory_space<hbm>>) target(%dma_start3A_450 : memref<1024xi32, #tpu.memory_space<vmem>>) target_semaphore(%arg10 : memref<!tpu.dma_semaphore, #tpu.memory_space<semaphore_mem>>)
    %add3A_452 = arith.constant 544 : i32
    %add3A_453 = arith.addi %add3A_452, %mul3A_32 : i32
    %add3A_454 = arith.constant 1 : i32
    %add3A_455 = arith.addi %add3A_453, %add3A_454 : i32
    %mul3A_456 = arith.constant 1024 : i32
    %mul3A_457 = arith.muli %add3A_455, %mul3A_456 : i32
    %dma_start3A_458 = arith.constant 35840 : i32
    %dma_start3A_459 = tpu.memref_slice %arg5[%dma_start3A_458] : memref<51200xi32, #tpu.memory_space<vmem>> -> memref<1024xi32, #tpu.memory_space<vmem>>
    %dma_start3A_460 = tpu.memref_slice %arg2[%mul3A_457] : memref<819200xi32, #tpu.memory_space<hbm>> -> memref<1024xi32, #tpu.memory_space<hbm>>
    %dma_start3A_461 = arith.constant 35840 : i32
    %dma_start3A_462 = tpu.memref_slice %arg5[%dma_start3A_461] : memref<51200xi32, #tpu.memory_space<vmem>> -> memref<1024xi32, #tpu.memory_space<vmem>>
    %dma_start3A_463 = tpu.memref_slice %arg2[%mul3A_457] : memref<819200xi32, #tpu.memory_space<hbm>> -> memref<1024xi32, #tpu.memory_space<hbm>>
    tpu.enqueue_dma source(%dma_start3A_463 : memref<1024xi32, #tpu.memory_space<hbm>>) target(%dma_start3A_462 : memref<1024xi32, #tpu.memory_space<vmem>>) target_semaphore(%arg10 : memref<!tpu.dma_semaphore, #tpu.memory_space<semaphore_mem>>)
    %add3A_464 = arith.constant 576 : i32
    %add3A_465 = arith.addi %add3A_464, %mul3A_32 : i32
    %add3A_466 = arith.constant 0 : i32
    %add3A_467 = arith.addi %add3A_465, %add3A_466 : i32
    %mul3A_468 = arith.constant 1024 : i32
    %mul3A_469 = arith.muli %add3A_467, %mul3A_468 : i32
    %dma_start3A_470 = arith.constant 36864 : i32
    %dma_start3A_471 = tpu.memref_slice %arg5[%dma_start3A_470] : memref<51200xi32, #tpu.memory_space<vmem>> -> memref<1024xi32, #tpu.memory_space<vmem>>
    %dma_start3A_472 = tpu.memref_slice %arg2[%mul3A_469] : memref<819200xi32, #tpu.memory_space<hbm>> -> memref<1024xi32, #tpu.memory_space<hbm>>
    %dma_start3A_473 = arith.constant 36864 : i32
    %dma_start3A_474 = tpu.memref_slice %arg5[%dma_start3A_473] : memref<51200xi32, #tpu.memory_space<vmem>> -> memref<1024xi32, #tpu.memory_space<vmem>>
    %dma_start3A_475 = tpu.memref_slice %arg2[%mul3A_469] : memref<819200xi32, #tpu.memory_space<hbm>> -> memref<1024xi32, #tpu.memory_space<hbm>>
    tpu.enqueue_dma source(%dma_start3A_475 : memref<1024xi32, #tpu.memory_space<hbm>>) target(%dma_start3A_474 : memref<1024xi32, #tpu.memory_space<vmem>>) target_semaphore(%arg10 : memref<!tpu.dma_semaphore, #tpu.memory_space<semaphore_mem>>)
    %add3A_476 = arith.constant 576 : i32
    %add3A_477 = arith.addi %add3A_476, %mul3A_32 : i32
    %add3A_478 = arith.constant 1 : i32
    %add3A_479 = arith.addi %add3A_477, %add3A_478 : i32
    %mul3A_480 = arith.constant 1024 : i32
    %mul3A_481 = arith.muli %add3A_479, %mul3A_480 : i32
    %dma_start3A_482 = arith.constant 37888 : i32
    %dma_start3A_483 = tpu.memref_slice %arg5[%dma_start3A_482] : memref<51200xi32, #tpu.memory_space<vmem>> -> memref<1024xi32, #tpu.memory_space<vmem>>
    %dma_start3A_484 = tpu.memref_slice %arg2[%mul3A_481] : memref<819200xi32, #tpu.memory_space<hbm>> -> memref<1024xi32, #tpu.memory_space<hbm>>
    %dma_start3A_485 = arith.constant 37888 : i32
    %dma_start3A_486 = tpu.memref_slice %arg5[%dma_start3A_485] : memref<51200xi32, #tpu.memory_space<vmem>> -> memref<1024xi32, #tpu.memory_space<vmem>>
    %dma_start3A_487 = tpu.memref_slice %arg2[%mul3A_481] : memref<819200xi32, #tpu.memory_space<hbm>> -> memref<1024xi32, #tpu.memory_space<hbm>>
    tpu.enqueue_dma source(%dma_start3A_487 : memref<1024xi32, #tpu.memory_space<hbm>>) target(%dma_start3A_486 : memref<1024xi32, #tpu.memory_space<vmem>>) target_semaphore(%arg10 : memref<!tpu.dma_semaphore, #tpu.memory_space<semaphore_mem>>)
    %add3A_488 = arith.constant 608 : i32
    %add3A_489 = arith.addi %add3A_488, %mul3A_32 : i32
    %add3A_490 = arith.constant 0 : i32
    %add3A_491 = arith.addi %add3A_489, %add3A_490 : i32
    %mul3A_492 = arith.constant 1024 : i32
    %mul3A_493 = arith.muli %add3A_491, %mul3A_492 : i32
    %dma_start3A_494 = arith.constant 38912 : i32
    %dma_start3A_495 = tpu.memref_slice %arg5[%dma_start3A_494] : memref<51200xi32, #tpu.memory_space<vmem>> -> memref<1024xi32, #tpu.memory_space<vmem>>
    %dma_start3A_496 = tpu.memref_slice %arg2[%mul3A_493] : memref<819200xi32, #tpu.memory_space<hbm>> -> memref<1024xi32, #tpu.memory_space<hbm>>
    %dma_start3A_497 = arith.constant 38912 : i32
    %dma_start3A_498 = tpu.memref_slice %arg5[%dma_start3A_497] : memref<51200xi32, #tpu.memory_space<vmem>> -> memref<1024xi32, #tpu.memory_space<vmem>>
    %dma_start3A_499 = tpu.memref_slice %arg2[%mul3A_493] : memref<819200xi32, #tpu.memory_space<hbm>> -> memref<1024xi32, #tpu.memory_space<hbm>>
    tpu.enqueue_dma source(%dma_start3A_499 : memref<1024xi32, #tpu.memory_space<hbm>>) target(%dma_start3A_498 : memref<1024xi32, #tpu.memory_space<vmem>>) target_semaphore(%arg10 : memref<!tpu.dma_semaphore, #tpu.memory_space<semaphore_mem>>)
    %add3A_500 = arith.constant 608 : i32
    %add3A_501 = arith.addi %add3A_500, %mul3A_32 : i32
    %add3A_502 = arith.constant 1 : i32
    %add3A_503 = arith.addi %add3A_501, %add3A_502 : i32
    %mul3A_504 = arith.constant 1024 : i32
    %mul3A_505 = arith.muli %add3A_503, %mul3A_504 : i32
    %dma_start3A_506 = arith.constant 39936 : i32
    %dma_start3A_507 = tpu.memref_slice %arg5[%dma_start3A_506] : memref<51200xi32, #tpu.memory_space<vmem>> -> memref<1024xi32, #tpu.memory_space<vmem>>
    %dma_start3A_508 = tpu.memref_slice %arg2[%mul3A_505] : memref<819200xi32, #tpu.memory_space<hbm>> -> memref<1024xi32, #tpu.memory_space<hbm>>
    %dma_start3A_509 = arith.constant 39936 : i32
    %dma_start3A_510 = tpu.memref_slice %arg5[%dma_start3A_509] : memref<51200xi32, #tpu.memory_space<vmem>> -> memref<1024xi32, #tpu.memory_space<vmem>>
    %dma_start3A_511 = tpu.memref_slice %arg2[%mul3A_505] : memref<819200xi32, #tpu.memory_space<hbm>> -> memref<1024xi32, #tpu.memory_space<hbm>>
    tpu.enqueue_dma source(%dma_start3A_511 : memref<1024xi32, #tpu.memory_space<hbm>>) target(%dma_start3A_510 : memref<1024xi32, #tpu.memory_space<vmem>>) target_semaphore(%arg10 : memref<!tpu.dma_semaphore, #tpu.memory_space<semaphore_mem>>)
    %add3A_512 = arith.constant 640 : i32
    %add3A_513 = arith.addi %add3A_512, %mul3A_32 : i32
    %add3A_514 = arith.constant 0 : i32
    %add3A_515 = arith.addi %add3A_513, %add3A_514 : i32
    %mul3A_516 = arith.constant 1024 : i32
    %mul3A_517 = arith.muli %add3A_515, %mul3A_516 : i32
    %dma_start3A_518 = arith.constant 40960 : i32
    %dma_start3A_519 = tpu.memref_slice %arg5[%dma_start3A_518] : memref<51200xi32, #tpu.memory_space<vmem>> -> memref<1024xi32, #tpu.memory_space<vmem>>
    %dma_start3A_520 = tpu.memref_slice %arg2[%mul3A_517] : memref<819200xi32, #tpu.memory_space<hbm>> -> memref<1024xi32, #tpu.memory_space<hbm>>
    %dma_start3A_521 = arith.constant 40960 : i32
    %dma_start3A_522 = tpu.memref_slice %arg5[%dma_start3A_521] : memref<51200xi32, #tpu.memory_space<vmem>> -> memref<1024xi32, #tpu.memory_space<vmem>>
    %dma_start3A_523 = tpu.memref_slice %arg2[%mul3A_517] : memref<819200xi32, #tpu.memory_space<hbm>> -> memref<1024xi32, #tpu.memory_space<hbm>>
    tpu.enqueue_dma source(%dma_start3A_523 : memref<1024xi32, #tpu.memory_space<hbm>>) target(%dma_start3A_522 : memref<1024xi32, #tpu.memory_space<vmem>>) target_semaphore(%arg10 : memref<!tpu.dma_semaphore, #tpu.memory_space<semaphore_mem>>)
    %add3A_524 = arith.constant 640 : i32
    %add3A_525 = arith.addi %add3A_524, %mul3A_32 : i32
    %add3A_526 = arith.constant 1 : i32
    %add3A_527 = arith.addi %add3A_525, %add3A_526 : i32
    %mul3A_528 = arith.constant 1024 : i32
    %mul3A_529 = arith.muli %add3A_527, %mul3A_528 : i32
    %dma_start3A_530 = arith.constant 41984 : i32
    %dma_start3A_531 = tpu.memref_slice %arg5[%dma_start3A_530] : memref<51200xi32, #tpu.memory_space<vmem>> -> memref<1024xi32, #tpu.memory_space<vmem>>
    %dma_start3A_532 = tpu.memref_slice %arg2[%mul3A_529] : memref<819200xi32, #tpu.memory_space<hbm>> -> memref<1024xi32, #tpu.memory_space<hbm>>
    %dma_start3A_533 = arith.constant 41984 : i32
    %dma_start3A_534 = tpu.memref_slice %arg5[%dma_start3A_533] : memref<51200xi32, #tpu.memory_space<vmem>> -> memref<1024xi32, #tpu.memory_space<vmem>>
    %dma_start3A_535 = tpu.memref_slice %arg2[%mul3A_529] : memref<819200xi32, #tpu.memory_space<hbm>> -> memref<1024xi32, #tpu.memory_space<hbm>>
    tpu.enqueue_dma source(%dma_start3A_535 : memref<1024xi32, #tpu.memory_space<hbm>>) target(%dma_start3A_534 : memref<1024xi32, #tpu.memory_space<vmem>>) target_semaphore(%arg10 : memref<!tpu.dma_semaphore, #tpu.memory_space<semaphore_mem>>)
    %add3A_536 = arith.constant 672 : i32
    %add3A_537 = arith.addi %add3A_536, %mul3A_32 : i32
    %add3A_538 = arith.constant 0 : i32
    %add3A_539 = arith.addi %add3A_537, %add3A_538 : i32
    %mul3A_540 = arith.constant 1024 : i32
    %mul3A_541 = arith.muli %add3A_539, %mul3A_540 : i32
    %dma_start3A_542 = arith.constant 43008 : i32
    %dma_start3A_543 = tpu.memref_slice %arg5[%dma_start3A_542] : memref<51200xi32, #tpu.memory_space<vmem>> -> memref<1024xi32, #tpu.memory_space<vmem>>
    %dma_start3A_544 = tpu.memref_slice %arg2[%mul3A_541] : memref<819200xi32, #tpu.memory_space<hbm>> -> memref<1024xi32, #tpu.memory_space<hbm>>
    %dma_start3A_545 = arith.constant 43008 : i32
    %dma_start3A_546 = tpu.memref_slice %arg5[%dma_start3A_545] : memref<51200xi32, #tpu.memory_space<vmem>> -> memref<1024xi32, #tpu.memory_space<vmem>>
    %dma_start3A_547 = tpu.memref_slice %arg2[%mul3A_541] : memref<819200xi32, #tpu.memory_space<hbm>> -> memref<1024xi32, #tpu.memory_space<hbm>>
    tpu.enqueue_dma source(%dma_start3A_547 : memref<1024xi32, #tpu.memory_space<hbm>>) target(%dma_start3A_546 : memref<1024xi32, #tpu.memory_space<vmem>>) target_semaphore(%arg10 : memref<!tpu.dma_semaphore, #tpu.memory_space<semaphore_mem>>)
    %add3A_548 = arith.constant 672 : i32
    %add3A_549 = arith.addi %add3A_548, %mul3A_32 : i32
    %add3A_550 = arith.constant 1 : i32
    %add3A_551 = arith.addi %add3A_549, %add3A_550 : i32
    %mul3A_552 = arith.constant 1024 : i32
    %mul3A_553 = arith.muli %add3A_551, %mul3A_552 : i32
    %dma_start3A_554 = arith.constant 44032 : i32
    %dma_start3A_555 = tpu.memref_slice %arg5[%dma_start3A_554] : memref<51200xi32, #tpu.memory_space<vmem>> -> memref<1024xi32, #tpu.memory_space<vmem>>
    %dma_start3A_556 = tpu.memref_slice %arg2[%mul3A_553] : memref<819200xi32, #tpu.memory_space<hbm>> -> memref<1024xi32, #tpu.memory_space<hbm>>
    %dma_start3A_557 = arith.constant 44032 : i32
    %dma_start3A_558 = tpu.memref_slice %arg5[%dma_start3A_557] : memref<51200xi32, #tpu.memory_space<vmem>> -> memref<1024xi32, #tpu.memory_space<vmem>>
    %dma_start3A_559 = tpu.memref_slice %arg2[%mul3A_553] : memref<819200xi32, #tpu.memory_space<hbm>> -> memref<1024xi32, #tpu.memory_space<hbm>>
    tpu.enqueue_dma source(%dma_start3A_559 : memref<1024xi32, #tpu.memory_space<hbm>>) target(%dma_start3A_558 : memref<1024xi32, #tpu.memory_space<vmem>>) target_semaphore(%arg10 : memref<!tpu.dma_semaphore, #tpu.memory_space<semaphore_mem>>)
    %add3A_560 = arith.constant 704 : i32
    %add3A_561 = arith.addi %add3A_560, %mul3A_32 : i32
    %add3A_562 = arith.constant 0 : i32
    %add3A_563 = arith.addi %add3A_561, %add3A_562 : i32
    %mul3A_564 = arith.constant 1024 : i32
    %mul3A_565 = arith.muli %add3A_563, %mul3A_564 : i32
    %dma_start3A_566 = arith.constant 45056 : i32
    %dma_start3A_567 = tpu.memref_slice %arg5[%dma_start3A_566] : memref<51200xi32, #tpu.memory_space<vmem>> -> memref<1024xi32, #tpu.memory_space<vmem>>
    %dma_start3A_568 = tpu.memref_slice %arg2[%mul3A_565] : memref<819200xi32, #tpu.memory_space<hbm>> -> memref<1024xi32, #tpu.memory_space<hbm>>
    %dma_start3A_569 = arith.constant 45056 : i32
    %dma_start3A_570 = tpu.memref_slice %arg5[%dma_start3A_569] : memref<51200xi32, #tpu.memory_space<vmem>> -> memref<1024xi32, #tpu.memory_space<vmem>>
    %dma_start3A_571 = tpu.memref_slice %arg2[%mul3A_565] : memref<819200xi32, #tpu.memory_space<hbm>> -> memref<1024xi32, #tpu.memory_space<hbm>>
    tpu.enqueue_dma source(%dma_start3A_571 : memref<1024xi32, #tpu.memory_space<hbm>>) target(%dma_start3A_570 : memref<1024xi32, #tpu.memory_space<vmem>>) target_semaphore(%arg10 : memref<!tpu.dma_semaphore, #tpu.memory_space<semaphore_mem>>)
    %add3A_572 = arith.constant 704 : i32
    %add3A_573 = arith.addi %add3A_572, %mul3A_32 : i32
    %add3A_574 = arith.constant 1 : i32
    %add3A_575 = arith.addi %add3A_573, %add3A_574 : i32
    %mul3A_576 = arith.constant 1024 : i32
    %mul3A_577 = arith.muli %add3A_575, %mul3A_576 : i32
    %dma_start3A_578 = arith.constant 46080 : i32
    %dma_start3A_579 = tpu.memref_slice %arg5[%dma_start3A_578] : memref<51200xi32, #tpu.memory_space<vmem>> -> memref<1024xi32, #tpu.memory_space<vmem>>
    %dma_start3A_580 = tpu.memref_slice %arg2[%mul3A_577] : memref<819200xi32, #tpu.memory_space<hbm>> -> memref<1024xi32, #tpu.memory_space<hbm>>
    %dma_start3A_581 = arith.constant 46080 : i32
    %dma_start3A_582 = tpu.memref_slice %arg5[%dma_start3A_581] : memref<51200xi32, #tpu.memory_space<vmem>> -> memref<1024xi32, #tpu.memory_space<vmem>>
    %dma_start3A_583 = tpu.memref_slice %arg2[%mul3A_577] : memref<819200xi32, #tpu.memory_space<hbm>> -> memref<1024xi32, #tpu.memory_space<hbm>>
    tpu.enqueue_dma source(%dma_start3A_583 : memref<1024xi32, #tpu.memory_space<hbm>>) target(%dma_start3A_582 : memref<1024xi32, #tpu.memory_space<vmem>>) target_semaphore(%arg10 : memref<!tpu.dma_semaphore, #tpu.memory_space<semaphore_mem>>)
    %add3A_584 = arith.constant 736 : i32
    %add3A_585 = arith.addi %add3A_584, %mul3A_32 : i32
    %add3A_586 = arith.constant 0 : i32
    %add3A_587 = arith.addi %add3A_585, %add3A_586 : i32
    %mul3A_588 = arith.constant 1024 : i32
    %mul3A_589 = arith.muli %add3A_587, %mul3A_588 : i32
    %dma_start3A_590 = arith.constant 47104 : i32
    %dma_start3A_591 = tpu.memref_slice %arg5[%dma_start3A_590] : memref<51200xi32, #tpu.memory_space<vmem>> -> memref<1024xi32, #tpu.memory_space<vmem>>
    %dma_start3A_592 = tpu.memref_slice %arg2[%mul3A_589] : memref<819200xi32, #tpu.memory_space<hbm>> -> memref<1024xi32, #tpu.memory_space<hbm>>
    %dma_start3A_593 = arith.constant 47104 : i32
    %dma_start3A_594 = tpu.memref_slice %arg5[%dma_start3A_593] : memref<51200xi32, #tpu.memory_space<vmem>> -> memref<1024xi32, #tpu.memory_space<vmem>>
    %dma_start3A_595 = tpu.memref_slice %arg2[%mul3A_589] : memref<819200xi32, #tpu.memory_space<hbm>> -> memref<1024xi32, #tpu.memory_space<hbm>>
    tpu.enqueue_dma source(%dma_start3A_595 : memref<1024xi32, #tpu.memory_space<hbm>>) target(%dma_start3A_594 : memref<1024xi32, #tpu.memory_space<vmem>>) target_semaphore(%arg10 : memref<!tpu.dma_semaphore, #tpu.memory_space<semaphore_mem>>)
    %add3A_596 = arith.constant 736 : i32
    %add3A_597 = arith.addi %add3A_596, %mul3A_32 : i32
    %add3A_598 = arith.constant 1 : i32
    %add3A_599 = arith.addi %add3A_597, %add3A_598 : i32
    %mul3A_600 = arith.constant 1024 : i32
    %mul3A_601 = arith.muli %add3A_599, %mul3A_600 : i32
    %dma_start3A_602 = arith.constant 48128 : i32
    %dma_start3A_603 = tpu.memref_slice %arg5[%dma_start3A_602] : memref<51200xi32, #tpu.memory_space<vmem>> -> memref<1024xi32, #tpu.memory_space<vmem>>
    %dma_start3A_604 = tpu.memref_slice %arg2[%mul3A_601] : memref<819200xi32, #tpu.memory_space<hbm>> -> memref<1024xi32, #tpu.memory_space<hbm>>
    %dma_start3A_605 = arith.constant 48128 : i32
    %dma_start3A_606 = tpu.memref_slice %arg5[%dma_start3A_605] : memref<51200xi32, #tpu.memory_space<vmem>> -> memref<1024xi32, #tpu.memory_space<vmem>>
    %dma_start3A_607 = tpu.memref_slice %arg2[%mul3A_601] : memref<819200xi32, #tpu.memory_space<hbm>> -> memref<1024xi32, #tpu.memory_space<hbm>>
    tpu.enqueue_dma source(%dma_start3A_607 : memref<1024xi32, #tpu.memory_space<hbm>>) target(%dma_start3A_606 : memref<1024xi32, #tpu.memory_space<vmem>>) target_semaphore(%arg10 : memref<!tpu.dma_semaphore, #tpu.memory_space<semaphore_mem>>)
    %add3A_608 = arith.constant 768 : i32
    %add3A_609 = arith.addi %add3A_608, %mul3A_32 : i32
    %add3A_610 = arith.constant 0 : i32
    %add3A_611 = arith.addi %add3A_609, %add3A_610 : i32
    %mul3A_612 = arith.constant 1024 : i32
    %mul3A_613 = arith.muli %add3A_611, %mul3A_612 : i32
    %dma_start3A_614 = arith.constant 49152 : i32
    %dma_start3A_615 = tpu.memref_slice %arg5[%dma_start3A_614] : memref<51200xi32, #tpu.memory_space<vmem>> -> memref<1024xi32, #tpu.memory_space<vmem>>
    %dma_start3A_616 = tpu.memref_slice %arg2[%mul3A_613] : memref<819200xi32, #tpu.memory_space<hbm>> -> memref<1024xi32, #tpu.memory_space<hbm>>
    %dma_start3A_617 = arith.constant 49152 : i32
    %dma_start3A_618 = tpu.memref_slice %arg5[%dma_start3A_617] : memref<51200xi32, #tpu.memory_space<vmem>> -> memref<1024xi32, #tpu.memory_space<vmem>>
    %dma_start3A_619 = tpu.memref_slice %arg2[%mul3A_613] : memref<819200xi32, #tpu.memory_space<hbm>> -> memref<1024xi32, #tpu.memory_space<hbm>>
    tpu.enqueue_dma source(%dma_start3A_619 : memref<1024xi32, #tpu.memory_space<hbm>>) target(%dma_start3A_618 : memref<1024xi32, #tpu.memory_space<vmem>>) target_semaphore(%arg10 : memref<!tpu.dma_semaphore, #tpu.memory_space<semaphore_mem>>)
    %add3A_620 = arith.constant 768 : i32
    %add3A_621 = arith.addi %add3A_620, %mul3A_32 : i32
    %add3A_622 = arith.constant 1 : i32
    %add3A_623 = arith.addi %add3A_621, %add3A_622 : i32
    %mul3A_624 = arith.constant 1024 : i32
    %mul3A_625 = arith.muli %add3A_623, %mul3A_624 : i32
    %dma_start3A_626 = arith.constant 50176 : i32
    %dma_start3A_627 = tpu.memref_slice %arg5[%dma_start3A_626] : memref<51200xi32, #tpu.memory_space<vmem>> -> memref<1024xi32, #tpu.memory_space<vmem>>
    %dma_start3A_628 = tpu.memref_slice %arg2[%mul3A_625] : memref<819200xi32, #tpu.memory_space<hbm>> -> memref<1024xi32, #tpu.memory_space<hbm>>
    %dma_start3A_629 = arith.constant 50176 : i32
    %dma_start3A_630 = tpu.memref_slice %arg5[%dma_start3A_629] : memref<51200xi32, #tpu.memory_space<vmem>> -> memref<1024xi32, #tpu.memory_space<vmem>>
    %dma_start3A_631 = tpu.memref_slice %arg2[%mul3A_625] : memref<819200xi32, #tpu.memory_space<hbm>> -> memref<1024xi32, #tpu.memory_space<hbm>>
    tpu.enqueue_dma source(%dma_start3A_631 : memref<1024xi32, #tpu.memory_space<hbm>>) target(%dma_start3A_630 : memref<1024xi32, #tpu.memory_space<vmem>>) target_semaphore(%arg10 : memref<!tpu.dma_semaphore, #tpu.memory_space<semaphore_mem>>)
    %dma_wait3A = arith.constant 0 : i32
    %dma_wait3A_632 = tpu.memref_slice %arg5[%dma_wait3A] : memref<51200xi32, #tpu.memory_space<vmem>> -> memref<1024xi32, #tpu.memory_space<vmem>>
    %dma_wait3A_633 = arith.constant 0 : i32
    %dma_wait3A_634 = tpu.memref_slice %arg2[%dma_wait3A_633] : memref<819200xi32, #tpu.memory_space<hbm>> -> memref<1024xi32, #tpu.memory_space<hbm>>
    %dma_wait3A_635 = arith.constant 0 : i32
    %dma_wait3A_636 = tpu.memref_slice %arg5[%dma_wait3A_635] : memref<51200xi32, #tpu.memory_space<vmem>> -> memref<1024xi32, #tpu.memory_space<vmem>>
    %dma_wait3A_637 = arith.constant 0 : i32
    %dma_wait3A_638 = tpu.memref_slice %arg2[%dma_wait3A_637] : memref<819200xi32, #tpu.memory_space<hbm>> -> memref<1024xi32, #tpu.memory_space<hbm>>
    tpu.wait_dma2 semaphore(%arg10 : memref<!tpu.dma_semaphore, #tpu.memory_space<semaphore_mem>>) src(%dma_wait3A_638 : memref<1024xi32, #tpu.memory_space<hbm>>) dst(%dma_wait3A_636 : memref<1024xi32, #tpu.memory_space<vmem>>)
    %dma_wait3A_639 = arith.constant 0 : i32
    %dma_wait3A_640 = tpu.memref_slice %arg5[%dma_wait3A_639] : memref<51200xi32, #tpu.memory_space<vmem>> -> memref<1024xi32, #tpu.memory_space<vmem>>
    %dma_wait3A_641 = arith.constant 0 : i32
    %dma_wait3A_642 = tpu.memref_slice %arg2[%dma_wait3A_641] : memref<819200xi32, #tpu.memory_space<hbm>> -> memref<1024xi32, #tpu.memory_space<hbm>>
    %dma_wait3A_643 = arith.constant 0 : i32
    %dma_wait3A_644 = tpu.memref_slice %arg5[%dma_wait3A_643] : memref<51200xi32, #tpu.memory_space<vmem>> -> memref<1024xi32, #tpu.memory_space<vmem>>
    %dma_wait3A_645 = arith.constant 0 : i32
    %dma_wait3A_646 = tpu.memref_slice %arg2[%dma_wait3A_645] : memref<819200xi32, #tpu.memory_space<hbm>> -> memref<1024xi32, #tpu.memory_space<hbm>>
    tpu.wait_dma2 semaphore(%arg10 : memref<!tpu.dma_semaphore, #tpu.memory_space<semaphore_mem>>) src(%dma_wait3A_646 : memref<1024xi32, #tpu.memory_space<hbm>>) dst(%dma_wait3A_644 : memref<1024xi32, #tpu.memory_space<vmem>>)
    %dma_wait3A_647 = arith.constant 0 : i32
    %dma_wait3A_648 = tpu.memref_slice %arg5[%dma_wait3A_647] : memref<51200xi32, #tpu.memory_space<vmem>> -> memref<1024xi32, #tpu.memory_space<vmem>>
    %dma_wait3A_649 = arith.constant 0 : i32
    %dma_wait3A_650 = tpu.memref_slice %arg2[%dma_wait3A_649] : memref<819200xi32, #tpu.memory_space<hbm>> -> memref<1024xi32, #tpu.memory_space<hbm>>
    %dma_wait3A_651 = arith.constant 0 : i32
    %dma_wait3A_652 = tpu.memref_slice %arg5[%dma_wait3A_651] : memref<51200xi32, #tpu.memory_space<vmem>> -> memref<1024xi32, #tpu.memory_space<vmem>>
    %dma_wait3A_653 = arith.constant 0 : i32
    %dma_wait3A_654 = tpu.memref_slice %arg2[%dma_wait3A_653] : memref<819200xi32, #tpu.memory_space<hbm>> -> memref<1024xi32, #tpu.memory_space<hbm>>
    tpu.wait_dma2 semaphore(%arg10 : memref<!tpu.dma_semaphore, #tpu.memory_space<semaphore_mem>>) src(%dma_wait3A_654 : memref<1024xi32, #tpu.memory_space<hbm>>) dst(%dma_wait3A_652 : memref<1024xi32, #tpu.memory_space<vmem>>)
    %dma_wait3A_655 = arith.constant 0 : i32
    %dma_wait3A_656 = tpu.memref_slice %arg5[%dma_wait3A_655] : memref<51200xi32, #tpu.memory_space<vmem>> -> memref<1024xi32, #tpu.memory_space<vmem>>
    %dma_wait3A_657 = arith.constant 0 : i32
    %dma_wait3A_658 = tpu.memref_slice %arg2[%dma_wait3A_657] : memref<819200xi32, #tpu.memory_space<hbm>> -> memref<1024xi32, #tpu.memory_space<hbm>>
    %dma_wait3A_659 = arith.constant 0 : i32
    %dma_wait3A_660 = tpu.memref_slice %arg5[%dma_wait3A_659] : memref<51200xi32, #tpu.memory_space<vmem>> -> memref<1024xi32, #tpu.memory_space<vmem>>
    %dma_wait3A_661 = arith.constant 0 : i32
    %dma_wait3A_662 = tpu.memref_slice %arg2[%dma_wait3A_661] : memref<819200xi32, #tpu.memory_space<hbm>> -> memref<1024xi32, #tpu.memory_space<hbm>>
    tpu.wait_dma2 semaphore(%arg10 : memref<!tpu.dma_semaphore, #tpu.memory_space<semaphore_mem>>) src(%dma_wait3A_662 : memref<1024xi32, #tpu.memory_space<hbm>>) dst(%dma_wait3A_660 : memref<1024xi32, #tpu.memory_space<vmem>>)
    %dma_wait3A_663 = arith.constant 0 : i32
    %dma_wait3A_664 = tpu.memref_slice %arg5[%dma_wait3A_663] : memref<51200xi32, #tpu.memory_space<vmem>> -> memref<1024xi32, #tpu.memory_space<vmem>>
    %dma_wait3A_665 = arith.constant 0 : i32
    %dma_wait3A_666 = tpu.memref_slice %arg2[%dma_wait3A_665] : memref<819200xi32, #tpu.memory_space<hbm>> -> memref<1024xi32, #tpu.memory_space<hbm>>
    %dma_wait3A_667 = arith.constant 0 : i32
    %dma_wait3A_668 = tpu.memref_slice %arg5[%dma_wait3A_667] : memref<51200xi32, #tpu.memory_space<vmem>> -> memref<1024xi32, #tpu.memory_space<vmem>>
    %dma_wait3A_669 = arith.constant 0 : i32
    %dma_wait3A_670 = tpu.memref_slice %arg2[%dma_wait3A_669] : memref<819200xi32, #tpu.memory_space<hbm>> -> memref<1024xi32, #tpu.memory_space<hbm>>
    tpu.wait_dma2 semaphore(%arg10 : memref<!tpu.dma_semaphore, #tpu.memory_space<semaphore_mem>>) src(%dma_wait3A_670 : memref<1024xi32, #tpu.memory_space<hbm>>) dst(%dma_wait3A_668 : memref<1024xi32, #tpu.memory_space<vmem>>)
    %dma_wait3A_671 = arith.constant 0 : i32
    %dma_wait3A_672 = tpu.memref_slice %arg5[%dma_wait3A_671] : memref<51200xi32, #tpu.memory_space<vmem>> -> memref<1024xi32, #tpu.memory_space<vmem>>
    %dma_wait3A_673 = arith.constant 0 : i32
    %dma_wait3A_674 = tpu.memref_slice %arg2[%dma_wait3A_673] : memref<819200xi32, #tpu.memory_space<hbm>> -> memref<1024xi32, #tpu.memory_space<hbm>>
    %dma_wait3A_675 = arith.constant 0 : i32
    %dma_wait3A_676 = tpu.memref_slice %arg5[%dma_wait3A_675] : memref<51200xi32, #tpu.memory_space<vmem>> -> memref<1024xi32, #tpu.memory_space<vmem>>
    %dma_wait3A_677 = arith.constant 0 : i32
    %dma_wait3A_678 = tpu.memref_slice %arg2[%dma_wait3A_677] : memref<819200xi32, #tpu.memory_space<hbm>> -> memref<1024xi32, #tpu.memory_space<hbm>>
    tpu.wait_dma2 semaphore(%arg10 : memref<!tpu.dma_semaphore, #tpu.memory_space<semaphore_mem>>) src(%dma_wait3A_678 : memref<1024xi32, #tpu.memory_space<hbm>>) dst(%dma_wait3A_676 : memref<1024xi32, #tpu.memory_space<vmem>>)
    %dma_wait3A_679 = arith.constant 0 : i32
    %dma_wait3A_680 = tpu.memref_slice %arg5[%dma_wait3A_679] : memref<51200xi32, #tpu.memory_space<vmem>> -> memref<1024xi32, #tpu.memory_space<vmem>>
    %dma_wait3A_681 = arith.constant 0 : i32
    %dma_wait3A_682 = tpu.memref_slice %arg2[%dma_wait3A_681] : memref<819200xi32, #tpu.memory_space<hbm>> -> memref<1024xi32, #tpu.memory_space<hbm>>
    %dma_wait3A_683 = arith.constant 0 : i32
    %dma_wait3A_684 = tpu.memref_slice %arg5[%dma_wait3A_683] : memref<51200xi32, #tpu.memory_space<vmem>> -> memref<1024xi32, #tpu.memory_space<vmem>>
    %dma_wait3A_685 = arith.constant 0 : i32
    %dma_wait3A_686 = tpu.memref_slice %arg2[%dma_wait3A_685] : memref<819200xi32, #tpu.memory_space<hbm>> -> memref<1024xi32, #tpu.memory_space<hbm>>
    tpu.wait_dma2 semaphore(%arg10 : memref<!tpu.dma_semaphore, #tpu.memory_space<semaphore_mem>>) src(%dma_wait3A_686 : memref<1024xi32, #tpu.memory_space<hbm>>) dst(%dma_wait3A_684 : memref<1024xi32, #tpu.memory_space<vmem>>)
    %dma_wait3A_687 = arith.constant 0 : i32
    %dma_wait3A_688 = tpu.memref_slice %arg5[%dma_wait3A_687] : memref<51200xi32, #tpu.memory_space<vmem>> -> memref<1024xi32, #tpu.memory_space<vmem>>
    %dma_wait3A_689 = arith.constant 0 : i32
    %dma_wait3A_690 = tpu.memref_slice %arg2[%dma_wait3A_689] : memref<819200xi32, #tpu.memory_space<hbm>> -> memref<1024xi32, #tpu.memory_space<hbm>>
    %dma_wait3A_691 = arith.constant 0 : i32
    %dma_wait3A_692 = tpu.memref_slice %arg5[%dma_wait3A_691] : memref<51200xi32, #tpu.memory_space<vmem>> -> memref<1024xi32, #tpu.memory_space<vmem>>
    %dma_wait3A_693 = arith.constant 0 : i32
    %dma_wait3A_694 = tpu.memref_slice %arg2[%dma_wait3A_693] : memref<819200xi32, #tpu.memory_space<hbm>> -> memref<1024xi32, #tpu.memory_space<hbm>>
    tpu.wait_dma2 semaphore(%arg10 : memref<!tpu.dma_semaphore, #tpu.memory_space<semaphore_mem>>) src(%dma_wait3A_694 : memref<1024xi32, #tpu.memory_space<hbm>>) dst(%dma_wait3A_692 : memref<1024xi32, #tpu.memory_space<vmem>>)
    %dma_wait3A_695 = arith.constant 0 : i32
    %dma_wait3A_696 = tpu.memref_slice %arg5[%dma_wait3A_695] : memref<51200xi32, #tpu.memory_space<vmem>> -> memref<1024xi32, #tpu.memory_space<vmem>>
    %dma_wait3A_697 = arith.constant 0 : i32
    %dma_wait3A_698 = tpu.memref_slice %arg2[%dma_wait3A_697] : memref<819200xi32, #tpu.memory_space<hbm>> -> memref<1024xi32, #tpu.memory_space<hbm>>
    %dma_wait3A_699 = arith.constant 0 : i32
    %dma_wait3A_700 = tpu.memref_slice %arg5[%dma_wait3A_699] : memref<51200xi32, #tpu.memory_space<vmem>> -> memref<1024xi32, #tpu.memory_space<vmem>>
    %dma_wait3A_701 = arith.constant 0 : i32
    %dma_wait3A_702 = tpu.memref_slice %arg2[%dma_wait3A_701] : memref<819200xi32, #tpu.memory_space<hbm>> -> memref<1024xi32, #tpu.memory_space<hbm>>
    tpu.wait_dma2 semaphore(%arg10 : memref<!tpu.dma_semaphore, #tpu.memory_space<semaphore_mem>>) src(%dma_wait3A_702 : memref<1024xi32, #tpu.memory_space<hbm>>) dst(%dma_wait3A_700 : memref<1024xi32, #tpu.memory_space<vmem>>)
    %dma_wait3A_703 = arith.constant 0 : i32
    %dma_wait3A_704 = tpu.memref_slice %arg5[%dma_wait3A_703] : memref<51200xi32, #tpu.memory_space<vmem>> -> memref<1024xi32, #tpu.memory_space<vmem>>
    %dma_wait3A_705 = arith.constant 0 : i32
    %dma_wait3A_706 = tpu.memref_slice %arg2[%dma_wait3A_705] : memref<819200xi32, #tpu.memory_space<hbm>> -> memref<1024xi32, #tpu.memory_space<hbm>>
    %dma_wait3A_707 = arith.constant 0 : i32
    %dma_wait3A_708 = tpu.memref_slice %arg5[%dma_wait3A_707] : memref<51200xi32, #tpu.memory_space<vmem>> -> memref<1024xi32, #tpu.memory_space<vmem>>
    %dma_wait3A_709 = arith.constant 0 : i32
    %dma_wait3A_710 = tpu.memref_slice %arg2[%dma_wait3A_709] : memref<819200xi32, #tpu.memory_space<hbm>> -> memref<1024xi32, #tpu.memory_space<hbm>>
    tpu.wait_dma2 semaphore(%arg10 : memref<!tpu.dma_semaphore, #tpu.memory_space<semaphore_mem>>) src(%dma_wait3A_710 : memref<1024xi32, #tpu.memory_space<hbm>>) dst(%dma_wait3A_708 : memref<1024xi32, #tpu.memory_space<vmem>>)
    %dma_wait3A_711 = arith.constant 0 : i32
    %dma_wait3A_712 = tpu.memref_slice %arg5[%dma_wait3A_711] : memref<51200xi32, #tpu.memory_space<vmem>> -> memref<1024xi32, #tpu.memory_space<vmem>>
    %dma_wait3A_713 = arith.constant 0 : i32
    %dma_wait3A_714 = tpu.memref_slice %arg2[%dma_wait3A_713] : memref<819200xi32, #tpu.memory_space<hbm>> -> memref<1024xi32, #tpu.memory_space<hbm>>
    %dma_wait3A_715 = arith.constant 0 : i32
    %dma_wait3A_716 = tpu.memref_slice %arg5[%dma_wait3A_715] : memref<51200xi32, #tpu.memory_space<vmem>> -> memref<1024xi32, #tpu.memory_space<vmem>>
    %dma_wait3A_717 = arith.constant 0 : i32
    %dma_wait3A_718 = tpu.memref_slice %arg2[%dma_wait3A_717] : memref<819200xi32, #tpu.memory_space<hbm>> -> memref<1024xi32, #tpu.memory_space<hbm>>
    tpu.wait_dma2 semaphore(%arg10 : memref<!tpu.dma_semaphore, #tpu.memory_space<semaphore_mem>>) src(%dma_wait3A_718 : memref<1024xi32, #tpu.memory_space<hbm>>) dst(%dma_wait3A_716 : memref<1024xi32, #tpu.memory_space<vmem>>)
    %dma_wait3A_719 = arith.constant 0 : i32
    %dma_wait3A_720 = tpu.memref_slice %arg5[%dma_wait3A_719] : memref<51200xi32, #tpu.memory_space<vmem>> -> memref<1024xi32, #tpu.memory_space<vmem>>
    %dma_wait3A_721 = arith.constant 0 : i32
    %dma_wait3A_722 = tpu.memref_slice %arg2[%dma_wait3A_721] : memref<819200xi32, #tpu.memory_space<hbm>> -> memref<1024xi32, #tpu.memory_space<hbm>>
    %dma_wait3A_723 = arith.constant 0 : i32
    %dma_wait3A_724 = tpu.memref_slice %arg5[%dma_wait3A_723] : memref<51200xi32, #tpu.memory_space<vmem>> -> memref<1024xi32, #tpu.memory_space<vmem>>
    %dma_wait3A_725 = arith.constant 0 : i32
    %dma_wait3A_726 = tpu.memref_slice %arg2[%dma_wait3A_725] : memref<819200xi32, #tpu.memory_space<hbm>> -> memref<1024xi32, #tpu.memory_space<hbm>>
    tpu.wait_dma2 semaphore(%arg10 : memref<!tpu.dma_semaphore, #tpu.memory_space<semaphore_mem>>) src(%dma_wait3A_726 : memref<1024xi32, #tpu.memory_space<hbm>>) dst(%dma_wait3A_724 : memref<1024xi32, #tpu.memory_space<vmem>>)
    %dma_wait3A_727 = arith.constant 0 : i32
    %dma_wait3A_728 = tpu.memref_slice %arg5[%dma_wait3A_727] : memref<51200xi32, #tpu.memory_space<vmem>> -> memref<1024xi32, #tpu.memory_space<vmem>>
    %dma_wait3A_729 = arith.constant 0 : i32
    %dma_wait3A_730 = tpu.memref_slice %arg2[%dma_wait3A_729] : memref<819200xi32, #tpu.memory_space<hbm>> -> memref<1024xi32, #tpu.memory_space<hbm>>
    %dma_wait3A_731 = arith.constant 0 : i32
    %dma_wait3A_732 = tpu.memref_slice %arg5[%dma_wait3A_731] : memref<51200xi32, #tpu.memory_space<vmem>> -> memref<1024xi32, #tpu.memory_space<vmem>>
    %dma_wait3A_733 = arith.constant 0 : i32
    %dma_wait3A_734 = tpu.memref_slice %arg2[%dma_wait3A_733] : memref<819200xi32, #tpu.memory_space<hbm>> -> memref<1024xi32, #tpu.memory_space<hbm>>
    tpu.wait_dma2 semaphore(%arg10 : memref<!tpu.dma_semaphore, #tpu.memory_space<semaphore_mem>>) src(%dma_wait3A_734 : memref<1024xi32, #tpu.memory_space<hbm>>) dst(%dma_wait3A_732 : memref<1024xi32, #tpu.memory_space<vmem>>)
    %dma_wait3A_735 = arith.constant 0 : i32
    %dma_wait3A_736 = tpu.memref_slice %arg5[%dma_wait3A_735] : memref<51200xi32, #tpu.memory_space<vmem>> -> memref<1024xi32, #tpu.memory_space<vmem>>
    %dma_wait3A_737 = arith.constant 0 : i32
    %dma_wait3A_738 = tpu.memref_slice %arg2[%dma_wait3A_737] : memref<819200xi32, #tpu.memory_space<hbm>> -> memref<1024xi32, #tpu.memory_space<hbm>>
    %dma_wait3A_739 = arith.constant 0 : i32
    %dma_wait3A_740 = tpu.memref_slice %arg5[%dma_wait3A_739] : memref<51200xi32, #tpu.memory_space<vmem>> -> memref<1024xi32, #tpu.memory_space<vmem>>
    %dma_wait3A_741 = arith.constant 0 : i32
    %dma_wait3A_742 = tpu.memref_slice %arg2[%dma_wait3A_741] : memref<819200xi32, #tpu.memory_space<hbm>> -> memref<1024xi32, #tpu.memory_space<hbm>>
    tpu.wait_dma2 semaphore(%arg10 : memref<!tpu.dma_semaphore, #tpu.memory_space<semaphore_mem>>) src(%dma_wait3A_742 : memref<1024xi32, #tpu.memory_space<hbm>>) dst(%dma_wait3A_740 : memref<1024xi32, #tpu.memory_space<vmem>>)
    %dma_wait3A_743 = arith.constant 0 : i32
    %dma_wait3A_744 = tpu.memref_slice %arg5[%dma_wait3A_743] : memref<51200xi32, #tpu.memory_space<vmem>> -> memref<1024xi32, #tpu.memory_space<vmem>>
    %dma_wait3A_745 = arith.constant 0 : i32
    %dma_wait3A_746 = tpu.memref_slice %arg2[%dma_wait3A_745] : memref<819200xi32, #tpu.memory_space<hbm>> -> memref<1024xi32, #tpu.memory_space<hbm>>
    %dma_wait3A_747 = arith.constant 0 : i32
    %dma_wait3A_748 = tpu.memref_slice %arg5[%dma_wait3A_747] : memref<51200xi32, #tpu.memory_space<vmem>> -> memref<1024xi32, #tpu.memory_space<vmem>>
    %dma_wait3A_749 = arith.constant 0 : i32
    %dma_wait3A_750 = tpu.memref_slice %arg2[%dma_wait3A_749] : memref<819200xi32, #tpu.memory_space<hbm>> -> memref<1024xi32, #tpu.memory_space<hbm>>
    tpu.wait_dma2 semaphore(%arg10 : memref<!tpu.dma_semaphore, #tpu.memory_space<semaphore_mem>>) src(%dma_wait3A_750 : memref<1024xi32, #tpu.memory_space<hbm>>) dst(%dma_wait3A_748 : memref<1024xi32, #tpu.memory_space<vmem>>)
    %dma_wait3A_751 = arith.constant 0 : i32
    %dma_wait3A_752 = tpu.memref_slice %arg5[%dma_wait3A_751] : memref<51200xi32, #tpu.memory_space<vmem>> -> memref<1024xi32, #tpu.memory_space<vmem>>
    %dma_wait3A_753 = arith.constant 0 : i32
    %dma_wait3A_754 = tpu.memref_slice %arg2[%dma_wait3A_753] : memref<819200xi32, #tpu.memory_space<hbm>> -> memref<1024xi32, #tpu.memory_space<hbm>>
    %dma_wait3A_755 = arith.constant 0 : i32
    %dma_wait3A_756 = tpu.memref_slice %arg5[%dma_wait3A_755] : memref<51200xi32, #tpu.memory_space<vmem>> -> memref<1024xi32, #tpu.memory_space<vmem>>
    %dma_wait3A_757 = arith.constant 0 : i32
    %dma_wait3A_758 = tpu.memref_slice %arg2[%dma_wait3A_757] : memref<819200xi32, #tpu.memory_space<hbm>> -> memref<1024xi32, #tpu.memory_space<hbm>>
    tpu.wait_dma2 semaphore(%arg10 : memref<!tpu.dma_semaphore, #tpu.memory_space<semaphore_mem>>) src(%dma_wait3A_758 : memref<1024xi32, #tpu.memory_space<hbm>>) dst(%dma_wait3A_756 : memref<1024xi32, #tpu.memory_space<vmem>>)
    %dma_wait3A_759 = arith.constant 0 : i32
    %dma_wait3A_760 = tpu.memref_slice %arg5[%dma_wait3A_759] : memref<51200xi32, #tpu.memory_space<vmem>> -> memref<1024xi32, #tpu.memory_space<vmem>>
    %dma_wait3A_761 = arith.constant 0 : i32
    %dma_wait3A_762 = tpu.memref_slice %arg2[%dma_wait3A_761] : memref<819200xi32, #tpu.memory_space<hbm>> -> memref<1024xi32, #tpu.memory_space<hbm>>
    %dma_wait3A_763 = arith.constant 0 : i32
    %dma_wait3A_764 = tpu.memref_slice %arg5[%dma_wait3A_763] : memref<51200xi32, #tpu.memory_space<vmem>> -> memref<1024xi32, #tpu.memory_space<vmem>>
    %dma_wait3A_765 = arith.constant 0 : i32
    %dma_wait3A_766 = tpu.memref_slice %arg2[%dma_wait3A_765] : memref<819200xi32, #tpu.memory_space<hbm>> -> memref<1024xi32, #tpu.memory_space<hbm>>
    tpu.wait_dma2 semaphore(%arg10 : memref<!tpu.dma_semaphore, #tpu.memory_space<semaphore_mem>>) src(%dma_wait3A_766 : memref<1024xi32, #tpu.memory_space<hbm>>) dst(%dma_wait3A_764 : memref<1024xi32, #tpu.memory_space<vmem>>)
    %dma_wait3A_767 = arith.constant 0 : i32
    %dma_wait3A_768 = tpu.memref_slice %arg5[%dma_wait3A_767] : memref<51200xi32, #tpu.memory_space<vmem>> -> memref<1024xi32, #tpu.memory_space<vmem>>
    %dma_wait3A_769 = arith.constant 0 : i32
    %dma_wait3A_770 = tpu.memref_slice %arg2[%dma_wait3A_769] : memref<819200xi32, #tpu.memory_space<hbm>> -> memref<1024xi32, #tpu.memory_space<hbm>>
    %dma_wait3A_771 = arith.constant 0 : i32
    %dma_wait3A_772 = tpu.memref_slice %arg5[%dma_wait3A_771] : memref<51200xi32, #tpu.memory_space<vmem>> -> memref<1024xi32, #tpu.memory_space<vmem>>
    %dma_wait3A_773 = arith.constant 0 : i32
    %dma_wait3A_774 = tpu.memref_slice %arg2[%dma_wait3A_773] : memref<819200xi32, #tpu.memory_space<hbm>> -> memref<1024xi32, #tpu.memory_space<hbm>>
    tpu.wait_dma2 semaphore(%arg10 : memref<!tpu.dma_semaphore, #tpu.memory_space<semaphore_mem>>) src(%dma_wait3A_774 : memref<1024xi32, #tpu.memory_space<hbm>>) dst(%dma_wait3A_772 : memref<1024xi32, #tpu.memory_space<vmem>>)
    %dma_wait3A_775 = arith.constant 0 : i32
    %dma_wait3A_776 = tpu.memref_slice %arg5[%dma_wait3A_775] : memref<51200xi32, #tpu.memory_space<vmem>> -> memref<1024xi32, #tpu.memory_space<vmem>>
    %dma_wait3A_777 = arith.constant 0 : i32
    %dma_wait3A_778 = tpu.memref_slice %arg2[%dma_wait3A_777] : memref<819200xi32, #tpu.memory_space<hbm>> -> memref<1024xi32, #tpu.memory_space<hbm>>
    %dma_wait3A_779 = arith.constant 0 : i32
    %dma_wait3A_780 = tpu.memref_slice %arg5[%dma_wait3A_779] : memref<51200xi32, #tpu.memory_space<vmem>> -> memref<1024xi32, #tpu.memory_space<vmem>>
    %dma_wait3A_781 = arith.constant 0 : i32
    %dma_wait3A_782 = tpu.memref_slice %arg2[%dma_wait3A_781] : memref<819200xi32, #tpu.memory_space<hbm>> -> memref<1024xi32, #tpu.memory_space<hbm>>
    tpu.wait_dma2 semaphore(%arg10 : memref<!tpu.dma_semaphore, #tpu.memory_space<semaphore_mem>>) src(%dma_wait3A_782 : memref<1024xi32, #tpu.memory_space<hbm>>) dst(%dma_wait3A_780 : memref<1024xi32, #tpu.memory_space<vmem>>)
    %dma_wait3A_783 = arith.constant 0 : i32
    %dma_wait3A_784 = tpu.memref_slice %arg5[%dma_wait3A_783] : memref<51200xi32, #tpu.memory_space<vmem>> -> memref<1024xi32, #tpu.memory_space<vmem>>
    %dma_wait3A_785 = arith.constant 0 : i32
    %dma_wait3A_786 = tpu.memref_slice %arg2[%dma_wait3A_785] : memref<819200xi32, #tpu.memory_space<hbm>> -> memref<1024xi32, #tpu.memory_space<hbm>>
    %dma_wait3A_787 = arith.constant 0 : i32
    %dma_wait3A_788 = tpu.memref_slice %arg5[%dma_wait3A_787] : memref<51200xi32, #tpu.memory_space<vmem>> -> memref<1024xi32, #tpu.memory_space<vmem>>
    %dma_wait3A_789 = arith.constant 0 : i32
    %dma_wait3A_790 = tpu.memref_slice %arg2[%dma_wait3A_789] : memref<819200xi32, #tpu.memory_space<hbm>> -> memref<1024xi32, #tpu.memory_space<hbm>>
    tpu.wait_dma2 semaphore(%arg10 : memref<!tpu.dma_semaphore, #tpu.memory_space<semaphore_mem>>) src(%dma_wait3A_790 : memref<1024xi32, #tpu.memory_space<hbm>>) dst(%dma_wait3A_788 : memref<1024xi32, #tpu.memory_space<vmem>>)
    %dma_wait3A_791 = arith.constant 0 : i32
    %dma_wait3A_792 = tpu.memref_slice %arg5[%dma_wait3A_791] : memref<51200xi32, #tpu.memory_space<vmem>> -> memref<1024xi32, #tpu.memory_space<vmem>>
    %dma_wait3A_793 = arith.constant 0 : i32
    %dma_wait3A_794 = tpu.memref_slice %arg2[%dma_wait3A_793] : memref<819200xi32, #tpu.memory_space<hbm>> -> memref<1024xi32, #tpu.memory_space<hbm>>
    %dma_wait3A_795 = arith.constant 0 : i32
    %dma_wait3A_796 = tpu.memref_slice %arg5[%dma_wait3A_795] : memref<51200xi32, #tpu.memory_space<vmem>> -> memref<1024xi32, #tpu.memory_space<vmem>>
    %dma_wait3A_797 = arith.constant 0 : i32
    %dma_wait3A_798 = tpu.memref_slice %arg2[%dma_wait3A_797] : memref<819200xi32, #tpu.memory_space<hbm>> -> memref<1024xi32, #tpu.memory_space<hbm>>
    tpu.wait_dma2 semaphore(%arg10 : memref<!tpu.dma_semaphore, #tpu.memory_space<semaphore_mem>>) src(%dma_wait3A_798 : memref<1024xi32, #tpu.memory_space<hbm>>) dst(%dma_wait3A_796 : memref<1024xi32, #tpu.memory_space<vmem>>)
    %dma_wait3A_799 = arith.constant 0 : i32
    %dma_wait3A_800 = tpu.memref_slice %arg5[%dma_wait3A_799] : memref<51200xi32, #tpu.memory_space<vmem>> -> memref<1024xi32, #tpu.memory_space<vmem>>
    %dma_wait3A_801 = arith.constant 0 : i32
    %dma_wait3A_802 = tpu.memref_slice %arg2[%dma_wait3A_801] : memref<819200xi32, #tpu.memory_space<hbm>> -> memref<1024xi32, #tpu.memory_space<hbm>>
    %dma_wait3A_803 = arith.constant 0 : i32
    %dma_wait3A_804 = tpu.memref_slice %arg5[%dma_wait3A_803] : memref<51200xi32, #tpu.memory_space<vmem>> -> memref<1024xi32, #tpu.memory_space<vmem>>
    %dma_wait3A_805 = arith.constant 0 : i32
    %dma_wait3A_806 = tpu.memref_slice %arg2[%dma_wait3A_805] : memref<819200xi32, #tpu.memory_space<hbm>> -> memref<1024xi32, #tpu.memory_space<hbm>>
    tpu.wait_dma2 semaphore(%arg10 : memref<!tpu.dma_semaphore, #tpu.memory_space<semaphore_mem>>) src(%dma_wait3A_806 : memref<1024xi32, #tpu.memory_space<hbm>>) dst(%dma_wait3A_804 : memref<1024xi32, #tpu.memory_space<vmem>>)
    %dma_wait3A_807 = arith.constant 0 : i32
    %dma_wait3A_808 = tpu.memref_slice %arg5[%dma_wait3A_807] : memref<51200xi32, #tpu.memory_space<vmem>> -> memref<1024xi32, #tpu.memory_space<vmem>>
    %dma_wait3A_809 = arith.constant 0 : i32
    %dma_wait3A_810 = tpu.memref_slice %arg2[%dma_wait3A_809] : memref<819200xi32, #tpu.memory_space<hbm>> -> memref<1024xi32, #tpu.memory_space<hbm>>
    %dma_wait3A_811 = arith.constant 0 : i32
    %dma_wait3A_812 = tpu.memref_slice %arg5[%dma_wait3A_811] : memref<51200xi32, #tpu.memory_space<vmem>> -> memref<1024xi32, #tpu.memory_space<vmem>>
    %dma_wait3A_813 = arith.constant 0 : i32
    %dma_wait3A_814 = tpu.memref_slice %arg2[%dma_wait3A_813] : memref<819200xi32, #tpu.memory_space<hbm>> -> memref<1024xi32, #tpu.memory_space<hbm>>
    tpu.wait_dma2 semaphore(%arg10 : memref<!tpu.dma_semaphore, #tpu.memory_space<semaphore_mem>>) src(%dma_wait3A_814 : memref<1024xi32, #tpu.memory_space<hbm>>) dst(%dma_wait3A_812 : memref<1024xi32, #tpu.memory_space<vmem>>)
    %dma_wait3A_815 = arith.constant 0 : i32
    %dma_wait3A_816 = tpu.memref_slice %arg5[%dma_wait3A_815] : memref<51200xi32, #tpu.memory_space<vmem>> -> memref<1024xi32, #tpu.memory_space<vmem>>
    %dma_wait3A_817 = arith.constant 0 : i32
    %dma_wait3A_818 = tpu.memref_slice %arg2[%dma_wait3A_817] : memref<819200xi32, #tpu.memory_space<hbm>> -> memref<1024xi32, #tpu.memory_space<hbm>>
    %dma_wait3A_819 = arith.constant 0 : i32
    %dma_wait3A_820 = tpu.memref_slice %arg5[%dma_wait3A_819] : memref<51200xi32, #tpu.memory_space<vmem>> -> memref<1024xi32, #tpu.memory_space<vmem>>
    %dma_wait3A_821 = arith.constant 0 : i32
    %dma_wait3A_822 = tpu.memref_slice %arg2[%dma_wait3A_821] : memref<819200xi32, #tpu.memory_space<hbm>> -> memref<1024xi32, #tpu.memory_space<hbm>>
    tpu.wait_dma2 semaphore(%arg10 : memref<!tpu.dma_semaphore, #tpu.memory_space<semaphore_mem>>) src(%dma_wait3A_822 : memref<1024xi32, #tpu.memory_space<hbm>>) dst(%dma_wait3A_820 : memref<1024xi32, #tpu.memory_space<vmem>>)
    %dma_wait3A_823 = arith.constant 0 : i32
    %dma_wait3A_824 = tpu.memref_slice %arg5[%dma_wait3A_823] : memref<51200xi32, #tpu.memory_space<vmem>> -> memref<1024xi32, #tpu.memory_space<vmem>>
    %dma_wait3A_825 = arith.constant 0 : i32
    %dma_wait3A_826 = tpu.memref_slice %arg2[%dma_wait3A_825] : memref<819200xi32, #tpu.memory_space<hbm>> -> memref<1024xi32, #tpu.memory_space<hbm>>
    %dma_wait3A_827 = arith.constant 0 : i32
    %dma_wait3A_828 = tpu.memref_slice %arg5[%dma_wait3A_827] : memref<51200xi32, #tpu.memory_space<vmem>> -> memref<1024xi32, #tpu.memory_space<vmem>>
    %dma_wait3A_829 = arith.constant 0 : i32
    %dma_wait3A_830 = tpu.memref_slice %arg2[%dma_wait3A_829] : memref<819200xi32, #tpu.memory_space<hbm>> -> memref<1024xi32, #tpu.memory_space<hbm>>
    tpu.wait_dma2 semaphore(%arg10 : memref<!tpu.dma_semaphore, #tpu.memory_space<semaphore_mem>>) src(%dma_wait3A_830 : memref<1024xi32, #tpu.memory_space<hbm>>) dst(%dma_wait3A_828 : memref<1024xi32, #tpu.memory_space<vmem>>)
    %dma_wait3A_831 = arith.constant 0 : i32
    %dma_wait3A_832 = tpu.memref_slice %arg5[%dma_wait3A_831] : memref<51200xi32, #tpu.memory_space<vmem>> -> memref<1024xi32, #tpu.memory_space<vmem>>
    %dma_wait3A_833 = arith.constant 0 : i32
    %dma_wait3A_834 = tpu.memref_slice %arg2[%dma_wait3A_833] : memref<819200xi32, #tpu.memory_space<hbm>> -> memref<1024xi32, #tpu.memory_space<hbm>>
    %dma_wait3A_835 = arith.constant 0 : i32
    %dma_wait3A_836 = tpu.memref_slice %arg5[%dma_wait3A_835] : memref<51200xi32, #tpu.memory_space<vmem>> -> memref<1024xi32, #tpu.memory_space<vmem>>
    %dma_wait3A_837 = arith.constant 0 : i32
    %dma_wait3A_838 = tpu.memref_slice %arg2[%dma_wait3A_837] : memref<819200xi32, #tpu.memory_space<hbm>> -> memref<1024xi32, #tpu.memory_space<hbm>>
    tpu.wait_dma2 semaphore(%arg10 : memref<!tpu.dma_semaphore, #tpu.memory_space<semaphore_mem>>) src(%dma_wait3A_838 : memref<1024xi32, #tpu.memory_space<hbm>>) dst(%dma_wait3A_836 : memref<1024xi32, #tpu.memory_space<vmem>>)
    %dma_wait3A_839 = arith.constant 0 : i32
    %dma_wait3A_840 = tpu.memref_slice %arg5[%dma_wait3A_839] : memref<51200xi32, #tpu.memory_space<vmem>> -> memref<1024xi32, #tpu.memory_space<vmem>>
    %dma_wait3A_841 = arith.constant 0 : i32
    %dma_wait3A_842 = tpu.memref_slice %arg2[%dma_wait3A_841] : memref<819200xi32, #tpu.memory_space<hbm>> -> memref<1024xi32, #tpu.memory_space<hbm>>
    %dma_wait3A_843 = arith.constant 0 : i32
    %dma_wait3A_844 = tpu.memref_slice %arg5[%dma_wait3A_843] : memref<51200xi32, #tpu.memory_space<vmem>> -> memref<1024xi32, #tpu.memory_space<vmem>>
    %dma_wait3A_845 = arith.constant 0 : i32
    %dma_wait3A_846 = tpu.memref_slice %arg2[%dma_wait3A_845] : memref<819200xi32, #tpu.memory_space<hbm>> -> memref<1024xi32, #tpu.memory_space<hbm>>
    tpu.wait_dma2 semaphore(%arg10 : memref<!tpu.dma_semaphore, #tpu.memory_space<semaphore_mem>>) src(%dma_wait3A_846 : memref<1024xi32, #tpu.memory_space<hbm>>) dst(%dma_wait3A_844 : memref<1024xi32, #tpu.memory_space<vmem>>)
    %dma_wait3A_847 = arith.constant 0 : i32
    %dma_wait3A_848 = tpu.memref_slice %arg5[%dma_wait3A_847] : memref<51200xi32, #tpu.memory_space<vmem>> -> memref<1024xi32, #tpu.memory_space<vmem>>
    %dma_wait3A_849 = arith.constant 0 : i32
    %dma_wait3A_850 = tpu.memref_slice %arg2[%dma_wait3A_849] : memref<819200xi32, #tpu.memory_space<hbm>> -> memref<1024xi32, #tpu.memory_space<hbm>>
    %dma_wait3A_851 = arith.constant 0 : i32
    %dma_wait3A_852 = tpu.memref_slice %arg5[%dma_wait3A_851] : memref<51200xi32, #tpu.memory_space<vmem>> -> memref<1024xi32, #tpu.memory_space<vmem>>
    %dma_wait3A_853 = arith.constant 0 : i32
    %dma_wait3A_854 = tpu.memref_slice %arg2[%dma_wait3A_853] : memref<819200xi32, #tpu.memory_space<hbm>> -> memref<1024xi32, #tpu.memory_space<hbm>>
    tpu.wait_dma2 semaphore(%arg10 : memref<!tpu.dma_semaphore, #tpu.memory_space<semaphore_mem>>) src(%dma_wait3A_854 : memref<1024xi32, #tpu.memory_space<hbm>>) dst(%dma_wait3A_852 : memref<1024xi32, #tpu.memory_space<vmem>>)
    %dma_wait3A_855 = arith.constant 0 : i32
    %dma_wait3A_856 = tpu.memref_slice %arg5[%dma_wait3A_855] : memref<51200xi32, #tpu.memory_space<vmem>> -> memref<1024xi32, #tpu.memory_space<vmem>>
    %dma_wait3A_857 = arith.constant 0 : i32
    %dma_wait3A_858 = tpu.memref_slice %arg2[%dma_wait3A_857] : memref<819200xi32, #tpu.memory_space<hbm>> -> memref<1024xi32, #tpu.memory_space<hbm>>
    %dma_wait3A_859 = arith.constant 0 : i32
    %dma_wait3A_860 = tpu.memref_slice %arg5[%dma_wait3A_859] : memref<51200xi32, #tpu.memory_space<vmem>> -> memref<1024xi32, #tpu.memory_space<vmem>>
    %dma_wait3A_861 = arith.constant 0 : i32
    %dma_wait3A_862 = tpu.memref_slice %arg2[%dma_wait3A_861] : memref<819200xi32, #tpu.memory_space<hbm>> -> memref<1024xi32, #tpu.memory_space<hbm>>
    tpu.wait_dma2 semaphore(%arg10 : memref<!tpu.dma_semaphore, #tpu.memory_space<semaphore_mem>>) src(%dma_wait3A_862 : memref<1024xi32, #tpu.memory_space<hbm>>) dst(%dma_wait3A_860 : memref<1024xi32, #tpu.memory_space<vmem>>)
    %dma_wait3A_863 = arith.constant 0 : i32
    %dma_wait3A_864 = tpu.memref_slice %arg5[%dma_wait3A_863] : memref<51200xi32, #tpu.memory_space<vmem>> -> memref<1024xi32, #tpu.memory_space<vmem>>
    %dma_wait3A_865 = arith.constant 0 : i32
    %dma_wait3A_866 = tpu.memref_slice %arg2[%dma_wait3A_865] : memref<819200xi32, #tpu.memory_space<hbm>> -> memref<1024xi32, #tpu.memory_space<hbm>>
    %dma_wait3A_867 = arith.constant 0 : i32
    %dma_wait3A_868 = tpu.memref_slice %arg5[%dma_wait3A_867] : memref<51200xi32, #tpu.memory_space<vmem>> -> memref<1024xi32, #tpu.memory_space<vmem>>
    %dma_wait3A_869 = arith.constant 0 : i32
    %dma_wait3A_870 = tpu.memref_slice %arg2[%dma_wait3A_869] : memref<819200xi32, #tpu.memory_space<hbm>> -> memref<1024xi32, #tpu.memory_space<hbm>>
    tpu.wait_dma2 semaphore(%arg10 : memref<!tpu.dma_semaphore, #tpu.memory_space<semaphore_mem>>) src(%dma_wait3A_870 : memref<1024xi32, #tpu.memory_space<hbm>>) dst(%dma_wait3A_868 : memref<1024xi32, #tpu.memory_space<vmem>>)
    %dma_wait3A_871 = arith.constant 0 : i32
    %dma_wait3A_872 = tpu.memref_slice %arg5[%dma_wait3A_871] : memref<51200xi32, #tpu.memory_space<vmem>> -> memref<1024xi32, #tpu.memory_space<vmem>>
    %dma_wait3A_873 = arith.constant 0 : i32
    %dma_wait3A_874 = tpu.memref_slice %arg2[%dma_wait3A_873] : memref<819200xi32, #tpu.memory_space<hbm>> -> memref<1024xi32, #tpu.memory_space<hbm>>
    %dma_wait3A_875 = arith.constant 0 : i32
    %dma_wait3A_876 = tpu.memref_slice %arg5[%dma_wait3A_875] : memref<51200xi32, #tpu.memory_space<vmem>> -> memref<1024xi32, #tpu.memory_space<vmem>>
    %dma_wait3A_877 = arith.constant 0 : i32
    %dma_wait3A_878 = tpu.memref_slice %arg2[%dma_wait3A_877] : memref<819200xi32, #tpu.memory_space<hbm>> -> memref<1024xi32, #tpu.memory_space<hbm>>
    tpu.wait_dma2 semaphore(%arg10 : memref<!tpu.dma_semaphore, #tpu.memory_space<semaphore_mem>>) src(%dma_wait3A_878 : memref<1024xi32, #tpu.memory_space<hbm>>) dst(%dma_wait3A_876 : memref<1024xi32, #tpu.memory_space<vmem>>)
    %dma_wait3A_879 = arith.constant 0 : i32
    %dma_wait3A_880 = tpu.memref_slice %arg5[%dma_wait3A_879] : memref<51200xi32, #tpu.memory_space<vmem>> -> memref<1024xi32, #tpu.memory_space<vmem>>
    %dma_wait3A_881 = arith.constant 0 : i32
    %dma_wait3A_882 = tpu.memref_slice %arg2[%dma_wait3A_881] : memref<819200xi32, #tpu.memory_space<hbm>> -> memref<1024xi32, #tpu.memory_space<hbm>>
    %dma_wait3A_883 = arith.constant 0 : i32
    %dma_wait3A_884 = tpu.memref_slice %arg5[%dma_wait3A_883] : memref<51200xi32, #tpu.memory_space<vmem>> -> memref<1024xi32, #tpu.memory_space<vmem>>
    %dma_wait3A_885 = arith.constant 0 : i32
    %dma_wait3A_886 = tpu.memref_slice %arg2[%dma_wait3A_885] : memref<819200xi32, #tpu.memory_space<hbm>> -> memref<1024xi32, #tpu.memory_space<hbm>>
    tpu.wait_dma2 semaphore(%arg10 : memref<!tpu.dma_semaphore, #tpu.memory_space<semaphore_mem>>) src(%dma_wait3A_886 : memref<1024xi32, #tpu.memory_space<hbm>>) dst(%dma_wait3A_884 : memref<1024xi32, #tpu.memory_space<vmem>>)
    %dma_wait3A_887 = arith.constant 0 : i32
    %dma_wait3A_888 = tpu.memref_slice %arg5[%dma_wait3A_887] : memref<51200xi32, #tpu.memory_space<vmem>> -> memref<1024xi32, #tpu.memory_space<vmem>>
    %dma_wait3A_889 = arith.constant 0 : i32
    %dma_wait3A_890 = tpu.memref_slice %arg2[%dma_wait3A_889] : memref<819200xi32, #tpu.memory_space<hbm>> -> memref<1024xi32, #tpu.memory_space<hbm>>
    %dma_wait3A_891 = arith.constant 0 : i32
    %dma_wait3A_892 = tpu.memref_slice %arg5[%dma_wait3A_891] : memref<51200xi32, #tpu.memory_space<vmem>> -> memref<1024xi32, #tpu.memory_space<vmem>>
    %dma_wait3A_893 = arith.constant 0 : i32
    %dma_wait3A_894 = tpu.memref_slice %arg2[%dma_wait3A_893] : memref<819200xi32, #tpu.memory_space<hbm>> -> memref<1024xi32, #tpu.memory_space<hbm>>
    tpu.wait_dma2 semaphore(%arg10 : memref<!tpu.dma_semaphore, #tpu.memory_space<semaphore_mem>>) src(%dma_wait3A_894 : memref<1024xi32, #tpu.memory_space<hbm>>) dst(%dma_wait3A_892 : memref<1024xi32, #tpu.memory_space<vmem>>)
    %dma_wait3A_895 = arith.constant 0 : i32
    %dma_wait3A_896 = tpu.memref_slice %arg5[%dma_wait3A_895] : memref<51200xi32, #tpu.memory_space<vmem>> -> memref<1024xi32, #tpu.memory_space<vmem>>
    %dma_wait3A_897 = arith.constant 0 : i32
    %dma_wait3A_898 = tpu.memref_slice %arg2[%dma_wait3A_897] : memref<819200xi32, #tpu.memory_space<hbm>> -> memref<1024xi32, #tpu.memory_space<hbm>>
    %dma_wait3A_899 = arith.constant 0 : i32
    %dma_wait3A_900 = tpu.memref_slice %arg5[%dma_wait3A_899] : memref<51200xi32, #tpu.memory_space<vmem>> -> memref<1024xi32, #tpu.memory_space<vmem>>
    %dma_wait3A_901 = arith.constant 0 : i32
    %dma_wait3A_902 = tpu.memref_slice %arg2[%dma_wait3A_901] : memref<819200xi32, #tpu.memory_space<hbm>> -> memref<1024xi32, #tpu.memory_space<hbm>>
    tpu.wait_dma2 semaphore(%arg10 : memref<!tpu.dma_semaphore, #tpu.memory_space<semaphore_mem>>) src(%dma_wait3A_902 : memref<1024xi32, #tpu.memory_space<hbm>>) dst(%dma_wait3A_900 : memref<1024xi32, #tpu.memory_space<vmem>>)
    %dma_wait3A_903 = arith.constant 0 : i32
    %dma_wait3A_904 = tpu.memref_slice %arg5[%dma_wait3A_903] : memref<51200xi32, #tpu.memory_space<vmem>> -> memref<1024xi32, #tpu.memory_space<vmem>>
    %dma_wait3A_905 = arith.constant 0 : i32
    %dma_wait3A_906 = tpu.memref_slice %arg2[%dma_wait3A_905] : memref<819200xi32, #tpu.memory_space<hbm>> -> memref<1024xi32, #tpu.memory_space<hbm>>
    %dma_wait3A_907 = arith.constant 0 : i32
    %dma_wait3A_908 = tpu.memref_slice %arg5[%dma_wait3A_907] : memref<51200xi32, #tpu.memory_space<vmem>> -> memref<1024xi32, #tpu.memory_space<vmem>>
    %dma_wait3A_909 = arith.constant 0 : i32
    %dma_wait3A_910 = tpu.memref_slice %arg2[%dma_wait3A_909] : memref<819200xi32, #tpu.memory_space<hbm>> -> memref<1024xi32, #tpu.memory_space<hbm>>
    tpu.wait_dma2 semaphore(%arg10 : memref<!tpu.dma_semaphore, #tpu.memory_space<semaphore_mem>>) src(%dma_wait3A_910 : memref<1024xi32, #tpu.memory_space<hbm>>) dst(%dma_wait3A_908 : memref<1024xi32, #tpu.memory_space<vmem>>)
    %dma_wait3A_911 = arith.constant 0 : i32
    %dma_wait3A_912 = tpu.memref_slice %arg5[%dma_wait3A_911] : memref<51200xi32, #tpu.memory_space<vmem>> -> memref<1024xi32, #tpu.memory_space<vmem>>
    %dma_wait3A_913 = arith.constant 0 : i32
    %dma_wait3A_914 = tpu.memref_slice %arg2[%dma_wait3A_913] : memref<819200xi32, #tpu.memory_space<hbm>> -> memref<1024xi32, #tpu.memory_space<hbm>>
    %dma_wait3A_915 = arith.constant 0 : i32
    %dma_wait3A_916 = tpu.memref_slice %arg5[%dma_wait3A_915] : memref<51200xi32, #tpu.memory_space<vmem>> -> memref<1024xi32, #tpu.memory_space<vmem>>
    %dma_wait3A_917 = arith.constant 0 : i32
    %dma_wait3A_918 = tpu.memref_slice %arg2[%dma_wait3A_917] : memref<819200xi32, #tpu.memory_space<hbm>> -> memref<1024xi32, #tpu.memory_space<hbm>>
    tpu.wait_dma2 semaphore(%arg10 : memref<!tpu.dma_semaphore, #tpu.memory_space<semaphore_mem>>) src(%dma_wait3A_918 : memref<1024xi32, #tpu.memory_space<hbm>>) dst(%dma_wait3A_916 : memref<1024xi32, #tpu.memory_space<vmem>>)
    %dma_wait3A_919 = arith.constant 0 : i32
    %dma_wait3A_920 = tpu.memref_slice %arg5[%dma_wait3A_919] : memref<51200xi32, #tpu.memory_space<vmem>> -> memref<1024xi32, #tpu.memory_space<vmem>>
    %dma_wait3A_921 = arith.constant 0 : i32
    %dma_wait3A_922 = tpu.memref_slice %arg2[%dma_wait3A_921] : memref<819200xi32, #tpu.memory_space<hbm>> -> memref<1024xi32, #tpu.memory_space<hbm>>
    %dma_wait3A_923 = arith.constant 0 : i32
    %dma_wait3A_924 = tpu.memref_slice %arg5[%dma_wait3A_923] : memref<51200xi32, #tpu.memory_space<vmem>> -> memref<1024xi32, #tpu.memory_space<vmem>>
    %dma_wait3A_925 = arith.constant 0 : i32
    %dma_wait3A_926 = tpu.memref_slice %arg2[%dma_wait3A_925] : memref<819200xi32, #tpu.memory_space<hbm>> -> memref<1024xi32, #tpu.memory_space<hbm>>
    tpu.wait_dma2 semaphore(%arg10 : memref<!tpu.dma_semaphore, #tpu.memory_space<semaphore_mem>>) src(%dma_wait3A_926 : memref<1024xi32, #tpu.memory_space<hbm>>) dst(%dma_wait3A_924 : memref<1024xi32, #tpu.memory_space<vmem>>)
    %dma_wait3A_927 = arith.constant 0 : i32
    %dma_wait3A_928 = tpu.memref_slice %arg5[%dma_wait3A_927] : memref<51200xi32, #tpu.memory_space<vmem>> -> memref<1024xi32, #tpu.memory_space<vmem>>
    %dma_wait3A_929 = arith.constant 0 : i32
    %dma_wait3A_930 = tpu.memref_slice %arg2[%dma_wait3A_929] : memref<819200xi32, #tpu.memory_space<hbm>> -> memref<1024xi32, #tpu.memory_space<hbm>>
    %dma_wait3A_931 = arith.constant 0 : i32
    %dma_wait3A_932 = tpu.memref_slice %arg5[%dma_wait3A_931] : memref<51200xi32, #tpu.memory_space<vmem>> -> memref<1024xi32, #tpu.memory_space<vmem>>
    %dma_wait3A_933 = arith.constant 0 : i32
    %dma_wait3A_934 = tpu.memref_slice %arg2[%dma_wait3A_933] : memref<819200xi32, #tpu.memory_space<hbm>> -> memref<1024xi32, #tpu.memory_space<hbm>>
    tpu.wait_dma2 semaphore(%arg10 : memref<!tpu.dma_semaphore, #tpu.memory_space<semaphore_mem>>) src(%dma_wait3A_934 : memref<1024xi32, #tpu.memory_space<hbm>>) dst(%dma_wait3A_932 : memref<1024xi32, #tpu.memory_space<vmem>>)
    %dma_wait3A_935 = arith.constant 0 : i32
    %dma_wait3A_936 = tpu.memref_slice %arg5[%dma_wait3A_935] : memref<51200xi32, #tpu.memory_space<vmem>> -> memref<1024xi32, #tpu.memory_space<vmem>>
    %dma_wait3A_937 = arith.constant 0 : i32
    %dma_wait3A_938 = tpu.memref_slice %arg2[%dma_wait3A_937] : memref<819200xi32, #tpu.memory_space<hbm>> -> memref<1024xi32, #tpu.memory_space<hbm>>
    %dma_wait3A_939 = arith.constant 0 : i32
    %dma_wait3A_940 = tpu.memref_slice %arg5[%dma_wait3A_939] : memref<51200xi32, #tpu.memory_space<vmem>> -> memref<1024xi32, #tpu.memory_space<vmem>>
    %dma_wait3A_941 = arith.constant 0 : i32
    %dma_wait3A_942 = tpu.memref_slice %arg2[%dma_wait3A_941] : memref<819200xi32, #tpu.memory_space<hbm>> -> memref<1024xi32, #tpu.memory_space<hbm>>
    tpu.wait_dma2 semaphore(%arg10 : memref<!tpu.dma_semaphore, #tpu.memory_space<semaphore_mem>>) src(%dma_wait3A_942 : memref<1024xi32, #tpu.memory_space<hbm>>) dst(%dma_wait3A_940 : memref<1024xi32, #tpu.memory_space<vmem>>)
    %dma_wait3A_943 = arith.constant 0 : i32
    %dma_wait3A_944 = tpu.memref_slice %arg5[%dma_wait3A_943] : memref<51200xi32, #tpu.memory_space<vmem>> -> memref<1024xi32, #tpu.memory_space<vmem>>
    %dma_wait3A_945 = arith.constant 0 : i32
    %dma_wait3A_946 = tpu.memref_slice %arg2[%dma_wait3A_945] : memref<819200xi32, #tpu.memory_space<hbm>> -> memref<1024xi32, #tpu.memory_space<hbm>>
    %dma_wait3A_947 = arith.constant 0 : i32
    %dma_wait3A_948 = tpu.memref_slice %arg5[%dma_wait3A_947] : memref<51200xi32, #tpu.memory_space<vmem>> -> memref<1024xi32, #tpu.memory_space<vmem>>
    %dma_wait3A_949 = arith.constant 0 : i32
    %dma_wait3A_950 = tpu.memref_slice %arg2[%dma_wait3A_949] : memref<819200xi32, #tpu.memory_space<hbm>> -> memref<1024xi32, #tpu.memory_space<hbm>>
    tpu.wait_dma2 semaphore(%arg10 : memref<!tpu.dma_semaphore, #tpu.memory_space<semaphore_mem>>) src(%dma_wait3A_950 : memref<1024xi32, #tpu.memory_space<hbm>>) dst(%dma_wait3A_948 : memref<1024xi32, #tpu.memory_space<vmem>>)
    %dma_wait3A_951 = arith.constant 0 : i32
    %dma_wait3A_952 = tpu.memref_slice %arg5[%dma_wait3A_951] : memref<51200xi32, #tpu.memory_space<vmem>> -> memref<1024xi32, #tpu.memory_space<vmem>>
    %dma_wait3A_953 = arith.constant 0 : i32
    %dma_wait3A_954 = tpu.memref_slice %arg2[%dma_wait3A_953] : memref<819200xi32, #tpu.memory_space<hbm>> -> memref<1024xi32, #tpu.memory_space<hbm>>
    %dma_wait3A_955 = arith.constant 0 : i32
    %dma_wait3A_956 = tpu.memref_slice %arg5[%dma_wait3A_955] : memref<51200xi32, #tpu.memory_space<vmem>> -> memref<1024xi32, #tpu.memory_space<vmem>>
    %dma_wait3A_957 = arith.constant 0 : i32
    %dma_wait3A_958 = tpu.memref_slice %arg2[%dma_wait3A_957] : memref<819200xi32, #tpu.memory_space<hbm>> -> memref<1024xi32, #tpu.memory_space<hbm>>
    tpu.wait_dma2 semaphore(%arg10 : memref<!tpu.dma_semaphore, #tpu.memory_space<semaphore_mem>>) src(%dma_wait3A_958 : memref<1024xi32, #tpu.memory_space<hbm>>) dst(%dma_wait3A_956 : memref<1024xi32, #tpu.memory_space<vmem>>)
    %dma_wait3A_959 = arith.constant 0 : i32
    %dma_wait3A_960 = tpu.memref_slice %arg5[%dma_wait3A_959] : memref<51200xi32, #tpu.memory_space<vmem>> -> memref<1024xi32, #tpu.memory_space<vmem>>
    %dma_wait3A_961 = arith.constant 0 : i32
    %dma_wait3A_962 = tpu.memref_slice %arg2[%dma_wait3A_961] : memref<819200xi32, #tpu.memory_space<hbm>> -> memref<1024xi32, #tpu.memory_space<hbm>>
    %dma_wait3A_963 = arith.constant 0 : i32
    %dma_wait3A_964 = tpu.memref_slice %arg5[%dma_wait3A_963] : memref<51200xi32, #tpu.memory_space<vmem>> -> memref<1024xi32, #tpu.memory_space<vmem>>
    %dma_wait3A_965 = arith.constant 0 : i32
    %dma_wait3A_966 = tpu.memref_slice %arg2[%dma_wait3A_965] : memref<819200xi32, #tpu.memory_space<hbm>> -> memref<1024xi32, #tpu.memory_space<hbm>>
    tpu.wait_dma2 semaphore(%arg10 : memref<!tpu.dma_semaphore, #tpu.memory_space<semaphore_mem>>) src(%dma_wait3A_966 : memref<1024xi32, #tpu.memory_space<hbm>>) dst(%dma_wait3A_964 : memref<1024xi32, #tpu.memory_space<vmem>>)
    %dma_wait3A_967 = arith.constant 0 : i32
    %dma_wait3A_968 = tpu.memref_slice %arg5[%dma_wait3A_967] : memref<51200xi32, #tpu.memory_space<vmem>> -> memref<1024xi32, #tpu.memory_space<vmem>>
    %dma_wait3A_969 = arith.constant 0 : i32
    %dma_wait3A_970 = tpu.memref_slice %arg2[%dma_wait3A_969] : memref<819200xi32, #tpu.memory_space<hbm>> -> memref<1024xi32, #tpu.memory_space<hbm>>
    %dma_wait3A_971 = arith.constant 0 : i32
    %dma_wait3A_972 = tpu.memref_slice %arg5[%dma_wait3A_971] : memref<51200xi32, #tpu.memory_space<vmem>> -> memref<1024xi32, #tpu.memory_space<vmem>>
    %dma_wait3A_973 = arith.constant 0 : i32
    %dma_wait3A_974 = tpu.memref_slice %arg2[%dma_wait3A_973] : memref<819200xi32, #tpu.memory_space<hbm>> -> memref<1024xi32, #tpu.memory_space<hbm>>
    tpu.wait_dma2 semaphore(%arg10 : memref<!tpu.dma_semaphore, #tpu.memory_space<semaphore_mem>>) src(%dma_wait3A_974 : memref<1024xi32, #tpu.memory_space<hbm>>) dst(%dma_wait3A_972 : memref<1024xi32, #tpu.memory_space<vmem>>)
    %dma_wait3A_975 = arith.constant 0 : i32
    %dma_wait3A_976 = tpu.memref_slice %arg5[%dma_wait3A_975] : memref<51200xi32, #tpu.memory_space<vmem>> -> memref<1024xi32, #tpu.memory_space<vmem>>
    %dma_wait3A_977 = arith.constant 0 : i32
    %dma_wait3A_978 = tpu.memref_slice %arg2[%dma_wait3A_977] : memref<819200xi32, #tpu.memory_space<hbm>> -> memref<1024xi32, #tpu.memory_space<hbm>>
    %dma_wait3A_979 = arith.constant 0 : i32
    %dma_wait3A_980 = tpu.memref_slice %arg5[%dma_wait3A_979] : memref<51200xi32, #tpu.memory_space<vmem>> -> memref<1024xi32, #tpu.memory_space<vmem>>
    %dma_wait3A_981 = arith.constant 0 : i32
    %dma_wait3A_982 = tpu.memref_slice %arg2[%dma_wait3A_981] : memref<819200xi32, #tpu.memory_space<hbm>> -> memref<1024xi32, #tpu.memory_space<hbm>>
    tpu.wait_dma2 semaphore(%arg10 : memref<!tpu.dma_semaphore, #tpu.memory_space<semaphore_mem>>) src(%dma_wait3A_982 : memref<1024xi32, #tpu.memory_space<hbm>>) dst(%dma_wait3A_980 : memref<1024xi32, #tpu.memory_space<vmem>>)
    %dma_wait3A_983 = arith.constant 0 : i32
    %dma_wait3A_984 = tpu.memref_slice %arg5[%dma_wait3A_983] : memref<51200xi32, #tpu.memory_space<vmem>> -> memref<1024xi32, #tpu.memory_space<vmem>>
    %dma_wait3A_985 = arith.constant 0 : i32
    %dma_wait3A_986 = tpu.memref_slice %arg2[%dma_wait3A_985] : memref<819200xi32, #tpu.memory_space<hbm>> -> memref<1024xi32, #tpu.memory_space<hbm>>
    %dma_wait3A_987 = arith.constant 0 : i32
    %dma_wait3A_988 = tpu.memref_slice %arg5[%dma_wait3A_987] : memref<51200xi32, #tpu.memory_space<vmem>> -> memref<1024xi32, #tpu.memory_space<vmem>>
    %dma_wait3A_989 = arith.constant 0 : i32
    %dma_wait3A_990 = tpu.memref_slice %arg2[%dma_wait3A_989] : memref<819200xi32, #tpu.memory_space<hbm>> -> memref<1024xi32, #tpu.memory_space<hbm>>
    tpu.wait_dma2 semaphore(%arg10 : memref<!tpu.dma_semaphore, #tpu.memory_space<semaphore_mem>>) src(%dma_wait3A_990 : memref<1024xi32, #tpu.memory_space<hbm>>) dst(%dma_wait3A_988 : memref<1024xi32, #tpu.memory_space<vmem>>)
    %dma_wait3A_991 = arith.constant 0 : i32
    %dma_wait3A_992 = tpu.memref_slice %arg5[%dma_wait3A_991] : memref<51200xi32, #tpu.memory_space<vmem>> -> memref<1024xi32, #tpu.memory_space<vmem>>
    %dma_wait3A_993 = arith.constant 0 : i32
    %dma_wait3A_994 = tpu.memref_slice %arg2[%dma_wait3A_993] : memref<819200xi32, #tpu.memory_space<hbm>> -> memref<1024xi32, #tpu.memory_space<hbm>>
    %dma_wait3A_995 = arith.constant 0 : i32
    %dma_wait3A_996 = tpu.memref_slice %arg5[%dma_wait3A_995] : memref<51200xi32, #tpu.memory_space<vmem>> -> memref<1024xi32, #tpu.memory_space<vmem>>
    %dma_wait3A_997 = arith.constant 0 : i32
    %dma_wait3A_998 = tpu.memref_slice %arg2[%dma_wait3A_997] : memref<819200xi32, #tpu.memory_space<hbm>> -> memref<1024xi32, #tpu.memory_space<hbm>>
    tpu.wait_dma2 semaphore(%arg10 : memref<!tpu.dma_semaphore, #tpu.memory_space<semaphore_mem>>) src(%dma_wait3A_998 : memref<1024xi32, #tpu.memory_space<hbm>>) dst(%dma_wait3A_996 : memref<1024xi32, #tpu.memory_space<vmem>>)
    %dma_wait3A_999 = arith.constant 0 : i32
    %dma_wait3A_1000 = tpu.memref_slice %arg5[%dma_wait3A_999] : memref<51200xi32, #tpu.memory_space<vmem>> -> memref<1024xi32, #tpu.memory_space<vmem>>
    %dma_wait3A_1001 = arith.constant 0 : i32
    %dma_wait3A_1002 = tpu.memref_slice %arg2[%dma_wait3A_1001] : memref<819200xi32, #tpu.memory_space<hbm>> -> memref<1024xi32, #tpu.memory_space<hbm>>
    %dma_wait3A_1003 = arith.constant 0 : i32
    %dma_wait3A_1004 = tpu.memref_slice %arg5[%dma_wait3A_1003] : memref<51200xi32, #tpu.memory_space<vmem>> -> memref<1024xi32, #tpu.memory_space<vmem>>
    %dma_wait3A_1005 = arith.constant 0 : i32
    %dma_wait3A_1006 = tpu.memref_slice %arg2[%dma_wait3A_1005] : memref<819200xi32, #tpu.memory_space<hbm>> -> memref<1024xi32, #tpu.memory_space<hbm>>
    tpu.wait_dma2 semaphore(%arg10 : memref<!tpu.dma_semaphore, #tpu.memory_space<semaphore_mem>>) src(%dma_wait3A_1006 : memref<1024xi32, #tpu.memory_space<hbm>>) dst(%dma_wait3A_1004 : memref<1024xi32, #tpu.memory_space<vmem>>)
    %dma_wait3A_1007 = arith.constant 0 : i32
    %dma_wait3A_1008 = tpu.memref_slice %arg5[%dma_wait3A_1007] : memref<51200xi32, #tpu.memory_space<vmem>> -> memref<1024xi32, #tpu.memory_space<vmem>>
    %dma_wait3A_1009 = arith.constant 0 : i32
    %dma_wait3A_1010 = tpu.memref_slice %arg2[%dma_wait3A_1009] : memref<819200xi32, #tpu.memory_space<hbm>> -> memref<1024xi32, #tpu.memory_space<hbm>>
    %dma_wait3A_1011 = arith.constant 0 : i32
    %dma_wait3A_1012 = tpu.memref_slice %arg5[%dma_wait3A_1011] : memref<51200xi32, #tpu.memory_space<vmem>> -> memref<1024xi32, #tpu.memory_space<vmem>>
    %dma_wait3A_1013 = arith.constant 0 : i32
    %dma_wait3A_1014 = tpu.memref_slice %arg2[%dma_wait3A_1013] : memref<819200xi32, #tpu.memory_space<hbm>> -> memref<1024xi32, #tpu.memory_space<hbm>>
    tpu.wait_dma2 semaphore(%arg10 : memref<!tpu.dma_semaphore, #tpu.memory_space<semaphore_mem>>) src(%dma_wait3A_1014 : memref<1024xi32, #tpu.memory_space<hbm>>) dst(%dma_wait3A_1012 : memref<1024xi32, #tpu.memory_space<vmem>>)
    %dma_wait3A_1015 = arith.constant 0 : i32
    %dma_wait3A_1016 = tpu.memref_slice %arg5[%dma_wait3A_1015] : memref<51200xi32, #tpu.memory_space<vmem>> -> memref<1024xi32, #tpu.memory_space<vmem>>
    %dma_wait3A_1017 = arith.constant 0 : i32
    %dma_wait3A_1018 = tpu.memref_slice %arg2[%dma_wait3A_1017] : memref<819200xi32, #tpu.memory_space<hbm>> -> memref<1024xi32, #tpu.memory_space<hbm>>
    %dma_wait3A_1019 = arith.constant 0 : i32
    %dma_wait3A_1020 = tpu.memref_slice %arg5[%dma_wait3A_1019] : memref<51200xi32, #tpu.memory_space<vmem>> -> memref<1024xi32, #tpu.memory_space<vmem>>
    %dma_wait3A_1021 = arith.constant 0 : i32
    %dma_wait3A_1022 = tpu.memref_slice %arg2[%dma_wait3A_1021] : memref<819200xi32, #tpu.memory_space<hbm>> -> memref<1024xi32, #tpu.memory_space<hbm>>
    tpu.wait_dma2 semaphore(%arg10 : memref<!tpu.dma_semaphore, #tpu.memory_space<semaphore_mem>>) src(%dma_wait3A_1022 : memref<1024xi32, #tpu.memory_space<hbm>>) dst(%dma_wait3A_1020 : memref<1024xi32, #tpu.memory_space<vmem>>)
    %dma_wait3A_1023 = arith.constant 0 : i32
    %dma_wait3A_1024 = tpu.memref_slice %arg5[%dma_wait3A_1023] : memref<51200xi32, #tpu.memory_space<vmem>> -> memref<1024xi32, #tpu.memory_space<vmem>>
    %dma_wait3A_1025 = arith.constant 0 : i32
    %dma_wait3A_1026 = tpu.memref_slice %arg2[%dma_wait3A_1025] : memref<819200xi32, #tpu.memory_space<hbm>> -> memref<1024xi32, #tpu.memory_space<hbm>>
    %dma_wait3A_1027 = arith.constant 0 : i32
    %dma_wait3A_1028 = tpu.memref_slice %arg5[%dma_wait3A_1027] : memref<51200xi32, #tpu.memory_space<vmem>> -> memref<1024xi32, #tpu.memory_space<vmem>>
    %dma_wait3A_1029 = arith.constant 0 : i32
    %dma_wait3A_1030 = tpu.memref_slice %arg2[%dma_wait3A_1029] : memref<819200xi32, #tpu.memory_space<hbm>> -> memref<1024xi32, #tpu.memory_space<hbm>>
    tpu.wait_dma2 semaphore(%arg10 : memref<!tpu.dma_semaphore, #tpu.memory_space<semaphore_mem>>) src(%dma_wait3A_1030 : memref<1024xi32, #tpu.memory_space<hbm>>) dst(%dma_wait3A_1028 : memref<1024xi32, #tpu.memory_space<vmem>>)
    %add3A_1031 = arith.constant 0 : i32
    %add3A_1032 = arith.addi %select_n3A, %add3A_1031 : i32
    %jit3A_1033 = arith.constant 8 : i32
    %div3A_1034 = arith.divsi %add3A_1032, %jit3A_1033 : i32
    %sign3A_1035 = arith.constant 0 : i32
    %sign3A_1036 = arith.cmpi sgt, %add3A_1032, %sign3A_1035 : i32
    %sign3A_1037 = arith.extui %sign3A_1036 : i1 to i32
    %sign3A_1038 = arith.constant 0 : i32
    %sign3A_1039 = arith.cmpi slt, %add3A_1032, %sign3A_1038 : i32
    %sign3A_1040 = arith.extui %sign3A_1039 : i1 to i32
    %sign3A_1041 = arith.subi %sign3A_1037, %sign3A_1040 : i32
    %sign3A_1042 = arith.constant 0 : i32
    %sign3A_1043 = arith.cmpi sgt, %jit3A_1033, %sign3A_1042 : i32
    %sign3A_1044 = arith.extui %sign3A_1043 : i1 to i32
    %sign3A_1045 = arith.constant 0 : i32
    %sign3A_1046 = arith.cmpi slt, %jit3A_1033, %sign3A_1045 : i32
    %sign3A_1047 = arith.extui %sign3A_1046 : i1 to i32
    %sign3A_1048 = arith.subi %sign3A_1044, %sign3A_1047 : i32
    %ne3A_1049 = arith.cmpi ne, %sign3A_1041, %sign3A_1048 : i32
    %rem3A_1050 = arith.remsi %add3A_1032, %jit3A_1033 : i32
    %ne3A_1051 = arith.constant 0 : i32
    %ne3A_1052 = arith.cmpi ne, %rem3A_1050, %ne3A_1051 : i32
    %and3A_1053 = arith.andi %ne3A_1049, %ne3A_1052 : i1
    %sub3A_1054 = arith.constant 1 : i32
    %sub3A_1055 = arith.subi %div3A_1034, %sub3A_1054 : i32
    %select_n3A_1056 = arith.select %and3A_1053, %sub3A_1055, %div3A_1034 : i32
    %mul3A_1057 = arith.constant 8 : i32
    %mul3A_1058 = arith.muli %select_n3A_1056, %mul3A_1057 : i32
    %sub3A_1059 = arith.subi %add3A_1032, %mul3A_1058 : i32
    %mul3A_1060 = arith.constant 2 : i32
    %mul3A_1061 = arith.muli %select_n3A_1056, %mul3A_1060 : i32
    %add3A_1062 = arith.constant 0 : i32
    %add3A_1063 = arith.addi %mul3A_1061, %add3A_1062 : i32
    %mul3A_1064 = arith.constant 8 : i32
    %mul3A_1065 = arith.muli %add3A_1063, %mul3A_1064 : i32
    %add3A_1066 = arith.addi %mul3A_1065, %sub3A_1059 : i32
    %mul3A_1067 = arith.constant 128 : i32
    %mul3A_1068 = arith.muli %add3A_1066, %mul3A_1067 : i32
    %dma_start3A_1069 = arith.constant 0 : i32
    %dma_start3A_1070 = arith.constant 0 : i32
    %dma_start3A_1071 = tpu.memref_slice %arg6[%dma_start3A_1069, %dma_start3A_1070] : memref<256x64xf32, #tpu.memory_space<vmem>> -> memref<128x64xf32, #tpu.memory_space<vmem>>
    %dma_start3A_1072 = tpu.memref_slice %arg5[%mul3A_1068] : memref<51200xi32, #tpu.memory_space<vmem>> -> memref<128xi32, #tpu.memory_space<vmem>>
    %dma_start3A_1073 = arith.constant 0 : i32
    %dma_start3A_1074 = arith.constant 0 : i32
    %dma_start3A_1075 = tpu.memref_slice %arg3[%dma_start3A_1073, %dma_start3A_1074] : memref<1000000x64xf32, #tpu.memory_space<hbm>> -> memref<1000000x64xf32, #tpu.memory_space<hbm>>
    tpu.enqueue_indirect_dma source(%dma_start3A_1075 : memref<1000000x64xf32, #tpu.memory_space<hbm>>) target(%dma_start3A_1071 : memref<128x64xf32, #tpu.memory_space<vmem>>) offsets(%dma_start3A_1072 : memref<128xi32, #tpu.memory_space<vmem>>) semaphore(%arg11 : memref<!tpu.dma_semaphore, #tpu.memory_space<semaphore_mem>>)
    %mul3A_1076 = arith.constant 2 : i32
    %mul3A_1077 = arith.muli %select_n3A_1056, %mul3A_1076 : i32
    %add3A_1078 = arith.constant 1 : i32
    %add3A_1079 = arith.addi %mul3A_1077, %add3A_1078 : i32
    %mul3A_1080 = arith.constant 8 : i32
    %mul3A_1081 = arith.muli %add3A_1079, %mul3A_1080 : i32
    %add3A_1082 = arith.addi %mul3A_1081, %sub3A_1059 : i32
    %mul3A_1083 = arith.constant 128 : i32
    %mul3A_1084 = arith.muli %add3A_1082, %mul3A_1083 : i32
    %dma_start3A_1085 = arith.constant 128 : i32
    %dma_start3A_1086 = arith.constant 0 : i32
    %dma_start3A_1087 = tpu.memref_slice %arg6[%dma_start3A_1085, %dma_start3A_1086] : memref<256x64xf32, #tpu.memory_space<vmem>> -> memref<128x64xf32, #tpu.memory_space<vmem>>
    %dma_start3A_1088 = tpu.memref_slice %arg5[%mul3A_1084] : memref<51200xi32, #tpu.memory_space<vmem>> -> memref<128xi32, #tpu.memory_space<vmem>>
    %dma_start3A_1089 = arith.constant 0 : i32
    %dma_start3A_1090 = arith.constant 0 : i32
    %dma_start3A_1091 = tpu.memref_slice %arg3[%dma_start3A_1089, %dma_start3A_1090] : memref<1000000x64xf32, #tpu.memory_space<hbm>> -> memref<1000000x64xf32, #tpu.memory_space<hbm>>
    tpu.enqueue_indirect_dma source(%dma_start3A_1091 : memref<1000000x64xf32, #tpu.memory_space<hbm>>) target(%dma_start3A_1087 : memref<128x64xf32, #tpu.memory_space<vmem>>) offsets(%dma_start3A_1088 : memref<128xi32, #tpu.memory_space<vmem>>) semaphore(%arg11 : memref<!tpu.dma_semaphore, #tpu.memory_space<semaphore_mem>>)
    %scan3A = arith.constant 0 : i32
    %scan3A_1092 = arith.constant 0 : i32
    %scan3A_1093 = arith.constant 50 : i32
    %scan3A_1094 = arith.addi %scan3A_1092, %scan3A_1093 : i32
    %scan3A_1095 = arith.constant 1 : i32
    scf.for %scan3A_1341 = %scan3A_1092 to %scan3A_1094 step %scan3A_1095  : i32 {
      %mul3A_1342 = arith.constant 2 : i32
      %mul3A_1343 = arith.muli %mul3A_1342, %scan3A_1341 : i32
      %add3A_1344 = arith.constant 1 : i32
      %add3A_1345 = arith.addi %mul3A_1343, %add3A_1344 : i32
      %mul3A_1346 = arith.constant 2 : i32
      %mul3A_1347 = arith.muli %mul3A_1346, %add3A_1345 : i32
      %add3A_1348 = arith.addi %select_n3A, %mul3A_1347 : i32
      %jit3A_1349 = arith.constant 8 : i32
      %div3A_1350 = arith.divsi %add3A_1348, %jit3A_1349 : i32
      %sign3A_1351 = arith.constant 0 : i32
      %sign3A_1352 = arith.cmpi sgt, %add3A_1348, %sign3A_1351 : i32
      %sign3A_1353 = arith.extui %sign3A_1352 : i1 to i32
      %sign3A_1354 = arith.constant 0 : i32
      %sign3A_1355 = arith.cmpi slt, %add3A_1348, %sign3A_1354 : i32
      %sign3A_1356 = arith.extui %sign3A_1355 : i1 to i32
      %sign3A_1357 = arith.subi %sign3A_1353, %sign3A_1356 : i32
      %sign3A_1358 = arith.constant 0 : i32
      %sign3A_1359 = arith.cmpi sgt, %jit3A_1349, %sign3A_1358 : i32
      %sign3A_1360 = arith.extui %sign3A_1359 : i1 to i32
      %sign3A_1361 = arith.constant 0 : i32
      %sign3A_1362 = arith.cmpi slt, %jit3A_1349, %sign3A_1361 : i32
      %sign3A_1363 = arith.extui %sign3A_1362 : i1 to i32
      %sign3A_1364 = arith.subi %sign3A_1360, %sign3A_1363 : i32
      %ne3A_1365 = arith.cmpi ne, %sign3A_1357, %sign3A_1364 : i32
      %rem3A_1366 = arith.remsi %add3A_1348, %jit3A_1349 : i32
      %ne3A_1367 = arith.constant 0 : i32
      %ne3A_1368 = arith.cmpi ne, %rem3A_1366, %ne3A_1367 : i32
      %and3A_1369 = arith.andi %ne3A_1365, %ne3A_1368 : i1
      %sub3A_1370 = arith.constant 1 : i32
      %sub3A_1371 = arith.subi %div3A_1350, %sub3A_1370 : i32
      %select_n3A_1372 = arith.select %and3A_1369, %sub3A_1371, %div3A_1350 : i32
      %mul3A_1373 = arith.constant 8 : i32
      %mul3A_1374 = arith.muli %select_n3A_1372, %mul3A_1373 : i32
      %sub3A_1375 = arith.subi %add3A_1348, %mul3A_1374 : i32
      %mul3A_1376 = arith.constant 2 : i32
      %mul3A_1377 = arith.muli %select_n3A_1372, %mul3A_1376 : i32
      %add3A_1378 = arith.constant 0 : i32
      %add3A_1379 = arith.addi %mul3A_1377, %add3A_1378 : i32
      %mul3A_1380 = arith.constant 8 : i32
      %mul3A_1381 = arith.muli %add3A_1379, %mul3A_1380 : i32
      %add3A_1382 = arith.addi %mul3A_1381, %sub3A_1375 : i32
      %mul3A_1383 = arith.constant 128 : i32
      %mul3A_1384 = arith.muli %add3A_1382, %mul3A_1383 : i32
      %dma_start3A_1385 = arith.constant 0 : i32
      %dma_start3A_1386 = arith.constant 0 : i32
      %dma_start3A_1387 = tpu.memref_slice %arg7[%dma_start3A_1385, %dma_start3A_1386] : memref<256x64xf32, #tpu.memory_space<vmem>> -> memref<128x64xf32, #tpu.memory_space<vmem>>
      %dma_start3A_1388 = tpu.memref_slice %arg5[%mul3A_1384] : memref<51200xi32, #tpu.memory_space<vmem>> -> memref<128xi32, #tpu.memory_space<vmem>>
      %dma_start3A_1389 = arith.constant 0 : i32
      %dma_start3A_1390 = arith.constant 0 : i32
      %dma_start3A_1391 = tpu.memref_slice %arg3[%dma_start3A_1389, %dma_start3A_1390] : memref<1000000x64xf32, #tpu.memory_space<hbm>> -> memref<1000000x64xf32, #tpu.memory_space<hbm>>
      tpu.enqueue_indirect_dma source(%dma_start3A_1391 : memref<1000000x64xf32, #tpu.memory_space<hbm>>) target(%dma_start3A_1387 : memref<128x64xf32, #tpu.memory_space<vmem>>) offsets(%dma_start3A_1388 : memref<128xi32, #tpu.memory_space<vmem>>) semaphore(%arg12 : memref<!tpu.dma_semaphore, #tpu.memory_space<semaphore_mem>>)
      %mul3A_1392 = arith.constant 2 : i32
      %mul3A_1393 = arith.muli %select_n3A_1372, %mul3A_1392 : i32
      %add3A_1394 = arith.constant 1 : i32
      %add3A_1395 = arith.addi %mul3A_1393, %add3A_1394 : i32
      %mul3A_1396 = arith.constant 8 : i32
      %mul3A_1397 = arith.muli %add3A_1395, %mul3A_1396 : i32
      %add3A_1398 = arith.addi %mul3A_1397, %sub3A_1375 : i32
      %mul3A_1399 = arith.constant 128 : i32
      %mul3A_1400 = arith.muli %add3A_1398, %mul3A_1399 : i32
      %dma_start3A_1401 = arith.constant 128 : i32
      %dma_start3A_1402 = arith.constant 0 : i32
      %dma_start3A_1403 = tpu.memref_slice %arg7[%dma_start3A_1401, %dma_start3A_1402] : memref<256x64xf32, #tpu.memory_space<vmem>> -> memref<128x64xf32, #tpu.memory_space<vmem>>
      %dma_start3A_1404 = tpu.memref_slice %arg5[%mul3A_1400] : memref<51200xi32, #tpu.memory_space<vmem>> -> memref<128xi32, #tpu.memory_space<vmem>>
      %dma_start3A_1405 = arith.constant 0 : i32
      %dma_start3A_1406 = arith.constant 0 : i32
      %dma_start3A_1407 = tpu.memref_slice %arg3[%dma_start3A_1405, %dma_start3A_1406] : memref<1000000x64xf32, #tpu.memory_space<hbm>> -> memref<1000000x64xf32, #tpu.memory_space<hbm>>
      tpu.enqueue_indirect_dma source(%dma_start3A_1407 : memref<1000000x64xf32, #tpu.memory_space<hbm>>) target(%dma_start3A_1403 : memref<128x64xf32, #tpu.memory_space<vmem>>) offsets(%dma_start3A_1404 : memref<128xi32, #tpu.memory_space<vmem>>) semaphore(%arg12 : memref<!tpu.dma_semaphore, #tpu.memory_space<semaphore_mem>>)
      %mul3A_1408 = arith.constant 2 : i32
      %mul3A_1409 = arith.muli %mul3A_1408, %scan3A_1341 : i32
      %mul3A_1410 = arith.constant 2 : i32
      %mul3A_1411 = arith.muli %mul3A_1410, %mul3A_1409 : i32
      %add3A_1412 = arith.addi %select_n3A, %mul3A_1411 : i32
      %jit3A_1413 = arith.constant 8 : i32
      %div3A_1414 = arith.divsi %add3A_1412, %jit3A_1413 : i32
      %sign3A_1415 = arith.constant 0 : i32
      %sign3A_1416 = arith.cmpi sgt, %add3A_1412, %sign3A_1415 : i32
      %sign3A_1417 = arith.extui %sign3A_1416 : i1 to i32
      %sign3A_1418 = arith.constant 0 : i32
      %sign3A_1419 = arith.cmpi slt, %add3A_1412, %sign3A_1418 : i32
      %sign3A_1420 = arith.extui %sign3A_1419 : i1 to i32
      %sign3A_1421 = arith.subi %sign3A_1417, %sign3A_1420 : i32
      %sign3A_1422 = arith.constant 0 : i32
      %sign3A_1423 = arith.cmpi sgt, %jit3A_1413, %sign3A_1422 : i32
      %sign3A_1424 = arith.extui %sign3A_1423 : i1 to i32
      %sign3A_1425 = arith.constant 0 : i32
      %sign3A_1426 = arith.cmpi slt, %jit3A_1413, %sign3A_1425 : i32
      %sign3A_1427 = arith.extui %sign3A_1426 : i1 to i32
      %sign3A_1428 = arith.subi %sign3A_1424, %sign3A_1427 : i32
      %ne3A_1429 = arith.cmpi ne, %sign3A_1421, %sign3A_1428 : i32
      %rem3A_1430 = arith.remsi %add3A_1412, %jit3A_1413 : i32
      %ne3A_1431 = arith.constant 0 : i32
      %ne3A_1432 = arith.cmpi ne, %rem3A_1430, %ne3A_1431 : i32
      %and3A_1433 = arith.andi %ne3A_1429, %ne3A_1432 : i1
      %sub3A_1434 = arith.constant 1 : i32
      %sub3A_1435 = arith.subi %div3A_1414, %sub3A_1434 : i32
      %select_n3A_1436 = arith.select %and3A_1433, %sub3A_1435, %div3A_1414 : i32
      %mul3A_1437 = arith.constant 8 : i32
      %mul3A_1438 = arith.muli %select_n3A_1436, %mul3A_1437 : i32
      %sub3A_1439 = arith.subi %add3A_1412, %mul3A_1438 : i32
      %mul3A_1440 = arith.constant 2 : i32
      %mul3A_1441 = arith.muli %select_n3A_1436, %mul3A_1440 : i32
      %add3A_1442 = arith.constant 0 : i32
      %add3A_1443 = arith.addi %mul3A_1441, %add3A_1442 : i32
      %mul3A_1444 = arith.constant 8 : i32
      %mul3A_1445 = arith.muli %add3A_1443, %mul3A_1444 : i32
      %add3A_1446 = arith.addi %mul3A_1445, %sub3A_1439 : i32
      %mul3A_1447 = arith.constant 128 : i32
      %mul3A_1448 = arith.muli %add3A_1446, %mul3A_1447 : i32
      %dma_wait3A_1449 = arith.constant 0 : i32
      %dma_wait3A_1450 = arith.constant 0 : i32
      %dma_wait3A_1451 = tpu.memref_slice %arg6[%dma_wait3A_1449, %dma_wait3A_1450] : memref<256x64xf32, #tpu.memory_space<vmem>> -> memref<128x64xf32, #tpu.memory_space<vmem>>
      %dma_wait3A_1452 = tpu.memref_slice %arg5[%mul3A_1448] : memref<51200xi32, #tpu.memory_space<vmem>> -> memref<128xi32, #tpu.memory_space<vmem>>
      %dma_wait3A_1453 = arith.constant 0 : i32
      %dma_wait3A_1454 = arith.constant 0 : i32
      %dma_wait3A_1455 = tpu.memref_slice %arg3[%dma_wait3A_1453, %dma_wait3A_1454] : memref<1000000x64xf32, #tpu.memory_space<hbm>> -> memref<1000000x64xf32, #tpu.memory_space<hbm>>
      tpu.wait_indirect_dma semaphore(%arg11 : memref<!tpu.dma_semaphore, #tpu.memory_space<semaphore_mem>>) src(%dma_wait3A_1455 : memref<1000000x64xf32, #tpu.memory_space<hbm>>) dst(%dma_wait3A_1451 : memref<128x64xf32, #tpu.memory_space<vmem>>)
      %mul3A_1456 = arith.constant 2 : i32
      %mul3A_1457 = arith.muli %select_n3A_1436, %mul3A_1456 : i32
      %add3A_1458 = arith.constant 1 : i32
      %add3A_1459 = arith.addi %mul3A_1457, %add3A_1458 : i32
      %mul3A_1460 = arith.constant 8 : i32
      %mul3A_1461 = arith.muli %add3A_1459, %mul3A_1460 : i32
      %add3A_1462 = arith.addi %mul3A_1461, %sub3A_1439 : i32
      %mul3A_1463 = arith.constant 128 : i32
      %mul3A_1464 = arith.muli %add3A_1462, %mul3A_1463 : i32
      %dma_wait3A_1465 = arith.constant 128 : i32
      %dma_wait3A_1466 = arith.constant 0 : i32
      %dma_wait3A_1467 = tpu.memref_slice %arg6[%dma_wait3A_1465, %dma_wait3A_1466] : memref<256x64xf32, #tpu.memory_space<vmem>> -> memref<128x64xf32, #tpu.memory_space<vmem>>
      %dma_wait3A_1468 = tpu.memref_slice %arg5[%mul3A_1464] : memref<51200xi32, #tpu.memory_space<vmem>> -> memref<128xi32, #tpu.memory_space<vmem>>
      %dma_wait3A_1469 = arith.constant 0 : i32
      %dma_wait3A_1470 = arith.constant 0 : i32
      %dma_wait3A_1471 = tpu.memref_slice %arg3[%dma_wait3A_1469, %dma_wait3A_1470] : memref<1000000x64xf32, #tpu.memory_space<hbm>> -> memref<1000000x64xf32, #tpu.memory_space<hbm>>
      tpu.wait_indirect_dma semaphore(%arg11 : memref<!tpu.dma_semaphore, #tpu.memory_space<semaphore_mem>>) src(%dma_wait3A_1471 : memref<1000000x64xf32, #tpu.memory_space<hbm>>) dst(%dma_wait3A_1467 : memref<128x64xf32, #tpu.memory_space<vmem>>)
      %gt3A = arith.constant 0 : i32
      %gt3A_1472 = arith.cmpi sgt, %scan3A_1341, %gt3A : i32
      %convert_element_type3A = arith.extui %gt3A_1472 : i1 to i32
      %cond3A = arith.constant 0 : i32
      %cond3A_1473 = arith.cmpi ne, %convert_element_type3A, %cond3A : i32
      scf.if %cond3A_1473 {
        %mul3A_2343 = arith.constant 2 : i32
        %mul3A_2344 = arith.muli %mul3A_2343, %scan3A_1341 : i32
        %sub3A_2345 = arith.constant 2 : i32
        %sub3A_2346 = arith.subi %mul3A_2344, %sub3A_2345 : i32
        %mul3A_2347 = arith.constant 2 : i32
        %mul3A_2348 = arith.muli %mul3A_2347, %sub3A_2346 : i32
        %add3A_2349 = arith.addi %select_n3A, %mul3A_2348 : i32
        %mul3A_2350 = arith.constant 8 : i32
        %mul3A_2351 = arith.muli %add3A_2349, %mul3A_2350 : i32
        %add3A_2352 = arith.constant 0 : i32
        %add3A_2353 = arith.addi %mul3A_2351, %add3A_2352 : i32
        %mul3A_2354 = arith.constant 32 : i32
        %mul3A_2355 = arith.muli %add3A_2353, %mul3A_2354 : i32
        %add3A_2356 = arith.addi %mul3A_2355, %mul3A_32 : i32
        %mul3A_2357 = arith.constant 1024 : i32
        %mul3A_2358 = arith.muli %add3A_2356, %mul3A_2357 : i32
        %dma_wait3A_2359 = arith.constant 0 : i32
        %dma_wait3A_2360 = tpu.memref_slice %arg8[%dma_wait3A_2359] : memref<16384xf32, #tpu.memory_space<vmem>> -> memref<2048xf32, #tpu.memory_space<vmem>>
        %dma_wait3A_2361 = tpu.memref_slice %arg4[%mul3A_2358] : memref<52428800xf32, #tpu.memory_space<hbm>> -> memref<2048xf32, #tpu.memory_space<hbm>>
        %dma_wait3A_2362 = tpu.memref_slice %arg4[%mul3A_2358] : memref<52428800xf32, #tpu.memory_space<hbm>> -> memref<2048xf32, #tpu.memory_space<hbm>>
        %dma_wait3A_2363 = arith.constant 0 : i32
        %dma_wait3A_2364 = tpu.memref_slice %arg8[%dma_wait3A_2363] : memref<16384xf32, #tpu.memory_space<vmem>> -> memref<2048xf32, #tpu.memory_space<vmem>>
        tpu.wait_dma2 semaphore(%arg13 : memref<!tpu.dma_semaphore, #tpu.memory_space<semaphore_mem>>) src(%dma_wait3A_2364 : memref<2048xf32, #tpu.memory_space<vmem>>) dst(%dma_wait3A_2362 : memref<2048xf32, #tpu.memory_space<hbm>>)
        %mul3A_2365 = arith.constant 8 : i32
        %mul3A_2366 = arith.muli %add3A_2349, %mul3A_2365 : i32
        %add3A_2367 = arith.constant 1 : i32
        %add3A_2368 = arith.addi %mul3A_2366, %add3A_2367 : i32
        %mul3A_2369 = arith.constant 32 : i32
        %mul3A_2370 = arith.muli %add3A_2368, %mul3A_2369 : i32
        %add3A_2371 = arith.addi %mul3A_2370, %mul3A_32 : i32
        %mul3A_2372 = arith.constant 1024 : i32
        %mul3A_2373 = arith.muli %add3A_2371, %mul3A_2372 : i32
        %dma_wait3A_2374 = arith.constant 2048 : i32
        %dma_wait3A_2375 = tpu.memref_slice %arg8[%dma_wait3A_2374] : memref<16384xf32, #tpu.memory_space<vmem>> -> memref<2048xf32, #tpu.memory_space<vmem>>
        %dma_wait3A_2376 = tpu.memref_slice %arg4[%mul3A_2373] : memref<52428800xf32, #tpu.memory_space<hbm>> -> memref<2048xf32, #tpu.memory_space<hbm>>
        %dma_wait3A_2377 = tpu.memref_slice %arg4[%mul3A_2373] : memref<52428800xf32, #tpu.memory_space<hbm>> -> memref<2048xf32, #tpu.memory_space<hbm>>
        %dma_wait3A_2378 = arith.constant 2048 : i32
        %dma_wait3A_2379 = tpu.memref_slice %arg8[%dma_wait3A_2378] : memref<16384xf32, #tpu.memory_space<vmem>> -> memref<2048xf32, #tpu.memory_space<vmem>>
        tpu.wait_dma2 semaphore(%arg13 : memref<!tpu.dma_semaphore, #tpu.memory_space<semaphore_mem>>) src(%dma_wait3A_2379 : memref<2048xf32, #tpu.memory_space<vmem>>) dst(%dma_wait3A_2377 : memref<2048xf32, #tpu.memory_space<hbm>>)
        %mul3A_2380 = arith.constant 8 : i32
        %mul3A_2381 = arith.muli %add3A_2349, %mul3A_2380 : i32
        %add3A_2382 = arith.constant 2 : i32
        %add3A_2383 = arith.addi %mul3A_2381, %add3A_2382 : i32
        %mul3A_2384 = arith.constant 32 : i32
        %mul3A_2385 = arith.muli %add3A_2383, %mul3A_2384 : i32
        %add3A_2386 = arith.addi %mul3A_2385, %mul3A_32 : i32
        %mul3A_2387 = arith.constant 1024 : i32
        %mul3A_2388 = arith.muli %add3A_2386, %mul3A_2387 : i32
        %dma_wait3A_2389 = arith.constant 4096 : i32
        %dma_wait3A_2390 = tpu.memref_slice %arg8[%dma_wait3A_2389] : memref<16384xf32, #tpu.memory_space<vmem>> -> memref<2048xf32, #tpu.memory_space<vmem>>
        %dma_wait3A_2391 = tpu.memref_slice %arg4[%mul3A_2388] : memref<52428800xf32, #tpu.memory_space<hbm>> -> memref<2048xf32, #tpu.memory_space<hbm>>
        %dma_wait3A_2392 = tpu.memref_slice %arg4[%mul3A_2388] : memref<52428800xf32, #tpu.memory_space<hbm>> -> memref<2048xf32, #tpu.memory_space<hbm>>
        %dma_wait3A_2393 = arith.constant 4096 : i32
        %dma_wait3A_2394 = tpu.memref_slice %arg8[%dma_wait3A_2393] : memref<16384xf32, #tpu.memory_space<vmem>> -> memref<2048xf32, #tpu.memory_space<vmem>>
        tpu.wait_dma2 semaphore(%arg13 : memref<!tpu.dma_semaphore, #tpu.memory_space<semaphore_mem>>) src(%dma_wait3A_2394 : memref<2048xf32, #tpu.memory_space<vmem>>) dst(%dma_wait3A_2392 : memref<2048xf32, #tpu.memory_space<hbm>>)
        %mul3A_2395 = arith.constant 8 : i32
        %mul3A_2396 = arith.muli %add3A_2349, %mul3A_2395 : i32
        %add3A_2397 = arith.constant 3 : i32
        %add3A_2398 = arith.addi %mul3A_2396, %add3A_2397 : i32
        %mul3A_2399 = arith.constant 32 : i32
        %mul3A_2400 = arith.muli %add3A_2398, %mul3A_2399 : i32
        %add3A_2401 = arith.addi %mul3A_2400, %mul3A_32 : i32
        %mul3A_2402 = arith.constant 1024 : i32
        %mul3A_2403 = arith.muli %add3A_2401, %mul3A_2402 : i32
        %dma_wait3A_2404 = arith.constant 6144 : i32
        %dma_wait3A_2405 = tpu.memref_slice %arg8[%dma_wait3A_2404] : memref<16384xf32, #tpu.memory_space<vmem>> -> memref<2048xf32, #tpu.memory_space<vmem>>
        %dma_wait3A_2406 = tpu.memref_slice %arg4[%mul3A_2403] : memref<52428800xf32, #tpu.memory_space<hbm>> -> memref<2048xf32, #tpu.memory_space<hbm>>
        %dma_wait3A_2407 = tpu.memref_slice %arg4[%mul3A_2403] : memref<52428800xf32, #tpu.memory_space<hbm>> -> memref<2048xf32, #tpu.memory_space<hbm>>
        %dma_wait3A_2408 = arith.constant 6144 : i32
        %dma_wait3A_2409 = tpu.memref_slice %arg8[%dma_wait3A_2408] : memref<16384xf32, #tpu.memory_space<vmem>> -> memref<2048xf32, #tpu.memory_space<vmem>>
        tpu.wait_dma2 semaphore(%arg13 : memref<!tpu.dma_semaphore, #tpu.memory_space<semaphore_mem>>) src(%dma_wait3A_2409 : memref<2048xf32, #tpu.memory_space<vmem>>) dst(%dma_wait3A_2407 : memref<2048xf32, #tpu.memory_space<hbm>>)
        %mul3A_2410 = arith.constant 8 : i32
        %mul3A_2411 = arith.muli %add3A_2349, %mul3A_2410 : i32
        %add3A_2412 = arith.constant 4 : i32
        %add3A_2413 = arith.addi %mul3A_2411, %add3A_2412 : i32
        %mul3A_2414 = arith.constant 32 : i32
        %mul3A_2415 = arith.muli %add3A_2413, %mul3A_2414 : i32
        %add3A_2416 = arith.addi %mul3A_2415, %mul3A_32 : i32
        %mul3A_2417 = arith.constant 1024 : i32
        %mul3A_2418 = arith.muli %add3A_2416, %mul3A_2417 : i32
        %dma_wait3A_2419 = arith.constant 8192 : i32
        %dma_wait3A_2420 = tpu.memref_slice %arg8[%dma_wait3A_2419] : memref<16384xf32, #tpu.memory_space<vmem>> -> memref<2048xf32, #tpu.memory_space<vmem>>
        %dma_wait3A_2421 = tpu.memref_slice %arg4[%mul3A_2418] : memref<52428800xf32, #tpu.memory_space<hbm>> -> memref<2048xf32, #tpu.memory_space<hbm>>
        %dma_wait3A_2422 = tpu.memref_slice %arg4[%mul3A_2418] : memref<52428800xf32, #tpu.memory_space<hbm>> -> memref<2048xf32, #tpu.memory_space<hbm>>
        %dma_wait3A_2423 = arith.constant 8192 : i32
        %dma_wait3A_2424 = tpu.memref_slice %arg8[%dma_wait3A_2423] : memref<16384xf32, #tpu.memory_space<vmem>> -> memref<2048xf32, #tpu.memory_space<vmem>>
        tpu.wait_dma2 semaphore(%arg13 : memref<!tpu.dma_semaphore, #tpu.memory_space<semaphore_mem>>) src(%dma_wait3A_2424 : memref<2048xf32, #tpu.memory_space<vmem>>) dst(%dma_wait3A_2422 : memref<2048xf32, #tpu.memory_space<hbm>>)
        %mul3A_2425 = arith.constant 8 : i32
        %mul3A_2426 = arith.muli %add3A_2349, %mul3A_2425 : i32
        %add3A_2427 = arith.constant 5 : i32
        %add3A_2428 = arith.addi %mul3A_2426, %add3A_2427 : i32
        %mul3A_2429 = arith.constant 32 : i32
        %mul3A_2430 = arith.muli %add3A_2428, %mul3A_2429 : i32
        %add3A_2431 = arith.addi %mul3A_2430, %mul3A_32 : i32
        %mul3A_2432 = arith.constant 1024 : i32
        %mul3A_2433 = arith.muli %add3A_2431, %mul3A_2432 : i32
        %dma_wait3A_2434 = arith.constant 10240 : i32
        %dma_wait3A_2435 = tpu.memref_slice %arg8[%dma_wait3A_2434] : memref<16384xf32, #tpu.memory_space<vmem>> -> memref<2048xf32, #tpu.memory_space<vmem>>
        %dma_wait3A_2436 = tpu.memref_slice %arg4[%mul3A_2433] : memref<52428800xf32, #tpu.memory_space<hbm>> -> memref<2048xf32, #tpu.memory_space<hbm>>
        %dma_wait3A_2437 = tpu.memref_slice %arg4[%mul3A_2433] : memref<52428800xf32, #tpu.memory_space<hbm>> -> memref<2048xf32, #tpu.memory_space<hbm>>
        %dma_wait3A_2438 = arith.constant 10240 : i32
        %dma_wait3A_2439 = tpu.memref_slice %arg8[%dma_wait3A_2438] : memref<16384xf32, #tpu.memory_space<vmem>> -> memref<2048xf32, #tpu.memory_space<vmem>>
        tpu.wait_dma2 semaphore(%arg13 : memref<!tpu.dma_semaphore, #tpu.memory_space<semaphore_mem>>) src(%dma_wait3A_2439 : memref<2048xf32, #tpu.memory_space<vmem>>) dst(%dma_wait3A_2437 : memref<2048xf32, #tpu.memory_space<hbm>>)
        %mul3A_2440 = arith.constant 8 : i32
        %mul3A_2441 = arith.muli %add3A_2349, %mul3A_2440 : i32
        %add3A_2442 = arith.constant 6 : i32
        %add3A_2443 = arith.addi %mul3A_2441, %add3A_2442 : i32
        %mul3A_2444 = arith.constant 32 : i32
        %mul3A_2445 = arith.muli %add3A_2443, %mul3A_2444 : i32
        %add3A_2446 = arith.addi %mul3A_2445, %mul3A_32 : i32
        %mul3A_2447 = arith.constant 1024 : i32
        %mul3A_2448 = arith.muli %add3A_2446, %mul3A_2447 : i32
        %dma_wait3A_2449 = arith.constant 12288 : i32
        %dma_wait3A_2450 = tpu.memref_slice %arg8[%dma_wait3A_2449] : memref<16384xf32, #tpu.memory_space<vmem>> -> memref<2048xf32, #tpu.memory_space<vmem>>
        %dma_wait3A_2451 = tpu.memref_slice %arg4[%mul3A_2448] : memref<52428800xf32, #tpu.memory_space<hbm>> -> memref<2048xf32, #tpu.memory_space<hbm>>
        %dma_wait3A_2452 = tpu.memref_slice %arg4[%mul3A_2448] : memref<52428800xf32, #tpu.memory_space<hbm>> -> memref<2048xf32, #tpu.memory_space<hbm>>
        %dma_wait3A_2453 = arith.constant 12288 : i32
        %dma_wait3A_2454 = tpu.memref_slice %arg8[%dma_wait3A_2453] : memref<16384xf32, #tpu.memory_space<vmem>> -> memref<2048xf32, #tpu.memory_space<vmem>>
        tpu.wait_dma2 semaphore(%arg13 : memref<!tpu.dma_semaphore, #tpu.memory_space<semaphore_mem>>) src(%dma_wait3A_2454 : memref<2048xf32, #tpu.memory_space<vmem>>) dst(%dma_wait3A_2452 : memref<2048xf32, #tpu.memory_space<hbm>>)
        %mul3A_2455 = arith.constant 8 : i32
        %mul3A_2456 = arith.muli %add3A_2349, %mul3A_2455 : i32
        %add3A_2457 = arith.constant 7 : i32
        %add3A_2458 = arith.addi %mul3A_2456, %add3A_2457 : i32
        %mul3A_2459 = arith.constant 32 : i32
        %mul3A_2460 = arith.muli %add3A_2458, %mul3A_2459 : i32
        %add3A_2461 = arith.addi %mul3A_2460, %mul3A_32 : i32
        %mul3A_2462 = arith.constant 1024 : i32
        %mul3A_2463 = arith.muli %add3A_2461, %mul3A_2462 : i32
        %dma_wait3A_2464 = arith.constant 14336 : i32
        %dma_wait3A_2465 = tpu.memref_slice %arg8[%dma_wait3A_2464] : memref<16384xf32, #tpu.memory_space<vmem>> -> memref<2048xf32, #tpu.memory_space<vmem>>
        %dma_wait3A_2466 = tpu.memref_slice %arg4[%mul3A_2463] : memref<52428800xf32, #tpu.memory_space<hbm>> -> memref<2048xf32, #tpu.memory_space<hbm>>
        %dma_wait3A_2467 = tpu.memref_slice %arg4[%mul3A_2463] : memref<52428800xf32, #tpu.memory_space<hbm>> -> memref<2048xf32, #tpu.memory_space<hbm>>
        %dma_wait3A_2468 = arith.constant 14336 : i32
        %dma_wait3A_2469 = tpu.memref_slice %arg8[%dma_wait3A_2468] : memref<16384xf32, #tpu.memory_space<vmem>> -> memref<2048xf32, #tpu.memory_space<vmem>>
        tpu.wait_dma2 semaphore(%arg13 : memref<!tpu.dma_semaphore, #tpu.memory_space<semaphore_mem>>) src(%dma_wait3A_2469 : memref<2048xf32, #tpu.memory_space<vmem>>) dst(%dma_wait3A_2467 : memref<2048xf32, #tpu.memory_space<hbm>>)
      } else {
      }
      %iota3A = tpu.iota {dimensions = array<i32: 0>} : vector<16xi32>
      %add3A_1474 = arith.constant 0 : i32
      %add3A_1475 = vector.broadcast %add3A_1474 : i32 to vector<16xi32>
      %add3A_1476 = arith.addi %add3A_1475, %iota3A : vector<16xi32>
      %jit3A_1477 = arith.constant 8 : i32
      %div3A_1478 = vector.broadcast %jit3A_1477 : i32 to vector<16xi32>
      %div3A_1479 = arith.divsi %add3A_1476, %div3A_1478 : vector<16xi32>
      %sign3A_1480 = arith.constant 0 : i32
      %sign3A_1481 = vector.broadcast %sign3A_1480 : i32 to vector<16xi32>
      %sign3A_1482 = arith.cmpi sgt, %add3A_1476, %sign3A_1481 : vector<16xi32>
      %sign3A_1483 = arith.extui %sign3A_1482 : vector<16xi1> to vector<16xi32>
      %sign3A_1484 = arith.constant 0 : i32
      %sign3A_1485 = vector.broadcast %sign3A_1484 : i32 to vector<16xi32>
      %sign3A_1486 = arith.cmpi slt, %add3A_1476, %sign3A_1485 : vector<16xi32>
      %sign3A_1487 = arith.extui %sign3A_1486 : vector<16xi1> to vector<16xi32>
      %sign3A_1488 = arith.subi %sign3A_1483, %sign3A_1487 : vector<16xi32>
      %sign3A_1489 = arith.constant 0 : i32
      %sign3A_1490 = arith.cmpi sgt, %jit3A_1477, %sign3A_1489 : i32
      %sign3A_1491 = arith.extui %sign3A_1490 : i1 to i32
      %sign3A_1492 = arith.constant 0 : i32
      %sign3A_1493 = arith.cmpi slt, %jit3A_1477, %sign3A_1492 : i32
      %sign3A_1494 = arith.extui %sign3A_1493 : i1 to i32
      %sign3A_1495 = arith.subi %sign3A_1491, %sign3A_1494 : i32
      %ne3A_1496 = vector.broadcast %sign3A_1495 : i32 to vector<16xi32>
      %ne3A_1497 = arith.cmpi ne, %sign3A_1488, %ne3A_1496 : vector<16xi32>
      %rem3A_1498 = vector.broadcast %jit3A_1477 : i32 to vector<16xi32>
      %rem3A_1499 = arith.remsi %add3A_1476, %rem3A_1498 : vector<16xi32>
      %ne3A_1500 = arith.constant 0 : i32
      %ne3A_1501 = vector.broadcast %ne3A_1500 : i32 to vector<16xi32>
      %ne3A_1502 = arith.cmpi ne, %rem3A_1499, %ne3A_1501 : vector<16xi32>
      %and3A_1503 = arith.andi %ne3A_1497, %ne3A_1502 : vector<16xi1>
      %sub3A_1504 = arith.constant 1 : i32
      %sub3A_1505 = vector.broadcast %sub3A_1504 : i32 to vector<16xi32>
      %sub3A_1506 = arith.subi %div3A_1479, %sub3A_1505 : vector<16xi32>
      %select_n3A_1507 = arith.select %and3A_1503, %sub3A_1506, %div3A_1479 : vector<16xi1>, vector<16xi32>
      %mul3A_1508 = arith.constant 2048 : i32
      %mul3A_1509 = vector.broadcast %mul3A_1508 : i32 to vector<16xi32>
      %mul3A_1510 = arith.muli %select_n3A_1507, %mul3A_1509 : vector<16xi32>
      %add3A_1511 = arith.constant 0 : i32
      %add3A_1512 = vector.broadcast %add3A_1511 : i32 to vector<16xi32>
      %add3A_1513 = arith.addi %add3A_1512, %iota3A : vector<16xi32>
      %jit3A_1514 = arith.constant 8 : i32
      %eq3A_1515 = arith.constant 0 : i32
      %eq3A_1516 = arith.cmpi eq, %jit3A_1514, %eq3A_1515 : i32
      %jit3A_1517 = arith.constant 1 : i32
      %select_n3A_1518 = arith.select %eq3A_1516, %jit3A_1517, %jit3A_1514 : i32
      %rem3A_1519 = vector.broadcast %select_n3A_1518 : i32 to vector<16xi32>
      %rem3A_1520 = arith.remsi %add3A_1513, %rem3A_1519 : vector<16xi32>
      %ne3A_1521 = arith.constant 0 : i32
      %ne3A_1522 = vector.broadcast %ne3A_1521 : i32 to vector<16xi32>
      %ne3A_1523 = arith.cmpi ne, %rem3A_1520, %ne3A_1522 : vector<16xi32>
      %lt3A_1524 = arith.constant 0 : i32
      %lt3A_1525 = vector.broadcast %lt3A_1524 : i32 to vector<16xi32>
      %lt3A_1526 = arith.cmpi slt, %rem3A_1520, %lt3A_1525 : vector<16xi32>
      %lt3A_1527 = arith.constant 0 : i32
      %lt3A_1528 = arith.cmpi slt, %select_n3A_1518, %lt3A_1527 : i32
      %ne3A_1529 = vector.broadcast %lt3A_1528 : i1 to vector<16xi1>
      %ne3A_1530 = vector.broadcast %ne3A_1529 : vector<16xi1> to vector<16xi1>
      %ne3A_1531 = arith.xori %lt3A_1526, %ne3A_1530 : vector<16xi1>
      %and3A_1532 = arith.andi %ne3A_1531, %ne3A_1523 : vector<16xi1>
      %add3A_1533 = vector.broadcast %select_n3A_1518 : i32 to vector<16xi32>
      %add3A_1534 = arith.addi %rem3A_1520, %add3A_1533 : vector<16xi32>
      %select_n3A_1535 = arith.select %and3A_1532, %add3A_1534, %rem3A_1520 : vector<16xi1>, vector<16xi32>
      %mul3A_1536 = arith.constant 128 : i32
      %mul3A_1537 = vector.broadcast %mul3A_1536 : i32 to vector<16xi32>
      %mul3A_1538 = arith.muli %select_n3A_1535, %mul3A_1537 : vector<16xi32>
      %add3A_1539 = arith.addi %mul3A_1510, %mul3A_1538 : vector<16xi32>
      %add3A_1540 = arith.constant 16 : i32
      %add3A_1541 = vector.broadcast %add3A_1540 : i32 to vector<16xi32>
      %add3A_1542 = arith.addi %add3A_1541, %iota3A : vector<16xi32>
      %jit3A_1543 = arith.constant 8 : i32
      %div3A_1544 = vector.broadcast %jit3A_1543 : i32 to vector<16xi32>
      %div3A_1545 = arith.divsi %add3A_1542, %div3A_1544 : vector<16xi32>
      %sign3A_1546 = arith.constant 0 : i32
      %sign3A_1547 = vector.broadcast %sign3A_1546 : i32 to vector<16xi32>
      %sign3A_1548 = arith.cmpi sgt, %add3A_1542, %sign3A_1547 : vector<16xi32>
      %sign3A_1549 = arith.extui %sign3A_1548 : vector<16xi1> to vector<16xi32>
      %sign3A_1550 = arith.constant 0 : i32
      %sign3A_1551 = vector.broadcast %sign3A_1550 : i32 to vector<16xi32>
      %sign3A_1552 = arith.cmpi slt, %add3A_1542, %sign3A_1551 : vector<16xi32>
      %sign3A_1553 = arith.extui %sign3A_1552 : vector<16xi1> to vector<16xi32>
      %sign3A_1554 = arith.subi %sign3A_1549, %sign3A_1553 : vector<16xi32>
      %sign3A_1555 = arith.constant 0 : i32
      %sign3A_1556 = arith.cmpi sgt, %jit3A_1543, %sign3A_1555 : i32
      %sign3A_1557 = arith.extui %sign3A_1556 : i1 to i32
      %sign3A_1558 = arith.constant 0 : i32
      %sign3A_1559 = arith.cmpi slt, %jit3A_1543, %sign3A_1558 : i32
      %sign3A_1560 = arith.extui %sign3A_1559 : i1 to i32
      %sign3A_1561 = arith.subi %sign3A_1557, %sign3A_1560 : i32
      %ne3A_1562 = vector.broadcast %sign3A_1561 : i32 to vector<16xi32>
      %ne3A_1563 = arith.cmpi ne, %sign3A_1554, %ne3A_1562 : vector<16xi32>
      %rem3A_1564 = vector.broadcast %jit3A_1543 : i32 to vector<16xi32>
      %rem3A_1565 = arith.remsi %add3A_1542, %rem3A_1564 : vector<16xi32>
      %ne3A_1566 = arith.constant 0 : i32
      %ne3A_1567 = vector.broadcast %ne3A_1566 : i32 to vector<16xi32>
      %ne3A_1568 = arith.cmpi ne, %rem3A_1565, %ne3A_1567 : vector<16xi32>
      %and3A_1569 = arith.andi %ne3A_1563, %ne3A_1568 : vector<16xi1>
      %sub3A_1570 = arith.constant 1 : i32
      %sub3A_1571 = vector.broadcast %sub3A_1570 : i32 to vector<16xi32>
      %sub3A_1572 = arith.subi %div3A_1545, %sub3A_1571 : vector<16xi32>
      %select_n3A_1573 = arith.select %and3A_1569, %sub3A_1572, %div3A_1545 : vector<16xi1>, vector<16xi32>
      %mul3A_1574 = arith.constant 2048 : i32
      %mul3A_1575 = vector.broadcast %mul3A_1574 : i32 to vector<16xi32>
      %mul3A_1576 = arith.muli %select_n3A_1573, %mul3A_1575 : vector<16xi32>
      %add3A_1577 = arith.constant 16 : i32
      %add3A_1578 = vector.broadcast %add3A_1577 : i32 to vector<16xi32>
      %add3A_1579 = arith.addi %add3A_1578, %iota3A : vector<16xi32>
      %jit3A_1580 = arith.constant 8 : i32
      %eq3A_1581 = arith.constant 0 : i32
      %eq3A_1582 = arith.cmpi eq, %jit3A_1580, %eq3A_1581 : i32
      %jit3A_1583 = arith.constant 1 : i32
      %select_n3A_1584 = arith.select %eq3A_1582, %jit3A_1583, %jit3A_1580 : i32
      %rem3A_1585 = vector.broadcast %select_n3A_1584 : i32 to vector<16xi32>
      %rem3A_1586 = arith.remsi %add3A_1579, %rem3A_1585 : vector<16xi32>
      %ne3A_1587 = arith.constant 0 : i32
      %ne3A_1588 = vector.broadcast %ne3A_1587 : i32 to vector<16xi32>
      %ne3A_1589 = arith.cmpi ne, %rem3A_1586, %ne3A_1588 : vector<16xi32>
      %lt3A_1590 = arith.constant 0 : i32
      %lt3A_1591 = vector.broadcast %lt3A_1590 : i32 to vector<16xi32>
      %lt3A_1592 = arith.cmpi slt, %rem3A_1586, %lt3A_1591 : vector<16xi32>
      %lt3A_1593 = arith.constant 0 : i32
      %lt3A_1594 = arith.cmpi slt, %select_n3A_1584, %lt3A_1593 : i32
      %ne3A_1595 = vector.broadcast %lt3A_1594 : i1 to vector<16xi1>
      %ne3A_1596 = vector.broadcast %ne3A_1595 : vector<16xi1> to vector<16xi1>
      %ne3A_1597 = arith.xori %lt3A_1592, %ne3A_1596 : vector<16xi1>
      %and3A_1598 = arith.andi %ne3A_1597, %ne3A_1589 : vector<16xi1>
      %add3A_1599 = vector.broadcast %select_n3A_1584 : i32 to vector<16xi32>
      %add3A_1600 = arith.addi %rem3A_1586, %add3A_1599 : vector<16xi32>
      %select_n3A_1601 = arith.select %and3A_1598, %add3A_1600, %rem3A_1586 : vector<16xi1>, vector<16xi32>
      %mul3A_1602 = arith.constant 128 : i32
      %mul3A_1603 = vector.broadcast %mul3A_1602 : i32 to vector<16xi32>
      %mul3A_1604 = arith.muli %select_n3A_1601, %mul3A_1603 : vector<16xi32>
      %add3A_1605 = arith.addi %mul3A_1576, %mul3A_1604 : vector<16xi32>
      %add3A_1606 = arith.constant 32 : i32
      %add3A_1607 = vector.broadcast %add3A_1606 : i32 to vector<16xi32>
      %add3A_1608 = arith.addi %add3A_1607, %iota3A : vector<16xi32>
      %jit3A_1609 = arith.constant 8 : i32
      %div3A_1610 = vector.broadcast %jit3A_1609 : i32 to vector<16xi32>
      %div3A_1611 = arith.divsi %add3A_1608, %div3A_1610 : vector<16xi32>
      %sign3A_1612 = arith.constant 0 : i32
      %sign3A_1613 = vector.broadcast %sign3A_1612 : i32 to vector<16xi32>
      %sign3A_1614 = arith.cmpi sgt, %add3A_1608, %sign3A_1613 : vector<16xi32>
      %sign3A_1615 = arith.extui %sign3A_1614 : vector<16xi1> to vector<16xi32>
      %sign3A_1616 = arith.constant 0 : i32
      %sign3A_1617 = vector.broadcast %sign3A_1616 : i32 to vector<16xi32>
      %sign3A_1618 = arith.cmpi slt, %add3A_1608, %sign3A_1617 : vector<16xi32>
      %sign3A_1619 = arith.extui %sign3A_1618 : vector<16xi1> to vector<16xi32>
      %sign3A_1620 = arith.subi %sign3A_1615, %sign3A_1619 : vector<16xi32>
      %sign3A_1621 = arith.constant 0 : i32
      %sign3A_1622 = arith.cmpi sgt, %jit3A_1609, %sign3A_1621 : i32
      %sign3A_1623 = arith.extui %sign3A_1622 : i1 to i32
      %sign3A_1624 = arith.constant 0 : i32
      %sign3A_1625 = arith.cmpi slt, %jit3A_1609, %sign3A_1624 : i32
      %sign3A_1626 = arith.extui %sign3A_1625 : i1 to i32
      %sign3A_1627 = arith.subi %sign3A_1623, %sign3A_1626 : i32
      %ne3A_1628 = vector.broadcast %sign3A_1627 : i32 to vector<16xi32>
      %ne3A_1629 = arith.cmpi ne, %sign3A_1620, %ne3A_1628 : vector<16xi32>
      %rem3A_1630 = vector.broadcast %jit3A_1609 : i32 to vector<16xi32>
      %rem3A_1631 = arith.remsi %add3A_1608, %rem3A_1630 : vector<16xi32>
      %ne3A_1632 = arith.constant 0 : i32
      %ne3A_1633 = vector.broadcast %ne3A_1632 : i32 to vector<16xi32>
      %ne3A_1634 = arith.cmpi ne, %rem3A_1631, %ne3A_1633 : vector<16xi32>
      %and3A_1635 = arith.andi %ne3A_1629, %ne3A_1634 : vector<16xi1>
      %sub3A_1636 = arith.constant 1 : i32
      %sub3A_1637 = vector.broadcast %sub3A_1636 : i32 to vector<16xi32>
      %sub3A_1638 = arith.subi %div3A_1611, %sub3A_1637 : vector<16xi32>
      %select_n3A_1639 = arith.select %and3A_1635, %sub3A_1638, %div3A_1611 : vector<16xi1>, vector<16xi32>
      %mul3A_1640 = arith.constant 2048 : i32
      %mul3A_1641 = vector.broadcast %mul3A_1640 : i32 to vector<16xi32>
      %mul3A_1642 = arith.muli %select_n3A_1639, %mul3A_1641 : vector<16xi32>
      %add3A_1643 = arith.constant 32 : i32
      %add3A_1644 = vector.broadcast %add3A_1643 : i32 to vector<16xi32>
      %add3A_1645 = arith.addi %add3A_1644, %iota3A : vector<16xi32>
      %jit3A_1646 = arith.constant 8 : i32
      %eq3A_1647 = arith.constant 0 : i32
      %eq3A_1648 = arith.cmpi eq, %jit3A_1646, %eq3A_1647 : i32
      %jit3A_1649 = arith.constant 1 : i32
      %select_n3A_1650 = arith.select %eq3A_1648, %jit3A_1649, %jit3A_1646 : i32
      %rem3A_1651 = vector.broadcast %select_n3A_1650 : i32 to vector<16xi32>
      %rem3A_1652 = arith.remsi %add3A_1645, %rem3A_1651 : vector<16xi32>
      %ne3A_1653 = arith.constant 0 : i32
      %ne3A_1654 = vector.broadcast %ne3A_1653 : i32 to vector<16xi32>
      %ne3A_1655 = arith.cmpi ne, %rem3A_1652, %ne3A_1654 : vector<16xi32>
      %lt3A_1656 = arith.constant 0 : i32
      %lt3A_1657 = vector.broadcast %lt3A_1656 : i32 to vector<16xi32>
      %lt3A_1658 = arith.cmpi slt, %rem3A_1652, %lt3A_1657 : vector<16xi32>
      %lt3A_1659 = arith.constant 0 : i32
      %lt3A_1660 = arith.cmpi slt, %select_n3A_1650, %lt3A_1659 : i32
      %ne3A_1661 = vector.broadcast %lt3A_1660 : i1 to vector<16xi1>
      %ne3A_1662 = vector.broadcast %ne3A_1661 : vector<16xi1> to vector<16xi1>
      %ne3A_1663 = arith.xori %lt3A_1658, %ne3A_1662 : vector<16xi1>
      %and3A_1664 = arith.andi %ne3A_1663, %ne3A_1655 : vector<16xi1>
      %add3A_1665 = vector.broadcast %select_n3A_1650 : i32 to vector<16xi32>
      %add3A_1666 = arith.addi %rem3A_1652, %add3A_1665 : vector<16xi32>
      %select_n3A_1667 = arith.select %and3A_1664, %add3A_1666, %rem3A_1652 : vector<16xi1>, vector<16xi32>
      %mul3A_1668 = arith.constant 128 : i32
      %mul3A_1669 = vector.broadcast %mul3A_1668 : i32 to vector<16xi32>
      %mul3A_1670 = arith.muli %select_n3A_1667, %mul3A_1669 : vector<16xi32>
      %add3A_1671 = arith.addi %mul3A_1642, %mul3A_1670 : vector<16xi32>
      %add3A_1672 = arith.constant 48 : i32
      %add3A_1673 = vector.broadcast %add3A_1672 : i32 to vector<16xi32>
      %add3A_1674 = arith.addi %add3A_1673, %iota3A : vector<16xi32>
      %jit3A_1675 = arith.constant 8 : i32
      %div3A_1676 = vector.broadcast %jit3A_1675 : i32 to vector<16xi32>
      %div3A_1677 = arith.divsi %add3A_1674, %div3A_1676 : vector<16xi32>
      %sign3A_1678 = arith.constant 0 : i32
      %sign3A_1679 = vector.broadcast %sign3A_1678 : i32 to vector<16xi32>
      %sign3A_1680 = arith.cmpi sgt, %add3A_1674, %sign3A_1679 : vector<16xi32>
      %sign3A_1681 = arith.extui %sign3A_1680 : vector<16xi1> to vector<16xi32>
      %sign3A_1682 = arith.constant 0 : i32
      %sign3A_1683 = vector.broadcast %sign3A_1682 : i32 to vector<16xi32>
      %sign3A_1684 = arith.cmpi slt, %add3A_1674, %sign3A_1683 : vector<16xi32>
      %sign3A_1685 = arith.extui %sign3A_1684 : vector<16xi1> to vector<16xi32>
      %sign3A_1686 = arith.subi %sign3A_1681, %sign3A_1685 : vector<16xi32>
      %sign3A_1687 = arith.constant 0 : i32
      %sign3A_1688 = arith.cmpi sgt, %jit3A_1675, %sign3A_1687 : i32
      %sign3A_1689 = arith.extui %sign3A_1688 : i1 to i32
      %sign3A_1690 = arith.constant 0 : i32
      %sign3A_1691 = arith.cmpi slt, %jit3A_1675, %sign3A_1690 : i32
      %sign3A_1692 = arith.extui %sign3A_1691 : i1 to i32
      %sign3A_1693 = arith.subi %sign3A_1689, %sign3A_1692 : i32
      %ne3A_1694 = vector.broadcast %sign3A_1693 : i32 to vector<16xi32>
      %ne3A_1695 = arith.cmpi ne, %sign3A_1686, %ne3A_1694 : vector<16xi32>
      %rem3A_1696 = vector.broadcast %jit3A_1675 : i32 to vector<16xi32>
      %rem3A_1697 = arith.remsi %add3A_1674, %rem3A_1696 : vector<16xi32>
      %ne3A_1698 = arith.constant 0 : i32
      %ne3A_1699 = vector.broadcast %ne3A_1698 : i32 to vector<16xi32>
      %ne3A_1700 = arith.cmpi ne, %rem3A_1697, %ne3A_1699 : vector<16xi32>
      %and3A_1701 = arith.andi %ne3A_1695, %ne3A_1700 : vector<16xi1>
      %sub3A_1702 = arith.constant 1 : i32
      %sub3A_1703 = vector.broadcast %sub3A_1702 : i32 to vector<16xi32>
      %sub3A_1704 = arith.subi %div3A_1677, %sub3A_1703 : vector<16xi32>
      %select_n3A_1705 = arith.select %and3A_1701, %sub3A_1704, %div3A_1677 : vector<16xi1>, vector<16xi32>
      %mul3A_1706 = arith.constant 2048 : i32
      %mul3A_1707 = vector.broadcast %mul3A_1706 : i32 to vector<16xi32>
      %mul3A_1708 = arith.muli %select_n3A_1705, %mul3A_1707 : vector<16xi32>
      %add3A_1709 = arith.constant 48 : i32
      %add3A_1710 = vector.broadcast %add3A_1709 : i32 to vector<16xi32>
      %add3A_1711 = arith.addi %add3A_1710, %iota3A : vector<16xi32>
      %jit3A_1712 = arith.constant 8 : i32
      %eq3A_1713 = arith.constant 0 : i32
      %eq3A_1714 = arith.cmpi eq, %jit3A_1712, %eq3A_1713 : i32
      %jit3A_1715 = arith.constant 1 : i32
      %select_n3A_1716 = arith.select %eq3A_1714, %jit3A_1715, %jit3A_1712 : i32
      %rem3A_1717 = vector.broadcast %select_n3A_1716 : i32 to vector<16xi32>
      %rem3A_1718 = arith.remsi %add3A_1711, %rem3A_1717 : vector<16xi32>
      %ne3A_1719 = arith.constant 0 : i32
      %ne3A_1720 = vector.broadcast %ne3A_1719 : i32 to vector<16xi32>
      %ne3A_1721 = arith.cmpi ne, %rem3A_1718, %ne3A_1720 : vector<16xi32>
      %lt3A_1722 = arith.constant 0 : i32
      %lt3A_1723 = vector.broadcast %lt3A_1722 : i32 to vector<16xi32>
      %lt3A_1724 = arith.cmpi slt, %rem3A_1718, %lt3A_1723 : vector<16xi32>
      %lt3A_1725 = arith.constant 0 : i32
      %lt3A_1726 = arith.cmpi slt, %select_n3A_1716, %lt3A_1725 : i32
      %ne3A_1727 = vector.broadcast %lt3A_1726 : i1 to vector<16xi1>
      %ne3A_1728 = vector.broadcast %ne3A_1727 : vector<16xi1> to vector<16xi1>
      %ne3A_1729 = arith.xori %lt3A_1724, %ne3A_1728 : vector<16xi1>
      %and3A_1730 = arith.andi %ne3A_1729, %ne3A_1721 : vector<16xi1>
      %add3A_1731 = vector.broadcast %select_n3A_1716 : i32 to vector<16xi32>
      %add3A_1732 = arith.addi %rem3A_1718, %add3A_1731 : vector<16xi32>
      %select_n3A_1733 = arith.select %and3A_1730, %add3A_1732, %rem3A_1718 : vector<16xi1>, vector<16xi32>
      %mul3A_1734 = arith.constant 128 : i32
      %mul3A_1735 = vector.broadcast %mul3A_1734 : i32 to vector<16xi32>
      %mul3A_1736 = arith.muli %select_n3A_1733, %mul3A_1735 : vector<16xi32>
      %add3A_1737 = arith.addi %mul3A_1708, %mul3A_1736 : vector<16xi32>
      %scan3A_1738 = arith.constant 0 : i32
      %scan3A_1739 = arith.constant 0 : i32
      %scan3A_1740 = arith.constant 64 : i32
      %scan3A_1741 = arith.addi %scan3A_1739, %scan3A_1740 : i32
      %scan3A_1742 = arith.constant 1 : i32
      scf.for %scan3A_2343 = %scan3A_1739 to %scan3A_1741 step %scan3A_1742  : i32 {
        %mul3A_2344 = arith.constant 4 : i32
        %mul3A_2345 = arith.muli %scan3A_2343, %mul3A_2344 : i32
        %add3A_2346 = arith.constant 0 : i32
        %add3A_2347 = arith.addi %mul3A_2345, %add3A_2346 : i32
        %jit3A_2348 = arith.constant 128 : i32
        %div3A_2349 = arith.divsi %add3A_2347, %jit3A_2348 : i32
        %sign3A_2350 = arith.constant 0 : i32
        %sign3A_2351 = arith.cmpi sgt, %add3A_2347, %sign3A_2350 : i32
        %sign3A_2352 = arith.extui %sign3A_2351 : i1 to i32
        %sign3A_2353 = arith.constant 0 : i32
        %sign3A_2354 = arith.cmpi slt, %add3A_2347, %sign3A_2353 : i32
        %sign3A_2355 = arith.extui %sign3A_2354 : i1 to i32
        %sign3A_2356 = arith.subi %sign3A_2352, %sign3A_2355 : i32
        %sign3A_2357 = arith.constant 0 : i32
        %sign3A_2358 = arith.cmpi sgt, %jit3A_2348, %sign3A_2357 : i32
        %sign3A_2359 = arith.extui %sign3A_2358 : i1 to i32
        %sign3A_2360 = arith.constant 0 : i32
        %sign3A_2361 = arith.cmpi slt, %jit3A_2348, %sign3A_2360 : i32
        %sign3A_2362 = arith.extui %sign3A_2361 : i1 to i32
        %sign3A_2363 = arith.subi %sign3A_2359, %sign3A_2362 : i32
        %ne3A_2364 = arith.cmpi ne, %sign3A_2356, %sign3A_2363 : i32
        %rem3A_2365 = arith.remsi %add3A_2347, %jit3A_2348 : i32
        %ne3A_2366 = arith.constant 0 : i32
        %ne3A_2367 = arith.cmpi ne, %rem3A_2365, %ne3A_2366 : i32
        %and3A_2368 = arith.andi %ne3A_2364, %ne3A_2367 : i1
        %sub3A_2369 = arith.constant 1 : i32
        %sub3A_2370 = arith.subi %div3A_2349, %sub3A_2369 : i32
        %select_n3A_2371 = arith.select %and3A_2368, %sub3A_2370, %div3A_2349 : i32
        %mul3A_2372 = arith.constant 1024 : i32
        %mul3A_2373 = arith.muli %select_n3A_2371, %mul3A_2372 : i32
        %jit3A_2374 = arith.constant 128 : i32
        %eq3A_2375 = arith.constant 0 : i32
        %eq3A_2376 = arith.cmpi eq, %jit3A_2374, %eq3A_2375 : i32
        %jit3A_2377 = arith.constant 1 : i32
        %select_n3A_2378 = arith.select %eq3A_2376, %jit3A_2377, %jit3A_2374 : i32
        %rem3A_2379 = arith.remsi %add3A_2347, %select_n3A_2378 : i32
        %ne3A_2380 = arith.constant 0 : i32
        %ne3A_2381 = arith.cmpi ne, %rem3A_2379, %ne3A_2380 : i32
        %lt3A_2382 = arith.constant 0 : i32
        %lt3A_2383 = arith.cmpi slt, %rem3A_2379, %lt3A_2382 : i32
        %lt3A_2384 = arith.constant 0 : i32
        %lt3A_2385 = arith.cmpi slt, %select_n3A_2378, %lt3A_2384 : i32
        %ne3A_2386 = arith.xori %lt3A_2383, %lt3A_2385 : i1
        %and3A_2387 = arith.andi %ne3A_2386, %ne3A_2381 : i1
        %add3A_2388 = arith.addi %rem3A_2379, %select_n3A_2378 : i32
        %select_n3A_2389 = arith.select %and3A_2387, %add3A_2388, %rem3A_2379 : i32
        %add3A_2390 = arith.addi %mul3A_2373, %select_n3A_2389 : i32
        %get3A = arith.index_cast %add3A_2347 : i32 to index
        %get3A_2391 = arith.constant 0 : index
        %get3A_2392 = tpu.vector_load %arg6[%get3A, %get3A_2391] {strides = array<i32>} : memref<256x64xf32, #tpu.memory_space<vmem>>, vector<16xf32>,
        %mul3A_2393 = arith.constant 8.000000e+00 : f32
        %mul3A_2394 = vector.broadcast %mul3A_2393 : f32 to vector<16xf32>
        %mul3A_2395 = arith.mulf %get3A_2392, %mul3A_2394 : vector<16xf32>
        %add3A_2396 = vector.broadcast %add3A_2390 : i32 to vector<16xi32>
        %add3A_2397 = arith.addi %add3A_1539, %add3A_2396 : vector<16xi32>
        tpu.vector_store_idx %arg8[%add3A_2397], %mul3A_2395 : memref<16384xf32, #tpu.memory_space<vmem>>[vector<16xi32>], vector<16xf32>,
        %get3A_2398 = arith.index_cast %add3A_2347 : i32 to index
        %get3A_2399 = arith.constant 16 : index
        %get3A_2400 = tpu.vector_load %arg6[%get3A_2398, %get3A_2399] {strides = array<i32>} : memref<256x64xf32, #tpu.memory_space<vmem>>, vector<16xf32>,
        %mul3A_2401 = arith.constant 8.000000e+00 : f32
        %mul3A_2402 = vector.broadcast %mul3A_2401 : f32 to vector<16xf32>
        %mul3A_2403 = arith.mulf %get3A_2400, %mul3A_2402 : vector<16xf32>
        %add3A_2404 = vector.broadcast %add3A_2390 : i32 to vector<16xi32>
        %add3A_2405 = arith.addi %add3A_1605, %add3A_2404 : vector<16xi32>
        tpu.vector_store_idx %arg8[%add3A_2405], %mul3A_2403 : memref<16384xf32, #tpu.memory_space<vmem>>[vector<16xi32>], vector<16xf32>,
        %get3A_2406 = arith.index_cast %add3A_2347 : i32 to index
        %get3A_2407 = arith.constant 32 : index
        %get3A_2408 = tpu.vector_load %arg6[%get3A_2406, %get3A_2407] {strides = array<i32>} : memref<256x64xf32, #tpu.memory_space<vmem>>, vector<16xf32>,
        %mul3A_2409 = arith.constant 8.000000e+00 : f32
        %mul3A_2410 = vector.broadcast %mul3A_2409 : f32 to vector<16xf32>
        %mul3A_2411 = arith.mulf %get3A_2408, %mul3A_2410 : vector<16xf32>
        %add3A_2412 = vector.broadcast %add3A_2390 : i32 to vector<16xi32>
        %add3A_2413 = arith.addi %add3A_1671, %add3A_2412 : vector<16xi32>
        tpu.vector_store_idx %arg8[%add3A_2413], %mul3A_2411 : memref<16384xf32, #tpu.memory_space<vmem>>[vector<16xi32>], vector<16xf32>,
        %get3A_2414 = arith.index_cast %add3A_2347 : i32 to index
        %get3A_2415 = arith.constant 48 : index
        %get3A_2416 = tpu.vector_load %arg6[%get3A_2414, %get3A_2415] {strides = array<i32>} : memref<256x64xf32, #tpu.memory_space<vmem>>, vector<16xf32>,
        %mul3A_2417 = arith.constant 8.000000e+00 : f32
        %mul3A_2418 = vector.broadcast %mul3A_2417 : f32 to vector<16xf32>
        %mul3A_2419 = arith.mulf %get3A_2416, %mul3A_2418 : vector<16xf32>
        %add3A_2420 = vector.broadcast %add3A_2390 : i32 to vector<16xi32>
        %add3A_2421 = arith.addi %add3A_1737, %add3A_2420 : vector<16xi32>
        tpu.vector_store_idx %arg8[%add3A_2421], %mul3A_2419 : memref<16384xf32, #tpu.memory_space<vmem>>[vector<16xi32>], vector<16xf32>,
        %mul3A_2422 = arith.constant 4 : i32
        %mul3A_2423 = arith.muli %scan3A_2343, %mul3A_2422 : i32
        %add3A_2424 = arith.constant 1 : i32
        %add3A_2425 = arith.addi %mul3A_2423, %add3A_2424 : i32
        %jit3A_2426 = arith.constant 128 : i32
        %div3A_2427 = arith.divsi %add3A_2425, %jit3A_2426 : i32
        %sign3A_2428 = arith.constant 0 : i32
        %sign3A_2429 = arith.cmpi sgt, %add3A_2425, %sign3A_2428 : i32
        %sign3A_2430 = arith.extui %sign3A_2429 : i1 to i32
        %sign3A_2431 = arith.constant 0 : i32
        %sign3A_2432 = arith.cmpi slt, %add3A_2425, %sign3A_2431 : i32
        %sign3A_2433 = arith.extui %sign3A_2432 : i1 to i32
        %sign3A_2434 = arith.subi %sign3A_2430, %sign3A_2433 : i32
        %sign3A_2435 = arith.constant 0 : i32
        %sign3A_2436 = arith.cmpi sgt, %jit3A_2426, %sign3A_2435 : i32
        %sign3A_2437 = arith.extui %sign3A_2436 : i1 to i32
        %sign3A_2438 = arith.constant 0 : i32
        %sign3A_2439 = arith.cmpi slt, %jit3A_2426, %sign3A_2438 : i32
        %sign3A_2440 = arith.extui %sign3A_2439 : i1 to i32
        %sign3A_2441 = arith.subi %sign3A_2437, %sign3A_2440 : i32
        %ne3A_2442 = arith.cmpi ne, %sign3A_2434, %sign3A_2441 : i32
        %rem3A_2443 = arith.remsi %add3A_2425, %jit3A_2426 : i32
        %ne3A_2444 = arith.constant 0 : i32
        %ne3A_2445 = arith.cmpi ne, %rem3A_2443, %ne3A_2444 : i32
        %and3A_2446 = arith.andi %ne3A_2442, %ne3A_2445 : i1
        %sub3A_2447 = arith.constant 1 : i32
        %sub3A_2448 = arith.subi %div3A_2427, %sub3A_2447 : i32
        %select_n3A_2449 = arith.select %and3A_2446, %sub3A_2448, %div3A_2427 : i32
        %mul3A_2450 = arith.constant 1024 : i32
        %mul3A_2451 = arith.muli %select_n3A_2449, %mul3A_2450 : i32
        %jit3A_2452 = arith.constant 128 : i32
        %eq3A_2453 = arith.constant 0 : i32
        %eq3A_2454 = arith.cmpi eq, %jit3A_2452, %eq3A_2453 : i32
        %jit3A_2455 = arith.constant 1 : i32
        %select_n3A_2456 = arith.select %eq3A_2454, %jit3A_2455, %jit3A_2452 : i32
        %rem3A_2457 = arith.remsi %add3A_2425, %select_n3A_2456 : i32
        %ne3A_2458 = arith.constant 0 : i32
        %ne3A_2459 = arith.cmpi ne, %rem3A_2457, %ne3A_2458 : i32
        %lt3A_2460 = arith.constant 0 : i32
        %lt3A_2461 = arith.cmpi slt, %rem3A_2457, %lt3A_2460 : i32
        %lt3A_2462 = arith.constant 0 : i32
        %lt3A_2463 = arith.cmpi slt, %select_n3A_2456, %lt3A_2462 : i32
        %ne3A_2464 = arith.xori %lt3A_2461, %lt3A_2463 : i1
        %and3A_2465 = arith.andi %ne3A_2464, %ne3A_2459 : i1
        %add3A_2466 = arith.addi %rem3A_2457, %select_n3A_2456 : i32
        %select_n3A_2467 = arith.select %and3A_2465, %add3A_2466, %rem3A_2457 : i32
        %add3A_2468 = arith.addi %mul3A_2451, %select_n3A_2467 : i32
        %get3A_2469 = arith.index_cast %add3A_2425 : i32 to index
        %get3A_2470 = arith.constant 0 : index
        %get3A_2471 = tpu.vector_load %arg6[%get3A_2469, %get3A_2470] {strides = array<i32>} : memref<256x64xf32, #tpu.memory_space<vmem>>, vector<16xf32>,
        %mul3A_2472 = arith.constant 8.000000e+00 : f32
        %mul3A_2473 = vector.broadcast %mul3A_2472 : f32 to vector<16xf32>
        %mul3A_2474 = arith.mulf %get3A_2471, %mul3A_2473 : vector<16xf32>
        %add3A_2475 = vector.broadcast %add3A_2468 : i32 to vector<16xi32>
        %add3A_2476 = arith.addi %add3A_1539, %add3A_2475 : vector<16xi32>
        tpu.vector_store_idx %arg8[%add3A_2476], %mul3A_2474 : memref<16384xf32, #tpu.memory_space<vmem>>[vector<16xi32>], vector<16xf32>,
        %get3A_2477 = arith.index_cast %add3A_2425 : i32 to index
        %get3A_2478 = arith.constant 16 : index
        %get3A_2479 = tpu.vector_load %arg6[%get3A_2477, %get3A_2478] {strides = array<i32>} : memref<256x64xf32, #tpu.memory_space<vmem>>, vector<16xf32>,
        %mul3A_2480 = arith.constant 8.000000e+00 : f32
        %mul3A_2481 = vector.broadcast %mul3A_2480 : f32 to vector<16xf32>
        %mul3A_2482 = arith.mulf %get3A_2479, %mul3A_2481 : vector<16xf32>
        %add3A_2483 = vector.broadcast %add3A_2468 : i32 to vector<16xi32>
        %add3A_2484 = arith.addi %add3A_1605, %add3A_2483 : vector<16xi32>
        tpu.vector_store_idx %arg8[%add3A_2484], %mul3A_2482 : memref<16384xf32, #tpu.memory_space<vmem>>[vector<16xi32>], vector<16xf32>,
        %get3A_2485 = arith.index_cast %add3A_2425 : i32 to index
        %get3A_2486 = arith.constant 32 : index
        %get3A_2487 = tpu.vector_load %arg6[%get3A_2485, %get3A_2486] {strides = array<i32>} : memref<256x64xf32, #tpu.memory_space<vmem>>, vector<16xf32>,
        %mul3A_2488 = arith.constant 8.000000e+00 : f32
        %mul3A_2489 = vector.broadcast %mul3A_2488 : f32 to vector<16xf32>
        %mul3A_2490 = arith.mulf %get3A_2487, %mul3A_2489 : vector<16xf32>
        %add3A_2491 = vector.broadcast %add3A_2468 : i32 to vector<16xi32>
        %add3A_2492 = arith.addi %add3A_1671, %add3A_2491 : vector<16xi32>
        tpu.vector_store_idx %arg8[%add3A_2492], %mul3A_2490 : memref<16384xf32, #tpu.memory_space<vmem>>[vector<16xi32>], vector<16xf32>,
        %get3A_2493 = arith.index_cast %add3A_2425 : i32 to index
        %get3A_2494 = arith.constant 48 : index
        %get3A_2495 = tpu.vector_load %arg6[%get3A_2493, %get3A_2494] {strides = array<i32>} : memref<256x64xf32, #tpu.memory_space<vmem>>, vector<16xf32>,
        %mul3A_2496 = arith.constant 8.000000e+00 : f32
        %mul3A_2497 = vector.broadcast %mul3A_2496 : f32 to vector<16xf32>
        %mul3A_2498 = arith.mulf %get3A_2495, %mul3A_2497 : vector<16xf32>
        %add3A_2499 = vector.broadcast %add3A_2468 : i32 to vector<16xi32>
        %add3A_2500 = arith.addi %add3A_1737, %add3A_2499 : vector<16xi32>
        tpu.vector_store_idx %arg8[%add3A_2500], %mul3A_2498 : memref<16384xf32, #tpu.memory_space<vmem>>[vector<16xi32>], vector<16xf32>,
        %mul3A_2501 = arith.constant 4 : i32
        %mul3A_2502 = arith.muli %scan3A_2343, %mul3A_2501 : i32
        %add3A_2503 = arith.constant 2 : i32
        %add3A_2504 = arith.addi %mul3A_2502, %add3A_2503 : i32
        %jit3A_2505 = arith.constant 128 : i32
        %div3A_2506 = arith.divsi %add3A_2504, %jit3A_2505 : i32
        %sign3A_2507 = arith.constant 0 : i32
        %sign3A_2508 = arith.cmpi sgt, %add3A_2504, %sign3A_2507 : i32
        %sign3A_2509 = arith.extui %sign3A_2508 : i1 to i32
        %sign3A_2510 = arith.constant 0 : i32
        %sign3A_2511 = arith.cmpi slt, %add3A_2504, %sign3A_2510 : i32
        %sign3A_2512 = arith.extui %sign3A_2511 : i1 to i32
        %sign3A_2513 = arith.subi %sign3A_2509, %sign3A_2512 : i32
        %sign3A_2514 = arith.constant 0 : i32
        %sign3A_2515 = arith.cmpi sgt, %jit3A_2505, %sign3A_2514 : i32
        %sign3A_2516 = arith.extui %sign3A_2515 : i1 to i32
        %sign3A_2517 = arith.constant 0 : i32
        %sign3A_2518 = arith.cmpi slt, %jit3A_2505, %sign3A_2517 : i32
        %sign3A_2519 = arith.extui %sign3A_2518 : i1 to i32
        %sign3A_2520 = arith.subi %sign3A_2516, %sign3A_2519 : i32
        %ne3A_2521 = arith.cmpi ne, %sign3A_2513, %sign3A_2520 : i32
        %rem3A_2522 = arith.remsi %add3A_2504, %jit3A_2505 : i32
        %ne3A_2523 = arith.constant 0 : i32
        %ne3A_2524 = arith.cmpi ne, %rem3A_2522, %ne3A_2523 : i32
        %and3A_2525 = arith.andi %ne3A_2521, %ne3A_2524 : i1
        %sub3A_2526 = arith.constant 1 : i32
        %sub3A_2527 = arith.subi %div3A_2506, %sub3A_2526 : i32
        %select_n3A_2528 = arith.select %and3A_2525, %sub3A_2527, %div3A_2506 : i32
        %mul3A_2529 = arith.constant 1024 : i32
        %mul3A_2530 = arith.muli %select_n3A_2528, %mul3A_2529 : i32
        %jit3A_2531 = arith.constant 128 : i32
        %eq3A_2532 = arith.constant 0 : i32
        %eq3A_2533 = arith.cmpi eq, %jit3A_2531, %eq3A_2532 : i32
        %jit3A_2534 = arith.constant 1 : i32
        %select_n3A_2535 = arith.select %eq3A_2533, %jit3A_2534, %jit3A_2531 : i32
        %rem3A_2536 = arith.remsi %add3A_2504, %select_n3A_2535 : i32
        %ne3A_2537 = arith.constant 0 : i32
        %ne3A_2538 = arith.cmpi ne, %rem3A_2536, %ne3A_2537 : i32
        %lt3A_2539 = arith.constant 0 : i32
        %lt3A_2540 = arith.cmpi slt, %rem3A_2536, %lt3A_2539 : i32
        %lt3A_2541 = arith.constant 0 : i32
        %lt3A_2542 = arith.cmpi slt, %select_n3A_2535, %lt3A_2541 : i32
        %ne3A_2543 = arith.xori %lt3A_2540, %lt3A_2542 : i1
        %and3A_2544 = arith.andi %ne3A_2543, %ne3A_2538 : i1
        %add3A_2545 = arith.addi %rem3A_2536, %select_n3A_2535 : i32
        %select_n3A_2546 = arith.select %and3A_2544, %add3A_2545, %rem3A_2536 : i32
        %add3A_2547 = arith.addi %mul3A_2530, %select_n3A_2546 : i32
        %get3A_2548 = arith.index_cast %add3A_2504 : i32 to index
        %get3A_2549 = arith.constant 0 : index
        %get3A_2550 = tpu.vector_load %arg6[%get3A_2548, %get3A_2549] {strides = array<i32>} : memref<256x64xf32, #tpu.memory_space<vmem>>, vector<16xf32>,
        %mul3A_2551 = arith.constant 8.000000e+00 : f32
        %mul3A_2552 = vector.broadcast %mul3A_2551 : f32 to vector<16xf32>
        %mul3A_2553 = arith.mulf %get3A_2550, %mul3A_2552 : vector<16xf32>
        %add3A_2554 = vector.broadcast %add3A_2547 : i32 to vector<16xi32>
        %add3A_2555 = arith.addi %add3A_1539, %add3A_2554 : vector<16xi32>
        tpu.vector_store_idx %arg8[%add3A_2555], %mul3A_2553 : memref<16384xf32, #tpu.memory_space<vmem>>[vector<16xi32>], vector<16xf32>,
        %get3A_2556 = arith.index_cast %add3A_2504 : i32 to index
        %get3A_2557 = arith.constant 16 : index
        %get3A_2558 = tpu.vector_load %arg6[%get3A_2556, %get3A_2557] {strides = array<i32>} : memref<256x64xf32, #tpu.memory_space<vmem>>, vector<16xf32>,
        %mul3A_2559 = arith.constant 8.000000e+00 : f32
        %mul3A_2560 = vector.broadcast %mul3A_2559 : f32 to vector<16xf32>
        %mul3A_2561 = arith.mulf %get3A_2558, %mul3A_2560 : vector<16xf32>
        %add3A_2562 = vector.broadcast %add3A_2547 : i32 to vector<16xi32>
        %add3A_2563 = arith.addi %add3A_1605, %add3A_2562 : vector<16xi32>
        tpu.vector_store_idx %arg8[%add3A_2563], %mul3A_2561 : memref<16384xf32, #tpu.memory_space<vmem>>[vector<16xi32>], vector<16xf32>,
        %get3A_2564 = arith.index_cast %add3A_2504 : i32 to index
        %get3A_2565 = arith.constant 32 : index
        %get3A_2566 = tpu.vector_load %arg6[%get3A_2564, %get3A_2565] {strides = array<i32>} : memref<256x64xf32, #tpu.memory_space<vmem>>, vector<16xf32>,
        %mul3A_2567 = arith.constant 8.000000e+00 : f32
        %mul3A_2568 = vector.broadcast %mul3A_2567 : f32 to vector<16xf32>
        %mul3A_2569 = arith.mulf %get3A_2566, %mul3A_2568 : vector<16xf32>
        %add3A_2570 = vector.broadcast %add3A_2547 : i32 to vector<16xi32>
        %add3A_2571 = arith.addi %add3A_1671, %add3A_2570 : vector<16xi32>
        tpu.vector_store_idx %arg8[%add3A_2571], %mul3A_2569 : memref<16384xf32, #tpu.memory_space<vmem>>[vector<16xi32>], vector<16xf32>,
        %get3A_2572 = arith.index_cast %add3A_2504 : i32 to index
        %get3A_2573 = arith.constant 48 : index
        %get3A_2574 = tpu.vector_load %arg6[%get3A_2572, %get3A_2573] {strides = array<i32>} : memref<256x64xf32, #tpu.memory_space<vmem>>, vector<16xf32>,
        %mul3A_2575 = arith.constant 8.000000e+00 : f32
        %mul3A_2576 = vector.broadcast %mul3A_2575 : f32 to vector<16xf32>
        %mul3A_2577 = arith.mulf %get3A_2574, %mul3A_2576 : vector<16xf32>
        %add3A_2578 = vector.broadcast %add3A_2547 : i32 to vector<16xi32>
        %add3A_2579 = arith.addi %add3A_1737, %add3A_2578 : vector<16xi32>
        tpu.vector_store_idx %arg8[%add3A_2579], %mul3A_2577 : memref<16384xf32, #tpu.memory_space<vmem>>[vector<16xi32>], vector<16xf32>,
        %mul3A_2580 = arith.constant 4 : i32
        %mul3A_2581 = arith.muli %scan3A_2343, %mul3A_2580 : i32
        %add3A_2582 = arith.constant 3 : i32
        %add3A_2583 = arith.addi %mul3A_2581, %add3A_2582 : i32
        %jit3A_2584 = arith.constant 128 : i32
        %div3A_2585 = arith.divsi %add3A_2583, %jit3A_2584 : i32
        %sign3A_2586 = arith.constant 0 : i32
        %sign3A_2587 = arith.cmpi sgt, %add3A_2583, %sign3A_2586 : i32
        %sign3A_2588 = arith.extui %sign3A_2587 : i1 to i32
        %sign3A_2589 = arith.constant 0 : i32
        %sign3A_2590 = arith.cmpi slt, %add3A_2583, %sign3A_2589 : i32
        %sign3A_2591 = arith.extui %sign3A_2590 : i1 to i32
        %sign3A_2592 = arith.subi %sign3A_2588, %sign3A_2591 : i32
        %sign3A_2593 = arith.constant 0 : i32
        %sign3A_2594 = arith.cmpi sgt, %jit3A_2584, %sign3A_2593 : i32
        %sign3A_2595 = arith.extui %sign3A_2594 : i1 to i32
        %sign3A_2596 = arith.constant 0 : i32
        %sign3A_2597 = arith.cmpi slt, %jit3A_2584, %sign3A_2596 : i32
        %sign3A_2598 = arith.extui %sign3A_2597 : i1 to i32
        %sign3A_2599 = arith.subi %sign3A_2595, %sign3A_2598 : i32
        %ne3A_2600 = arith.cmpi ne, %sign3A_2592, %sign3A_2599 : i32
        %rem3A_2601 = arith.remsi %add3A_2583, %jit3A_2584 : i32
        %ne3A_2602 = arith.constant 0 : i32
        %ne3A_2603 = arith.cmpi ne, %rem3A_2601, %ne3A_2602 : i32
        %and3A_2604 = arith.andi %ne3A_2600, %ne3A_2603 : i1
        %sub3A_2605 = arith.constant 1 : i32
        %sub3A_2606 = arith.subi %div3A_2585, %sub3A_2605 : i32
        %select_n3A_2607 = arith.select %and3A_2604, %sub3A_2606, %div3A_2585 : i32
        %mul3A_2608 = arith.constant 1024 : i32
        %mul3A_2609 = arith.muli %select_n3A_2607, %mul3A_2608 : i32
        %jit3A_2610 = arith.constant 128 : i32
        %eq3A_2611 = arith.constant 0 : i32
        %eq3A_2612 = arith.cmpi eq, %jit3A_2610, %eq3A_2611 : i32
        %jit3A_2613 = arith.constant 1 : i32
        %select_n3A_2614 = arith.select %eq3A_2612, %jit3A_2613, %jit3A_2610 : i32
        %rem3A_2615 = arith.remsi %add3A_2583, %select_n3A_2614 : i32
        %ne3A_2616 = arith.constant 0 : i32
        %ne3A_2617 = arith.cmpi ne, %rem3A_2615, %ne3A_2616 : i32
        %lt3A_2618 = arith.constant 0 : i32
        %lt3A_2619 = arith.cmpi slt, %rem3A_2615, %lt3A_2618 : i32
        %lt3A_2620 = arith.constant 0 : i32
        %lt3A_2621 = arith.cmpi slt, %select_n3A_2614, %lt3A_2620 : i32
        %ne3A_2622 = arith.xori %lt3A_2619, %lt3A_2621 : i1
        %and3A_2623 = arith.andi %ne3A_2622, %ne3A_2617 : i1
        %add3A_2624 = arith.addi %rem3A_2615, %select_n3A_2614 : i32
        %select_n3A_2625 = arith.select %and3A_2623, %add3A_2624, %rem3A_2615 : i32
        %add3A_2626 = arith.addi %mul3A_2609, %select_n3A_2625 : i32
        %get3A_2627 = arith.index_cast %add3A_2583 : i32 to index
        %get3A_2628 = arith.constant 0 : index
        %get3A_2629 = tpu.vector_load %arg6[%get3A_2627, %get3A_2628] {strides = array<i32>} : memref<256x64xf32, #tpu.memory_space<vmem>>, vector<16xf32>,
        %mul3A_2630 = arith.constant 8.000000e+00 : f32
        %mul3A_2631 = vector.broadcast %mul3A_2630 : f32 to vector<16xf32>
        %mul3A_2632 = arith.mulf %get3A_2629, %mul3A_2631 : vector<16xf32>
        %add3A_2633 = vector.broadcast %add3A_2626 : i32 to vector<16xi32>
        %add3A_2634 = arith.addi %add3A_1539, %add3A_2633 : vector<16xi32>
        tpu.vector_store_idx %arg8[%add3A_2634], %mul3A_2632 : memref<16384xf32, #tpu.memory_space<vmem>>[vector<16xi32>], vector<16xf32>,
        %get3A_2635 = arith.index_cast %add3A_2583 : i32 to index
        %get3A_2636 = arith.constant 16 : index
        %get3A_2637 = tpu.vector_load %arg6[%get3A_2635, %get3A_2636] {strides = array<i32>} : memref<256x64xf32, #tpu.memory_space<vmem>>, vector<16xf32>,
        %mul3A_2638 = arith.constant 8.000000e+00 : f32
        %mul3A_2639 = vector.broadcast %mul3A_2638 : f32 to vector<16xf32>
        %mul3A_2640 = arith.mulf %get3A_2637, %mul3A_2639 : vector<16xf32>
        %add3A_2641 = vector.broadcast %add3A_2626 : i32 to vector<16xi32>
        %add3A_2642 = arith.addi %add3A_1605, %add3A_2641 : vector<16xi32>
        tpu.vector_store_idx %arg8[%add3A_2642], %mul3A_2640 : memref<16384xf32, #tpu.memory_space<vmem>>[vector<16xi32>], vector<16xf32>,
        %get3A_2643 = arith.index_cast %add3A_2583 : i32 to index
        %get3A_2644 = arith.constant 32 : index
        %get3A_2645 = tpu.vector_load %arg6[%get3A_2643, %get3A_2644] {strides = array<i32>} : memref<256x64xf32, #tpu.memory_space<vmem>>, vector<16xf32>,
        %mul3A_2646 = arith.constant 8.000000e+00 : f32
        %mul3A_2647 = vector.broadcast %mul3A_2646 : f32 to vector<16xf32>
        %mul3A_2648 = arith.mulf %get3A_2645, %mul3A_2647 : vector<16xf32>
        %add3A_2649 = vector.broadcast %add3A_2626 : i32 to vector<16xi32>
        %add3A_2650 = arith.addi %add3A_1671, %add3A_2649 : vector<16xi32>
        tpu.vector_store_idx %arg8[%add3A_2650], %mul3A_2648 : memref<16384xf32, #tpu.memory_space<vmem>>[vector<16xi32>], vector<16xf32>,
        %get3A_2651 = arith.index_cast %add3A_2583 : i32 to index
        %get3A_2652 = arith.constant 48 : index
        %get3A_2653 = tpu.vector_load %arg6[%get3A_2651, %get3A_2652] {strides = array<i32>} : memref<256x64xf32, #tpu.memory_space<vmem>>, vector<16xf32>,
        %mul3A_2654 = arith.constant 8.000000e+00 : f32
        %mul3A_2655 = vector.broadcast %mul3A_2654 : f32 to vector<16xf32>
        %mul3A_2656 = arith.mulf %get3A_2653, %mul3A_2655 : vector<16xf32>
        %add3A_2657 = vector.broadcast %add3A_2626 : i32 to vector<16xi32>
        %add3A_2658 = arith.addi %add3A_1737, %add3A_2657 : vector<16xi32>
        tpu.vector_store_idx %arg8[%add3A_2658], %mul3A_2656 : memref<16384xf32, #tpu.memory_space<vmem>>[vector<16xi32>], vector<16xf32>,
      }
      %scan3A_1743 = arith.constant 64 : i32
      %mul3A_1744 = arith.constant 2 : i32
      %mul3A_1745 = arith.muli %mul3A_1744, %scan3A_1341 : i32
      %mul3A_1746 = arith.constant 2 : i32
      %mul3A_1747 = arith.muli %mul3A_1746, %mul3A_1745 : i32
      %add3A_1748 = arith.addi %select_n3A, %mul3A_1747 : i32
      %mul3A_1749 = arith.constant 8 : i32
      %mul3A_1750 = arith.muli %add3A_1748, %mul3A_1749 : i32
      %add3A_1751 = arith.constant 0 : i32
      %add3A_1752 = arith.addi %mul3A_1750, %add3A_1751 : i32
      %mul3A_1753 = arith.constant 32 : i32
      %mul3A_1754 = arith.muli %add3A_1752, %mul3A_1753 : i32
      %add3A_1755 = arith.addi %mul3A_1754, %mul3A_32 : i32
      %mul3A_1756 = arith.constant 1024 : i32
      %mul3A_1757 = arith.muli %add3A_1755, %mul3A_1756 : i32
      %dma_start3A_1758 = arith.constant 0 : i32
      %dma_start3A_1759 = tpu.memref_slice %arg8[%dma_start3A_1758] : memref<16384xf32, #tpu.memory_space<vmem>> -> memref<2048xf32, #tpu.memory_space<vmem>>
      %dma_start3A_1760 = tpu.memref_slice %arg4[%mul3A_1757] : memref<52428800xf32, #tpu.memory_space<hbm>> -> memref<2048xf32, #tpu.memory_space<hbm>>
      %dma_start3A_1761 = tpu.memref_slice %arg4[%mul3A_1757] : memref<52428800xf32, #tpu.memory_space<hbm>> -> memref<2048xf32, #tpu.memory_space<hbm>>
      %dma_start3A_1762 = arith.constant 0 : i32
      %dma_start3A_1763 = tpu.memref_slice %arg8[%dma_start3A_1762] : memref<16384xf32, #tpu.memory_space<vmem>> -> memref<2048xf32, #tpu.memory_space<vmem>>
      tpu.enqueue_dma source(%dma_start3A_1763 : memref<2048xf32, #tpu.memory_space<vmem>>) target(%dma_start3A_1761 : memref<2048xf32, #tpu.memory_space<hbm>>) target_semaphore(%arg13 : memref<!tpu.dma_semaphore, #tpu.memory_space<semaphore_mem>>)
      %mul3A_1764 = arith.constant 8 : i32
      %mul3A_1765 = arith.muli %add3A_1748, %mul3A_1764 : i32
      %add3A_1766 = arith.constant 1 : i32
      %add3A_1767 = arith.addi %mul3A_1765, %add3A_1766 : i32
      %mul3A_1768 = arith.constant 32 : i32
      %mul3A_1769 = arith.muli %add3A_1767, %mul3A_1768 : i32
      %add3A_1770 = arith.addi %mul3A_1769, %mul3A_32 : i32
      %mul3A_1771 = arith.constant 1024 : i32
      %mul3A_1772 = arith.muli %add3A_1770, %mul3A_1771 : i32
      %dma_start3A_1773 = arith.constant 2048 : i32
      %dma_start3A_1774 = tpu.memref_slice %arg8[%dma_start3A_1773] : memref<16384xf32, #tpu.memory_space<vmem>> -> memref<2048xf32, #tpu.memory_space<vmem>>
      %dma_start3A_1775 = tpu.memref_slice %arg4[%mul3A_1772] : memref<52428800xf32, #tpu.memory_space<hbm>> -> memref<2048xf32, #tpu.memory_space<hbm>>
      %dma_start3A_1776 = tpu.memref_slice %arg4[%mul3A_1772] : memref<52428800xf32, #tpu.memory_space<hbm>> -> memref<2048xf32, #tpu.memory_space<hbm>>
      %dma_start3A_1777 = arith.constant 2048 : i32
      %dma_start3A_1778 = tpu.memref_slice %arg8[%dma_start3A_1777] : memref<16384xf32, #tpu.memory_space<vmem>> -> memref<2048xf32, #tpu.memory_space<vmem>>
      tpu.enqueue_dma source(%dma_start3A_1778 : memref<2048xf32, #tpu.memory_space<vmem>>) target(%dma_start3A_1776 : memref<2048xf32, #tpu.memory_space<hbm>>) target_semaphore(%arg13 : memref<!tpu.dma_semaphore, #tpu.memory_space<semaphore_mem>>)
      %mul3A_1779 = arith.constant 8 : i32
      %mul3A_1780 = arith.muli %add3A_1748, %mul3A_1779 : i32
      %add3A_1781 = arith.constant 2 : i32
      %add3A_1782 = arith.addi %mul3A_1780, %add3A_1781 : i32
      %mul3A_1783 = arith.constant 32 : i32
      %mul3A_1784 = arith.muli %add3A_1782, %mul3A_1783 : i32
      %add3A_1785 = arith.addi %mul3A_1784, %mul3A_32 : i32
      %mul3A_1786 = arith.constant 1024 : i32
      %mul3A_1787 = arith.muli %add3A_1785, %mul3A_1786 : i32
      %dma_start3A_1788 = arith.constant 4096 : i32
      %dma_start3A_1789 = tpu.memref_slice %arg8[%dma_start3A_1788] : memref<16384xf32, #tpu.memory_space<vmem>> -> memref<2048xf32, #tpu.memory_space<vmem>>
      %dma_start3A_1790 = tpu.memref_slice %arg4[%mul3A_1787] : memref<52428800xf32, #tpu.memory_space<hbm>> -> memref<2048xf32, #tpu.memory_space<hbm>>
      %dma_start3A_1791 = tpu.memref_slice %arg4[%mul3A_1787] : memref<52428800xf32, #tpu.memory_space<hbm>> -> memref<2048xf32, #tpu.memory_space<hbm>>
      %dma_start3A_1792 = arith.constant 4096 : i32
      %dma_start3A_1793 = tpu.memref_slice %arg8[%dma_start3A_1792] : memref<16384xf32, #tpu.memory_space<vmem>> -> memref<2048xf32, #tpu.memory_space<vmem>>
      tpu.enqueue_dma source(%dma_start3A_1793 : memref<2048xf32, #tpu.memory_space<vmem>>) target(%dma_start3A_1791 : memref<2048xf32, #tpu.memory_space<hbm>>) target_semaphore(%arg13 : memref<!tpu.dma_semaphore, #tpu.memory_space<semaphore_mem>>)
      %mul3A_1794 = arith.constant 8 : i32
      %mul3A_1795 = arith.muli %add3A_1748, %mul3A_1794 : i32
      %add3A_1796 = arith.constant 3 : i32
      %add3A_1797 = arith.addi %mul3A_1795, %add3A_1796 : i32
      %mul3A_1798 = arith.constant 32 : i32
      %mul3A_1799 = arith.muli %add3A_1797, %mul3A_1798 : i32
      %add3A_1800 = arith.addi %mul3A_1799, %mul3A_32 : i32
      %mul3A_1801 = arith.constant 1024 : i32
      %mul3A_1802 = arith.muli %add3A_1800, %mul3A_1801 : i32
      %dma_start3A_1803 = arith.constant 6144 : i32
      %dma_start3A_1804 = tpu.memref_slice %arg8[%dma_start3A_1803] : memref<16384xf32, #tpu.memory_space<vmem>> -> memref<2048xf32, #tpu.memory_space<vmem>>
      %dma_start3A_1805 = tpu.memref_slice %arg4[%mul3A_1802] : memref<52428800xf32, #tpu.memory_space<hbm>> -> memref<2048xf32, #tpu.memory_space<hbm>>
      %dma_start3A_1806 = tpu.memref_slice %arg4[%mul3A_1802] : memref<52428800xf32, #tpu.memory_space<hbm>> -> memref<2048xf32, #tpu.memory_space<hbm>>
      %dma_start3A_1807 = arith.constant 6144 : i32
      %dma_start3A_1808 = tpu.memref_slice %arg8[%dma_start3A_1807] : memref<16384xf32, #tpu.memory_space<vmem>> -> memref<2048xf32, #tpu.memory_space<vmem>>
      tpu.enqueue_dma source(%dma_start3A_1808 : memref<2048xf32, #tpu.memory_space<vmem>>) target(%dma_start3A_1806 : memref<2048xf32, #tpu.memory_space<hbm>>) target_semaphore(%arg13 : memref<!tpu.dma_semaphore, #tpu.memory_space<semaphore_mem>>)
      %mul3A_1809 = arith.constant 8 : i32
      %mul3A_1810 = arith.muli %add3A_1748, %mul3A_1809 : i32
      %add3A_1811 = arith.constant 4 : i32
      %add3A_1812 = arith.addi %mul3A_1810, %add3A_1811 : i32
      %mul3A_1813 = arith.constant 32 : i32
      %mul3A_1814 = arith.muli %add3A_1812, %mul3A_1813 : i32
      %add3A_1815 = arith.addi %mul3A_1814, %mul3A_32 : i32
      %mul3A_1816 = arith.constant 1024 : i32
      %mul3A_1817 = arith.muli %add3A_1815, %mul3A_1816 : i32
      %dma_start3A_1818 = arith.constant 8192 : i32
      %dma_start3A_1819 = tpu.memref_slice %arg8[%dma_start3A_1818] : memref<16384xf32, #tpu.memory_space<vmem>> -> memref<2048xf32, #tpu.memory_space<vmem>>
      %dma_start3A_1820 = tpu.memref_slice %arg4[%mul3A_1817] : memref<52428800xf32, #tpu.memory_space<hbm>> -> memref<2048xf32, #tpu.memory_space<hbm>>
      %dma_start3A_1821 = tpu.memref_slice %arg4[%mul3A_1817] : memref<52428800xf32, #tpu.memory_space<hbm>> -> memref<2048xf32, #tpu.memory_space<hbm>>
      %dma_start3A_1822 = arith.constant 8192 : i32
      %dma_start3A_1823 = tpu.memref_slice %arg8[%dma_start3A_1822] : memref<16384xf32, #tpu.memory_space<vmem>> -> memref<2048xf32, #tpu.memory_space<vmem>>
      tpu.enqueue_dma source(%dma_start3A_1823 : memref<2048xf32, #tpu.memory_space<vmem>>) target(%dma_start3A_1821 : memref<2048xf32, #tpu.memory_space<hbm>>) target_semaphore(%arg13 : memref<!tpu.dma_semaphore, #tpu.memory_space<semaphore_mem>>)
      %mul3A_1824 = arith.constant 8 : i32
      %mul3A_1825 = arith.muli %add3A_1748, %mul3A_1824 : i32
      %add3A_1826 = arith.constant 5 : i32
      %add3A_1827 = arith.addi %mul3A_1825, %add3A_1826 : i32
      %mul3A_1828 = arith.constant 32 : i32
      %mul3A_1829 = arith.muli %add3A_1827, %mul3A_1828 : i32
      %add3A_1830 = arith.addi %mul3A_1829, %mul3A_32 : i32
      %mul3A_1831 = arith.constant 1024 : i32
      %mul3A_1832 = arith.muli %add3A_1830, %mul3A_1831 : i32
      %dma_start3A_1833 = arith.constant 10240 : i32
      %dma_start3A_1834 = tpu.memref_slice %arg8[%dma_start3A_1833] : memref<16384xf32, #tpu.memory_space<vmem>> -> memref<2048xf32, #tpu.memory_space<vmem>>
      %dma_start3A_1835 = tpu.memref_slice %arg4[%mul3A_1832] : memref<52428800xf32, #tpu.memory_space<hbm>> -> memref<2048xf32, #tpu.memory_space<hbm>>
      %dma_start3A_1836 = tpu.memref_slice %arg4[%mul3A_1832] : memref<52428800xf32, #tpu.memory_space<hbm>> -> memref<2048xf32, #tpu.memory_space<hbm>>
      %dma_start3A_1837 = arith.constant 10240 : i32
      %dma_start3A_1838 = tpu.memref_slice %arg8[%dma_start3A_1837] : memref<16384xf32, #tpu.memory_space<vmem>> -> memref<2048xf32, #tpu.memory_space<vmem>>
      tpu.enqueue_dma source(%dma_start3A_1838 : memref<2048xf32, #tpu.memory_space<vmem>>) target(%dma_start3A_1836 : memref<2048xf32, #tpu.memory_space<hbm>>) target_semaphore(%arg13 : memref<!tpu.dma_semaphore, #tpu.memory_space<semaphore_mem>>)
      %mul3A_1839 = arith.constant 8 : i32
      %mul3A_1840 = arith.muli %add3A_1748, %mul3A_1839 : i32
      %add3A_1841 = arith.constant 6 : i32
      %add3A_1842 = arith.addi %mul3A_1840, %add3A_1841 : i32
      %mul3A_1843 = arith.constant 32 : i32
      %mul3A_1844 = arith.muli %add3A_1842, %mul3A_1843 : i32
      %add3A_1845 = arith.addi %mul3A_1844, %mul3A_32 : i32
      %mul3A_1846 = arith.constant 1024 : i32
      %mul3A_1847 = arith.muli %add3A_1845, %mul3A_1846 : i32
      %dma_start3A_1848 = arith.constant 12288 : i32
      %dma_start3A_1849 = tpu.memref_slice %arg8[%dma_start3A_1848] : memref<16384xf32, #tpu.memory_space<vmem>> -> memref<2048xf32, #tpu.memory_space<vmem>>
      %dma_start3A_1850 = tpu.memref_slice %arg4[%mul3A_1847] : memref<52428800xf32, #tpu.memory_space<hbm>> -> memref<2048xf32, #tpu.memory_space<hbm>>
      %dma_start3A_1851 = tpu.memref_slice %arg4[%mul3A_1847] : memref<52428800xf32, #tpu.memory_space<hbm>> -> memref<2048xf32, #tpu.memory_space<hbm>>
      %dma_start3A_1852 = arith.constant 12288 : i32
      %dma_start3A_1853 = tpu.memref_slice %arg8[%dma_start3A_1852] : memref<16384xf32, #tpu.memory_space<vmem>> -> memref<2048xf32, #tpu.memory_space<vmem>>
      tpu.enqueue_dma source(%dma_start3A_1853 : memref<2048xf32, #tpu.memory_space<vmem>>) target(%dma_start3A_1851 : memref<2048xf32, #tpu.memory_space<hbm>>) target_semaphore(%arg13 : memref<!tpu.dma_semaphore, #tpu.memory_space<semaphore_mem>>)
      %mul3A_1854 = arith.constant 8 : i32
      %mul3A_1855 = arith.muli %add3A_1748, %mul3A_1854 : i32
      %add3A_1856 = arith.constant 7 : i32
      %add3A_1857 = arith.addi %mul3A_1855, %add3A_1856 : i32
      %mul3A_1858 = arith.constant 32 : i32
      %mul3A_1859 = arith.muli %add3A_1857, %mul3A_1858 : i32
      %add3A_1860 = arith.addi %mul3A_1859, %mul3A_32 : i32
      %mul3A_1861 = arith.constant 1024 : i32
      %mul3A_1862 = arith.muli %add3A_1860, %mul3A_1861 : i32
      %dma_start3A_1863 = arith.constant 14336 : i32
      %dma_start3A_1864 = tpu.memref_slice %arg8[%dma_start3A_1863] : memref<16384xf32, #tpu.memory_space<vmem>> -> memref<2048xf32, #tpu.memory_space<vmem>>
      %dma_start3A_1865 = tpu.memref_slice %arg4[%mul3A_1862] : memref<52428800xf32, #tpu.memory_space<hbm>> -> memref<2048xf32, #tpu.memory_space<hbm>>
      %dma_start3A_1866 = tpu.memref_slice %arg4[%mul3A_1862] : memref<52428800xf32, #tpu.memory_space<hbm>> -> memref<2048xf32, #tpu.memory_space<hbm>>
      %dma_start3A_1867 = arith.constant 14336 : i32
      %dma_start3A_1868 = tpu.memref_slice %arg8[%dma_start3A_1867] : memref<16384xf32, #tpu.memory_space<vmem>> -> memref<2048xf32, #tpu.memory_space<vmem>>
      tpu.enqueue_dma source(%dma_start3A_1868 : memref<2048xf32, #tpu.memory_space<vmem>>) target(%dma_start3A_1866 : memref<2048xf32, #tpu.memory_space<hbm>>) target_semaphore(%arg13 : memref<!tpu.dma_semaphore, #tpu.memory_space<semaphore_mem>>)
      %lt3A_1869 = arith.constant 49 : i32
      %lt3A_1870 = arith.cmpi slt, %scan3A_1341, %lt3A_1869 : i32
      %convert_element_type3A_1871 = arith.extui %lt3A_1870 : i1 to i32
      %cond3A_1872 = arith.constant 0 : i32
      %cond3A_1873 = arith.cmpi ne, %convert_element_type3A_1871, %cond3A_1872 : i32
      scf.if %cond3A_1873 {
        %mul3A_2343 = arith.constant 2 : i32
        %mul3A_2344 = arith.muli %mul3A_2343, %scan3A_1341 : i32
        %add3A_2345 = arith.constant 2 : i32
        %add3A_2346 = arith.addi %mul3A_2344, %add3A_2345 : i32
        %mul3A_2347 = arith.constant 2 : i32
        %mul3A_2348 = arith.muli %mul3A_2347, %add3A_2346 : i32
        %add3A_2349 = arith.addi %select_n3A, %mul3A_2348 : i32
        %jit3A_2350 = arith.constant 8 : i32
        %div3A_2351 = arith.divsi %add3A_2349, %jit3A_2350 : i32
        %sign3A_2352 = arith.constant 0 : i32
        %sign3A_2353 = arith.cmpi sgt, %add3A_2349, %sign3A_2352 : i32
        %sign3A_2354 = arith.extui %sign3A_2353 : i1 to i32
        %sign3A_2355 = arith.constant 0 : i32
        %sign3A_2356 = arith.cmpi slt, %add3A_2349, %sign3A_2355 : i32
        %sign3A_2357 = arith.extui %sign3A_2356 : i1 to i32
        %sign3A_2358 = arith.subi %sign3A_2354, %sign3A_2357 : i32
        %sign3A_2359 = arith.constant 0 : i32
        %sign3A_2360 = arith.cmpi sgt, %jit3A_2350, %sign3A_2359 : i32
        %sign3A_2361 = arith.extui %sign3A_2360 : i1 to i32
        %sign3A_2362 = arith.constant 0 : i32
        %sign3A_2363 = arith.cmpi slt, %jit3A_2350, %sign3A_2362 : i32
        %sign3A_2364 = arith.extui %sign3A_2363 : i1 to i32
        %sign3A_2365 = arith.subi %sign3A_2361, %sign3A_2364 : i32
        %ne3A_2366 = arith.cmpi ne, %sign3A_2358, %sign3A_2365 : i32
        %rem3A_2367 = arith.remsi %add3A_2349, %jit3A_2350 : i32
        %ne3A_2368 = arith.constant 0 : i32
        %ne3A_2369 = arith.cmpi ne, %rem3A_2367, %ne3A_2368 : i32
        %and3A_2370 = arith.andi %ne3A_2366, %ne3A_2369 : i1
        %sub3A_2371 = arith.constant 1 : i32
        %sub3A_2372 = arith.subi %div3A_2351, %sub3A_2371 : i32
        %select_n3A_2373 = arith.select %and3A_2370, %sub3A_2372, %div3A_2351 : i32
        %mul3A_2374 = arith.constant 8 : i32
        %mul3A_2375 = arith.muli %select_n3A_2373, %mul3A_2374 : i32
        %sub3A_2376 = arith.subi %add3A_2349, %mul3A_2375 : i32
        %mul3A_2377 = arith.constant 2 : i32
        %mul3A_2378 = arith.muli %select_n3A_2373, %mul3A_2377 : i32
        %add3A_2379 = arith.constant 0 : i32
        %add3A_2380 = arith.addi %mul3A_2378, %add3A_2379 : i32
        %mul3A_2381 = arith.constant 8 : i32
        %mul3A_2382 = arith.muli %add3A_2380, %mul3A_2381 : i32
        %add3A_2383 = arith.addi %mul3A_2382, %sub3A_2376 : i32
        %mul3A_2384 = arith.constant 128 : i32
        %mul3A_2385 = arith.muli %add3A_2383, %mul3A_2384 : i32
        %dma_start3A_2386 = arith.constant 0 : i32
        %dma_start3A_2387 = arith.constant 0 : i32
        %dma_start3A_2388 = tpu.memref_slice %arg6[%dma_start3A_2386, %dma_start3A_2387] : memref<256x64xf32, #tpu.memory_space<vmem>> -> memref<128x64xf32, #tpu.memory_space<vmem>>
        %dma_start3A_2389 = tpu.memref_slice %arg5[%mul3A_2385] : memref<51200xi32, #tpu.memory_space<vmem>> -> memref<128xi32, #tpu.memory_space<vmem>>
        %dma_start3A_2390 = arith.constant 0 : i32
        %dma_start3A_2391 = arith.constant 0 : i32
        %dma_start3A_2392 = tpu.memref_slice %arg3[%dma_start3A_2390, %dma_start3A_2391] : memref<1000000x64xf32, #tpu.memory_space<hbm>> -> memref<1000000x64xf32, #tpu.memory_space<hbm>>
        tpu.enqueue_indirect_dma source(%dma_start3A_2392 : memref<1000000x64xf32, #tpu.memory_space<hbm>>) target(%dma_start3A_2388 : memref<128x64xf32, #tpu.memory_space<vmem>>) offsets(%dma_start3A_2389 : memref<128xi32, #tpu.memory_space<vmem>>) semaphore(%arg11 : memref<!tpu.dma_semaphore, #tpu.memory_space<semaphore_mem>>)
        %mul3A_2393 = arith.constant 2 : i32
        %mul3A_2394 = arith.muli %select_n3A_2373, %mul3A_2393 : i32
        %add3A_2395 = arith.constant 1 : i32
        %add3A_2396 = arith.addi %mul3A_2394, %add3A_2395 : i32
        %mul3A_2397 = arith.constant 8 : i32
        %mul3A_2398 = arith.muli %add3A_2396, %mul3A_2397 : i32
        %add3A_2399 = arith.addi %mul3A_2398, %sub3A_2376 : i32
        %mul3A_2400 = arith.constant 128 : i32
        %mul3A_2401 = arith.muli %add3A_2399, %mul3A_2400 : i32
        %dma_start3A_2402 = arith.constant 128 : i32
        %dma_start3A_2403 = arith.constant 0 : i32
        %dma_start3A_2404 = tpu.memref_slice %arg6[%dma_start3A_2402, %dma_start3A_2403] : memref<256x64xf32, #tpu.memory_space<vmem>> -> memref<128x64xf32, #tpu.memory_space<vmem>>
        %dma_start3A_2405 = tpu.memref_slice %arg5[%mul3A_2401] : memref<51200xi32, #tpu.memory_space<vmem>> -> memref<128xi32, #tpu.memory_space<vmem>>
        %dma_start3A_2406 = arith.constant 0 : i32
        %dma_start3A_2407 = arith.constant 0 : i32
        %dma_start3A_2408 = tpu.memref_slice %arg3[%dma_start3A_2406, %dma_start3A_2407] : memref<1000000x64xf32, #tpu.memory_space<hbm>> -> memref<1000000x64xf32, #tpu.memory_space<hbm>>
        tpu.enqueue_indirect_dma source(%dma_start3A_2408 : memref<1000000x64xf32, #tpu.memory_space<hbm>>) target(%dma_start3A_2404 : memref<128x64xf32, #tpu.memory_space<vmem>>) offsets(%dma_start3A_2405 : memref<128xi32, #tpu.memory_space<vmem>>) semaphore(%arg11 : memref<!tpu.dma_semaphore, #tpu.memory_space<semaphore_mem>>)
      } else {
      }
      %mul3A_1874 = arith.constant 2 : i32
      %mul3A_1875 = arith.muli %mul3A_1874, %scan3A_1341 : i32
      %add3A_1876 = arith.constant 1 : i32
      %add3A_1877 = arith.addi %mul3A_1875, %add3A_1876 : i32
      %mul3A_1878 = arith.constant 2 : i32
      %mul3A_1879 = arith.muli %mul3A_1878, %add3A_1877 : i32
      %add3A_1880 = arith.addi %select_n3A, %mul3A_1879 : i32
      %jit3A_1881 = arith.constant 8 : i32
      %div3A_1882 = arith.divsi %add3A_1880, %jit3A_1881 : i32
      %sign3A_1883 = arith.constant 0 : i32
      %sign3A_1884 = arith.cmpi sgt, %add3A_1880, %sign3A_1883 : i32
      %sign3A_1885 = arith.extui %sign3A_1884 : i1 to i32
      %sign3A_1886 = arith.constant 0 : i32
      %sign3A_1887 = arith.cmpi slt, %add3A_1880, %sign3A_1886 : i32
      %sign3A_1888 = arith.extui %sign3A_1887 : i1 to i32
      %sign3A_1889 = arith.subi %sign3A_1885, %sign3A_1888 : i32
      %sign3A_1890 = arith.constant 0 : i32
      %sign3A_1891 = arith.cmpi sgt, %jit3A_1881, %sign3A_1890 : i32
      %sign3A_1892 = arith.extui %sign3A_1891 : i1 to i32
      %sign3A_1893 = arith.constant 0 : i32
      %sign3A_1894 = arith.cmpi slt, %jit3A_1881, %sign3A_1893 : i32
      %sign3A_1895 = arith.extui %sign3A_1894 : i1 to i32
      %sign3A_1896 = arith.subi %sign3A_1892, %sign3A_1895 : i32
      %ne3A_1897 = arith.cmpi ne, %sign3A_1889, %sign3A_1896 : i32
      %rem3A_1898 = arith.remsi %add3A_1880, %jit3A_1881 : i32
      %ne3A_1899 = arith.constant 0 : i32
      %ne3A_1900 = arith.cmpi ne, %rem3A_1898, %ne3A_1899 : i32
      %and3A_1901 = arith.andi %ne3A_1897, %ne3A_1900 : i1
      %sub3A_1902 = arith.constant 1 : i32
      %sub3A_1903 = arith.subi %div3A_1882, %sub3A_1902 : i32
      %select_n3A_1904 = arith.select %and3A_1901, %sub3A_1903, %div3A_1882 : i32
      %mul3A_1905 = arith.constant 8 : i32
      %mul3A_1906 = arith.muli %select_n3A_1904, %mul3A_1905 : i32
      %sub3A_1907 = arith.subi %add3A_1880, %mul3A_1906 : i32
      %mul3A_1908 = arith.constant 2 : i32
      %mul3A_1909 = arith.muli %select_n3A_1904, %mul3A_1908 : i32
      %add3A_1910 = arith.constant 0 : i32
      %add3A_1911 = arith.addi %mul3A_1909, %add3A_1910 : i32
      %mul3A_1912 = arith.constant 8 : i32
      %mul3A_1913 = arith.muli %add3A_1911, %mul3A_1912 : i32
      %add3A_1914 = arith.addi %mul3A_1913, %sub3A_1907 : i32
      %mul3A_1915 = arith.constant 128 : i32
      %mul3A_1916 = arith.muli %add3A_1914, %mul3A_1915 : i32
      %dma_wait3A_1917 = arith.constant 0 : i32
      %dma_wait3A_1918 = arith.constant 0 : i32
      %dma_wait3A_1919 = tpu.memref_slice %arg7[%dma_wait3A_1917, %dma_wait3A_1918] : memref<256x64xf32, #tpu.memory_space<vmem>> -> memref<128x64xf32, #tpu.memory_space<vmem>>
      %dma_wait3A_1920 = tpu.memref_slice %arg5[%mul3A_1916] : memref<51200xi32, #tpu.memory_space<vmem>> -> memref<128xi32, #tpu.memory_space<vmem>>
      %dma_wait3A_1921 = arith.constant 0 : i32
      %dma_wait3A_1922 = arith.constant 0 : i32
      %dma_wait3A_1923 = tpu.memref_slice %arg3[%dma_wait3A_1921, %dma_wait3A_1922] : memref<1000000x64xf32, #tpu.memory_space<hbm>> -> memref<1000000x64xf32, #tpu.memory_space<hbm>>
      tpu.wait_indirect_dma semaphore(%arg12 : memref<!tpu.dma_semaphore, #tpu.memory_space<semaphore_mem>>) src(%dma_wait3A_1923 : memref<1000000x64xf32, #tpu.memory_space<hbm>>) dst(%dma_wait3A_1919 : memref<128x64xf32, #tpu.memory_space<vmem>>)
      %mul3A_1924 = arith.constant 2 : i32
      %mul3A_1925 = arith.muli %select_n3A_1904, %mul3A_1924 : i32
      %add3A_1926 = arith.constant 1 : i32
      %add3A_1927 = arith.addi %mul3A_1925, %add3A_1926 : i32
      %mul3A_1928 = arith.constant 8 : i32
      %mul3A_1929 = arith.muli %add3A_1927, %mul3A_1928 : i32
      %add3A_1930 = arith.addi %mul3A_1929, %sub3A_1907 : i32
      %mul3A_1931 = arith.constant 128 : i32
      %mul3A_1932 = arith.muli %add3A_1930, %mul3A_1931 : i32
      %dma_wait3A_1933 = arith.constant 128 : i32
      %dma_wait3A_1934 = arith.constant 0 : i32
      %dma_wait3A_1935 = tpu.memref_slice %arg7[%dma_wait3A_1933, %dma_wait3A_1934] : memref<256x64xf32, #tpu.memory_space<vmem>> -> memref<128x64xf32, #tpu.memory_space<vmem>>
      %dma_wait3A_1936 = tpu.memref_slice %arg5[%mul3A_1932] : memref<51200xi32, #tpu.memory_space<vmem>> -> memref<128xi32, #tpu.memory_space<vmem>>
      %dma_wait3A_1937 = arith.constant 0 : i32
      %dma_wait3A_1938 = arith.constant 0 : i32
      %dma_wait3A_1939 = tpu.memref_slice %arg3[%dma_wait3A_1937, %dma_wait3A_1938] : memref<1000000x64xf32, #tpu.memory_space<hbm>> -> memref<1000000x64xf32, #tpu.memory_space<hbm>>
      tpu.wait_indirect_dma semaphore(%arg12 : memref<!tpu.dma_semaphore, #tpu.memory_space<semaphore_mem>>) src(%dma_wait3A_1939 : memref<1000000x64xf32, #tpu.memory_space<hbm>>) dst(%dma_wait3A_1935 : memref<128x64xf32, #tpu.memory_space<vmem>>)
      %gt3A_1940 = arith.constant 0 : i32
      %gt3A_1941 = arith.cmpi sgt, %scan3A_1341, %gt3A_1940 : i32
      %convert_element_type3A_1942 = arith.extui %gt3A_1941 : i1 to i32
      %cond3A_1943 = arith.constant 0 : i32
      %cond3A_1944 = arith.cmpi ne, %convert_element_type3A_1942, %cond3A_1943 : i32
      scf.if %cond3A_1944 {
        %mul3A_2343 = arith.constant 2 : i32
        %mul3A_2344 = arith.muli %mul3A_2343, %scan3A_1341 : i32
        %sub3A_2345 = arith.constant 1 : i32
        %sub3A_2346 = arith.subi %mul3A_2344, %sub3A_2345 : i32
        %mul3A_2347 = arith.constant 2 : i32
        %mul3A_2348 = arith.muli %mul3A_2347, %sub3A_2346 : i32
        %add3A_2349 = arith.addi %select_n3A, %mul3A_2348 : i32
        %mul3A_2350 = arith.constant 8 : i32
        %mul3A_2351 = arith.muli %add3A_2349, %mul3A_2350 : i32
        %add3A_2352 = arith.constant 0 : i32
        %add3A_2353 = arith.addi %mul3A_2351, %add3A_2352 : i32
        %mul3A_2354 = arith.constant 32 : i32
        %mul3A_2355 = arith.muli %add3A_2353, %mul3A_2354 : i32
        %add3A_2356 = arith.addi %mul3A_2355, %mul3A_32 : i32
        %mul3A_2357 = arith.constant 1024 : i32
        %mul3A_2358 = arith.muli %add3A_2356, %mul3A_2357 : i32
        %dma_wait3A_2359 = arith.constant 0 : i32
        %dma_wait3A_2360 = tpu.memref_slice %arg9[%dma_wait3A_2359] : memref<16384xf32, #tpu.memory_space<vmem>> -> memref<2048xf32, #tpu.memory_space<vmem>>
        %dma_wait3A_2361 = tpu.memref_slice %arg4[%mul3A_2358] : memref<52428800xf32, #tpu.memory_space<hbm>> -> memref<2048xf32, #tpu.memory_space<hbm>>
        %dma_wait3A_2362 = tpu.memref_slice %arg4[%mul3A_2358] : memref<52428800xf32, #tpu.memory_space<hbm>> -> memref<2048xf32, #tpu.memory_space<hbm>>
        %dma_wait3A_2363 = arith.constant 0 : i32
        %dma_wait3A_2364 = tpu.memref_slice %arg9[%dma_wait3A_2363] : memref<16384xf32, #tpu.memory_space<vmem>> -> memref<2048xf32, #tpu.memory_space<vmem>>
        tpu.wait_dma2 semaphore(%arg14 : memref<!tpu.dma_semaphore, #tpu.memory_space<semaphore_mem>>) src(%dma_wait3A_2364 : memref<2048xf32, #tpu.memory_space<vmem>>) dst(%dma_wait3A_2362 : memref<2048xf32, #tpu.memory_space<hbm>>)
        %mul3A_2365 = arith.constant 8 : i32
        %mul3A_2366 = arith.muli %add3A_2349, %mul3A_2365 : i32
        %add3A_2367 = arith.constant 1 : i32
        %add3A_2368 = arith.addi %mul3A_2366, %add3A_2367 : i32
        %mul3A_2369 = arith.constant 32 : i32
        %mul3A_2370 = arith.muli %add3A_2368, %mul3A_2369 : i32
        %add3A_2371 = arith.addi %mul3A_2370, %mul3A_32 : i32
        %mul3A_2372 = arith.constant 1024 : i32
        %mul3A_2373 = arith.muli %add3A_2371, %mul3A_2372 : i32
        %dma_wait3A_2374 = arith.constant 2048 : i32
        %dma_wait3A_2375 = tpu.memref_slice %arg9[%dma_wait3A_2374] : memref<16384xf32, #tpu.memory_space<vmem>> -> memref<2048xf32, #tpu.memory_space<vmem>>
        %dma_wait3A_2376 = tpu.memref_slice %arg4[%mul3A_2373] : memref<52428800xf32, #tpu.memory_space<hbm>> -> memref<2048xf32, #tpu.memory_space<hbm>>
        %dma_wait3A_2377 = tpu.memref_slice %arg4[%mul3A_2373] : memref<52428800xf32, #tpu.memory_space<hbm>> -> memref<2048xf32, #tpu.memory_space<hbm>>
        %dma_wait3A_2378 = arith.constant 2048 : i32
        %dma_wait3A_2379 = tpu.memref_slice %arg9[%dma_wait3A_2378] : memref<16384xf32, #tpu.memory_space<vmem>> -> memref<2048xf32, #tpu.memory_space<vmem>>
        tpu.wait_dma2 semaphore(%arg14 : memref<!tpu.dma_semaphore, #tpu.memory_space<semaphore_mem>>) src(%dma_wait3A_2379 : memref<2048xf32, #tpu.memory_space<vmem>>) dst(%dma_wait3A_2377 : memref<2048xf32, #tpu.memory_space<hbm>>)
        %mul3A_2380 = arith.constant 8 : i32
        %mul3A_2381 = arith.muli %add3A_2349, %mul3A_2380 : i32
        %add3A_2382 = arith.constant 2 : i32
        %add3A_2383 = arith.addi %mul3A_2381, %add3A_2382 : i32
        %mul3A_2384 = arith.constant 32 : i32
        %mul3A_2385 = arith.muli %add3A_2383, %mul3A_2384 : i32
        %add3A_2386 = arith.addi %mul3A_2385, %mul3A_32 : i32
        %mul3A_2387 = arith.constant 1024 : i32
        %mul3A_2388 = arith.muli %add3A_2386, %mul3A_2387 : i32
        %dma_wait3A_2389 = arith.constant 4096 : i32
        %dma_wait3A_2390 = tpu.memref_slice %arg9[%dma_wait3A_2389] : memref<16384xf32, #tpu.memory_space<vmem>> -> memref<2048xf32, #tpu.memory_space<vmem>>
        %dma_wait3A_2391 = tpu.memref_slice %arg4[%mul3A_2388] : memref<52428800xf32, #tpu.memory_space<hbm>> -> memref<2048xf32, #tpu.memory_space<hbm>>
        %dma_wait3A_2392 = tpu.memref_slice %arg4[%mul3A_2388] : memref<52428800xf32, #tpu.memory_space<hbm>> -> memref<2048xf32, #tpu.memory_space<hbm>>
        %dma_wait3A_2393 = arith.constant 4096 : i32
        %dma_wait3A_2394 = tpu.memref_slice %arg9[%dma_wait3A_2393] : memref<16384xf32, #tpu.memory_space<vmem>> -> memref<2048xf32, #tpu.memory_space<vmem>>
        tpu.wait_dma2 semaphore(%arg14 : memref<!tpu.dma_semaphore, #tpu.memory_space<semaphore_mem>>) src(%dma_wait3A_2394 : memref<2048xf32, #tpu.memory_space<vmem>>) dst(%dma_wait3A_2392 : memref<2048xf32, #tpu.memory_space<hbm>>)
        %mul3A_2395 = arith.constant 8 : i32
        %mul3A_2396 = arith.muli %add3A_2349, %mul3A_2395 : i32
        %add3A_2397 = arith.constant 3 : i32
        %add3A_2398 = arith.addi %mul3A_2396, %add3A_2397 : i32
        %mul3A_2399 = arith.constant 32 : i32
        %mul3A_2400 = arith.muli %add3A_2398, %mul3A_2399 : i32
        %add3A_2401 = arith.addi %mul3A_2400, %mul3A_32 : i32
        %mul3A_2402 = arith.constant 1024 : i32
        %mul3A_2403 = arith.muli %add3A_2401, %mul3A_2402 : i32
        %dma_wait3A_2404 = arith.constant 6144 : i32
        %dma_wait3A_2405 = tpu.memref_slice %arg9[%dma_wait3A_2404] : memref<16384xf32, #tpu.memory_space<vmem>> -> memref<2048xf32, #tpu.memory_space<vmem>>
        %dma_wait3A_2406 = tpu.memref_slice %arg4[%mul3A_2403] : memref<52428800xf32, #tpu.memory_space<hbm>> -> memref<2048xf32, #tpu.memory_space<hbm>>
        %dma_wait3A_2407 = tpu.memref_slice %arg4[%mul3A_2403] : memref<52428800xf32, #tpu.memory_space<hbm>> -> memref<2048xf32, #tpu.memory_space<hbm>>
        %dma_wait3A_2408 = arith.constant 6144 : i32
        %dma_wait3A_2409 = tpu.memref_slice %arg9[%dma_wait3A_2408] : memref<16384xf32, #tpu.memory_space<vmem>> -> memref<2048xf32, #tpu.memory_space<vmem>>
        tpu.wait_dma2 semaphore(%arg14 : memref<!tpu.dma_semaphore, #tpu.memory_space<semaphore_mem>>) src(%dma_wait3A_2409 : memref<2048xf32, #tpu.memory_space<vmem>>) dst(%dma_wait3A_2407 : memref<2048xf32, #tpu.memory_space<hbm>>)
        %mul3A_2410 = arith.constant 8 : i32
        %mul3A_2411 = arith.muli %add3A_2349, %mul3A_2410 : i32
        %add3A_2412 = arith.constant 4 : i32
        %add3A_2413 = arith.addi %mul3A_2411, %add3A_2412 : i32
        %mul3A_2414 = arith.constant 32 : i32
        %mul3A_2415 = arith.muli %add3A_2413, %mul3A_2414 : i32
        %add3A_2416 = arith.addi %mul3A_2415, %mul3A_32 : i32
        %mul3A_2417 = arith.constant 1024 : i32
        %mul3A_2418 = arith.muli %add3A_2416, %mul3A_2417 : i32
        %dma_wait3A_2419 = arith.constant 8192 : i32
        %dma_wait3A_2420 = tpu.memref_slice %arg9[%dma_wait3A_2419] : memref<16384xf32, #tpu.memory_space<vmem>> -> memref<2048xf32, #tpu.memory_space<vmem>>
        %dma_wait3A_2421 = tpu.memref_slice %arg4[%mul3A_2418] : memref<52428800xf32, #tpu.memory_space<hbm>> -> memref<2048xf32, #tpu.memory_space<hbm>>
        %dma_wait3A_2422 = tpu.memref_slice %arg4[%mul3A_2418] : memref<52428800xf32, #tpu.memory_space<hbm>> -> memref<2048xf32, #tpu.memory_space<hbm>>
        %dma_wait3A_2423 = arith.constant 8192 : i32
        %dma_wait3A_2424 = tpu.memref_slice %arg9[%dma_wait3A_2423] : memref<16384xf32, #tpu.memory_space<vmem>> -> memref<2048xf32, #tpu.memory_space<vmem>>
        tpu.wait_dma2 semaphore(%arg14 : memref<!tpu.dma_semaphore, #tpu.memory_space<semaphore_mem>>) src(%dma_wait3A_2424 : memref<2048xf32, #tpu.memory_space<vmem>>) dst(%dma_wait3A_2422 : memref<2048xf32, #tpu.memory_space<hbm>>)
        %mul3A_2425 = arith.constant 8 : i32
        %mul3A_2426 = arith.muli %add3A_2349, %mul3A_2425 : i32
        %add3A_2427 = arith.constant 5 : i32
        %add3A_2428 = arith.addi %mul3A_2426, %add3A_2427 : i32
        %mul3A_2429 = arith.constant 32 : i32
        %mul3A_2430 = arith.muli %add3A_2428, %mul3A_2429 : i32
        %add3A_2431 = arith.addi %mul3A_2430, %mul3A_32 : i32
        %mul3A_2432 = arith.constant 1024 : i32
        %mul3A_2433 = arith.muli %add3A_2431, %mul3A_2432 : i32
        %dma_wait3A_2434 = arith.constant 10240 : i32
        %dma_wait3A_2435 = tpu.memref_slice %arg9[%dma_wait3A_2434] : memref<16384xf32, #tpu.memory_space<vmem>> -> memref<2048xf32, #tpu.memory_space<vmem>>
        %dma_wait3A_2436 = tpu.memref_slice %arg4[%mul3A_2433] : memref<52428800xf32, #tpu.memory_space<hbm>> -> memref<2048xf32, #tpu.memory_space<hbm>>
        %dma_wait3A_2437 = tpu.memref_slice %arg4[%mul3A_2433] : memref<52428800xf32, #tpu.memory_space<hbm>> -> memref<2048xf32, #tpu.memory_space<hbm>>
        %dma_wait3A_2438 = arith.constant 10240 : i32
        %dma_wait3A_2439 = tpu.memref_slice %arg9[%dma_wait3A_2438] : memref<16384xf32, #tpu.memory_space<vmem>> -> memref<2048xf32, #tpu.memory_space<vmem>>
        tpu.wait_dma2 semaphore(%arg14 : memref<!tpu.dma_semaphore, #tpu.memory_space<semaphore_mem>>) src(%dma_wait3A_2439 : memref<2048xf32, #tpu.memory_space<vmem>>) dst(%dma_wait3A_2437 : memref<2048xf32, #tpu.memory_space<hbm>>)
        %mul3A_2440 = arith.constant 8 : i32
        %mul3A_2441 = arith.muli %add3A_2349, %mul3A_2440 : i32
        %add3A_2442 = arith.constant 6 : i32
        %add3A_2443 = arith.addi %mul3A_2441, %add3A_2442 : i32
        %mul3A_2444 = arith.constant 32 : i32
        %mul3A_2445 = arith.muli %add3A_2443, %mul3A_2444 : i32
        %add3A_2446 = arith.addi %mul3A_2445, %mul3A_32 : i32
        %mul3A_2447 = arith.constant 1024 : i32
        %mul3A_2448 = arith.muli %add3A_2446, %mul3A_2447 : i32
        %dma_wait3A_2449 = arith.constant 12288 : i32
        %dma_wait3A_2450 = tpu.memref_slice %arg9[%dma_wait3A_2449] : memref<16384xf32, #tpu.memory_space<vmem>> -> memref<2048xf32, #tpu.memory_space<vmem>>
        %dma_wait3A_2451 = tpu.memref_slice %arg4[%mul3A_2448] : memref<52428800xf32, #tpu.memory_space<hbm>> -> memref<2048xf32, #tpu.memory_space<hbm>>
        %dma_wait3A_2452 = tpu.memref_slice %arg4[%mul3A_2448] : memref<52428800xf32, #tpu.memory_space<hbm>> -> memref<2048xf32, #tpu.memory_space<hbm>>
        %dma_wait3A_2453 = arith.constant 12288 : i32
        %dma_wait3A_2454 = tpu.memref_slice %arg9[%dma_wait3A_2453] : memref<16384xf32, #tpu.memory_space<vmem>> -> memref<2048xf32, #tpu.memory_space<vmem>>
        tpu.wait_dma2 semaphore(%arg14 : memref<!tpu.dma_semaphore, #tpu.memory_space<semaphore_mem>>) src(%dma_wait3A_2454 : memref<2048xf32, #tpu.memory_space<vmem>>) dst(%dma_wait3A_2452 : memref<2048xf32, #tpu.memory_space<hbm>>)
        %mul3A_2455 = arith.constant 8 : i32
        %mul3A_2456 = arith.muli %add3A_2349, %mul3A_2455 : i32
        %add3A_2457 = arith.constant 7 : i32
        %add3A_2458 = arith.addi %mul3A_2456, %add3A_2457 : i32
        %mul3A_2459 = arith.constant 32 : i32
        %mul3A_2460 = arith.muli %add3A_2458, %mul3A_2459 : i32
        %add3A_2461 = arith.addi %mul3A_2460, %mul3A_32 : i32
        %mul3A_2462 = arith.constant 1024 : i32
        %mul3A_2463 = arith.muli %add3A_2461, %mul3A_2462 : i32
        %dma_wait3A_2464 = arith.constant 14336 : i32
        %dma_wait3A_2465 = tpu.memref_slice %arg9[%dma_wait3A_2464] : memref<16384xf32, #tpu.memory_space<vmem>> -> memref<2048xf32, #tpu.memory_space<vmem>>
        %dma_wait3A_2466 = tpu.memref_slice %arg4[%mul3A_2463] : memref<52428800xf32, #tpu.memory_space<hbm>> -> memref<2048xf32, #tpu.memory_space<hbm>>
        %dma_wait3A_2467 = tpu.memref_slice %arg4[%mul3A_2463] : memref<52428800xf32, #tpu.memory_space<hbm>> -> memref<2048xf32, #tpu.memory_space<hbm>>
        %dma_wait3A_2468 = arith.constant 14336 : i32
        %dma_wait3A_2469 = tpu.memref_slice %arg9[%dma_wait3A_2468] : memref<16384xf32, #tpu.memory_space<vmem>> -> memref<2048xf32, #tpu.memory_space<vmem>>
        tpu.wait_dma2 semaphore(%arg14 : memref<!tpu.dma_semaphore, #tpu.memory_space<semaphore_mem>>) src(%dma_wait3A_2469 : memref<2048xf32, #tpu.memory_space<vmem>>) dst(%dma_wait3A_2467 : memref<2048xf32, #tpu.memory_space<hbm>>)
      } else {
      }
      %iota3A_1945 = tpu.iota {dimensions = array<i32: 0>} : vector<16xi32>
      %add3A_1946 = arith.constant 0 : i32
      %add3A_1947 = vector.broadcast %add3A_1946 : i32 to vector<16xi32>
      %add3A_1948 = arith.addi %add3A_1947, %iota3A_1945 : vector<16xi32>
      %jit3A_1949 = arith.constant 8 : i32
      %div3A_1950 = vector.broadcast %jit3A_1949 : i32 to vector<16xi32>
      %div3A_1951 = arith.divsi %add3A_1948, %div3A_1950 : vector<16xi32>
      %sign3A_1952 = arith.constant 0 : i32
      %sign3A_1953 = vector.broadcast %sign3A_1952 : i32 to vector<16xi32>
      %sign3A_1954 = arith.cmpi sgt, %add3A_1948, %sign3A_1953 : vector<16xi32>
      %sign3A_1955 = arith.extui %sign3A_1954 : vector<16xi1> to vector<16xi32>
      %sign3A_1956 = arith.constant 0 : i32
      %sign3A_1957 = vector.broadcast %sign3A_1956 : i32 to vector<16xi32>
      %sign3A_1958 = arith.cmpi slt, %add3A_1948, %sign3A_1957 : vector<16xi32>
      %sign3A_1959 = arith.extui %sign3A_1958 : vector<16xi1> to vector<16xi32>
      %sign3A_1960 = arith.subi %sign3A_1955, %sign3A_1959 : vector<16xi32>
      %sign3A_1961 = arith.constant 0 : i32
      %sign3A_1962 = arith.cmpi sgt, %jit3A_1949, %sign3A_1961 : i32
      %sign3A_1963 = arith.extui %sign3A_1962 : i1 to i32
      %sign3A_1964 = arith.constant 0 : i32
      %sign3A_1965 = arith.cmpi slt, %jit3A_1949, %sign3A_1964 : i32
      %sign3A_1966 = arith.extui %sign3A_1965 : i1 to i32
      %sign3A_1967 = arith.subi %sign3A_1963, %sign3A_1966 : i32
      %ne3A_1968 = vector.broadcast %sign3A_1967 : i32 to vector<16xi32>
      %ne3A_1969 = arith.cmpi ne, %sign3A_1960, %ne3A_1968 : vector<16xi32>
      %rem3A_1970 = vector.broadcast %jit3A_1949 : i32 to vector<16xi32>
      %rem3A_1971 = arith.remsi %add3A_1948, %rem3A_1970 : vector<16xi32>
      %ne3A_1972 = arith.constant 0 : i32
      %ne3A_1973 = vector.broadcast %ne3A_1972 : i32 to vector<16xi32>
      %ne3A_1974 = arith.cmpi ne, %rem3A_1971, %ne3A_1973 : vector<16xi32>
      %and3A_1975 = arith.andi %ne3A_1969, %ne3A_1974 : vector<16xi1>
      %sub3A_1976 = arith.constant 1 : i32
      %sub3A_1977 = vector.broadcast %sub3A_1976 : i32 to vector<16xi32>
      %sub3A_1978 = arith.subi %div3A_1951, %sub3A_1977 : vector<16xi32>
      %select_n3A_1979 = arith.select %and3A_1975, %sub3A_1978, %div3A_1951 : vector<16xi1>, vector<16xi32>
      %mul3A_1980 = arith.constant 2048 : i32
      %mul3A_1981 = vector.broadcast %mul3A_1980 : i32 to vector<16xi32>
      %mul3A_1982 = arith.muli %select_n3A_1979, %mul3A_1981 : vector<16xi32>
      %add3A_1983 = arith.constant 0 : i32
      %add3A_1984 = vector.broadcast %add3A_1983 : i32 to vector<16xi32>
      %add3A_1985 = arith.addi %add3A_1984, %iota3A_1945 : vector<16xi32>
      %jit3A_1986 = arith.constant 8 : i32
      %eq3A_1987 = arith.constant 0 : i32
      %eq3A_1988 = arith.cmpi eq, %jit3A_1986, %eq3A_1987 : i32
      %jit3A_1989 = arith.constant 1 : i32
      %select_n3A_1990 = arith.select %eq3A_1988, %jit3A_1989, %jit3A_1986 : i32
      %rem3A_1991 = vector.broadcast %select_n3A_1990 : i32 to vector<16xi32>
      %rem3A_1992 = arith.remsi %add3A_1985, %rem3A_1991 : vector<16xi32>
      %ne3A_1993 = arith.constant 0 : i32
      %ne3A_1994 = vector.broadcast %ne3A_1993 : i32 to vector<16xi32>
      %ne3A_1995 = arith.cmpi ne, %rem3A_1992, %ne3A_1994 : vector<16xi32>
      %lt3A_1996 = arith.constant 0 : i32
      %lt3A_1997 = vector.broadcast %lt3A_1996 : i32 to vector<16xi32>
      %lt3A_1998 = arith.cmpi slt, %rem3A_1992, %lt3A_1997 : vector<16xi32>
      %lt3A_1999 = arith.constant 0 : i32
      %lt3A_2000 = arith.cmpi slt, %select_n3A_1990, %lt3A_1999 : i32
      %ne3A_2001 = vector.broadcast %lt3A_2000 : i1 to vector<16xi1>
      %ne3A_2002 = vector.broadcast %ne3A_2001 : vector<16xi1> to vector<16xi1>
      %ne3A_2003 = arith.xori %lt3A_1998, %ne3A_2002 : vector<16xi1>
      %and3A_2004 = arith.andi %ne3A_2003, %ne3A_1995 : vector<16xi1>
      %add3A_2005 = vector.broadcast %select_n3A_1990 : i32 to vector<16xi32>
      %add3A_2006 = arith.addi %rem3A_1992, %add3A_2005 : vector<16xi32>
      %select_n3A_2007 = arith.select %and3A_2004, %add3A_2006, %rem3A_1992 : vector<16xi1>, vector<16xi32>
      %mul3A_2008 = arith.constant 128 : i32
      %mul3A_2009 = vector.broadcast %mul3A_2008 : i32 to vector<16xi32>
      %mul3A_2010 = arith.muli %select_n3A_2007, %mul3A_2009 : vector<16xi32>
      %add3A_2011 = arith.addi %mul3A_1982, %mul3A_2010 : vector<16xi32>
      %add3A_2012 = arith.constant 16 : i32
      %add3A_2013 = vector.broadcast %add3A_2012 : i32 to vector<16xi32>
      %add3A_2014 = arith.addi %add3A_2013, %iota3A_1945 : vector<16xi32>
      %jit3A_2015 = arith.constant 8 : i32
      %div3A_2016 = vector.broadcast %jit3A_2015 : i32 to vector<16xi32>
      %div3A_2017 = arith.divsi %add3A_2014, %div3A_2016 : vector<16xi32>
      %sign3A_2018 = arith.constant 0 : i32
      %sign3A_2019 = vector.broadcast %sign3A_2018 : i32 to vector<16xi32>
      %sign3A_2020 = arith.cmpi sgt, %add3A_2014, %sign3A_2019 : vector<16xi32>
      %sign3A_2021 = arith.extui %sign3A_2020 : vector<16xi1> to vector<16xi32>
      %sign3A_2022 = arith.constant 0 : i32
      %sign3A_2023 = vector.broadcast %sign3A_2022 : i32 to vector<16xi32>
      %sign3A_2024 = arith.cmpi slt, %add3A_2014, %sign3A_2023 : vector<16xi32>
      %sign3A_2025 = arith.extui %sign3A_2024 : vector<16xi1> to vector<16xi32>
      %sign3A_2026 = arith.subi %sign3A_2021, %sign3A_2025 : vector<16xi32>
      %sign3A_2027 = arith.constant 0 : i32
      %sign3A_2028 = arith.cmpi sgt, %jit3A_2015, %sign3A_2027 : i32
      %sign3A_2029 = arith.extui %sign3A_2028 : i1 to i32
      %sign3A_2030 = arith.constant 0 : i32
      %sign3A_2031 = arith.cmpi slt, %jit3A_2015, %sign3A_2030 : i32
      %sign3A_2032 = arith.extui %sign3A_2031 : i1 to i32
      %sign3A_2033 = arith.subi %sign3A_2029, %sign3A_2032 : i32
      %ne3A_2034 = vector.broadcast %sign3A_2033 : i32 to vector<16xi32>
      %ne3A_2035 = arith.cmpi ne, %sign3A_2026, %ne3A_2034 : vector<16xi32>
      %rem3A_2036 = vector.broadcast %jit3A_2015 : i32 to vector<16xi32>
      %rem3A_2037 = arith.remsi %add3A_2014, %rem3A_2036 : vector<16xi32>
      %ne3A_2038 = arith.constant 0 : i32
      %ne3A_2039 = vector.broadcast %ne3A_2038 : i32 to vector<16xi32>
      %ne3A_2040 = arith.cmpi ne, %rem3A_2037, %ne3A_2039 : vector<16xi32>
      %and3A_2041 = arith.andi %ne3A_2035, %ne3A_2040 : vector<16xi1>
      %sub3A_2042 = arith.constant 1 : i32
      %sub3A_2043 = vector.broadcast %sub3A_2042 : i32 to vector<16xi32>
      %sub3A_2044 = arith.subi %div3A_2017, %sub3A_2043 : vector<16xi32>
      %select_n3A_2045 = arith.select %and3A_2041, %sub3A_2044, %div3A_2017 : vector<16xi1>, vector<16xi32>
      %mul3A_2046 = arith.constant 2048 : i32
      %mul3A_2047 = vector.broadcast %mul3A_2046 : i32 to vector<16xi32>
      %mul3A_2048 = arith.muli %select_n3A_2045, %mul3A_2047 : vector<16xi32>
      %add3A_2049 = arith.constant 16 : i32
      %add3A_2050 = vector.broadcast %add3A_2049 : i32 to vector<16xi32>
      %add3A_2051 = arith.addi %add3A_2050, %iota3A_1945 : vector<16xi32>
      %jit3A_2052 = arith.constant 8 : i32
      %eq3A_2053 = arith.constant 0 : i32
      %eq3A_2054 = arith.cmpi eq, %jit3A_2052, %eq3A_2053 : i32
      %jit3A_2055 = arith.constant 1 : i32
      %select_n3A_2056 = arith.select %eq3A_2054, %jit3A_2055, %jit3A_2052 : i32
      %rem3A_2057 = vector.broadcast %select_n3A_2056 : i32 to vector<16xi32>
      %rem3A_2058 = arith.remsi %add3A_2051, %rem3A_2057 : vector<16xi32>
      %ne3A_2059 = arith.constant 0 : i32
      %ne3A_2060 = vector.broadcast %ne3A_2059 : i32 to vector<16xi32>
      %ne3A_2061 = arith.cmpi ne, %rem3A_2058, %ne3A_2060 : vector<16xi32>
      %lt3A_2062 = arith.constant 0 : i32
      %lt3A_2063 = vector.broadcast %lt3A_2062 : i32 to vector<16xi32>
      %lt3A_2064 = arith.cmpi slt, %rem3A_2058, %lt3A_2063 : vector<16xi32>
      %lt3A_2065 = arith.constant 0 : i32
      %lt3A_2066 = arith.cmpi slt, %select_n3A_2056, %lt3A_2065 : i32
      %ne3A_2067 = vector.broadcast %lt3A_2066 : i1 to vector<16xi1>
      %ne3A_2068 = vector.broadcast %ne3A_2067 : vector<16xi1> to vector<16xi1>
      %ne3A_2069 = arith.xori %lt3A_2064, %ne3A_2068 : vector<16xi1>
      %and3A_2070 = arith.andi %ne3A_2069, %ne3A_2061 : vector<16xi1>
      %add3A_2071 = vector.broadcast %select_n3A_2056 : i32 to vector<16xi32>
      %add3A_2072 = arith.addi %rem3A_2058, %add3A_2071 : vector<16xi32>
      %select_n3A_2073 = arith.select %and3A_2070, %add3A_2072, %rem3A_2058 : vector<16xi1>, vector<16xi32>
      %mul3A_2074 = arith.constant 128 : i32
      %mul3A_2075 = vector.broadcast %mul3A_2074 : i32 to vector<16xi32>
      %mul3A_2076 = arith.muli %select_n3A_2073, %mul3A_2075 : vector<16xi32>
      %add3A_2077 = arith.addi %mul3A_2048, %mul3A_2076 : vector<16xi32>
      %add3A_2078 = arith.constant 32 : i32
      %add3A_2079 = vector.broadcast %add3A_2078 : i32 to vector<16xi32>
      %add3A_2080 = arith.addi %add3A_2079, %iota3A_1945 : vector<16xi32>
      %jit3A_2081 = arith.constant 8 : i32
      %div3A_2082 = vector.broadcast %jit3A_2081 : i32 to vector<16xi32>
      %div3A_2083 = arith.divsi %add3A_2080, %div3A_2082 : vector<16xi32>
      %sign3A_2084 = arith.constant 0 : i32
      %sign3A_2085 = vector.broadcast %sign3A_2084 : i32 to vector<16xi32>
      %sign3A_2086 = arith.cmpi sgt, %add3A_2080, %sign3A_2085 : vector<16xi32>
      %sign3A_2087 = arith.extui %sign3A_2086 : vector<16xi1> to vector<16xi32>
      %sign3A_2088 = arith.constant 0 : i32
      %sign3A_2089 = vector.broadcast %sign3A_2088 : i32 to vector<16xi32>
      %sign3A_2090 = arith.cmpi slt, %add3A_2080, %sign3A_2089 : vector<16xi32>
      %sign3A_2091 = arith.extui %sign3A_2090 : vector<16xi1> to vector<16xi32>
      %sign3A_2092 = arith.subi %sign3A_2087, %sign3A_2091 : vector<16xi32>
      %sign3A_2093 = arith.constant 0 : i32
      %sign3A_2094 = arith.cmpi sgt, %jit3A_2081, %sign3A_2093 : i32
      %sign3A_2095 = arith.extui %sign3A_2094 : i1 to i32
      %sign3A_2096 = arith.constant 0 : i32
      %sign3A_2097 = arith.cmpi slt, %jit3A_2081, %sign3A_2096 : i32
      %sign3A_2098 = arith.extui %sign3A_2097 : i1 to i32
      %sign3A_2099 = arith.subi %sign3A_2095, %sign3A_2098 : i32
      %ne3A_2100 = vector.broadcast %sign3A_2099 : i32 to vector<16xi32>
      %ne3A_2101 = arith.cmpi ne, %sign3A_2092, %ne3A_2100 : vector<16xi32>
      %rem3A_2102 = vector.broadcast %jit3A_2081 : i32 to vector<16xi32>
      %rem3A_2103 = arith.remsi %add3A_2080, %rem3A_2102 : vector<16xi32>
      %ne3A_2104 = arith.constant 0 : i32
      %ne3A_2105 = vector.broadcast %ne3A_2104 : i32 to vector<16xi32>
      %ne3A_2106 = arith.cmpi ne, %rem3A_2103, %ne3A_2105 : vector<16xi32>
      %and3A_2107 = arith.andi %ne3A_2101, %ne3A_2106 : vector<16xi1>
      %sub3A_2108 = arith.constant 1 : i32
      %sub3A_2109 = vector.broadcast %sub3A_2108 : i32 to vector<16xi32>
      %sub3A_2110 = arith.subi %div3A_2083, %sub3A_2109 : vector<16xi32>
      %select_n3A_2111 = arith.select %and3A_2107, %sub3A_2110, %div3A_2083 : vector<16xi1>, vector<16xi32>
      %mul3A_2112 = arith.constant 2048 : i32
      %mul3A_2113 = vector.broadcast %mul3A_2112 : i32 to vector<16xi32>
      %mul3A_2114 = arith.muli %select_n3A_2111, %mul3A_2113 : vector<16xi32>
      %add3A_2115 = arith.constant 32 : i32
      %add3A_2116 = vector.broadcast %add3A_2115 : i32 to vector<16xi32>
      %add3A_2117 = arith.addi %add3A_2116, %iota3A_1945 : vector<16xi32>
      %jit3A_2118 = arith.constant 8 : i32
      %eq3A_2119 = arith.constant 0 : i32
      %eq3A_2120 = arith.cmpi eq, %jit3A_2118, %eq3A_2119 : i32
      %jit3A_2121 = arith.constant 1 : i32
      %select_n3A_2122 = arith.select %eq3A_2120, %jit3A_2121, %jit3A_2118 : i32
      %rem3A_2123 = vector.broadcast %select_n3A_2122 : i32 to vector<16xi32>
      %rem3A_2124 = arith.remsi %add3A_2117, %rem3A_2123 : vector<16xi32>
      %ne3A_2125 = arith.constant 0 : i32
      %ne3A_2126 = vector.broadcast %ne3A_2125 : i32 to vector<16xi32>
      %ne3A_2127 = arith.cmpi ne, %rem3A_2124, %ne3A_2126 : vector<16xi32>
      %lt3A_2128 = arith.constant 0 : i32
      %lt3A_2129 = vector.broadcast %lt3A_2128 : i32 to vector<16xi32>
      %lt3A_2130 = arith.cmpi slt, %rem3A_2124, %lt3A_2129 : vector<16xi32>
      %lt3A_2131 = arith.constant 0 : i32
      %lt3A_2132 = arith.cmpi slt, %select_n3A_2122, %lt3A_2131 : i32
      %ne3A_2133 = vector.broadcast %lt3A_2132 : i1 to vector<16xi1>
      %ne3A_2134 = vector.broadcast %ne3A_2133 : vector<16xi1> to vector<16xi1>
      %ne3A_2135 = arith.xori %lt3A_2130, %ne3A_2134 : vector<16xi1>
      %and3A_2136 = arith.andi %ne3A_2135, %ne3A_2127 : vector<16xi1>
      %add3A_2137 = vector.broadcast %select_n3A_2122 : i32 to vector<16xi32>
      %add3A_2138 = arith.addi %rem3A_2124, %add3A_2137 : vector<16xi32>
      %select_n3A_2139 = arith.select %and3A_2136, %add3A_2138, %rem3A_2124 : vector<16xi1>, vector<16xi32>
      %mul3A_2140 = arith.constant 128 : i32
      %mul3A_2141 = vector.broadcast %mul3A_2140 : i32 to vector<16xi32>
      %mul3A_2142 = arith.muli %select_n3A_2139, %mul3A_2141 : vector<16xi32>
      %add3A_2143 = arith.addi %mul3A_2114, %mul3A_2142 : vector<16xi32>
      %add3A_2144 = arith.constant 48 : i32
      %add3A_2145 = vector.broadcast %add3A_2144 : i32 to vector<16xi32>
      %add3A_2146 = arith.addi %add3A_2145, %iota3A_1945 : vector<16xi32>
      %jit3A_2147 = arith.constant 8 : i32
      %div3A_2148 = vector.broadcast %jit3A_2147 : i32 to vector<16xi32>
      %div3A_2149 = arith.divsi %add3A_2146, %div3A_2148 : vector<16xi32>
      %sign3A_2150 = arith.constant 0 : i32
      %sign3A_2151 = vector.broadcast %sign3A_2150 : i32 to vector<16xi32>
      %sign3A_2152 = arith.cmpi sgt, %add3A_2146, %sign3A_2151 : vector<16xi32>
      %sign3A_2153 = arith.extui %sign3A_2152 : vector<16xi1> to vector<16xi32>
      %sign3A_2154 = arith.constant 0 : i32
      %sign3A_2155 = vector.broadcast %sign3A_2154 : i32 to vector<16xi32>
      %sign3A_2156 = arith.cmpi slt, %add3A_2146, %sign3A_2155 : vector<16xi32>
      %sign3A_2157 = arith.extui %sign3A_2156 : vector<16xi1> to vector<16xi32>
      %sign3A_2158 = arith.subi %sign3A_2153, %sign3A_2157 : vector<16xi32>
      %sign3A_2159 = arith.constant 0 : i32
      %sign3A_2160 = arith.cmpi sgt, %jit3A_2147, %sign3A_2159 : i32
      %sign3A_2161 = arith.extui %sign3A_2160 : i1 to i32
      %sign3A_2162 = arith.constant 0 : i32
      %sign3A_2163 = arith.cmpi slt, %jit3A_2147, %sign3A_2162 : i32
      %sign3A_2164 = arith.extui %sign3A_2163 : i1 to i32
      %sign3A_2165 = arith.subi %sign3A_2161, %sign3A_2164 : i32
      %ne3A_2166 = vector.broadcast %sign3A_2165 : i32 to vector<16xi32>
      %ne3A_2167 = arith.cmpi ne, %sign3A_2158, %ne3A_2166 : vector<16xi32>
      %rem3A_2168 = vector.broadcast %jit3A_2147 : i32 to vector<16xi32>
      %rem3A_2169 = arith.remsi %add3A_2146, %rem3A_2168 : vector<16xi32>
      %ne3A_2170 = arith.constant 0 : i32
      %ne3A_2171 = vector.broadcast %ne3A_2170 : i32 to vector<16xi32>
      %ne3A_2172 = arith.cmpi ne, %rem3A_2169, %ne3A_2171 : vector<16xi32>
      %and3A_2173 = arith.andi %ne3A_2167, %ne3A_2172 : vector<16xi1>
      %sub3A_2174 = arith.constant 1 : i32
      %sub3A_2175 = vector.broadcast %sub3A_2174 : i32 to vector<16xi32>
      %sub3A_2176 = arith.subi %div3A_2149, %sub3A_2175 : vector<16xi32>
      %select_n3A_2177 = arith.select %and3A_2173, %sub3A_2176, %div3A_2149 : vector<16xi1>, vector<16xi32>
      %mul3A_2178 = arith.constant 2048 : i32
      %mul3A_2179 = vector.broadcast %mul3A_2178 : i32 to vector<16xi32>
      %mul3A_2180 = arith.muli %select_n3A_2177, %mul3A_2179 : vector<16xi32>
      %add3A_2181 = arith.constant 48 : i32
      %add3A_2182 = vector.broadcast %add3A_2181 : i32 to vector<16xi32>
      %add3A_2183 = arith.addi %add3A_2182, %iota3A_1945 : vector<16xi32>
      %jit3A_2184 = arith.constant 8 : i32
      %eq3A_2185 = arith.constant 0 : i32
      %eq3A_2186 = arith.cmpi eq, %jit3A_2184, %eq3A_2185 : i32
      %jit3A_2187 = arith.constant 1 : i32
      %select_n3A_2188 = arith.select %eq3A_2186, %jit3A_2187, %jit3A_2184 : i32
      %rem3A_2189 = vector.broadcast %select_n3A_2188 : i32 to vector<16xi32>
      %rem3A_2190 = arith.remsi %add3A_2183, %rem3A_2189 : vector<16xi32>
      %ne3A_2191 = arith.constant 0 : i32
      %ne3A_2192 = vector.broadcast %ne3A_2191 : i32 to vector<16xi32>
      %ne3A_2193 = arith.cmpi ne, %rem3A_2190, %ne3A_2192 : vector<16xi32>
      %lt3A_2194 = arith.constant 0 : i32
      %lt3A_2195 = vector.broadcast %lt3A_2194 : i32 to vector<16xi32>
      %lt3A_2196 = arith.cmpi slt, %rem3A_2190, %lt3A_2195 : vector<16xi32>
      %lt3A_2197 = arith.constant 0 : i32
      %lt3A_2198 = arith.cmpi slt, %select_n3A_2188, %lt3A_2197 : i32
      %ne3A_2199 = vector.broadcast %lt3A_2198 : i1 to vector<16xi1>
      %ne3A_2200 = vector.broadcast %ne3A_2199 : vector<16xi1> to vector<16xi1>
      %ne3A_2201 = arith.xori %lt3A_2196, %ne3A_2200 : vector<16xi1>
      %and3A_2202 = arith.andi %ne3A_2201, %ne3A_2193 : vector<16xi1>
      %add3A_2203 = vector.broadcast %select_n3A_2188 : i32 to vector<16xi32>
      %add3A_2204 = arith.addi %rem3A_2190, %add3A_2203 : vector<16xi32>
      %select_n3A_2205 = arith.select %and3A_2202, %add3A_2204, %rem3A_2190 : vector<16xi1>, vector<16xi32>
      %mul3A_2206 = arith.constant 128 : i32
      %mul3A_2207 = vector.broadcast %mul3A_2206 : i32 to vector<16xi32>
      %mul3A_2208 = arith.muli %select_n3A_2205, %mul3A_2207 : vector<16xi32>
      %add3A_2209 = arith.addi %mul3A_2180, %mul3A_2208 : vector<16xi32>
      %scan3A_2210 = arith.constant 0 : i32
      %scan3A_2211 = arith.constant 0 : i32
      %scan3A_2212 = arith.constant 64 : i32
      %scan3A_2213 = arith.addi %scan3A_2211, %scan3A_2212 : i32
      %scan3A_2214 = arith.constant 1 : i32
      scf.for %scan3A_2343 = %scan3A_2211 to %scan3A_2213 step %scan3A_2214  : i32 {
        %mul3A_2344 = arith.constant 4 : i32
        %mul3A_2345 = arith.muli %scan3A_2343, %mul3A_2344 : i32
        %add3A_2346 = arith.constant 0 : i32
        %add3A_2347 = arith.addi %mul3A_2345, %add3A_2346 : i32
        %jit3A_2348 = arith.constant 128 : i32
        %div3A_2349 = arith.divsi %add3A_2347, %jit3A_2348 : i32
        %sign3A_2350 = arith.constant 0 : i32
        %sign3A_2351 = arith.cmpi sgt, %add3A_2347, %sign3A_2350 : i32
        %sign3A_2352 = arith.extui %sign3A_2351 : i1 to i32
        %sign3A_2353 = arith.constant 0 : i32
        %sign3A_2354 = arith.cmpi slt, %add3A_2347, %sign3A_2353 : i32
        %sign3A_2355 = arith.extui %sign3A_2354 : i1 to i32
        %sign3A_2356 = arith.subi %sign3A_2352, %sign3A_2355 : i32
        %sign3A_2357 = arith.constant 0 : i32
        %sign3A_2358 = arith.cmpi sgt, %jit3A_2348, %sign3A_2357 : i32
        %sign3A_2359 = arith.extui %sign3A_2358 : i1 to i32
        %sign3A_2360 = arith.constant 0 : i32
        %sign3A_2361 = arith.cmpi slt, %jit3A_2348, %sign3A_2360 : i32
        %sign3A_2362 = arith.extui %sign3A_2361 : i1 to i32
        %sign3A_2363 = arith.subi %sign3A_2359, %sign3A_2362 : i32
        %ne3A_2364 = arith.cmpi ne, %sign3A_2356, %sign3A_2363 : i32
        %rem3A_2365 = arith.remsi %add3A_2347, %jit3A_2348 : i32
        %ne3A_2366 = arith.constant 0 : i32
        %ne3A_2367 = arith.cmpi ne, %rem3A_2365, %ne3A_2366 : i32
        %and3A_2368 = arith.andi %ne3A_2364, %ne3A_2367 : i1
        %sub3A_2369 = arith.constant 1 : i32
        %sub3A_2370 = arith.subi %div3A_2349, %sub3A_2369 : i32
        %select_n3A_2371 = arith.select %and3A_2368, %sub3A_2370, %div3A_2349 : i32
        %mul3A_2372 = arith.constant 1024 : i32
        %mul3A_2373 = arith.muli %select_n3A_2371, %mul3A_2372 : i32
        %jit3A_2374 = arith.constant 128 : i32
        %eq3A_2375 = arith.constant 0 : i32
        %eq3A_2376 = arith.cmpi eq, %jit3A_2374, %eq3A_2375 : i32
        %jit3A_2377 = arith.constant 1 : i32
        %select_n3A_2378 = arith.select %eq3A_2376, %jit3A_2377, %jit3A_2374 : i32
        %rem3A_2379 = arith.remsi %add3A_2347, %select_n3A_2378 : i32
        %ne3A_2380 = arith.constant 0 : i32
        %ne3A_2381 = arith.cmpi ne, %rem3A_2379, %ne3A_2380 : i32
        %lt3A_2382 = arith.constant 0 : i32
        %lt3A_2383 = arith.cmpi slt, %rem3A_2379, %lt3A_2382 : i32
        %lt3A_2384 = arith.constant 0 : i32
        %lt3A_2385 = arith.cmpi slt, %select_n3A_2378, %lt3A_2384 : i32
        %ne3A_2386 = arith.xori %lt3A_2383, %lt3A_2385 : i1
        %and3A_2387 = arith.andi %ne3A_2386, %ne3A_2381 : i1
        %add3A_2388 = arith.addi %rem3A_2379, %select_n3A_2378 : i32
        %select_n3A_2389 = arith.select %and3A_2387, %add3A_2388, %rem3A_2379 : i32
        %add3A_2390 = arith.addi %mul3A_2373, %select_n3A_2389 : i32
        %get3A = arith.index_cast %add3A_2347 : i32 to index
        %get3A_2391 = arith.constant 0 : index
        %get3A_2392 = tpu.vector_load %arg7[%get3A, %get3A_2391] {strides = array<i32>} : memref<256x64xf32, #tpu.memory_space<vmem>>, vector<16xf32>,
        %mul3A_2393 = arith.constant 8.000000e+00 : f32
        %mul3A_2394 = vector.broadcast %mul3A_2393 : f32 to vector<16xf32>
        %mul3A_2395 = arith.mulf %get3A_2392, %mul3A_2394 : vector<16xf32>
        %add3A_2396 = vector.broadcast %add3A_2390 : i32 to vector<16xi32>
        %add3A_2397 = arith.addi %add3A_2011, %add3A_2396 : vector<16xi32>
        tpu.vector_store_idx %arg9[%add3A_2397], %mul3A_2395 : memref<16384xf32, #tpu.memory_space<vmem>>[vector<16xi32>], vector<16xf32>,
        %get3A_2398 = arith.index_cast %add3A_2347 : i32 to index
        %get3A_2399 = arith.constant 16 : index
        %get3A_2400 = tpu.vector_load %arg7[%get3A_2398, %get3A_2399] {strides = array<i32>} : memref<256x64xf32, #tpu.memory_space<vmem>>, vector<16xf32>,
        %mul3A_2401 = arith.constant 8.000000e+00 : f32
        %mul3A_2402 = vector.broadcast %mul3A_2401 : f32 to vector<16xf32>
        %mul3A_2403 = arith.mulf %get3A_2400, %mul3A_2402 : vector<16xf32>
        %add3A_2404 = vector.broadcast %add3A_2390 : i32 to vector<16xi32>
        %add3A_2405 = arith.addi %add3A_2077, %add3A_2404 : vector<16xi32>
        tpu.vector_store_idx %arg9[%add3A_2405], %mul3A_2403 : memref<16384xf32, #tpu.memory_space<vmem>>[vector<16xi32>], vector<16xf32>,
        %get3A_2406 = arith.index_cast %add3A_2347 : i32 to index
        %get3A_2407 = arith.constant 32 : index
        %get3A_2408 = tpu.vector_load %arg7[%get3A_2406, %get3A_2407] {strides = array<i32>} : memref<256x64xf32, #tpu.memory_space<vmem>>, vector<16xf32>,
        %mul3A_2409 = arith.constant 8.000000e+00 : f32
        %mul3A_2410 = vector.broadcast %mul3A_2409 : f32 to vector<16xf32>
        %mul3A_2411 = arith.mulf %get3A_2408, %mul3A_2410 : vector<16xf32>
        %add3A_2412 = vector.broadcast %add3A_2390 : i32 to vector<16xi32>
        %add3A_2413 = arith.addi %add3A_2143, %add3A_2412 : vector<16xi32>
        tpu.vector_store_idx %arg9[%add3A_2413], %mul3A_2411 : memref<16384xf32, #tpu.memory_space<vmem>>[vector<16xi32>], vector<16xf32>,
        %get3A_2414 = arith.index_cast %add3A_2347 : i32 to index
        %get3A_2415 = arith.constant 48 : index
        %get3A_2416 = tpu.vector_load %arg7[%get3A_2414, %get3A_2415] {strides = array<i32>} : memref<256x64xf32, #tpu.memory_space<vmem>>, vector<16xf32>,
        %mul3A_2417 = arith.constant 8.000000e+00 : f32
        %mul3A_2418 = vector.broadcast %mul3A_2417 : f32 to vector<16xf32>
        %mul3A_2419 = arith.mulf %get3A_2416, %mul3A_2418 : vector<16xf32>
        %add3A_2420 = vector.broadcast %add3A_2390 : i32 to vector<16xi32>
        %add3A_2421 = arith.addi %add3A_2209, %add3A_2420 : vector<16xi32>
        tpu.vector_store_idx %arg9[%add3A_2421], %mul3A_2419 : memref<16384xf32, #tpu.memory_space<vmem>>[vector<16xi32>], vector<16xf32>,
        %mul3A_2422 = arith.constant 4 : i32
        %mul3A_2423 = arith.muli %scan3A_2343, %mul3A_2422 : i32
        %add3A_2424 = arith.constant 1 : i32
        %add3A_2425 = arith.addi %mul3A_2423, %add3A_2424 : i32
        %jit3A_2426 = arith.constant 128 : i32
        %div3A_2427 = arith.divsi %add3A_2425, %jit3A_2426 : i32
        %sign3A_2428 = arith.constant 0 : i32
        %sign3A_2429 = arith.cmpi sgt, %add3A_2425, %sign3A_2428 : i32
        %sign3A_2430 = arith.extui %sign3A_2429 : i1 to i32
        %sign3A_2431 = arith.constant 0 : i32
        %sign3A_2432 = arith.cmpi slt, %add3A_2425, %sign3A_2431 : i32
        %sign3A_2433 = arith.extui %sign3A_2432 : i1 to i32
        %sign3A_2434 = arith.subi %sign3A_2430, %sign3A_2433 : i32
        %sign3A_2435 = arith.constant 0 : i32
        %sign3A_2436 = arith.cmpi sgt, %jit3A_2426, %sign3A_2435 : i32
        %sign3A_2437 = arith.extui %sign3A_2436 : i1 to i32
        %sign3A_2438 = arith.constant 0 : i32
        %sign3A_2439 = arith.cmpi slt, %jit3A_2426, %sign3A_2438 : i32
        %sign3A_2440 = arith.extui %sign3A_2439 : i1 to i32
        %sign3A_2441 = arith.subi %sign3A_2437, %sign3A_2440 : i32
        %ne3A_2442 = arith.cmpi ne, %sign3A_2434, %sign3A_2441 : i32
        %rem3A_2443 = arith.remsi %add3A_2425, %jit3A_2426 : i32
        %ne3A_2444 = arith.constant 0 : i32
        %ne3A_2445 = arith.cmpi ne, %rem3A_2443, %ne3A_2444 : i32
        %and3A_2446 = arith.andi %ne3A_2442, %ne3A_2445 : i1
        %sub3A_2447 = arith.constant 1 : i32
        %sub3A_2448 = arith.subi %div3A_2427, %sub3A_2447 : i32
        %select_n3A_2449 = arith.select %and3A_2446, %sub3A_2448, %div3A_2427 : i32
        %mul3A_2450 = arith.constant 1024 : i32
        %mul3A_2451 = arith.muli %select_n3A_2449, %mul3A_2450 : i32
        %jit3A_2452 = arith.constant 128 : i32
        %eq3A_2453 = arith.constant 0 : i32
        %eq3A_2454 = arith.cmpi eq, %jit3A_2452, %eq3A_2453 : i32
        %jit3A_2455 = arith.constant 1 : i32
        %select_n3A_2456 = arith.select %eq3A_2454, %jit3A_2455, %jit3A_2452 : i32
        %rem3A_2457 = arith.remsi %add3A_2425, %select_n3A_2456 : i32
        %ne3A_2458 = arith.constant 0 : i32
        %ne3A_2459 = arith.cmpi ne, %rem3A_2457, %ne3A_2458 : i32
        %lt3A_2460 = arith.constant 0 : i32
        %lt3A_2461 = arith.cmpi slt, %rem3A_2457, %lt3A_2460 : i32
        %lt3A_2462 = arith.constant 0 : i32
        %lt3A_2463 = arith.cmpi slt, %select_n3A_2456, %lt3A_2462 : i32
        %ne3A_2464 = arith.xori %lt3A_2461, %lt3A_2463 : i1
        %and3A_2465 = arith.andi %ne3A_2464, %ne3A_2459 : i1
        %add3A_2466 = arith.addi %rem3A_2457, %select_n3A_2456 : i32
        %select_n3A_2467 = arith.select %and3A_2465, %add3A_2466, %rem3A_2457 : i32
        %add3A_2468 = arith.addi %mul3A_2451, %select_n3A_2467 : i32
        %get3A_2469 = arith.index_cast %add3A_2425 : i32 to index
        %get3A_2470 = arith.constant 0 : index
        %get3A_2471 = tpu.vector_load %arg7[%get3A_2469, %get3A_2470] {strides = array<i32>} : memref<256x64xf32, #tpu.memory_space<vmem>>, vector<16xf32>,
        %mul3A_2472 = arith.constant 8.000000e+00 : f32
        %mul3A_2473 = vector.broadcast %mul3A_2472 : f32 to vector<16xf32>
        %mul3A_2474 = arith.mulf %get3A_2471, %mul3A_2473 : vector<16xf32>
        %add3A_2475 = vector.broadcast %add3A_2468 : i32 to vector<16xi32>
        %add3A_2476 = arith.addi %add3A_2011, %add3A_2475 : vector<16xi32>
        tpu.vector_store_idx %arg9[%add3A_2476], %mul3A_2474 : memref<16384xf32, #tpu.memory_space<vmem>>[vector<16xi32>], vector<16xf32>,
        %get3A_2477 = arith.index_cast %add3A_2425 : i32 to index
        %get3A_2478 = arith.constant 16 : index
        %get3A_2479 = tpu.vector_load %arg7[%get3A_2477, %get3A_2478] {strides = array<i32>} : memref<256x64xf32, #tpu.memory_space<vmem>>, vector<16xf32>,
        %mul3A_2480 = arith.constant 8.000000e+00 : f32
        %mul3A_2481 = vector.broadcast %mul3A_2480 : f32 to vector<16xf32>
        %mul3A_2482 = arith.mulf %get3A_2479, %mul3A_2481 : vector<16xf32>
        %add3A_2483 = vector.broadcast %add3A_2468 : i32 to vector<16xi32>
        %add3A_2484 = arith.addi %add3A_2077, %add3A_2483 : vector<16xi32>
        tpu.vector_store_idx %arg9[%add3A_2484], %mul3A_2482 : memref<16384xf32, #tpu.memory_space<vmem>>[vector<16xi32>], vector<16xf32>,
        %get3A_2485 = arith.index_cast %add3A_2425 : i32 to index
        %get3A_2486 = arith.constant 32 : index
        %get3A_2487 = tpu.vector_load %arg7[%get3A_2485, %get3A_2486] {strides = array<i32>} : memref<256x64xf32, #tpu.memory_space<vmem>>, vector<16xf32>,
        %mul3A_2488 = arith.constant 8.000000e+00 : f32
        %mul3A_2489 = vector.broadcast %mul3A_2488 : f32 to vector<16xf32>
        %mul3A_2490 = arith.mulf %get3A_2487, %mul3A_2489 : vector<16xf32>
        %add3A_2491 = vector.broadcast %add3A_2468 : i32 to vector<16xi32>
        %add3A_2492 = arith.addi %add3A_2143, %add3A_2491 : vector<16xi32>
        tpu.vector_store_idx %arg9[%add3A_2492], %mul3A_2490 : memref<16384xf32, #tpu.memory_space<vmem>>[vector<16xi32>], vector<16xf32>,
        %get3A_2493 = arith.index_cast %add3A_2425 : i32 to index
        %get3A_2494 = arith.constant 48 : index
        %get3A_2495 = tpu.vector_load %arg7[%get3A_2493, %get3A_2494] {strides = array<i32>} : memref<256x64xf32, #tpu.memory_space<vmem>>, vector<16xf32>,
        %mul3A_2496 = arith.constant 8.000000e+00 : f32
        %mul3A_2497 = vector.broadcast %mul3A_2496 : f32 to vector<16xf32>
        %mul3A_2498 = arith.mulf %get3A_2495, %mul3A_2497 : vector<16xf32>
        %add3A_2499 = vector.broadcast %add3A_2468 : i32 to vector<16xi32>
        %add3A_2500 = arith.addi %add3A_2209, %add3A_2499 : vector<16xi32>
        tpu.vector_store_idx %arg9[%add3A_2500], %mul3A_2498 : memref<16384xf32, #tpu.memory_space<vmem>>[vector<16xi32>], vector<16xf32>,
        %mul3A_2501 = arith.constant 4 : i32
        %mul3A_2502 = arith.muli %scan3A_2343, %mul3A_2501 : i32
        %add3A_2503 = arith.constant 2 : i32
        %add3A_2504 = arith.addi %mul3A_2502, %add3A_2503 : i32
        %jit3A_2505 = arith.constant 128 : i32
        %div3A_2506 = arith.divsi %add3A_2504, %jit3A_2505 : i32
        %sign3A_2507 = arith.constant 0 : i32
        %sign3A_2508 = arith.cmpi sgt, %add3A_2504, %sign3A_2507 : i32
        %sign3A_2509 = arith.extui %sign3A_2508 : i1 to i32
        %sign3A_2510 = arith.constant 0 : i32
        %sign3A_2511 = arith.cmpi slt, %add3A_2504, %sign3A_2510 : i32
        %sign3A_2512 = arith.extui %sign3A_2511 : i1 to i32
        %sign3A_2513 = arith.subi %sign3A_2509, %sign3A_2512 : i32
        %sign3A_2514 = arith.constant 0 : i32
        %sign3A_2515 = arith.cmpi sgt, %jit3A_2505, %sign3A_2514 : i32
        %sign3A_2516 = arith.extui %sign3A_2515 : i1 to i32
        %sign3A_2517 = arith.constant 0 : i32
        %sign3A_2518 = arith.cmpi slt, %jit3A_2505, %sign3A_2517 : i32
        %sign3A_2519 = arith.extui %sign3A_2518 : i1 to i32
        %sign3A_2520 = arith.subi %sign3A_2516, %sign3A_2519 : i32
        %ne3A_2521 = arith.cmpi ne, %sign3A_2513, %sign3A_2520 : i32
        %rem3A_2522 = arith.remsi %add3A_2504, %jit3A_2505 : i32
        %ne3A_2523 = arith.constant 0 : i32
        %ne3A_2524 = arith.cmpi ne, %rem3A_2522, %ne3A_2523 : i32
        %and3A_2525 = arith.andi %ne3A_2521, %ne3A_2524 : i1
        %sub3A_2526 = arith.constant 1 : i32
        %sub3A_2527 = arith.subi %div3A_2506, %sub3A_2526 : i32
        %select_n3A_2528 = arith.select %and3A_2525, %sub3A_2527, %div3A_2506 : i32
        %mul3A_2529 = arith.constant 1024 : i32
        %mul3A_2530 = arith.muli %select_n3A_2528, %mul3A_2529 : i32
        %jit3A_2531 = arith.constant 128 : i32
        %eq3A_2532 = arith.constant 0 : i32
        %eq3A_2533 = arith.cmpi eq, %jit3A_2531, %eq3A_2532 : i32
        %jit3A_2534 = arith.constant 1 : i32
        %select_n3A_2535 = arith.select %eq3A_2533, %jit3A_2534, %jit3A_2531 : i32
        %rem3A_2536 = arith.remsi %add3A_2504, %select_n3A_2535 : i32
        %ne3A_2537 = arith.constant 0 : i32
        %ne3A_2538 = arith.cmpi ne, %rem3A_2536, %ne3A_2537 : i32
        %lt3A_2539 = arith.constant 0 : i32
        %lt3A_2540 = arith.cmpi slt, %rem3A_2536, %lt3A_2539 : i32
        %lt3A_2541 = arith.constant 0 : i32
        %lt3A_2542 = arith.cmpi slt, %select_n3A_2535, %lt3A_2541 : i32
        %ne3A_2543 = arith.xori %lt3A_2540, %lt3A_2542 : i1
        %and3A_2544 = arith.andi %ne3A_2543, %ne3A_2538 : i1
        %add3A_2545 = arith.addi %rem3A_2536, %select_n3A_2535 : i32
        %select_n3A_2546 = arith.select %and3A_2544, %add3A_2545, %rem3A_2536 : i32
        %add3A_2547 = arith.addi %mul3A_2530, %select_n3A_2546 : i32
        %get3A_2548 = arith.index_cast %add3A_2504 : i32 to index
        %get3A_2549 = arith.constant 0 : index
        %get3A_2550 = tpu.vector_load %arg7[%get3A_2548, %get3A_2549] {strides = array<i32>} : memref<256x64xf32, #tpu.memory_space<vmem>>, vector<16xf32>,
        %mul3A_2551 = arith.constant 8.000000e+00 : f32
        %mul3A_2552 = vector.broadcast %mul3A_2551 : f32 to vector<16xf32>
        %mul3A_2553 = arith.mulf %get3A_2550, %mul3A_2552 : vector<16xf32>
        %add3A_2554 = vector.broadcast %add3A_2547 : i32 to vector<16xi32>
        %add3A_2555 = arith.addi %add3A_2011, %add3A_2554 : vector<16xi32>
        tpu.vector_store_idx %arg9[%add3A_2555], %mul3A_2553 : memref<16384xf32, #tpu.memory_space<vmem>>[vector<16xi32>], vector<16xf32>,
        %get3A_2556 = arith.index_cast %add3A_2504 : i32 to index
        %get3A_2557 = arith.constant 16 : index
        %get3A_2558 = tpu.vector_load %arg7[%get3A_2556, %get3A_2557] {strides = array<i32>} : memref<256x64xf32, #tpu.memory_space<vmem>>, vector<16xf32>,
        %mul3A_2559 = arith.constant 8.000000e+00 : f32
        %mul3A_2560 = vector.broadcast %mul3A_2559 : f32 to vector<16xf32>
        %mul3A_2561 = arith.mulf %get3A_2558, %mul3A_2560 : vector<16xf32>
        %add3A_2562 = vector.broadcast %add3A_2547 : i32 to vector<16xi32>
        %add3A_2563 = arith.addi %add3A_2077, %add3A_2562 : vector<16xi32>
        tpu.vector_store_idx %arg9[%add3A_2563], %mul3A_2561 : memref<16384xf32, #tpu.memory_space<vmem>>[vector<16xi32>], vector<16xf32>,
        %get3A_2564 = arith.index_cast %add3A_2504 : i32 to index
        %get3A_2565 = arith.constant 32 : index
        %get3A_2566 = tpu.vector_load %arg7[%get3A_2564, %get3A_2565] {strides = array<i32>} : memref<256x64xf32, #tpu.memory_space<vmem>>, vector<16xf32>,
        %mul3A_2567 = arith.constant 8.000000e+00 : f32
        %mul3A_2568 = vector.broadcast %mul3A_2567 : f32 to vector<16xf32>
        %mul3A_2569 = arith.mulf %get3A_2566, %mul3A_2568 : vector<16xf32>
        %add3A_2570 = vector.broadcast %add3A_2547 : i32 to vector<16xi32>
        %add3A_2571 = arith.addi %add3A_2143, %add3A_2570 : vector<16xi32>
        tpu.vector_store_idx %arg9[%add3A_2571], %mul3A_2569 : memref<16384xf32, #tpu.memory_space<vmem>>[vector<16xi32>], vector<16xf32>,
        %get3A_2572 = arith.index_cast %add3A_2504 : i32 to index
        %get3A_2573 = arith.constant 48 : index
        %get3A_2574 = tpu.vector_load %arg7[%get3A_2572, %get3A_2573] {strides = array<i32>} : memref<256x64xf32, #tpu.memory_space<vmem>>, vector<16xf32>,
        %mul3A_2575 = arith.constant 8.000000e+00 : f32
        %mul3A_2576 = vector.broadcast %mul3A_2575 : f32 to vector<16xf32>
        %mul3A_2577 = arith.mulf %get3A_2574, %mul3A_2576 : vector<16xf32>
        %add3A_2578 = vector.broadcast %add3A_2547 : i32 to vector<16xi32>
        %add3A_2579 = arith.addi %add3A_2209, %add3A_2578 : vector<16xi32>
        tpu.vector_store_idx %arg9[%add3A_2579], %mul3A_2577 : memref<16384xf32, #tpu.memory_space<vmem>>[vector<16xi32>], vector<16xf32>,
        %mul3A_2580 = arith.constant 4 : i32
        %mul3A_2581 = arith.muli %scan3A_2343, %mul3A_2580 : i32
        %add3A_2582 = arith.constant 3 : i32
        %add3A_2583 = arith.addi %mul3A_2581, %add3A_2582 : i32
        %jit3A_2584 = arith.constant 128 : i32
        %div3A_2585 = arith.divsi %add3A_2583, %jit3A_2584 : i32
        %sign3A_2586 = arith.constant 0 : i32
        %sign3A_2587 = arith.cmpi sgt, %add3A_2583, %sign3A_2586 : i32
        %sign3A_2588 = arith.extui %sign3A_2587 : i1 to i32
        %sign3A_2589 = arith.constant 0 : i32
        %sign3A_2590 = arith.cmpi slt, %add3A_2583, %sign3A_2589 : i32
        %sign3A_2591 = arith.extui %sign3A_2590 : i1 to i32
        %sign3A_2592 = arith.subi %sign3A_2588, %sign3A_2591 : i32
        %sign3A_2593 = arith.constant 0 : i32
        %sign3A_2594 = arith.cmpi sgt, %jit3A_2584, %sign3A_2593 : i32
        %sign3A_2595 = arith.extui %sign3A_2594 : i1 to i32
        %sign3A_2596 = arith.constant 0 : i32
        %sign3A_2597 = arith.cmpi slt, %jit3A_2584, %sign3A_2596 : i32
        %sign3A_2598 = arith.extui %sign3A_2597 : i1 to i32
        %sign3A_2599 = arith.subi %sign3A_2595, %sign3A_2598 : i32
        %ne3A_2600 = arith.cmpi ne, %sign3A_2592, %sign3A_2599 : i32
        %rem3A_2601 = arith.remsi %add3A_2583, %jit3A_2584 : i32
        %ne3A_2602 = arith.constant 0 : i32
        %ne3A_2603 = arith.cmpi ne, %rem3A_2601, %ne3A_2602 : i32
        %and3A_2604 = arith.andi %ne3A_2600, %ne3A_2603 : i1
        %sub3A_2605 = arith.constant 1 : i32
        %sub3A_2606 = arith.subi %div3A_2585, %sub3A_2605 : i32
        %select_n3A_2607 = arith.select %and3A_2604, %sub3A_2606, %div3A_2585 : i32
        %mul3A_2608 = arith.constant 1024 : i32
        %mul3A_2609 = arith.muli %select_n3A_2607, %mul3A_2608 : i32
        %jit3A_2610 = arith.constant 128 : i32
        %eq3A_2611 = arith.constant 0 : i32
        %eq3A_2612 = arith.cmpi eq, %jit3A_2610, %eq3A_2611 : i32
        %jit3A_2613 = arith.constant 1 : i32
        %select_n3A_2614 = arith.select %eq3A_2612, %jit3A_2613, %jit3A_2610 : i32
        %rem3A_2615 = arith.remsi %add3A_2583, %select_n3A_2614 : i32
        %ne3A_2616 = arith.constant 0 : i32
        %ne3A_2617 = arith.cmpi ne, %rem3A_2615, %ne3A_2616 : i32
        %lt3A_2618 = arith.constant 0 : i32
        %lt3A_2619 = arith.cmpi slt, %rem3A_2615, %lt3A_2618 : i32
        %lt3A_2620 = arith.constant 0 : i32
        %lt3A_2621 = arith.cmpi slt, %select_n3A_2614, %lt3A_2620 : i32
        %ne3A_2622 = arith.xori %lt3A_2619, %lt3A_2621 : i1
        %and3A_2623 = arith.andi %ne3A_2622, %ne3A_2617 : i1
        %add3A_2624 = arith.addi %rem3A_2615, %select_n3A_2614 : i32
        %select_n3A_2625 = arith.select %and3A_2623, %add3A_2624, %rem3A_2615 : i32
        %add3A_2626 = arith.addi %mul3A_2609, %select_n3A_2625 : i32
        %get3A_2627 = arith.index_cast %add3A_2583 : i32 to index
        %get3A_2628 = arith.constant 0 : index
        %get3A_2629 = tpu.vector_load %arg7[%get3A_2627, %get3A_2628] {strides = array<i32>} : memref<256x64xf32, #tpu.memory_space<vmem>>, vector<16xf32>,
        %mul3A_2630 = arith.constant 8.000000e+00 : f32
        %mul3A_2631 = vector.broadcast %mul3A_2630 : f32 to vector<16xf32>
        %mul3A_2632 = arith.mulf %get3A_2629, %mul3A_2631 : vector<16xf32>
        %add3A_2633 = vector.broadcast %add3A_2626 : i32 to vector<16xi32>
        %add3A_2634 = arith.addi %add3A_2011, %add3A_2633 : vector<16xi32>
        tpu.vector_store_idx %arg9[%add3A_2634], %mul3A_2632 : memref<16384xf32, #tpu.memory_space<vmem>>[vector<16xi32>], vector<16xf32>,
        %get3A_2635 = arith.index_cast %add3A_2583 : i32 to index
        %get3A_2636 = arith.constant 16 : index
        %get3A_2637 = tpu.vector_load %arg7[%get3A_2635, %get3A_2636] {strides = array<i32>} : memref<256x64xf32, #tpu.memory_space<vmem>>, vector<16xf32>,
        %mul3A_2638 = arith.constant 8.000000e+00 : f32
        %mul3A_2639 = vector.broadcast %mul3A_2638 : f32 to vector<16xf32>
        %mul3A_2640 = arith.mulf %get3A_2637, %mul3A_2639 : vector<16xf32>
        %add3A_2641 = vector.broadcast %add3A_2626 : i32 to vector<16xi32>
        %add3A_2642 = arith.addi %add3A_2077, %add3A_2641 : vector<16xi32>
        tpu.vector_store_idx %arg9[%add3A_2642], %mul3A_2640 : memref<16384xf32, #tpu.memory_space<vmem>>[vector<16xi32>], vector<16xf32>,
        %get3A_2643 = arith.index_cast %add3A_2583 : i32 to index
        %get3A_2644 = arith.constant 32 : index
        %get3A_2645 = tpu.vector_load %arg7[%get3A_2643, %get3A_2644] {strides = array<i32>} : memref<256x64xf32, #tpu.memory_space<vmem>>, vector<16xf32>,
        %mul3A_2646 = arith.constant 8.000000e+00 : f32
        %mul3A_2647 = vector.broadcast %mul3A_2646 : f32 to vector<16xf32>
        %mul3A_2648 = arith.mulf %get3A_2645, %mul3A_2647 : vector<16xf32>
        %add3A_2649 = vector.broadcast %add3A_2626 : i32 to vector<16xi32>
        %add3A_2650 = arith.addi %add3A_2143, %add3A_2649 : vector<16xi32>
        tpu.vector_store_idx %arg9[%add3A_2650], %mul3A_2648 : memref<16384xf32, #tpu.memory_space<vmem>>[vector<16xi32>], vector<16xf32>,
        %get3A_2651 = arith.index_cast %add3A_2583 : i32 to index
        %get3A_2652 = arith.constant 48 : index
        %get3A_2653 = tpu.vector_load %arg7[%get3A_2651, %get3A_2652] {strides = array<i32>} : memref<256x64xf32, #tpu.memory_space<vmem>>, vector<16xf32>,
        %mul3A_2654 = arith.constant 8.000000e+00 : f32
        %mul3A_2655 = vector.broadcast %mul3A_2654 : f32 to vector<16xf32>
        %mul3A_2656 = arith.mulf %get3A_2653, %mul3A_2655 : vector<16xf32>
        %add3A_2657 = vector.broadcast %add3A_2626 : i32 to vector<16xi32>
        %add3A_2658 = arith.addi %add3A_2209, %add3A_2657 : vector<16xi32>
        tpu.vector_store_idx %arg9[%add3A_2658], %mul3A_2656 : memref<16384xf32, #tpu.memory_space<vmem>>[vector<16xi32>], vector<16xf32>,
      }
      %scan3A_2215 = arith.constant 64 : i32
      %mul3A_2216 = arith.constant 2 : i32
      %mul3A_2217 = arith.muli %mul3A_2216, %scan3A_1341 : i32
      %add3A_2218 = arith.constant 1 : i32
      %add3A_2219 = arith.addi %mul3A_2217, %add3A_2218 : i32
      %mul3A_2220 = arith.constant 2 : i32
      %mul3A_2221 = arith.muli %mul3A_2220, %add3A_2219 : i32
      %add3A_2222 = arith.addi %select_n3A, %mul3A_2221 : i32
      %mul3A_2223 = arith.constant 8 : i32
      %mul3A_2224 = arith.muli %add3A_2222, %mul3A_2223 : i32
      %add3A_2225 = arith.constant 0 : i32
      %add3A_2226 = arith.addi %mul3A_2224, %add3A_2225 : i32
      %mul3A_2227 = arith.constant 32 : i32
      %mul3A_2228 = arith.muli %add3A_2226, %mul3A_2227 : i32
      %add3A_2229 = arith.addi %mul3A_2228, %mul3A_32 : i32
      %mul3A_2230 = arith.constant 1024 : i32
      %mul3A_2231 = arith.muli %add3A_2229, %mul3A_2230 : i32
      %dma_start3A_2232 = arith.constant 0 : i32
      %dma_start3A_2233 = tpu.memref_slice %arg9[%dma_start3A_2232] : memref<16384xf32, #tpu.memory_space<vmem>> -> memref<2048xf32, #tpu.memory_space<vmem>>
      %dma_start3A_2234 = tpu.memref_slice %arg4[%mul3A_2231] : memref<52428800xf32, #tpu.memory_space<hbm>> -> memref<2048xf32, #tpu.memory_space<hbm>>
      %dma_start3A_2235 = tpu.memref_slice %arg4[%mul3A_2231] : memref<52428800xf32, #tpu.memory_space<hbm>> -> memref<2048xf32, #tpu.memory_space<hbm>>
      %dma_start3A_2236 = arith.constant 0 : i32
      %dma_start3A_2237 = tpu.memref_slice %arg9[%dma_start3A_2236] : memref<16384xf32, #tpu.memory_space<vmem>> -> memref<2048xf32, #tpu.memory_space<vmem>>
      tpu.enqueue_dma source(%dma_start3A_2237 : memref<2048xf32, #tpu.memory_space<vmem>>) target(%dma_start3A_2235 : memref<2048xf32, #tpu.memory_space<hbm>>) target_semaphore(%arg14 : memref<!tpu.dma_semaphore, #tpu.memory_space<semaphore_mem>>)
      %mul3A_2238 = arith.constant 8 : i32
      %mul3A_2239 = arith.muli %add3A_2222, %mul3A_2238 : i32
      %add3A_2240 = arith.constant 1 : i32
      %add3A_2241 = arith.addi %mul3A_2239, %add3A_2240 : i32
      %mul3A_2242 = arith.constant 32 : i32
      %mul3A_2243 = arith.muli %add3A_2241, %mul3A_2242 : i32
      %add3A_2244 = arith.addi %mul3A_2243, %mul3A_32 : i32
      %mul3A_2245 = arith.constant 1024 : i32
      %mul3A_2246 = arith.muli %add3A_2244, %mul3A_2245 : i32
      %dma_start3A_2247 = arith.constant 2048 : i32
      %dma_start3A_2248 = tpu.memref_slice %arg9[%dma_start3A_2247] : memref<16384xf32, #tpu.memory_space<vmem>> -> memref<2048xf32, #tpu.memory_space<vmem>>
      %dma_start3A_2249 = tpu.memref_slice %arg4[%mul3A_2246] : memref<52428800xf32, #tpu.memory_space<hbm>> -> memref<2048xf32, #tpu.memory_space<hbm>>
      %dma_start3A_2250 = tpu.memref_slice %arg4[%mul3A_2246] : memref<52428800xf32, #tpu.memory_space<hbm>> -> memref<2048xf32, #tpu.memory_space<hbm>>
      %dma_start3A_2251 = arith.constant 2048 : i32
      %dma_start3A_2252 = tpu.memref_slice %arg9[%dma_start3A_2251] : memref<16384xf32, #tpu.memory_space<vmem>> -> memref<2048xf32, #tpu.memory_space<vmem>>
      tpu.enqueue_dma source(%dma_start3A_2252 : memref<2048xf32, #tpu.memory_space<vmem>>) target(%dma_start3A_2250 : memref<2048xf32, #tpu.memory_space<hbm>>) target_semaphore(%arg14 : memref<!tpu.dma_semaphore, #tpu.memory_space<semaphore_mem>>)
      %mul3A_2253 = arith.constant 8 : i32
      %mul3A_2254 = arith.muli %add3A_2222, %mul3A_2253 : i32
      %add3A_2255 = arith.constant 2 : i32
      %add3A_2256 = arith.addi %mul3A_2254, %add3A_2255 : i32
      %mul3A_2257 = arith.constant 32 : i32
      %mul3A_2258 = arith.muli %add3A_2256, %mul3A_2257 : i32
      %add3A_2259 = arith.addi %mul3A_2258, %mul3A_32 : i32
      %mul3A_2260 = arith.constant 1024 : i32
      %mul3A_2261 = arith.muli %add3A_2259, %mul3A_2260 : i32
      %dma_start3A_2262 = arith.constant 4096 : i32
      %dma_start3A_2263 = tpu.memref_slice %arg9[%dma_start3A_2262] : memref<16384xf32, #tpu.memory_space<vmem>> -> memref<2048xf32, #tpu.memory_space<vmem>>
      %dma_start3A_2264 = tpu.memref_slice %arg4[%mul3A_2261] : memref<52428800xf32, #tpu.memory_space<hbm>> -> memref<2048xf32, #tpu.memory_space<hbm>>
      %dma_start3A_2265 = tpu.memref_slice %arg4[%mul3A_2261] : memref<52428800xf32, #tpu.memory_space<hbm>> -> memref<2048xf32, #tpu.memory_space<hbm>>
      %dma_start3A_2266 = arith.constant 4096 : i32
      %dma_start3A_2267 = tpu.memref_slice %arg9[%dma_start3A_2266] : memref<16384xf32, #tpu.memory_space<vmem>> -> memref<2048xf32, #tpu.memory_space<vmem>>
      tpu.enqueue_dma source(%dma_start3A_2267 : memref<2048xf32, #tpu.memory_space<vmem>>) target(%dma_start3A_2265 : memref<2048xf32, #tpu.memory_space<hbm>>) target_semaphore(%arg14 : memref<!tpu.dma_semaphore, #tpu.memory_space<semaphore_mem>>)
      %mul3A_2268 = arith.constant 8 : i32
      %mul3A_2269 = arith.muli %add3A_2222, %mul3A_2268 : i32
      %add3A_2270 = arith.constant 3 : i32
      %add3A_2271 = arith.addi %mul3A_2269, %add3A_2270 : i32
      %mul3A_2272 = arith.constant 32 : i32
      %mul3A_2273 = arith.muli %add3A_2271, %mul3A_2272 : i32
      %add3A_2274 = arith.addi %mul3A_2273, %mul3A_32 : i32
      %mul3A_2275 = arith.constant 1024 : i32
      %mul3A_2276 = arith.muli %add3A_2274, %mul3A_2275 : i32
      %dma_start3A_2277 = arith.constant 6144 : i32
      %dma_start3A_2278 = tpu.memref_slice %arg9[%dma_start3A_2277] : memref<16384xf32, #tpu.memory_space<vmem>> -> memref<2048xf32, #tpu.memory_space<vmem>>
      %dma_start3A_2279 = tpu.memref_slice %arg4[%mul3A_2276] : memref<52428800xf32, #tpu.memory_space<hbm>> -> memref<2048xf32, #tpu.memory_space<hbm>>
      %dma_start3A_2280 = tpu.memref_slice %arg4[%mul3A_2276] : memref<52428800xf32, #tpu.memory_space<hbm>> -> memref<2048xf32, #tpu.memory_space<hbm>>
      %dma_start3A_2281 = arith.constant 6144 : i32
      %dma_start3A_2282 = tpu.memref_slice %arg9[%dma_start3A_2281] : memref<16384xf32, #tpu.memory_space<vmem>> -> memref<2048xf32, #tpu.memory_space<vmem>>
      tpu.enqueue_dma source(%dma_start3A_2282 : memref<2048xf32, #tpu.memory_space<vmem>>) target(%dma_start3A_2280 : memref<2048xf32, #tpu.memory_space<hbm>>) target_semaphore(%arg14 : memref<!tpu.dma_semaphore, #tpu.memory_space<semaphore_mem>>)
      %mul3A_2283 = arith.constant 8 : i32
      %mul3A_2284 = arith.muli %add3A_2222, %mul3A_2283 : i32
      %add3A_2285 = arith.constant 4 : i32
      %add3A_2286 = arith.addi %mul3A_2284, %add3A_2285 : i32
      %mul3A_2287 = arith.constant 32 : i32
      %mul3A_2288 = arith.muli %add3A_2286, %mul3A_2287 : i32
      %add3A_2289 = arith.addi %mul3A_2288, %mul3A_32 : i32
      %mul3A_2290 = arith.constant 1024 : i32
      %mul3A_2291 = arith.muli %add3A_2289, %mul3A_2290 : i32
      %dma_start3A_2292 = arith.constant 8192 : i32
      %dma_start3A_2293 = tpu.memref_slice %arg9[%dma_start3A_2292] : memref<16384xf32, #tpu.memory_space<vmem>> -> memref<2048xf32, #tpu.memory_space<vmem>>
      %dma_start3A_2294 = tpu.memref_slice %arg4[%mul3A_2291] : memref<52428800xf32, #tpu.memory_space<hbm>> -> memref<2048xf32, #tpu.memory_space<hbm>>
      %dma_start3A_2295 = tpu.memref_slice %arg4[%mul3A_2291] : memref<52428800xf32, #tpu.memory_space<hbm>> -> memref<2048xf32, #tpu.memory_space<hbm>>
      %dma_start3A_2296 = arith.constant 8192 : i32
      %dma_start3A_2297 = tpu.memref_slice %arg9[%dma_start3A_2296] : memref<16384xf32, #tpu.memory_space<vmem>> -> memref<2048xf32, #tpu.memory_space<vmem>>
      tpu.enqueue_dma source(%dma_start3A_2297 : memref<2048xf32, #tpu.memory_space<vmem>>) target(%dma_start3A_2295 : memref<2048xf32, #tpu.memory_space<hbm>>) target_semaphore(%arg14 : memref<!tpu.dma_semaphore, #tpu.memory_space<semaphore_mem>>)
      %mul3A_2298 = arith.constant 8 : i32
      %mul3A_2299 = arith.muli %add3A_2222, %mul3A_2298 : i32
      %add3A_2300 = arith.constant 5 : i32
      %add3A_2301 = arith.addi %mul3A_2299, %add3A_2300 : i32
      %mul3A_2302 = arith.constant 32 : i32
      %mul3A_2303 = arith.muli %add3A_2301, %mul3A_2302 : i32
      %add3A_2304 = arith.addi %mul3A_2303, %mul3A_32 : i32
      %mul3A_2305 = arith.constant 1024 : i32
      %mul3A_2306 = arith.muli %add3A_2304, %mul3A_2305 : i32
      %dma_start3A_2307 = arith.constant 10240 : i32
      %dma_start3A_2308 = tpu.memref_slice %arg9[%dma_start3A_2307] : memref<16384xf32, #tpu.memory_space<vmem>> -> memref<2048xf32, #tpu.memory_space<vmem>>
      %dma_start3A_2309 = tpu.memref_slice %arg4[%mul3A_2306] : memref<52428800xf32, #tpu.memory_space<hbm>> -> memref<2048xf32, #tpu.memory_space<hbm>>
      %dma_start3A_2310 = tpu.memref_slice %arg4[%mul3A_2306] : memref<52428800xf32, #tpu.memory_space<hbm>> -> memref<2048xf32, #tpu.memory_space<hbm>>
      %dma_start3A_2311 = arith.constant 10240 : i32
      %dma_start3A_2312 = tpu.memref_slice %arg9[%dma_start3A_2311] : memref<16384xf32, #tpu.memory_space<vmem>> -> memref<2048xf32, #tpu.memory_space<vmem>>
      tpu.enqueue_dma source(%dma_start3A_2312 : memref<2048xf32, #tpu.memory_space<vmem>>) target(%dma_start3A_2310 : memref<2048xf32, #tpu.memory_space<hbm>>) target_semaphore(%arg14 : memref<!tpu.dma_semaphore, #tpu.memory_space<semaphore_mem>>)
      %mul3A_2313 = arith.constant 8 : i32
      %mul3A_2314 = arith.muli %add3A_2222, %mul3A_2313 : i32
      %add3A_2315 = arith.constant 6 : i32
      %add3A_2316 = arith.addi %mul3A_2314, %add3A_2315 : i32
      %mul3A_2317 = arith.constant 32 : i32
      %mul3A_2318 = arith.muli %add3A_2316, %mul3A_2317 : i32
      %add3A_2319 = arith.addi %mul3A_2318, %mul3A_32 : i32
      %mul3A_2320 = arith.constant 1024 : i32
      %mul3A_2321 = arith.muli %add3A_2319, %mul3A_2320 : i32
      %dma_start3A_2322 = arith.constant 12288 : i32
      %dma_start3A_2323 = tpu.memref_slice %arg9[%dma_start3A_2322] : memref<16384xf32, #tpu.memory_space<vmem>> -> memref<2048xf32, #tpu.memory_space<vmem>>
      %dma_start3A_2324 = tpu.memref_slice %arg4[%mul3A_2321] : memref<52428800xf32, #tpu.memory_space<hbm>> -> memref<2048xf32, #tpu.memory_space<hbm>>
      %dma_start3A_2325 = tpu.memref_slice %arg4[%mul3A_2321] : memref<52428800xf32, #tpu.memory_space<hbm>> -> memref<2048xf32, #tpu.memory_space<hbm>>
      %dma_start3A_2326 = arith.constant 12288 : i32
      %dma_start3A_2327 = tpu.memref_slice %arg9[%dma_start3A_2326] : memref<16384xf32, #tpu.memory_space<vmem>> -> memref<2048xf32, #tpu.memory_space<vmem>>
      tpu.enqueue_dma source(%dma_start3A_2327 : memref<2048xf32, #tpu.memory_space<vmem>>) target(%dma_start3A_2325 : memref<2048xf32, #tpu.memory_space<hbm>>) target_semaphore(%arg14 : memref<!tpu.dma_semaphore, #tpu.memory_space<semaphore_mem>>)
      %mul3A_2328 = arith.constant 8 : i32
      %mul3A_2329 = arith.muli %add3A_2222, %mul3A_2328 : i32
      %add3A_2330 = arith.constant 7 : i32
      %add3A_2331 = arith.addi %mul3A_2329, %add3A_2330 : i32
      %mul3A_2332 = arith.constant 32 : i32
      %mul3A_2333 = arith.muli %add3A_2331, %mul3A_2332 : i32
      %add3A_2334 = arith.addi %mul3A_2333, %mul3A_32 : i32
      %mul3A_2335 = arith.constant 1024 : i32
      %mul3A_2336 = arith.muli %add3A_2334, %mul3A_2335 : i32
      %dma_start3A_2337 = arith.constant 14336 : i32
      %dma_start3A_2338 = tpu.memref_slice %arg9[%dma_start3A_2337] : memref<16384xf32, #tpu.memory_space<vmem>> -> memref<2048xf32, #tpu.memory_space<vmem>>
      %dma_start3A_2339 = tpu.memref_slice %arg4[%mul3A_2336] : memref<52428800xf32, #tpu.memory_space<hbm>> -> memref<2048xf32, #tpu.memory_space<hbm>>
      %dma_start3A_2340 = tpu.memref_slice %arg4[%mul3A_2336] : memref<52428800xf32, #tpu.memory_space<hbm>> -> memref<2048xf32, #tpu.memory_space<hbm>>
      %dma_start3A_2341 = arith.constant 14336 : i32
      %dma_start3A_2342 = tpu.memref_slice %arg9[%dma_start3A_2341] : memref<16384xf32, #tpu.memory_space<vmem>> -> memref<2048xf32, #tpu.memory_space<vmem>>
      tpu.enqueue_dma source(%dma_start3A_2342 : memref<2048xf32, #tpu.memory_space<vmem>>) target(%dma_start3A_2340 : memref<2048xf32, #tpu.memory_space<hbm>>) target_semaphore(%arg14 : memref<!tpu.dma_semaphore, #tpu.memory_space<semaphore_mem>>)
    }
    %scan3A_1096 = arith.constant 50 : i32
    %add3A_1097 = arith.constant 196 : i32
    %add3A_1098 = arith.addi %select_n3A, %add3A_1097 : i32
    %mul3A_1099 = arith.constant 8 : i32
    %mul3A_1100 = arith.muli %add3A_1098, %mul3A_1099 : i32
    %add3A_1101 = arith.constant 0 : i32
    %add3A_1102 = arith.addi %mul3A_1100, %add3A_1101 : i32
    %mul3A_1103 = arith.constant 32 : i32
    %mul3A_1104 = arith.muli %add3A_1102, %mul3A_1103 : i32
    %add3A_1105 = arith.addi %mul3A_1104, %mul3A_32 : i32
    %mul3A_1106 = arith.constant 1024 : i32
    %mul3A_1107 = arith.muli %add3A_1105, %mul3A_1106 : i32
    %dma_wait3A_1108 = arith.constant 0 : i32
    %dma_wait3A_1109 = tpu.memref_slice %arg8[%dma_wait3A_1108] : memref<16384xf32, #tpu.memory_space<vmem>> -> memref<2048xf32, #tpu.memory_space<vmem>>
    %dma_wait3A_1110 = tpu.memref_slice %arg4[%mul3A_1107] : memref<52428800xf32, #tpu.memory_space<hbm>> -> memref<2048xf32, #tpu.memory_space<hbm>>
    %dma_wait3A_1111 = tpu.memref_slice %arg4[%mul3A_1107] : memref<52428800xf32, #tpu.memory_space<hbm>> -> memref<2048xf32, #tpu.memory_space<hbm>>
    %dma_wait3A_1112 = arith.constant 0 : i32
    %dma_wait3A_1113 = tpu.memref_slice %arg8[%dma_wait3A_1112] : memref<16384xf32, #tpu.memory_space<vmem>> -> memref<2048xf32, #tpu.memory_space<vmem>>
    tpu.wait_dma2 semaphore(%arg13 : memref<!tpu.dma_semaphore, #tpu.memory_space<semaphore_mem>>) src(%dma_wait3A_1113 : memref<2048xf32, #tpu.memory_space<vmem>>) dst(%dma_wait3A_1111 : memref<2048xf32, #tpu.memory_space<hbm>>)
    %mul3A_1114 = arith.constant 8 : i32
    %mul3A_1115 = arith.muli %add3A_1098, %mul3A_1114 : i32
    %add3A_1116 = arith.constant 1 : i32
    %add3A_1117 = arith.addi %mul3A_1115, %add3A_1116 : i32
    %mul3A_1118 = arith.constant 32 : i32
    %mul3A_1119 = arith.muli %add3A_1117, %mul3A_1118 : i32
    %add3A_1120 = arith.addi %mul3A_1119, %mul3A_32 : i32
    %mul3A_1121 = arith.constant 1024 : i32
    %mul3A_1122 = arith.muli %add3A_1120, %mul3A_1121 : i32
    %dma_wait3A_1123 = arith.constant 2048 : i32
    %dma_wait3A_1124 = tpu.memref_slice %arg8[%dma_wait3A_1123] : memref<16384xf32, #tpu.memory_space<vmem>> -> memref<2048xf32, #tpu.memory_space<vmem>>
    %dma_wait3A_1125 = tpu.memref_slice %arg4[%mul3A_1122] : memref<52428800xf32, #tpu.memory_space<hbm>> -> memref<2048xf32, #tpu.memory_space<hbm>>
    %dma_wait3A_1126 = tpu.memref_slice %arg4[%mul3A_1122] : memref<52428800xf32, #tpu.memory_space<hbm>> -> memref<2048xf32, #tpu.memory_space<hbm>>
    %dma_wait3A_1127 = arith.constant 2048 : i32
    %dma_wait3A_1128 = tpu.memref_slice %arg8[%dma_wait3A_1127] : memref<16384xf32, #tpu.memory_space<vmem>> -> memref<2048xf32, #tpu.memory_space<vmem>>
    tpu.wait_dma2 semaphore(%arg13 : memref<!tpu.dma_semaphore, #tpu.memory_space<semaphore_mem>>) src(%dma_wait3A_1128 : memref<2048xf32, #tpu.memory_space<vmem>>) dst(%dma_wait3A_1126 : memref<2048xf32, #tpu.memory_space<hbm>>)
    %mul3A_1129 = arith.constant 8 : i32
    %mul3A_1130 = arith.muli %add3A_1098, %mul3A_1129 : i32
    %add3A_1131 = arith.constant 2 : i32
    %add3A_1132 = arith.addi %mul3A_1130, %add3A_1131 : i32
    %mul3A_1133 = arith.constant 32 : i32
    %mul3A_1134 = arith.muli %add3A_1132, %mul3A_1133 : i32
    %add3A_1135 = arith.addi %mul3A_1134, %mul3A_32 : i32
    %mul3A_1136 = arith.constant 1024 : i32
    %mul3A_1137 = arith.muli %add3A_1135, %mul3A_1136 : i32
    %dma_wait3A_1138 = arith.constant 4096 : i32
    %dma_wait3A_1139 = tpu.memref_slice %arg8[%dma_wait3A_1138] : memref<16384xf32, #tpu.memory_space<vmem>> -> memref<2048xf32, #tpu.memory_space<vmem>>
    %dma_wait3A_1140 = tpu.memref_slice %arg4[%mul3A_1137] : memref<52428800xf32, #tpu.memory_space<hbm>> -> memref<2048xf32, #tpu.memory_space<hbm>>
    %dma_wait3A_1141 = tpu.memref_slice %arg4[%mul3A_1137] : memref<52428800xf32, #tpu.memory_space<hbm>> -> memref<2048xf32, #tpu.memory_space<hbm>>
    %dma_wait3A_1142 = arith.constant 4096 : i32
    %dma_wait3A_1143 = tpu.memref_slice %arg8[%dma_wait3A_1142] : memref<16384xf32, #tpu.memory_space<vmem>> -> memref<2048xf32, #tpu.memory_space<vmem>>
    tpu.wait_dma2 semaphore(%arg13 : memref<!tpu.dma_semaphore, #tpu.memory_space<semaphore_mem>>) src(%dma_wait3A_1143 : memref<2048xf32, #tpu.memory_space<vmem>>) dst(%dma_wait3A_1141 : memref<2048xf32, #tpu.memory_space<hbm>>)
    %mul3A_1144 = arith.constant 8 : i32
    %mul3A_1145 = arith.muli %add3A_1098, %mul3A_1144 : i32
    %add3A_1146 = arith.constant 3 : i32
    %add3A_1147 = arith.addi %mul3A_1145, %add3A_1146 : i32
    %mul3A_1148 = arith.constant 32 : i32
    %mul3A_1149 = arith.muli %add3A_1147, %mul3A_1148 : i32
    %add3A_1150 = arith.addi %mul3A_1149, %mul3A_32 : i32
    %mul3A_1151 = arith.constant 1024 : i32
    %mul3A_1152 = arith.muli %add3A_1150, %mul3A_1151 : i32
    %dma_wait3A_1153 = arith.constant 6144 : i32
    %dma_wait3A_1154 = tpu.memref_slice %arg8[%dma_wait3A_1153] : memref<16384xf32, #tpu.memory_space<vmem>> -> memref<2048xf32, #tpu.memory_space<vmem>>
    %dma_wait3A_1155 = tpu.memref_slice %arg4[%mul3A_1152] : memref<52428800xf32, #tpu.memory_space<hbm>> -> memref<2048xf32, #tpu.memory_space<hbm>>
    %dma_wait3A_1156 = tpu.memref_slice %arg4[%mul3A_1152] : memref<52428800xf32, #tpu.memory_space<hbm>> -> memref<2048xf32, #tpu.memory_space<hbm>>
    %dma_wait3A_1157 = arith.constant 6144 : i32
    %dma_wait3A_1158 = tpu.memref_slice %arg8[%dma_wait3A_1157] : memref<16384xf32, #tpu.memory_space<vmem>> -> memref<2048xf32, #tpu.memory_space<vmem>>
    tpu.wait_dma2 semaphore(%arg13 : memref<!tpu.dma_semaphore, #tpu.memory_space<semaphore_mem>>) src(%dma_wait3A_1158 : memref<2048xf32, #tpu.memory_space<vmem>>) dst(%dma_wait3A_1156 : memref<2048xf32, #tpu.memory_space<hbm>>)
    %mul3A_1159 = arith.constant 8 : i32
    %mul3A_1160 = arith.muli %add3A_1098, %mul3A_1159 : i32
    %add3A_1161 = arith.constant 4 : i32
    %add3A_1162 = arith.addi %mul3A_1160, %add3A_1161 : i32
    %mul3A_1163 = arith.constant 32 : i32
    %mul3A_1164 = arith.muli %add3A_1162, %mul3A_1163 : i32
    %add3A_1165 = arith.addi %mul3A_1164, %mul3A_32 : i32
    %mul3A_1166 = arith.constant 1024 : i32
    %mul3A_1167 = arith.muli %add3A_1165, %mul3A_1166 : i32
    %dma_wait3A_1168 = arith.constant 8192 : i32
    %dma_wait3A_1169 = tpu.memref_slice %arg8[%dma_wait3A_1168] : memref<16384xf32, #tpu.memory_space<vmem>> -> memref<2048xf32, #tpu.memory_space<vmem>>
    %dma_wait3A_1170 = tpu.memref_slice %arg4[%mul3A_1167] : memref<52428800xf32, #tpu.memory_space<hbm>> -> memref<2048xf32, #tpu.memory_space<hbm>>
    %dma_wait3A_1171 = tpu.memref_slice %arg4[%mul3A_1167] : memref<52428800xf32, #tpu.memory_space<hbm>> -> memref<2048xf32, #tpu.memory_space<hbm>>
    %dma_wait3A_1172 = arith.constant 8192 : i32
    %dma_wait3A_1173 = tpu.memref_slice %arg8[%dma_wait3A_1172] : memref<16384xf32, #tpu.memory_space<vmem>> -> memref<2048xf32, #tpu.memory_space<vmem>>
    tpu.wait_dma2 semaphore(%arg13 : memref<!tpu.dma_semaphore, #tpu.memory_space<semaphore_mem>>) src(%dma_wait3A_1173 : memref<2048xf32, #tpu.memory_space<vmem>>) dst(%dma_wait3A_1171 : memref<2048xf32, #tpu.memory_space<hbm>>)
    %mul3A_1174 = arith.constant 8 : i32
    %mul3A_1175 = arith.muli %add3A_1098, %mul3A_1174 : i32
    %add3A_1176 = arith.constant 5 : i32
    %add3A_1177 = arith.addi %mul3A_1175, %add3A_1176 : i32
    %mul3A_1178 = arith.constant 32 : i32
    %mul3A_1179 = arith.muli %add3A_1177, %mul3A_1178 : i32
    %add3A_1180 = arith.addi %mul3A_1179, %mul3A_32 : i32
    %mul3A_1181 = arith.constant 1024 : i32
    %mul3A_1182 = arith.muli %add3A_1180, %mul3A_1181 : i32
    %dma_wait3A_1183 = arith.constant 10240 : i32
    %dma_wait3A_1184 = tpu.memref_slice %arg8[%dma_wait3A_1183] : memref<16384xf32, #tpu.memory_space<vmem>> -> memref<2048xf32, #tpu.memory_space<vmem>>
    %dma_wait3A_1185 = tpu.memref_slice %arg4[%mul3A_1182] : memref<52428800xf32, #tpu.memory_space<hbm>> -> memref<2048xf32, #tpu.memory_space<hbm>>
    %dma_wait3A_1186 = tpu.memref_slice %arg4[%mul3A_1182] : memref<52428800xf32, #tpu.memory_space<hbm>> -> memref<2048xf32, #tpu.memory_space<hbm>>
    %dma_wait3A_1187 = arith.constant 10240 : i32
    %dma_wait3A_1188 = tpu.memref_slice %arg8[%dma_wait3A_1187] : memref<16384xf32, #tpu.memory_space<vmem>> -> memref<2048xf32, #tpu.memory_space<vmem>>
    tpu.wait_dma2 semaphore(%arg13 : memref<!tpu.dma_semaphore, #tpu.memory_space<semaphore_mem>>) src(%dma_wait3A_1188 : memref<2048xf32, #tpu.memory_space<vmem>>) dst(%dma_wait3A_1186 : memref<2048xf32, #tpu.memory_space<hbm>>)
    %mul3A_1189 = arith.constant 8 : i32
    %mul3A_1190 = arith.muli %add3A_1098, %mul3A_1189 : i32
    %add3A_1191 = arith.constant 6 : i32
    %add3A_1192 = arith.addi %mul3A_1190, %add3A_1191 : i32
    %mul3A_1193 = arith.constant 32 : i32
    %mul3A_1194 = arith.muli %add3A_1192, %mul3A_1193 : i32
    %add3A_1195 = arith.addi %mul3A_1194, %mul3A_32 : i32
    %mul3A_1196 = arith.constant 1024 : i32
    %mul3A_1197 = arith.muli %add3A_1195, %mul3A_1196 : i32
    %dma_wait3A_1198 = arith.constant 12288 : i32
    %dma_wait3A_1199 = tpu.memref_slice %arg8[%dma_wait3A_1198] : memref<16384xf32, #tpu.memory_space<vmem>> -> memref<2048xf32, #tpu.memory_space<vmem>>
    %dma_wait3A_1200 = tpu.memref_slice %arg4[%mul3A_1197] : memref<52428800xf32, #tpu.memory_space<hbm>> -> memref<2048xf32, #tpu.memory_space<hbm>>
    %dma_wait3A_1201 = tpu.memref_slice %arg4[%mul3A_1197] : memref<52428800xf32, #tpu.memory_space<hbm>> -> memref<2048xf32, #tpu.memory_space<hbm>>
    %dma_wait3A_1202 = arith.constant 12288 : i32
    %dma_wait3A_1203 = tpu.memref_slice %arg8[%dma_wait3A_1202] : memref<16384xf32, #tpu.memory_space<vmem>> -> memref<2048xf32, #tpu.memory_space<vmem>>
    tpu.wait_dma2 semaphore(%arg13 : memref<!tpu.dma_semaphore, #tpu.memory_space<semaphore_mem>>) src(%dma_wait3A_1203 : memref<2048xf32, #tpu.memory_space<vmem>>) dst(%dma_wait3A_1201 : memref<2048xf32, #tpu.memory_space<hbm>>)
    %mul3A_1204 = arith.constant 8 : i32
    %mul3A_1205 = arith.muli %add3A_1098, %mul3A_1204 : i32
    %add3A_1206 = arith.constant 7 : i32
    %add3A_1207 = arith.addi %mul3A_1205, %add3A_1206 : i32
    %mul3A_1208 = arith.constant 32 : i32
    %mul3A_1209 = arith.muli %add3A_1207, %mul3A_1208 : i32
    %add3A_1210 = arith.addi %mul3A_1209, %mul3A_32 : i32
    %mul3A_1211 = arith.constant 1024 : i32
    %mul3A_1212 = arith.muli %add3A_1210, %mul3A_1211 : i32
    %dma_wait3A_1213 = arith.constant 14336 : i32
    %dma_wait3A_1214 = tpu.memref_slice %arg8[%dma_wait3A_1213] : memref<16384xf32, #tpu.memory_space<vmem>> -> memref<2048xf32, #tpu.memory_space<vmem>>
    %dma_wait3A_1215 = tpu.memref_slice %arg4[%mul3A_1212] : memref<52428800xf32, #tpu.memory_space<hbm>> -> memref<2048xf32, #tpu.memory_space<hbm>>
    %dma_wait3A_1216 = tpu.memref_slice %arg4[%mul3A_1212] : memref<52428800xf32, #tpu.memory_space<hbm>> -> memref<2048xf32, #tpu.memory_space<hbm>>
    %dma_wait3A_1217 = arith.constant 14336 : i32
    %dma_wait3A_1218 = tpu.memref_slice %arg8[%dma_wait3A_1217] : memref<16384xf32, #tpu.memory_space<vmem>> -> memref<2048xf32, #tpu.memory_space<vmem>>
    tpu.wait_dma2 semaphore(%arg13 : memref<!tpu.dma_semaphore, #tpu.memory_space<semaphore_mem>>) src(%dma_wait3A_1218 : memref<2048xf32, #tpu.memory_space<vmem>>) dst(%dma_wait3A_1216 : memref<2048xf32, #tpu.memory_space<hbm>>)
    %add3A_1219 = arith.constant 198 : i32
    %add3A_1220 = arith.addi %select_n3A, %add3A_1219 : i32
    %mul3A_1221 = arith.constant 8 : i32
    %mul3A_1222 = arith.muli %add3A_1220, %mul3A_1221 : i32
    %add3A_1223 = arith.constant 0 : i32
    %add3A_1224 = arith.addi %mul3A_1222, %add3A_1223 : i32
    %mul3A_1225 = arith.constant 32 : i32
    %mul3A_1226 = arith.muli %add3A_1224, %mul3A_1225 : i32
    %add3A_1227 = arith.addi %mul3A_1226, %mul3A_32 : i32
    %mul3A_1228 = arith.constant 1024 : i32
    %mul3A_1229 = arith.muli %add3A_1227, %mul3A_1228 : i32
    %dma_wait3A_1230 = arith.constant 0 : i32
    %dma_wait3A_1231 = tpu.memref_slice %arg9[%dma_wait3A_1230] : memref<16384xf32, #tpu.memory_space<vmem>> -> memref<2048xf32, #tpu.memory_space<vmem>>
    %dma_wait3A_1232 = tpu.memref_slice %arg4[%mul3A_1229] : memref<52428800xf32, #tpu.memory_space<hbm>> -> memref<2048xf32, #tpu.memory_space<hbm>>
    %dma_wait3A_1233 = tpu.memref_slice %arg4[%mul3A_1229] : memref<52428800xf32, #tpu.memory_space<hbm>> -> memref<2048xf32, #tpu.memory_space<hbm>>
    %dma_wait3A_1234 = arith.constant 0 : i32
    %dma_wait3A_1235 = tpu.memref_slice %arg9[%dma_wait3A_1234] : memref<16384xf32, #tpu.memory_space<vmem>> -> memref<2048xf32, #tpu.memory_space<vmem>>
    tpu.wait_dma2 semaphore(%arg14 : memref<!tpu.dma_semaphore, #tpu.memory_space<semaphore_mem>>) src(%dma_wait3A_1235 : memref<2048xf32, #tpu.memory_space<vmem>>) dst(%dma_wait3A_1233 : memref<2048xf32, #tpu.memory_space<hbm>>)
    %mul3A_1236 = arith.constant 8 : i32
    %mul3A_1237 = arith.muli %add3A_1220, %mul3A_1236 : i32
    %add3A_1238 = arith.constant 1 : i32
    %add3A_1239 = arith.addi %mul3A_1237, %add3A_1238 : i32
    %mul3A_1240 = arith.constant 32 : i32
    %mul3A_1241 = arith.muli %add3A_1239, %mul3A_1240 : i32
    %add3A_1242 = arith.addi %mul3A_1241, %mul3A_32 : i32
    %mul3A_1243 = arith.constant 1024 : i32
    %mul3A_1244 = arith.muli %add3A_1242, %mul3A_1243 : i32
    %dma_wait3A_1245 = arith.constant 2048 : i32
    %dma_wait3A_1246 = tpu.memref_slice %arg9[%dma_wait3A_1245] : memref<16384xf32, #tpu.memory_space<vmem>> -> memref<2048xf32, #tpu.memory_space<vmem>>
    %dma_wait3A_1247 = tpu.memref_slice %arg4[%mul3A_1244] : memref<52428800xf32, #tpu.memory_space<hbm>> -> memref<2048xf32, #tpu.memory_space<hbm>>
    %dma_wait3A_1248 = tpu.memref_slice %arg4[%mul3A_1244] : memref<52428800xf32, #tpu.memory_space<hbm>> -> memref<2048xf32, #tpu.memory_space<hbm>>
    %dma_wait3A_1249 = arith.constant 2048 : i32
    %dma_wait3A_1250 = tpu.memref_slice %arg9[%dma_wait3A_1249] : memref<16384xf32, #tpu.memory_space<vmem>> -> memref<2048xf32, #tpu.memory_space<vmem>>
    tpu.wait_dma2 semaphore(%arg14 : memref<!tpu.dma_semaphore, #tpu.memory_space<semaphore_mem>>) src(%dma_wait3A_1250 : memref<2048xf32, #tpu.memory_space<vmem>>) dst(%dma_wait3A_1248 : memref<2048xf32, #tpu.memory_space<hbm>>)
    %mul3A_1251 = arith.constant 8 : i32
    %mul3A_1252 = arith.muli %add3A_1220, %mul3A_1251 : i32
    %add3A_1253 = arith.constant 2 : i32
    %add3A_1254 = arith.addi %mul3A_1252, %add3A_1253 : i32
    %mul3A_1255 = arith.constant 32 : i32
    %mul3A_1256 = arith.muli %add3A_1254, %mul3A_1255 : i32
    %add3A_1257 = arith.addi %mul3A_1256, %mul3A_32 : i32
    %mul3A_1258 = arith.constant 1024 : i32
    %mul3A_1259 = arith.muli %add3A_1257, %mul3A_1258 : i32
    %dma_wait3A_1260 = arith.constant 4096 : i32
    %dma_wait3A_1261 = tpu.memref_slice %arg9[%dma_wait3A_1260] : memref<16384xf32, #tpu.memory_space<vmem>> -> memref<2048xf32, #tpu.memory_space<vmem>>
    %dma_wait3A_1262 = tpu.memref_slice %arg4[%mul3A_1259] : memref<52428800xf32, #tpu.memory_space<hbm>> -> memref<2048xf32, #tpu.memory_space<hbm>>
    %dma_wait3A_1263 = tpu.memref_slice %arg4[%mul3A_1259] : memref<52428800xf32, #tpu.memory_space<hbm>> -> memref<2048xf32, #tpu.memory_space<hbm>>
    %dma_wait3A_1264 = arith.constant 4096 : i32
    %dma_wait3A_1265 = tpu.memref_slice %arg9[%dma_wait3A_1264] : memref<16384xf32, #tpu.memory_space<vmem>> -> memref<2048xf32, #tpu.memory_space<vmem>>
    tpu.wait_dma2 semaphore(%arg14 : memref<!tpu.dma_semaphore, #tpu.memory_space<semaphore_mem>>) src(%dma_wait3A_1265 : memref<2048xf32, #tpu.memory_space<vmem>>) dst(%dma_wait3A_1263 : memref<2048xf32, #tpu.memory_space<hbm>>)
    %mul3A_1266 = arith.constant 8 : i32
    %mul3A_1267 = arith.muli %add3A_1220, %mul3A_1266 : i32
    %add3A_1268 = arith.constant 3 : i32
    %add3A_1269 = arith.addi %mul3A_1267, %add3A_1268 : i32
    %mul3A_1270 = arith.constant 32 : i32
    %mul3A_1271 = arith.muli %add3A_1269, %mul3A_1270 : i32
    %add3A_1272 = arith.addi %mul3A_1271, %mul3A_32 : i32
    %mul3A_1273 = arith.constant 1024 : i32
    %mul3A_1274 = arith.muli %add3A_1272, %mul3A_1273 : i32
    %dma_wait3A_1275 = arith.constant 6144 : i32
    %dma_wait3A_1276 = tpu.memref_slice %arg9[%dma_wait3A_1275] : memref<16384xf32, #tpu.memory_space<vmem>> -> memref<2048xf32, #tpu.memory_space<vmem>>
    %dma_wait3A_1277 = tpu.memref_slice %arg4[%mul3A_1274] : memref<52428800xf32, #tpu.memory_space<hbm>> -> memref<2048xf32, #tpu.memory_space<hbm>>
    %dma_wait3A_1278 = tpu.memref_slice %arg4[%mul3A_1274] : memref<52428800xf32, #tpu.memory_space<hbm>> -> memref<2048xf32, #tpu.memory_space<hbm>>
    %dma_wait3A_1279 = arith.constant 6144 : i32
    %dma_wait3A_1280 = tpu.memref_slice %arg9[%dma_wait3A_1279] : memref<16384xf32, #tpu.memory_space<vmem>> -> memref<2048xf32, #tpu.memory_space<vmem>>
    tpu.wait_dma2 semaphore(%arg14 : memref<!tpu.dma_semaphore, #tpu.memory_space<semaphore_mem>>) src(%dma_wait3A_1280 : memref<2048xf32, #tpu.memory_space<vmem>>) dst(%dma_wait3A_1278 : memref<2048xf32, #tpu.memory_space<hbm>>)
    %mul3A_1281 = arith.constant 8 : i32
    %mul3A_1282 = arith.muli %add3A_1220, %mul3A_1281 : i32
    %add3A_1283 = arith.constant 4 : i32
    %add3A_1284 = arith.addi %mul3A_1282, %add3A_1283 : i32
    %mul3A_1285 = arith.constant 32 : i32
    %mul3A_1286 = arith.muli %add3A_1284, %mul3A_1285 : i32
    %add3A_1287 = arith.addi %mul3A_1286, %mul3A_32 : i32
    %mul3A_1288 = arith.constant 1024 : i32
    %mul3A_1289 = arith.muli %add3A_1287, %mul3A_1288 : i32
    %dma_wait3A_1290 = arith.constant 8192 : i32
    %dma_wait3A_1291 = tpu.memref_slice %arg9[%dma_wait3A_1290] : memref<16384xf32, #tpu.memory_space<vmem>> -> memref<2048xf32, #tpu.memory_space<vmem>>
    %dma_wait3A_1292 = tpu.memref_slice %arg4[%mul3A_1289] : memref<52428800xf32, #tpu.memory_space<hbm>> -> memref<2048xf32, #tpu.memory_space<hbm>>
    %dma_wait3A_1293 = tpu.memref_slice %arg4[%mul3A_1289] : memref<52428800xf32, #tpu.memory_space<hbm>> -> memref<2048xf32, #tpu.memory_space<hbm>>
    %dma_wait3A_1294 = arith.constant 8192 : i32
    %dma_wait3A_1295 = tpu.memref_slice %arg9[%dma_wait3A_1294] : memref<16384xf32, #tpu.memory_space<vmem>> -> memref<2048xf32, #tpu.memory_space<vmem>>
    tpu.wait_dma2 semaphore(%arg14 : memref<!tpu.dma_semaphore, #tpu.memory_space<semaphore_mem>>) src(%dma_wait3A_1295 : memref<2048xf32, #tpu.memory_space<vmem>>) dst(%dma_wait3A_1293 : memref<2048xf32, #tpu.memory_space<hbm>>)
    %mul3A_1296 = arith.constant 8 : i32
    %mul3A_1297 = arith.muli %add3A_1220, %mul3A_1296 : i32
    %add3A_1298 = arith.constant 5 : i32
    %add3A_1299 = arith.addi %mul3A_1297, %add3A_1298 : i32
    %mul3A_1300 = arith.constant 32 : i32
    %mul3A_1301 = arith.muli %add3A_1299, %mul3A_1300 : i32
    %add3A_1302 = arith.addi %mul3A_1301, %mul3A_32 : i32
    %mul3A_1303 = arith.constant 1024 : i32
    %mul3A_1304 = arith.muli %add3A_1302, %mul3A_1303 : i32
    %dma_wait3A_1305 = arith.constant 10240 : i32
    %dma_wait3A_1306 = tpu.memref_slice %arg9[%dma_wait3A_1305] : memref<16384xf32, #tpu.memory_space<vmem>> -> memref<2048xf32, #tpu.memory_space<vmem>>
    %dma_wait3A_1307 = tpu.memref_slice %arg4[%mul3A_1304] : memref<52428800xf32, #tpu.memory_space<hbm>> -> memref<2048xf32, #tpu.memory_space<hbm>>
    %dma_wait3A_1308 = tpu.memref_slice %arg4[%mul3A_1304] : memref<52428800xf32, #tpu.memory_space<hbm>> -> memref<2048xf32, #tpu.memory_space<hbm>>
    %dma_wait3A_1309 = arith.constant 10240 : i32
    %dma_wait3A_1310 = tpu.memref_slice %arg9[%dma_wait3A_1309] : memref<16384xf32, #tpu.memory_space<vmem>> -> memref<2048xf32, #tpu.memory_space<vmem>>
    tpu.wait_dma2 semaphore(%arg14 : memref<!tpu.dma_semaphore, #tpu.memory_space<semaphore_mem>>) src(%dma_wait3A_1310 : memref<2048xf32, #tpu.memory_space<vmem>>) dst(%dma_wait3A_1308 : memref<2048xf32, #tpu.memory_space<hbm>>)
    %mul3A_1311 = arith.constant 8 : i32
    %mul3A_1312 = arith.muli %add3A_1220, %mul3A_1311 : i32
    %add3A_1313 = arith.constant 6 : i32
    %add3A_1314 = arith.addi %mul3A_1312, %add3A_1313 : i32
    %mul3A_1315 = arith.constant 32 : i32
    %mul3A_1316 = arith.muli %add3A_1314, %mul3A_1315 : i32
    %add3A_1317 = arith.addi %mul3A_1316, %mul3A_32 : i32
    %mul3A_1318 = arith.constant 1024 : i32
    %mul3A_1319 = arith.muli %add3A_1317, %mul3A_1318 : i32
    %dma_wait3A_1320 = arith.constant 12288 : i32
    %dma_wait3A_1321 = tpu.memref_slice %arg9[%dma_wait3A_1320] : memref<16384xf32, #tpu.memory_space<vmem>> -> memref<2048xf32, #tpu.memory_space<vmem>>
    %dma_wait3A_1322 = tpu.memref_slice %arg4[%mul3A_1319] : memref<52428800xf32, #tpu.memory_space<hbm>> -> memref<2048xf32, #tpu.memory_space<hbm>>
    %dma_wait3A_1323 = tpu.memref_slice %arg4[%mul3A_1319] : memref<52428800xf32, #tpu.memory_space<hbm>> -> memref<2048xf32, #tpu.memory_space<hbm>>
    %dma_wait3A_1324 = arith.constant 12288 : i32
    %dma_wait3A_1325 = tpu.memref_slice %arg9[%dma_wait3A_1324] : memref<16384xf32, #tpu.memory_space<vmem>> -> memref<2048xf32, #tpu.memory_space<vmem>>
    tpu.wait_dma2 semaphore(%arg14 : memref<!tpu.dma_semaphore, #tpu.memory_space<semaphore_mem>>) src(%dma_wait3A_1325 : memref<2048xf32, #tpu.memory_space<vmem>>) dst(%dma_wait3A_1323 : memref<2048xf32, #tpu.memory_space<hbm>>)
    %mul3A_1326 = arith.constant 8 : i32
    %mul3A_1327 = arith.muli %add3A_1220, %mul3A_1326 : i32
    %add3A_1328 = arith.constant 7 : i32
    %add3A_1329 = arith.addi %mul3A_1327, %add3A_1328 : i32
    %mul3A_1330 = arith.constant 32 : i32
    %mul3A_1331 = arith.muli %add3A_1329, %mul3A_1330 : i32
    %add3A_1332 = arith.addi %mul3A_1331, %mul3A_32 : i32
    %mul3A_1333 = arith.constant 1024 : i32
    %mul3A_1334 = arith.muli %add3A_1332, %mul3A_1333 : i32
    %dma_wait3A_1335 = arith.constant 14336 : i32
    %dma_wait3A_1336 = tpu.memref_slice %arg9[%dma_wait3A_1335] : memref<16384xf32, #tpu.memory_space<vmem>> -> memref<2048xf32, #tpu.memory_space<vmem>>
    %dma_wait3A_1337 = tpu.memref_slice %arg4[%mul3A_1334] : memref<52428800xf32, #tpu.memory_space<hbm>> -> memref<2048xf32, #tpu.memory_space<hbm>>
    %dma_wait3A_1338 = tpu.memref_slice %arg4[%mul3A_1334] : memref<52428800xf32, #tpu.memory_space<hbm>> -> memref<2048xf32, #tpu.memory_space<hbm>>
    %dma_wait3A_1339 = arith.constant 14336 : i32
    %dma_wait3A_1340 = tpu.memref_slice %arg9[%dma_wait3A_1339] : memref<16384xf32, #tpu.memory_space<vmem>> -> memref<2048xf32, #tpu.memory_space<vmem>>
    tpu.wait_dma2 semaphore(%arg14 : memref<!tpu.dma_semaphore, #tpu.memory_space<semaphore_mem>>) src(%dma_wait3A_1340 : memref<2048xf32, #tpu.memory_space<vmem>>) dst(%dma_wait3A_1338 : memref<2048xf32, #tpu.memory_space<hbm>>)
    return
  }
}

</mosaic_0001>

<sc_bundles>
// kernel: kernel.3.cloned.1.call-start
scs
__scs_entry_jumppad:
0x0: {  	(pc) =	sbr.rel $0x88, $3  }
0x1: {  	(tag) =	ssettag $0x0;
	lr =	simm.s32 $0x1  }
0x2: {  	[smem:$0x3F9F] =	sst lr;
	_ =	strace $0xD0000000  }
0x3: {  	_ = 	snop  }
0x4: {  	_ = 	snop  }
0x5: {  	_ = 	snop  }
0x6: {  	_ = 	snop  }
0x7: {  	_ = 	snop  }
__scs_overlays_trampoline_lowered:
0x8: {  	[smem:$0x3FAE] =	sst s0  }
0x9: {  	[smem:$0x3FAF] =	sst s1  }
0xa: {  	[smem:$0x3FB0] =	sst s2  }
0xb: {  	[smem:$0x3FB1] =	sst s3  }
0xc: {  	[smem:$0x3FB2] =	sst s4  }
0xd: {  	[smem:$0x3FB3] =	sst s5  }
0xe: {  	[smem:$0x3FB4] =	sst s6  }
0xf: {  	[smem:$0x3FB5] =	sst s7  }
0x10: {  	[smem:$0x3FB6] =	sst s8  }
0x11: {  	[smem:$0x3FB7] =	sst s9;
	s0 =	simm.s32 @!p0 $0x0  }
0x12: {  	s1 =	sld [smem:$0x3F9D];
	s0 =	simm.s32 @p0 $0x1  }
0x13: {  	[smem:$0x3FB8] =	sst s0;
	s0 =	simm.s32 @!p1 $0x0  }
0x14: {  	s2 =	sld [smem:$0x3F9C];
	s0 =	simm.s32 @p1 $0x1  }
0x15: {  	[smem:$0x3FB9] =	sst s0;
	s0 =	simm.s32 @!p2 $0x0  }
0x16: {  	s3 =	sld [smem:$0x3FDB];
	s0 =	simm.s32 @p2 $0x1  }
0x17: {  	s4 =	simm.s32 $0x1BF5;
	[smem:$0x3FBB] =	sst s0  }
0x18: {  	s0 =	sld [smem:$0x3F9E];
	_ =	swait.ge [sflag:s4], $0x0  }
0x19: {  	s7 =	sld [smem:$0x3F9F]  }
0x1a: {  	s8 =	sadd.s32 $0xFFFFE003, lr  }
0x1b: {  	s9 =	sadd.s32 $0xFFFFFEF7, lr;
	s5 =	simm.s32 $0xFFFFFFFF;
	p2 =	slt.u32 s8, $0xFFFFF086  }
0x1c: {  	p1 =	slt.u32 s9, $0xF7A;
	s5 =	simm.s32 @!p2 $0x0  }
0x1d: {  	s5 =	simm.s32 @p1 $0x1;
	p0 =	seq.s32 s7, s2  }
0x1e: {  	s7 =	smul.u32 @!p0 $0xF7A, s2;
	p2 =	seq.s32 @!p0 s5, $0x0  }
0x1f: {  	s9 =	smul.u32 $0xF7A, s1;
	s8 =	simm.s32 @!p0 $0x1BF5;
	p2 =	por !p2, p0  }
0x20: {  	[sflag:s8] =	ssyncset.s32 @!p0 $0xFFFFF086;
	s6 =	sadd.s32 @!p0 s3, s7;
	s7 =	simm.s32 @!p0 $0x108  }
0x21: {  	s3 =	sadd.s32 s3, s9;
	s6 =	sadd.s32 @!p0 $0x88, s6;
	s7 =	simm.s32 @p2 $0x1082  }
0x22: {  	[simem:s7], [sflag:s8] =	dma.local @!p0 [hbm:s6], $0xF7A  }
0x23: {  	s9 =	sor.u32 $0xD0000000, s2;
	s6 =	simm.s32 $0x108;
	_ =	swait.ge @!p0 [sflag:s8], $0x0  }
0x24: {  	s3 =	sadd.s32 $0x88, s3;
	s6 =	simm.s32 @!p1 $0x1082;
	[sflag:s4] =	ssyncset.s32 $0xFFFFF086  }
0x25: {  	[simem:s6], [sflag:s4] =	dma.local [hbm:s3], $0xF7A  }
0x26: {  	[smem:$0x3F9F] =	sst s1;
	(tag) =	ssettag s2;
	_ =	strace s9  }
0x27: {  	s1 =	sld [smem:$0x3FAF]  }
0x28: {  	s2 =	sld [smem:$0x3FB0]  }
0x29: {  	s4 =	sld [smem:$0x3FB2]  }
0x2a: {  	p0 =	seq.s32 s5, $0x0;
	s5 =	sld [smem:$0x3FB3]  }
0x2b: {  	s6 =	sld [smem:$0x3FB4]  }
0x2c: {  	s7 =	sld [smem:$0x3FB5]  }
0x2d: {  	s3 =	simm.s32 $0x108;
	s8 =	sld [smem:$0x3FB6]  }
0x2e: {  	s3 =	simm.s32 @!p0 $0x1082;
	s9 =	sld [smem:$0x3FB7]  }
0x2f: {  	lr =	sadd.s32 s0, s3;
	s0 =	sld [smem:$0x3FAE]  }
0x30: {  	s3 =	sld [smem:$0x3FB1]  }
0x31: {  	[smem:$0x3FBA] =	sst s10  }
0x32: {  	s10 =	sld [smem:$0x3FB8];
	_ =	sdelay $0x3  }
0x33: {  	p0 =	seq.s32 s10, $0x1;
	s10 =	sld [smem:$0x3FBA];
	_ =	sdelay $0x3  }
0x34: {  	[smem:$0x3FBA] =	sst s10  }
0x35: {  	s10 =	sld [smem:$0x3FB9];
	_ =	sdelay $0x3  }
0x36: {  	p1 =	seq.s32 s10, $0x1;
	s10 =	sld [smem:$0x3FBA];
	_ =	sdelay $0x3  }
0x37: {  	[smem:$0x3FBA] =	sst s10  }
0x38: {  	s10 =	sld [smem:$0x3FBB]  }
0x39: {  	_ = 	snop;
	(pc) =	sbr.ind lr, $3  }
0x3a: {  	_ = 	snop  }
0x3b: {  	_ = 	snop  }
0x3c: {  	p2 =	seq.s32 s10, $0x1;
	s10 =	sld [smem:$0x3FBA]  }
0x3d: {  	_ =	shalt  }
0x3e: {  	_ =	shalt  }
0x3f: {  	_ =	shalt  }
0x40: {  	_ =	shalt  }
0x41: {  	_ =	shalt  }
0x42: {  	_ =	shalt  }
0x43: {  	_ =	shalt  }
0x44: {  	_ =	shalt  }
0x45: {  	_ =	shalt  }
0x46: {  	_ =	shalt  }
0x47: {  	_ =	shalt  }
0x48: {  	_ =	shalt  }
0x49: {  	_ =	shalt  }
0x4a: {  	_ =	shalt  }
0x4b: {  	_ =	shalt  }
0x4c: {  	_ =	shalt  }
0x4d: {  	_ =	shalt  }
0x4e: {  	_ =	shalt  }
0x4f: {  	_ =	shalt  }
0x50: {  	_ =	shalt  }
0x51: {  	_ =	shalt  }
0x52: {  	_ =	shalt  }
0x53: {  	_ =	shalt  }
0x54: {  	_ =	shalt  }
0x55: {  	_ =	shalt  }
0x56: {  	_ =	shalt  }
0x57: {  	_ =	shalt  }
0x58: {  	_ =	shalt  }
0x59: {  	_ =	shalt  }
0x5a: {  	_ =	shalt  }
0x5b: {  	_ =	shalt  }
0x5c: {  	_ =	shalt  }
0x5d: {  	_ =	shalt  }
0x5e: {  	_ =	shalt  }
0x5f: {  	_ =	shalt  }
0x60: {  	_ =	shalt  }
0x61: {  	_ =	shalt  }
0x62: {  	_ =	shalt  }
0x63: {  	_ =	shalt  }
0x64: {  	_ =	shalt  }
0x65: {  	_ =	shalt  }
0x66: {  	_ =	shalt  }
0x67: {  	_ =	shalt  }
0x68: {  	_ =	shalt  }
0x69: {  	_ =	shalt  }
0x6a: {  	_ =	shalt  }
0x6b: {  	_ =	shalt  }
0x6c: {  	_ =	shalt  }
0x6d: {  	_ =	shalt  }
0x6e: {  	_ =	shalt  }
0x6f: {  	_ =	shalt  }
0x70: {  	_ =	shalt  }
0x71: {  	_ =	shalt  }
0x72: {  	_ =	shalt  }
0x73: {  	_ =	shalt  }
0x74: {  	_ =	shalt  }
0x75: {  	_ =	shalt  }
0x76: {  	_ =	shalt  }
0x77: {  	_ =	shalt  }
0x78: {  	_ =	shalt  }
0x79: {  	_ =	shalt  }
0x7a: {  	_ =	shalt  }
0x7b: {  	_ =	shalt  }
0x7c: {  	_ =	shalt  }
0x7d: {  	_ =	shalt  }
0x7e: {  	_ =	shalt  }
0x7f: {  	_ =	shalt  }
0x80: {  	_ =	shalt  }
0x81: {  	_ =	shalt  }
0x82: {  	_ =	shalt  }
0x83: {  	_ =	shalt  }
0x84: {  	_ =	shalt  }
0x85: {  	_ =	shalt  }
0x86: {  	_ =	shalt  }
0x87: {  	_ =	shalt  }
.Lfunc_end0:
.L_simem_size_0:
called_computation_lowered:
.L_overlay_start_0:
0x88: {  	s2 =	sld [smem:$0x3FD9]  }
0x89: {  	s3 =	sld [smem:$0x3FFE];
	_ =	sdelay $0x1  }
0x8a: {  	s1 =	srdreg.scid  }
0x8b: {  	s0 =	sand.u32 $0x1, s1  }
0x8c: {  	s17 =	sshll.u32 s0, $0xA;
	s2 =	sadd.s32 s3, s2  }
0x8d: {  	s2 =	sadd.s32 s2, s17  }
0x8e: {  	[smem:$0x3FC6] =	sst s2  }
0x8f: {  	_ = 	snop  }
0x90: {  	s2 =	sld [smem:$0x3FC9]  }
0x91: {  	s18 =	sld [smem:$0x3FD0];
	(tm) =	ssettm $0x1  }
0x92: {  	s4 =	sld [smem:$0x3FFB];
	_ =	sdelay $0x3  }
0x93: {  	_ =	strace s4  }
0x94: {  	s4 =	sld [smem:$0x3FFC];
	_ =	sdelay $0x3  }
0x95: {  	_ =	strace s4  }
0x96: {  	s4 =	sld [smem:$0x3FFD];
	_ =	sdelay $0x3  }
0x97: {  	_ =	strace s4  }
0x98: {  	_ =	strace $0x8FFFFFFF  }
0x99: {  	s19 =	sld [smem:$0x3FDB];
	_ =	sdelay $0x1  }
0x9a: {  	s5 =	simm.s32 $_scs_section_size  }
0x9b: {  	s6 =	simm.s32 $_size__tile_overlayer_lowered;
	s7 =	simm.s32 $_tile_overlayer_lowered  }
0x9c: {  	s22 =	simm.s32 $0x1BFF;
	s21 =	sshll.u32 s7, $0x1;
	s4 =	sadd.s32 s5, s19  }
0x9d: {  	s8 =	simm.s32 $0x0;
	s20 =	sshll.u32 s6, $0x1;
	s6 =	sadd.s32 s21, s4  }
0x9e: {  	[timem:s8], [sflag:s22] =	dma.local [hbm:s6], s20  }
0x9f: {  	_ =	swait.ge [sflag:s22], s20  }
0xa0: {  	s5 =	ssub.s32 $0x0, s20;
	[sflag:s22] =	ssyncset.done $0x0  }
0xa1: {  	[sflag:s22] =	ssyncadd.s32 s5;
	_ =	sdelay $0x1  }
0xa2: {  	s23 =	simm.s32 $0x1B8B  }
0xa3: {  	_ =	swait.ge [sflag:s23], $0x1  }
0xa4: {  	[sflag:s23] =	ssyncset.done $0x0  }
0xa5: {  	s25 =	simm.s32 $0x1B8E;
	s24 =	sld [smem:$0x3FFE];
	[sflag:s23] =	ssyncadd.s32 $0xFFFFFFFF  }
0xa6: {  	s26 =	simm.s32 $execute0_lowered;
	[smem:$0x3FD2] =	sst s25  }
0xa7: {  	s6 =	sshll.u32 s26, $0x1;
	_ =	strace $0x80000046;
	[dreg:$0x1] =	wrdreg $0xFFFFFFFF  }
0xa8: {  	s28 =	simm.s32 $_size_execute0_lowered;
	s4 =	sadd.s32 s4, s6;
	[dreg:$0x0] =	wrdreg $0x0  }
0xa9: {  	s6 =	sshll.u32 s28, $0x1;
	[dreg:$0x2] =	wrdreg s4  }
0xaa: {  	[dreg:$0x3] =	wrdreg s6  }
0xab: {  	[dreg:$0x4] =	wrdreg $0xC0  }
0xac: {  	_ =	task [dreg:s8], $0x5FFFF  }
0xad: {  	[dreg:$0x1] =	wrdreg $0xFFFFFFFF  }
0xae: {  	[dreg:$0x0] =	wrdreg $0x60  }
0xaf: {  	[dreg:$0x2] =	wrdreg s2  }
0xb0: {  	[dreg:$0x3] =	wrdreg s24  }
0xb1: {  	[dreg:$0x4] =	wrdreg s18  }
0xb2: {  	[dreg:$0x5] =	wrdreg $0x9  }
0xb3: {  	_ =	task.clear_ibuf [dreg:s8], $0x6FFFF;
	_ =	strace $0x90000046  }
0xb4: {  	s29 =	simm.s32 $0x9;
	_ =	strace $0x80000048  }
0xb5: {  	_ =	swait.ge [sflag:s29], $0x1  }
0xb6: {  	[sflag:s29] =	ssyncadd.s32 $0xFFFFFFFF  }
0xb7: {  	_ =	strace $0x90000048  }
0xb8: {  	_ =	sfence  }
0xb9: {  	s30 =	sld [smem:$0x0];
	_ =	sdelay $0x2  }
0xba: {  	s31 =	sshll.u32 s1, $0xD;
	s1 =	sshrl.u32 s1, $0x2  }
0xbb: {  	s3 =	sand.u32 $0x4000, s31;
	s1 =	sadd.s32 s1, s30  }
0xbc: {  	s0 =	sor.u32 s3, s0;
	s1 =	sshll.u32 s1, $0x11  }
0xbd: {  	s0 =	sor.u32 s1, s0  }
0xbe: {  	s0 =	sadd.s32 $0x8F2B, s0  }
0xbf: {  	[sflag:s0] =	ssyncadd.remote.s32 $0x1  }
0xc0: {  	_ =	sfence.sel $0xFFFF  }
0xc1: {  	[dreg:$0x0] =	wrdreg $0xFFFFFFFF;
	(pc) =	sbr.abs _section_cstart, $3  }
0xc2: {  	[dreg:$0x1] =	wrdreg $0xFFFFFFFF  }
0xc3: {  	_ =	task.clear_ibuf [dreg:s8], $0x2FFFF;
	_ =	strace $0x9FFFFFFF  }
0xc4: {  	(tm) =	ssettm $0x7FFFFFFF  }
0xc5: {  	_ =	shalt  }
tec
execute0_lowered:
.L_overlay_start_1:
0x0: {  	(tag) =	ssettag $0x1  }
0x1: {  	s0 =	rddreg [dreg:$0x0];
	s4 =	srdreg.scid  }
0x2: {  	s1 =	rddreg [dreg:$0x1];
	s7 =	stileid.u32;
	s4 =	sand.u32 $0x1, s4  }
0x3: {  	s2 =	rddreg [dreg:$0x2];
	s5 =	sshll.u32 s7, $0x1;
	s6 =	ssub.s32 $0x2, s4  }
0x4: {  	s3 =	simm.s32 $0x0;
	s5 =	sand.u32 $0xE, s5;
	s25 =	sshrl.u32 s6, $0x1  }
0x5: {  	s5 =	sor.u32 s4, s5;
	s4 =	sadd.s32 $0xF42800, s1;
	s1 =	ssub.s32 s6, s25  }
0x6: {  	[smem:$0x7FF] =	sst s3;
	s5 =	sshll.u32 s5, $0x8;
	s1 =	smax.u32 s1, $0x1  }
0x7: {  	_ =	strace $0x80000047;
	s0 =	sadd.s32 s0, s5;
	[dreg:$0x16] =	wrdreg s1  }
0x8: {  	s26 =	sadd.s32 $0x80, s0;
	[dreg:$0x4] =	wrdreg s0  }
0x9: {  	s28 =	sadd.s32 $0x1000, s0;
	[dreg:$0x5] =	wrdreg s26  }
0xa: {  	s29 =	sadd.s32 $0x1080, s0;
	[dreg:$0x6] =	wrdreg s28  }
0xb: {  	s30 =	sadd.s32 $0x2000, s0;
	[dreg:$0x7] =	wrdreg s29  }
0xc: {  	s8 =	sadd.s32 $0x2080, s0;
	[dreg:$0x8] =	wrdreg s30  }
0xd: {  	s9 =	sadd.s32 $0x3000, s0;
	[dreg:$0x9] =	wrdreg s8  }
0xe: {  	s10 =	sadd.s32 $0x3080, s0;
	[dreg:$0xa] =	wrdreg s9  }
0xf: {  	s11 =	sadd.s32 $0x4000, s0;
	[dreg:$0xb] =	wrdreg s10  }
0x10: {  	s12 =	sadd.s32 $0x4080, s0;
	[dreg:$0xc] =	wrdreg s11  }
0x11: {  	s13 =	sadd.s32 $0x5000, s0;
	[dreg:$0xd] =	wrdreg s12  }
0x12: {  	s14 =	sadd.s32 $0x5080, s0;
	[dreg:$0xe] =	wrdreg s13  }
0x13: {  	s15 =	sadd.s32 $0x6000, s0;
	[dreg:$0xf] =	wrdreg s14  }
0x14: {  	s16 =	sadd.s32 $0x6080, s0;
	[dreg:$0x10] =	wrdreg s15  }
0x15: {  	s17 =	sadd.s32 $0x7000, s0;
	[dreg:$0x11] =	wrdreg s16  }
0x16: {  	s18 =	sadd.s32 $0x7080, s0;
	[dreg:$0x12] =	wrdreg s17  }
0x17: {  	s19 =	sadd.s32 $0x8000, s0;
	[dreg:$0x13] =	wrdreg s18  }
0x18: {  	s20 =	sadd.s32 $0x8080, s0;
	[dreg:$0x14] =	wrdreg s19  }
0x19: {  	s21 =	sadd.s32 $0x9000, s0;
	[dreg:$0x15] =	wrdreg s20  }
0x1a: {  	s22 =	sadd.s32 $0x9080, s0;
	[dreg:$0x17] =	wrdreg s21  }
0x1b: {  	s23 =	sadd.s32 $0xA000, s0;
	[dreg:$0x18] =	wrdreg s22  }
0x1c: {  	s24 =	sadd.s32 $0xA080, s0;
	[dreg:$0x19] =	wrdreg s23  }
0x1d: {  	s25 =	sadd.s32 $0xB000, s0;
	[dreg:$0x1a] =	wrdreg s24  }
0x1e: {  	s6 =	sshrl.u32 s7, $0x3;
	s7 =	sadd.s32 $0xD080, s0;
	[dreg:$0x1b] =	wrdreg s25  }
0x1f: {  	s26 =	sadd.s32 $0xB080, s0;
	[smem:$0x7E5] =	sst s7  }
0x20: {  	s28 =	sadd.s32 $0xC000, s0;
	[dreg:$0x1c] =	wrdreg s26  }
0x21: {  	s29 =	sadd.s32 $0xC080, s0;
	[dreg:$0x1d] =	wrdreg s28  }
0x22: {  	s30 =	sadd.s32 $0xD000, s0;
	[dreg:$0x1e] =	wrdreg s29  }
0x23: {  	v0 =	vimm.s32 $0xB80;
	s8 =	sadd.s32 $0xE000, s0;
	[dreg:$0x1f] =	wrdreg s30  }
0x24: {  	vm14 =	vcmask $0x300;
	vm13 =	vcmask $0x704;
	vm12 =	vcmask $0xB08;
	s9 =	sadd.s32 $0xE080, s0;
	[smem:$0x7E6] =	sst s8  }
0x25: {  	vm11 =	vcmask $0xF0C;
	vm10 =	vcmask $0x1310;
	vm9 =	vcmask $0x1714;
	s10 =	sadd.s32 $0xF000, s0;
	[smem:$0x7E7] =	sst s9  }
0x26: {  	vm8 =	vcmask $0x1B18;
	vm7 =	vcmask $0x1F1C;
	vm6 =	vcmask $0x2320;
	s11 =	sadd.s32 $0xF080, s0;
	[smem:$0x7E8] =	sst s10  }
0x27: {  	vm5 =	vcmask $0x2724;
	vm4 =	vcmask $0x2B28;
	vm3 =	vcmask $0x2F2C;
	s12 =	sadd.s32 $0x10000, s0;
	[smem:$0x7E9] =	sst s11  }
0x28: {  	vm2 =	vcmask $0x3330;
	vm1 =	vcmask $0x3734;
	vm0 =	vcmask $0x3B38;
	s13 =	sadd.s32 $0x10080, s0;
	[smem:$0x7EA] =	sst s12  }
0x29: {  	v1 =	vimm.s32 $0x1B80;
	v2 =	vimm.s32 $0x2B80;
	v3 =	vimm.s32 $0x3B80;
	s14 =	sadd.s32 $0x11000, s0;
	[smem:$0x7EB] =	sst s13  }
0x2a: {  	v0 =	vsel vm14, $0x0, v0;
	v1 =	vsel vm14, $0x1000, v1;
	v2 =	vsel vm14, $0x2000, v2;
	s15 =	sadd.s32 $0x11080, s0;
	[smem:$0x7EC] =	sst s14  }
0x2b: {  	v3 =	vsel vm14, $0x3000, v3;
	v0 =	vsel vm13, $0x80, v0;
	v1 =	vsel vm13, $0x1080, v1;
	s16 =	sadd.s32 $0x12000, s0;
	[smem:$0x7ED] =	sst s15  }
0x2c: {  	v2 =	vsel vm13, $0x2080, v2;
	v3 =	vsel vm13, $0x3080, v3;
	v0 =	vsel vm12, $0x100, v0;
	s17 =	sadd.s32 $0x12080, s0;
	[smem:$0x7EE] =	sst s16  }
0x2d: {  	v1 =	vsel vm12, $0x1100, v1;
	v2 =	vsel vm12, $0x2100, v2;
	v3 =	vsel vm12, $0x3100, v3;
	s18 =	sadd.s32 $0x13000, s0;
	[smem:$0x7EF] =	sst s17  }
0x2e: {  	v0 =	vsel vm11, $0x180, v0;
	v1 =	vsel vm11, $0x1180, v1;
	v2 =	vsel vm11, $0x2180, v2;
	s19 =	sadd.s32 $0x13080, s0;
	[smem:$0x7F0] =	sst s18  }
0x2f: {  	v3 =	vsel vm11, $0x3180, v3;
	v0 =	vsel vm10, $0x200, v0;
	v1 =	vsel vm10, $0x1200, v1;
	s20 =	sadd.s32 $0x14000, s0;
	[smem:$0x7F1] =	sst s19  }
0x30: {  	v2 =	vsel vm10, $0x2200, v2;
	v3 =	vsel vm10, $0x3200, v3;
	v0 =	vsel vm9, $0x280, v0;
	s21 =	sadd.s32 $0x14080, s0;
	[smem:$0x7F2] =	sst s20  }
0x31: {  	v1 =	vsel vm9, $0x1280, v1;
	v2 =	vsel vm9, $0x2280, v2;
	v3 =	vsel vm9, $0x3280, v3;
	s22 =	sadd.s32 $0x15000, s0;
	[smem:$0x7F3] =	sst s21  }
0x32: {  	s23 =	sadd.s32 $0x15080, s0;
	v0 =	vsel vm8, $0x300, v0;
	v1 =	vsel vm8, $0x1300, v1;
	v2 =	vsel vm8, $0x2300, v2;
	[smem:$0x7F4] =	sst s22  }
0x33: {  	s24 =	sadd.s32 $0x16000, s0;
	v3 =	vsel vm8, $0x3300, v3;
	[smem:$0x7F5] =	sst s23;
	v0 =	vsel vm7, $0x380, v0;
	v1 =	vsel vm7, $0x1380, v1  }
0x34: {  	s25 =	sadd.s32 $0x16080, s0;
	[smem:$0x7F6] =	sst s24;
	v2 =	vsel vm7, $0x2380, v2;
	v3 =	vsel vm7, $0x3380, v3;
	v0 =	vsel vm6, $0x800, v0  }
0x35: {  	s31 =	simm.s32 $0x3;
	[smem:$0x7F7] =	sst s25;
	s26 =	sadd.s32 $0x17000, s0;
	v1 =	vsel vm6, $0x1800, v1;
	v2 =	vsel vm6, $0x2800, v2;
	v3 =	vsel vm6, $0x3800, v3  }
0x36: {  	s28 =	sadd.s32 $0x17080, s0;
	s29 =	sadd.s32 $0x18000, s0;
	s0 =	sadd.s32 $0x18080, s0;
	v0 =	vsel vm5, $0x880, v0;
	v1 =	vsel vm5, $0x1880, v1;
	v2 =	vsel vm5, $0x2880, v2  }
0x37: {  	s30 =	sshll.u32 s6, $0x7;
	s10 =	sadd.s32 $0x1000, s2;
	s11 =	sadd.s32 $0x2000, s2;
	v3 =	vsel vm5, $0x3880, v3;
	v0 =	vsel vm4, $0x900, v0;
	v1 =	vsel vm4, $0x1900, v1  }
0x38: {  	s12 =	sadd.s32 $0x3000, s2;
	s13 =	sadd.s32 $0x4000, s2;
	[smem:$0x7F8] =	sst s26;
	v2 =	vsel vm4, $0x2900, v2;
	v3 =	vsel vm4, $0x3900, v3;
	v0 =	vsel vm3, $0x980, v0  }
0x39: {  	s14 =	sadd.s32 $0x5000, s2;
	s15 =	sadd.s32 $0x6000, s2;
	[smem:$0x7F9] =	sst s28;
	v1 =	vsel vm3, $0x1980, v1;
	v2 =	vsel vm3, $0x2980, v2;
	v3 =	vsel vm3, $0x3980, v3  }
0x3a: {  	s16 =	sadd.s32 $0x7000, s2;
	s17 =	simm.s32 $0x1;
	[smem:$0x7FA] =	sst s29;
	v0 =	vsel vm2, $0xA00, v0;
	v1 =	vsel vm2, $0x1A00, v1;
	v2 =	vsel vm2, $0x2A00, v2  }
0x3b: {  	s18 =	simm.s32 $0x80;
	s21 =	simm.s32 $0x2;
	[smem:$0x7FB] =	sst s0;
	v3 =	vsel vm2, $0x3A00, v3;
	v0 =	vsel vm1, $0xA80, v0;
	v1 =	vsel vm1, $0x1A80, v1  }
0x3c: {  	s22 =	simm.s32 $0x14800;
	[smem:$0x7FC] =	sst s30;
	s0 =	sor.u32 $0x400, s30;
	v2 =	vsel vm1, $0x2A80, v2;
	v3 =	vsel vm1, $0x3A80, v3;
	v0 =	vsel vm0, $0xB00, v0  }
0x3d: {  	s8 =	simm.s32 $0x0;
	[smem:$0x7FD] =	sst s0;
	s0 =	simm.s32 $0x18800;
	v1 =	vsel vm0, $0x1B00, v1;
	v2 =	vsel vm0, $0x2B00, v2;
	v3 =	vsel vm0, $0x3B00, v3  }
.LBB2_1:
0x3e: {  	[smem:$0x7E4] =	sst s8  }
0x3f: {  	s1 =	rddreg [dreg:$0x4]  }
0x40: {  	s25 =	rddreg [dreg:$0x5]  }
0x41: {  	[tilespmem:s3], [sflag:$0x1] =	stream.linear.gather [hbm4b:s1+s3], $0x400, $0x38;
	[tilespmem:$0x1C800] =	vst v63  }
0x42: {  	s7 =	simm.s32 $0x400;
	s26 =	rddreg [dreg:$0x6]  }
0x43: {  	[tilespmem:s7], [sflag:$0x1] =	stream.linear.gather [hbm4b:s25+s3], $0x400, $0x38;
	[tilespmem:$0x1C800] =	vst v63  }
0x44: {  	s28 =	simm.s32 $0x800;
	s29 =	rddreg [dreg:$0x7]  }
0x45: {  	[tilespmem:s28], [sflag:$0x1] =	stream.linear.gather [hbm4b:s26+s3], $0x400, $0x38;
	[tilespmem:$0x1C800] =	vst v63  }
0x46: {  	s30 =	simm.s32 $0xC00;
	s9 =	rddreg [dreg:$0x9]  }
0x47: {  	[tilespmem:s30], [sflag:$0x1] =	stream.linear.gather [hbm4b:s29+s3], $0x400, $0x38;
	[tilespmem:$0x1C800] =	vst v63  }
0x48: {  	s8 =	simm.s32 $0x1000;
	s7 =	rddreg [dreg:$0x8]  }
0x49: {  	[tilespmem:s8], [sflag:$0x1] =	stream.linear.gather [hbm4b:s7+s3], $0x400, $0x38;
	[tilespmem:$0x1C800] =	vst v63  }
0x4a: {  	s19 =	simm.s32 $0x1400;
	s20 =	rddreg [dreg:$0xa]  }
0x4b: {  	[tilespmem:s19], [sflag:$0x1] =	stream.linear.gather [hbm4b:s9+s3], $0x400, $0x38;
	[tilespmem:$0x1C800] =	vst v63  }
0x4c: {  	s23 =	simm.s32 $0x1800;
	s24 =	rddreg [dreg:$0xb]  }
0x4d: {  	[tilespmem:s23], [sflag:$0x1] =	stream.linear.gather [hbm4b:s20+s3], $0x400, $0x38;
	[tilespmem:$0x1C800] =	vst v63  }
0x4e: {  	s25 =	simm.s32 $0x1C00;
	s26 =	rddreg [dreg:$0xc]  }
0x4f: {  	[tilespmem:s25], [sflag:$0x1] =	stream.linear.gather [hbm4b:s24+s3], $0x400, $0x38;
	[tilespmem:$0x1C800] =	vst v63  }
0x50: {  	s28 =	simm.s32 $0x2000;
	s29 =	rddreg [dreg:$0xd]  }
0x51: {  	[tilespmem:s28], [sflag:$0x1] =	stream.linear.gather [hbm4b:s26+s3], $0x400, $0x38;
	[tilespmem:$0x1C800] =	vst v63  }
0x52: {  	s30 =	simm.s32 $0x2400;
	s7 =	rddreg [dreg:$0xe]  }
0x53: {  	[tilespmem:s30], [sflag:$0x1] =	stream.linear.gather [hbm4b:s29+s3], $0x400, $0x38;
	[tilespmem:$0x1C800] =	vst v63  }
0x54: {  	s8 =	simm.s32 $0x2800;
	s9 =	rddreg [dreg:$0xf]  }
0x55: {  	[tilespmem:s8], [sflag:$0x1] =	stream.linear.gather [hbm4b:s7+s3], $0x400, $0x38;
	[tilespmem:$0x1C800] =	vst v63  }
0x56: {  	s19 =	simm.s32 $0x2C00;
	s20 =	rddreg [dreg:$0x10]  }
0x57: {  	[tilespmem:s19], [sflag:$0x1] =	stream.linear.gather [hbm4b:s9+s3], $0x400, $0x38;
	[tilespmem:$0x1C800] =	vst v63  }
0x58: {  	s23 =	simm.s32 $0x3000;
	s24 =	rddreg [dreg:$0x11]  }
0x59: {  	[tilespmem:s23], [sflag:$0x1] =	stream.linear.gather [hbm4b:s20+s3], $0x400, $0x38;
	[tilespmem:$0x1C800] =	vst v63  }
0x5a: {  	s25 =	simm.s32 $0x3400;
	s26 =	rddreg [dreg:$0x12]  }
0x5b: {  	[tilespmem:s25], [sflag:$0x1] =	stream.linear.gather [hbm4b:s24+s3], $0x400, $0x38;
	[tilespmem:$0x1C800] =	vst v63  }
0x5c: {  	s28 =	simm.s32 $0x3800;
	s29 =	rddreg [dreg:$0x13]  }
0x5d: {  	[tilespmem:s28], [sflag:$0x1] =	stream.linear.gather [hbm4b:s26+s3], $0x400, $0x38;
	[tilespmem:$0x1C800] =	vst v63  }
0x5e: {  	s30 =	simm.s32 $0x3C00;
	s7 =	rddreg [dreg:$0x14]  }
0x5f: {  	[tilespmem:s30], [sflag:$0x1] =	stream.linear.gather [hbm4b:s29+s3], $0x400, $0x38;
	[tilespmem:$0x1C800] =	vst v63  }
0x60: {  	s8 =	simm.s32 $0x4000;
	s9 =	rddreg [dreg:$0x15]  }
0x61: {  	[tilespmem:s8], [sflag:$0x1] =	stream.linear.gather [hbm4b:s7+s3], $0x400, $0x38;
	[tilespmem:$0x1C800] =	vst v63  }
0x62: {  	s19 =	simm.s32 $0x4400;
	s20 =	rddreg [dreg:$0x17]  }
0x63: {  	[tilespmem:s19], [sflag:$0x1] =	stream.linear.gather [hbm4b:s9+s3], $0x400, $0x38;
	[tilespmem:$0x1C800] =	vst v63  }
0x64: {  	s23 =	simm.s32 $0x4800;
	s24 =	rddreg [dreg:$0x18]  }
0x65: {  	[tilespmem:s23], [sflag:$0x1] =	stream.linear.gather [hbm4b:s20+s3], $0x400, $0x38;
	[tilespmem:$0x1C800] =	vst v63  }
0x66: {  	s25 =	simm.s32 $0x4C00;
	s26 =	rddreg [dreg:$0x19]  }
0x67: {  	[tilespmem:s25], [sflag:$0x1] =	stream.linear.gather [hbm4b:s24+s3], $0x400, $0x38;
	[tilespmem:$0x1C800] =	vst v63  }
0x68: {  	s28 =	simm.s32 $0x5000;
	s29 =	rddreg [dreg:$0x1a]  }
0x69: {  	[tilespmem:s28], [sflag:$0x1] =	stream.linear.gather [hbm4b:s26+s3], $0x400, $0x38;
	[tilespmem:$0x1C800] =	vst v63  }
0x6a: {  	s30 =	simm.s32 $0x5400;
	s7 =	rddreg [dreg:$0x1b]  }
0x6b: {  	[tilespmem:s30], [sflag:$0x1] =	stream.linear.gather [hbm4b:s29+s3], $0x400, $0x38;
	[tilespmem:$0x1C800] =	vst v63  }
0x6c: {  	s8 =	simm.s32 $0x5800;
	s9 =	rddreg [dreg:$0x1c]  }
0x6d: {  	[tilespmem:s8], [sflag:$0x1] =	stream.linear.gather [hbm4b:s7+s3], $0x400, $0x38;
	[tilespmem:$0x1C800] =	vst v63  }
0x6e: {  	s19 =	simm.s32 $0x5C00;
	s20 =	rddreg [dreg:$0x1d]  }
0x6f: {  	[tilespmem:s19], [sflag:$0x1] =	stream.linear.gather [hbm4b:s9+s3], $0x400, $0x38;
	[tilespmem:$0x1C800] =	vst v63  }
0x70: {  	s23 =	simm.s32 $0x6000;
	s24 =	rddreg [dreg:$0x1e]  }
0x71: {  	[tilespmem:s23], [sflag:$0x1] =	stream.linear.gather [hbm4b:s20+s3], $0x400, $0x38;
	[tilespmem:$0x1C800] =	vst v63  }
0x72: {  	s25 =	simm.s32 $0x6400;
	s26 =	rddreg [dreg:$0x1f]  }
0x73: {  	[tilespmem:s25], [sflag:$0x1] =	stream.linear.gather [hbm4b:s24+s3], $0x400, $0x38;
	[tilespmem:$0x1C800] =	vst v63  }
0x74: {  	s28 =	simm.s32 $0x6800;
	s29 =	sld [smem:$0x7E5]  }
0x75: {  	[tilespmem:s28], [sflag:$0x1] =	stream.linear.gather [hbm4b:s26+s3], $0x400, $0x38;
	[tilespmem:$0x1C800] =	vst v63  }
0x76: {  	s30 =	simm.s32 $0x6C00;
	s7 =	sld [smem:$0x7E6]  }
0x77: {  	[tilespmem:s30], [sflag:$0x1] =	stream.linear.gather [hbm4b:s29+s3], $0x400, $0x38;
	[tilespmem:$0x1C800] =	vst v63  }
0x78: {  	s8 =	simm.s32 $0x7000;
	s9 =	sld [smem:$0x7E7]  }
0x79: {  	[tilespmem:s8], [sflag:$0x1] =	stream.linear.gather [hbm4b:s7+s3], $0x400, $0x38;
	[tilespmem:$0x1C800] =	vst v63  }
0x7a: {  	s19 =	simm.s32 $0x7400;
	s20 =	sld [smem:$0x7E8]  }
0x7b: {  	[tilespmem:s19], [sflag:$0x1] =	stream.linear.gather [hbm4b:s9+s3], $0x400, $0x38;
	[tilespmem:$0x1C800] =	vst v63  }
0x7c: {  	s23 =	simm.s32 $0x7800;
	s24 =	sld [smem:$0x7E9]  }
0x7d: {  	[tilespmem:s23], [sflag:$0x1] =	stream.linear.gather [hbm4b:s20+s3], $0x400, $0x38;
	[tilespmem:$0x1C800] =	vst v63  }
0x7e: {  	s25 =	simm.s32 $0x7C00;
	s26 =	sld [smem:$0x7EA]  }
0x7f: {  	[tilespmem:s25], [sflag:$0x1] =	stream.linear.gather [hbm4b:s24+s3], $0x400, $0x38;
	[tilespmem:$0x1C800] =	vst v63  }
0x80: {  	s28 =	simm.s32 $0x8000;
	s29 =	sld [smem:$0x7EB]  }
0x81: {  	[tilespmem:s28], [sflag:$0x1] =	stream.linear.gather [hbm4b:s26+s3], $0x400, $0x38;
	[tilespmem:$0x1C800] =	vst v63  }
0x82: {  	s30 =	simm.s32 $0x8400;
	s7 =	sld [smem:$0x7EC]  }
0x83: {  	[tilespmem:s30], [sflag:$0x1] =	stream.linear.gather [hbm4b:s29+s3], $0x400, $0x38;
	[tilespmem:$0x1C800] =	vst v63  }
0x84: {  	s8 =	simm.s32 $0x8800;
	s9 =	sld [smem:$0x7ED]  }
0x85: {  	[tilespmem:s8], [sflag:$0x1] =	stream.linear.gather [hbm4b:s7+s3], $0x400, $0x38;
	[tilespmem:$0x1C800] =	vst v63  }
0x86: {  	s19 =	simm.s32 $0x8C00;
	s20 =	sld [smem:$0x7EE]  }
0x87: {  	[tilespmem:s19], [sflag:$0x1] =	stream.linear.gather [hbm4b:s9+s3], $0x400, $0x38;
	[tilespmem:$0x1C800] =	vst v63  }
0x88: {  	s23 =	simm.s32 $0x9000;
	s24 =	sld [smem:$0x7EF]  }
0x89: {  	[tilespmem:s23], [sflag:$0x1] =	stream.linear.gather [hbm4b:s20+s3], $0x400, $0x38;
	[tilespmem:$0x1C800] =	vst v63  }
0x8a: {  	s25 =	simm.s32 $0x9400;
	s26 =	sld [smem:$0x7F0]  }
0x8b: {  	[tilespmem:s25], [sflag:$0x1] =	stream.linear.gather [hbm4b:s24+s3], $0x400, $0x38;
	[tilespmem:$0x1C800] =	vst v63  }
0x8c: {  	s28 =	simm.s32 $0x9800;
	s29 =	sld [smem:$0x7F1]  }
0x8d: {  	[tilespmem:s28], [sflag:$0x1] =	stream.linear.gather [hbm4b:s26+s3], $0x400, $0x38;
	[tilespmem:$0x1C800] =	vst v63  }
0x8e: {  	s30 =	simm.s32 $0x9C00;
	s7 =	sld [smem:$0x7F2]  }
0x8f: {  	[tilespmem:s30], [sflag:$0x1] =	stream.linear.gather [hbm4b:s29+s3], $0x400, $0x38;
	[tilespmem:$0x1C800] =	vst v63  }
0x90: {  	s8 =	simm.s32 $0xA000;
	s9 =	sld [smem:$0x7F3]  }
0x91: {  	[tilespmem:s8], [sflag:$0x1] =	stream.linear.gather [hbm4b:s7+s3], $0x400, $0x38;
	[tilespmem:$0x1C800] =	vst v63  }
0x92: {  	s19 =	simm.s32 $0xA400;
	s20 =	sld [smem:$0x7F4]  }
0x93: {  	[tilespmem:s19], [sflag:$0x1] =	stream.linear.gather [hbm4b:s9+s3], $0x400, $0x38;
	[tilespmem:$0x1C800] =	vst v63  }
0x94: {  	s23 =	simm.s32 $0xA800;
	s24 =	sld [smem:$0x7F5]  }
0x95: {  	[tilespmem:s23], [sflag:$0x1] =	stream.linear.gather [hbm4b:s20+s3], $0x400, $0x38;
	[tilespmem:$0x1C800] =	vst v63  }
0x96: {  	s25 =	simm.s32 $0xAC00;
	s26 =	sld [smem:$0x7F6]  }
0x97: {  	[tilespmem:s25], [sflag:$0x1] =	stream.linear.gather [hbm4b:s24+s3], $0x400, $0x38;
	[tilespmem:$0x1C800] =	vst v63  }
0x98: {  	s28 =	simm.s32 $0xB000;
	s29 =	sld [smem:$0x7F7]  }
0x99: {  	[tilespmem:s28], [sflag:$0x1] =	stream.linear.gather [hbm4b:s26+s3], $0x400, $0x38;
	[tilespmem:$0x1C800] =	vst v63  }
0x9a: {  	s30 =	simm.s32 $0xB400;
	s7 =	sld [smem:$0x7F8]  }
0x9b: {  	[tilespmem:s30], [sflag:$0x1] =	stream.linear.gather [hbm4b:s29+s3], $0x400, $0x38;
	[tilespmem:$0x1C800] =	vst v63  }
0x9c: {  	s8 =	simm.s32 $0xB800;
	s9 =	sld [smem:$0x7F9]  }
0x9d: {  	[tilespmem:s8], [sflag:$0x1] =	stream.linear.gather [hbm4b:s7+s3], $0x400, $0x38;
	[tilespmem:$0x1C800] =	vst v63  }
0x9e: {  	s19 =	simm.s32 $0xBC00;
	s20 =	sld [smem:$0x7FA]  }
0x9f: {  	[tilespmem:s19], [sflag:$0x1] =	stream.linear.gather [hbm4b:s9+s3], $0x400, $0x38;
	[tilespmem:$0x1C800] =	vst v63  }
0xa0: {  	s23 =	simm.s32 $0xC000;
	s24 =	sld [smem:$0x7FB]  }
0xa1: {  	[tilespmem:s23], [sflag:$0x1] =	stream.linear.gather [hbm4b:s20+s3], $0x400, $0x38;
	[tilespmem:$0x1C800] =	vst v63  }
0xa2: {  	s25 =	simm.s32 $0xC400  }
0xa3: {  	[tilespmem:s25], [sflag:$0x1] =	stream.linear.gather [hbm4b:s24+s3], $0x400, $0x38;
	[tilespmem:$0x1C800] =	vst v63  }
0xa4: {  	_ =	swait.ge [sflag:s17], $0x400  }
0xa5: {  	[sflag:s17] =	ssyncset.done $0x0  }
0xa6: {  	[sflag:s17] =	ssyncadd.s32 $0xFFFFFC00  }
0xa7: {  	_ =	swait.ge [sflag:s17], $0x400  }
0xa8: {  	[sflag:s17] =	ssyncset.done $0x0  }
0xa9: {  	[sflag:s17] =	ssyncadd.s32 $0xFFFFFC00  }
0xaa: {  	_ =	swait.ge [sflag:s17], $0x400  }
0xab: {  	[sflag:s17] =	ssyncset.done $0x0  }
0xac: {  	[sflag:s17] =	ssyncadd.s32 $0xFFFFFC00  }
0xad: {  	_ =	swait.ge [sflag:s17], $0x400  }
0xae: {  	[sflag:s17] =	ssyncset.done $0x0  }
0xaf: {  	[sflag:s17] =	ssyncadd.s32 $0xFFFFFC00  }
0xb0: {  	_ =	swait.ge [sflag:s17], $0x400  }
0xb1: {  	[sflag:s17] =	ssyncset.done $0x0  }
0xb2: {  	[sflag:s17] =	ssyncadd.s32 $0xFFFFFC00  }
0xb3: {  	_ =	swait.ge [sflag:s17], $0x400  }
0xb4: {  	[sflag:s17] =	ssyncset.done $0x0  }
0xb5: {  	[sflag:s17] =	ssyncadd.s32 $0xFFFFFC00  }
0xb6: {  	_ =	swait.ge [sflag:s17], $0x400  }
0xb7: {  	[sflag:s17] =	ssyncset.done $0x0  }
0xb8: {  	[sflag:s17] =	ssyncadd.s32 $0xFFFFFC00  }
0xb9: {  	_ =	swait.ge [sflag:s17], $0x400  }
0xba: {  	[sflag:s17] =	ssyncset.done $0x0  }
0xbb: {  	[sflag:s17] =	ssyncadd.s32 $0xFFFFFC00  }
0xbc: {  	_ =	swait.ge [sflag:s17], $0x400  }
0xbd: {  	[sflag:s17] =	ssyncset.done $0x0  }
0xbe: {  	[sflag:s17] =	ssyncadd.s32 $0xFFFFFC00  }
0xbf: {  	_ =	swait.ge [sflag:s17], $0x400  }
0xc0: {  	[sflag:s17] =	ssyncset.done $0x0  }
0xc1: {  	[sflag:s17] =	ssyncadd.s32 $0xFFFFFC00  }
0xc2: {  	_ =	swait.ge [sflag:s17], $0x400  }
0xc3: {  	[sflag:s17] =	ssyncset.done $0x0  }
0xc4: {  	[sflag:s17] =	ssyncadd.s32 $0xFFFFFC00  }
0xc5: {  	_ =	swait.ge [sflag:s17], $0x400  }
0xc6: {  	[sflag:s17] =	ssyncset.done $0x0  }
0xc7: {  	[sflag:s17] =	ssyncadd.s32 $0xFFFFFC00  }
0xc8: {  	_ =	swait.ge [sflag:s17], $0x400  }
0xc9: {  	[sflag:s17] =	ssyncset.done $0x0  }
0xca: {  	[sflag:s17] =	ssyncadd.s32 $0xFFFFFC00  }
0xcb: {  	_ =	swait.ge [sflag:s17], $0x400  }
0xcc: {  	[sflag:s17] =	ssyncset.done $0x0  }
0xcd: {  	[sflag:s17] =	ssyncadd.s32 $0xFFFFFC00  }
0xce: {  	_ =	swait.ge [sflag:s17], $0x400  }
0xcf: {  	[sflag:s17] =	ssyncset.done $0x0  }
0xd0: {  	[sflag:s17] =	ssyncadd.s32 $0xFFFFFC00  }
0xd1: {  	_ =	swait.ge [sflag:s17], $0x400  }
0xd2: {  	[sflag:s17] =	ssyncset.done $0x0  }
0xd3: {  	[sflag:s17] =	ssyncadd.s32 $0xFFFFFC00  }
0xd4: {  	_ =	swait.ge [sflag:s17], $0x400  }
0xd5: {  	[sflag:s17] =	ssyncset.done $0x0  }
0xd6: {  	[sflag:s17] =	ssyncadd.s32 $0xFFFFFC00  }
0xd7: {  	_ =	swait.ge [sflag:s17], $0x400  }
0xd8: {  	[sflag:s17] =	ssyncset.done $0x0  }
0xd9: {  	[sflag:s17] =	ssyncadd.s32 $0xFFFFFC00  }
0xda: {  	_ =	swait.ge [sflag:s17], $0x400  }
0xdb: {  	[sflag:s17] =	ssyncset.done $0x0  }
0xdc: {  	[sflag:s17] =	ssyncadd.s32 $0xFFFFFC00  }
0xdd: {  	_ =	swait.ge [sflag:s17], $0x400  }
0xde: {  	[sflag:s17] =	ssyncset.done $0x0  }
0xdf: {  	[sflag:s17] =	ssyncadd.s32 $0xFFFFFC00  }
0xe0: {  	_ =	swait.ge [sflag:s17], $0x400  }
0xe1: {  	[sflag:s17] =	ssyncset.done $0x0  }
0xe2: {  	[sflag:s17] =	ssyncadd.s32 $0xFFFFFC00  }
0xe3: {  	_ =	swait.ge [sflag:s17], $0x400  }
0xe4: {  	[sflag:s17] =	ssyncset.done $0x0  }
0xe5: {  	[sflag:s17] =	ssyncadd.s32 $0xFFFFFC00  }
0xe6: {  	_ =	swait.ge [sflag:s17], $0x400  }
0xe7: {  	[sflag:s17] =	ssyncset.done $0x0  }
0xe8: {  	[sflag:s17] =	ssyncadd.s32 $0xFFFFFC00  }
0xe9: {  	_ =	swait.ge [sflag:s17], $0x400  }
0xea: {  	[sflag:s17] =	ssyncset.done $0x0  }
0xeb: {  	[sflag:s17] =	ssyncadd.s32 $0xFFFFFC00  }
0xec: {  	_ =	swait.ge [sflag:s17], $0x400  }
0xed: {  	[sflag:s17] =	ssyncset.done $0x0  }
0xee: {  	[sflag:s17] =	ssyncadd.s32 $0xFFFFFC00  }
0xef: {  	_ =	swait.ge [sflag:s17], $0x400  }
0xf0: {  	[sflag:s17] =	ssyncset.done $0x0  }
0xf1: {  	[sflag:s17] =	ssyncadd.s32 $0xFFFFFC00  }
0xf2: {  	_ =	swait.ge [sflag:s17], $0x400  }
0xf3: {  	[sflag:s17] =	ssyncset.done $0x0  }
0xf4: {  	[sflag:s17] =	ssyncadd.s32 $0xFFFFFC00  }
0xf5: {  	_ =	swait.ge [sflag:s17], $0x400  }
0xf6: {  	[sflag:s17] =	ssyncset.done $0x0  }
0xf7: {  	[sflag:s17] =	ssyncadd.s32 $0xFFFFFC00  }
0xf8: {  	_ =	swait.ge [sflag:s17], $0x400  }
0xf9: {  	[sflag:s17] =	ssyncset.done $0x0  }
0xfa: {  	[sflag:s17] =	ssyncadd.s32 $0xFFFFFC00  }
0xfb: {  	_ =	swait.ge [sflag:s17], $0x400  }
0xfc: {  	[sflag:s17] =	ssyncset.done $0x0  }
0xfd: {  	[sflag:s17] =	ssyncadd.s32 $0xFFFFFC00  }
0xfe: {  	_ =	swait.ge [sflag:s17], $0x400  }
0xff: {  	[sflag:s17] =	ssyncset.done $0x0  }
0x100: {  	[sflag:s17] =	ssyncadd.s32 $0xFFFFFC00  }
0x101: {  	_ =	swait.ge [sflag:s17], $0x400  }
0x102: {  	[sflag:s17] =	ssyncset.done $0x0  }
0x103: {  	[sflag:s17] =	ssyncadd.s32 $0xFFFFFC00  }
0x104: {  	_ =	swait.ge [sflag:s17], $0x400  }
0x105: {  	[sflag:s17] =	ssyncset.done $0x0  }
0x106: {  	[sflag:s17] =	ssyncadd.s32 $0xFFFFFC00  }
0x107: {  	_ =	swait.ge [sflag:s17], $0x400  }
0x108: {  	[sflag:s17] =	ssyncset.done $0x0  }
0x109: {  	[sflag:s17] =	ssyncadd.s32 $0xFFFFFC00  }
0x10a: {  	_ =	swait.ge [sflag:s17], $0x400  }
0x10b: {  	[sflag:s17] =	ssyncset.done $0x0  }
0x10c: {  	[sflag:s17] =	ssyncadd.s32 $0xFFFFFC00  }
0x10d: {  	_ =	swait.ge [sflag:s17], $0x400  }
0x10e: {  	[sflag:s17] =	ssyncset.done $0x0  }
0x10f: {  	[sflag:s17] =	ssyncadd.s32 $0xFFFFFC00  }
0x110: {  	_ =	swait.ge [sflag:s17], $0x400  }
0x111: {  	[sflag:s17] =	ssyncset.done $0x0  }
0x112: {  	[sflag:s17] =	ssyncadd.s32 $0xFFFFFC00  }
0x113: {  	_ =	swait.ge [sflag:s17], $0x400  }
0x114: {  	[sflag:s17] =	ssyncset.done $0x0  }
0x115: {  	[sflag:s17] =	ssyncadd.s32 $0xFFFFFC00  }
0x116: {  	_ =	swait.ge [sflag:s17], $0x400  }
0x117: {  	[sflag:s17] =	ssyncset.done $0x0  }
0x118: {  	[sflag:s17] =	ssyncadd.s32 $0xFFFFFC00  }
0x119: {  	_ =	swait.ge [sflag:s17], $0x400  }
0x11a: {  	[sflag:s17] =	ssyncset.done $0x0  }
0x11b: {  	[sflag:s17] =	ssyncadd.s32 $0xFFFFFC00  }
0x11c: {  	_ =	swait.ge [sflag:s17], $0x400  }
0x11d: {  	[sflag:s17] =	ssyncset.done $0x0  }
0x11e: {  	[sflag:s17] =	ssyncadd.s32 $0xFFFFFC00  }
0x11f: {  	_ =	swait.ge [sflag:s17], $0x400  }
0x120: {  	[sflag:s17] =	ssyncset.done $0x0  }
0x121: {  	[sflag:s17] =	ssyncadd.s32 $0xFFFFFC00  }
0x122: {  	_ =	swait.ge [sflag:s17], $0x400  }
0x123: {  	[sflag:s17] =	ssyncset.done $0x0  }
0x124: {  	[sflag:s17] =	ssyncadd.s32 $0xFFFFFC00  }
0x125: {  	_ =	swait.ge [sflag:s17], $0x400  }
0x126: {  	[sflag:s17] =	ssyncset.done $0x0  }
0x127: {  	[sflag:s17] =	ssyncadd.s32 $0xFFFFFC00  }
0x128: {  	_ =	swait.ge [sflag:s17], $0x400  }
0x129: {  	[sflag:s17] =	ssyncset.done $0x0  }
0x12a: {  	[sflag:s17] =	ssyncadd.s32 $0xFFFFFC00  }
0x12b: {  	_ =	swait.ge [sflag:s17], $0x400  }
0x12c: {  	[sflag:s17] =	ssyncset.done $0x0  }
0x12d: {  	[sflag:s17] =	ssyncadd.s32 $0xFFFFFC00  }
0x12e: {  	_ =	swait.ge [sflag:s17], $0x400  }
0x12f: {  	[sflag:s17] =	ssyncset.done $0x0  }
0x130: {  	[sflag:s17] =	ssyncadd.s32 $0xFFFFFC00  }
0x131: {  	_ =	swait.ge [sflag:s17], $0x400  }
0x132: {  	[sflag:s17] =	ssyncset.done $0x0  }
0x133: {  	[sflag:s17] =	ssyncadd.s32 $0xFFFFFC00  }
0x134: {  	_ =	swait.ge [sflag:s17], $0x400  }
0x135: {  	[sflag:s17] =	ssyncset.done $0x0  }
0x136: {  	[sflag:s17] =	ssyncadd.s32 $0xFFFFFC00  }
0x137: {  	_ =	swait.ge [sflag:s17], $0x400  }
0x138: {  	s26 =	sld [smem:$0x7FC]  }
0x139: {  	[sflag:s17] =	ssyncset.done $0x0  }
0x13a: {  	s28 =	simm.s32 $0xC800;
	s29 =	sld [smem:$0x7FD];
	[sflag:s17] =	ssyncadd.s32 $0xFFFFFC00  }
0x13b: {  	[tilespmem:s28], [sflag:$0x2] =	stream.indirect.gather [hbm4b:s4+s18], $0x40, s26, s18, $0xb8;
	[tilespmem:$0x1C800] =	vst v63  }
0x13c: {  	s30 =	simm.s32 $0xE800;
	s24 =	simm.s32 $0x0  }
0x13d: {  	[tilespmem:s30], [sflag:$0x2] =	stream.indirect.gather [hbm4b:s4+s18], $0x40, s29, s18, $0xb8;
	[tilespmem:$0x1C800] =	vst v63  }
.LBB2_2:
0x13e: {  	s26 =	sshll.u32 s24, $0x2  }
0x13f: {  	s1 =	sshrl.u32 s24, $0x1;
	s28 =	sor.u32 s26, s6  }
0x140: {  	s7 =	sshll.u32 s1, $0x3;
	s25 =	sor.u32 $0x2, s28  }
0x141: {  	s1 =	sshll.u32 s1, $0x4;
	s7 =	ssub.s32 s25, s7  }
0x142: {  	s8 =	sshll.u32 s24, $0xA;
	s9 =	sshll.u32 s7, $0x9;
	s1 =	sadd.s32 s1, s7  }
0x143: {  	s8 =	sand.u32 $0x3FFFF800, s8;
	s9 =	sshra.s32 s9, $0x2;
	s1 =	sshll.u32 s1, $0x9  }
0x144: {  	s20 =	simm.s32 $0x10800;
	s8 =	sadd.s32 s9, s8;
	s1 =	sadd.s32 $0x1000, s1  }
0x145: {  	[tilespmem:s20], [sflag:$0x3] =	stream.indirect.gather [hbm4b:s4+s18], $0x40, s8, s18, $0xb8;
	[tilespmem:$0x1C800] =	vst v63  }
0x146: {  	s23 =	simm.s32 $0x12800;
	s1 =	sshra.s32 s1, $0x2  }
0x147: {  	[tilespmem:s23], [sflag:$0x3] =	stream.indirect.gather [hbm4b:s4+s18], $0x40, s1, s18, $0xb8;
	[tilespmem:$0x1C800] =	vst v63  }
0x148: {  	_ =	swait.ge [sflag:s21], $0x2000  }
0x149: {  	[sflag:s21] =	ssyncset.done $0x0  }
0x14a: {  	[sflag:s21] =	ssyncadd.s32 $0xFFFFE000  }
0x14b: {  	_ =	swait.ge [sflag:s21], $0x2000  }
0x14c: {  	p0 =	seq.s32 s24, $0x0;
	[sflag:s21] =	ssyncset.done $0x0  }
0x14d: {  	s1 =	simm.s32 @!p0 $0x4;
	[sflag:s21] =	ssyncadd.s32 $0xFFFFE000  }
0x14e: {  	_ =	swait.ge @!p0 [sflag:s1], $0x800  }
0x14f: {  	[sflag:s1] =	ssyncset.done @!p0 $0x0  }
0x150: {  	[sflag:s1] =	ssyncadd.s32 @!p0 $0xFFFFF800  }
0x151: {  	_ =	swait.ge @!p0 [sflag:s1], $0x800  }
0x152: {  	[sflag:s1] =	ssyncset.done @!p0 $0x0  }
0x153: {  	[sflag:s1] =	ssyncadd.s32 @!p0 $0xFFFFF800  }
0x154: {  	_ =	swait.ge @!p0 [sflag:s1], $0x800  }
0x155: {  	[sflag:s1] =	ssyncset.done @!p0 $0x0  }
0x156: {  	[sflag:s1] =	ssyncadd.s32 @!p0 $0xFFFFF800  }
0x157: {  	_ =	swait.ge @!p0 [sflag:s1], $0x800  }
0x158: {  	[sflag:s1] =	ssyncset.done @!p0 $0x0  }
0x159: {  	[sflag:s1] =	ssyncadd.s32 @!p0 $0xFFFFF800  }
0x15a: {  	_ =	swait.ge @!p0 [sflag:s1], $0x800  }
0x15b: {  	[sflag:s1] =	ssyncset.done @!p0 $0x0  }
0x15c: {  	[sflag:s1] =	ssyncadd.s32 @!p0 $0xFFFFF800  }
0x15d: {  	_ =	swait.ge @!p0 [sflag:s1], $0x800  }
0x15e: {  	[sflag:s1] =	ssyncset.done @!p0 $0x0  }
0x15f: {  	[sflag:s1] =	ssyncadd.s32 @!p0 $0xFFFFF800  }
0x160: {  	_ =	swait.ge @!p0 [sflag:s1], $0x800  }
0x161: {  	[sflag:s1] =	ssyncset.done @!p0 $0x0  }
0x162: {  	[sflag:s1] =	ssyncadd.s32 @!p0 $0xFFFFF800  }
0x163: {  	_ =	swait.ge @!p0 [sflag:s1], $0x800  }
0x164: {  	s29 =	simm.s32 $0x0;
	[sflag:s1] =	ssyncset.done @!p0 $0x0  }
0x165: {  	s8 =	simm.s32 $0x0;
	[sflag:s1] =	ssyncadd.s32 @!p0 $0xFFFFF800;
	s1 =	simm.s32 $0xC880  }
0x166: {  	s9 =	sand.u32 $0x400, s29;
	s7 =	sand.u32 $0x7C, s8;
	v4 =	vld [tilespmem:s1+$0xFFFFFF80]  }
0x167: {  	s7 =	sor.u32 s7, s9  }
0x168: {  	v5 =	vor.u32 s7, v0;
	_ =	sdelay $0x2  }
0x169: {  	v4 =	vmul.f32 $8.000000000e+00, v4;
	_ =	sdelay $0x1  }
0x16a: {  	[tilespmem:v5+s22+$0x0] =	vst.idx.msk $0xffff, v4  }
0x16b: {  	v4 =	vld [tilespmem:s1+$0xFFFFFF90];
	_ =	sdelay $0x1  }
0x16c: {  	v5 =	vor.u32 s7, v1;
	_ =	sdelay $0x2  }
0x16d: {  	v4 =	vmul.f32 $8.000000000e+00, v4;
	_ =	sdelay $0x1  }
0x16e: {  	[tilespmem:v5+s22+$0x0] =	vst.idx.msk $0xffff, v4  }
0x16f: {  	v4 =	vld [tilespmem:s1+$0xFFFFFFA0];
	_ =	sdelay $0x1  }
0x170: {  	v5 =	vor.u32 s7, v2;
	_ =	sdelay $0x2  }
0x171: {  	v4 =	vmul.f32 $8.000000000e+00, v4;
	_ =	sdelay $0x1  }
0x172: {  	[tilespmem:v5+s22+$0x0] =	vst.idx.msk $0xffff, v4  }
0x173: {  	v4 =	vld [tilespmem:s1+$0xFFFFFFB0];
	_ =	sdelay $0x1  }
0x174: {  	v5 =	vor.u32 s7, v3;
	_ =	sdelay $0x2  }
0x175: {  	v4 =	vmul.f32 $8.000000000e+00, v4;
	_ =	sdelay $0x1  }
0x176: {  	s19 =	simm.s32 $0x1;
	[tilespmem:v5+s22+$0x0] =	vst.idx.msk $0xffff, v4  }
0x177: {  	s7 =	sand.u32 $0x7D, s19;
	v4 =	vld [tilespmem:s1+$0xFFFFFFC0]  }
0x178: {  	s7 =	sor.u32 s9, s7  }
0x179: {  	v5 =	vor.u32 s7, v0;
	_ =	sdelay $0x2  }
0x17a: {  	v4 =	vmul.f32 $8.000000000e+00, v4;
	_ =	sdelay $0x1  }
0x17b: {  	[tilespmem:v5+s22+$0x0] =	vst.idx.msk $0xffff, v4  }
0x17c: {  	v4 =	vld [tilespmem:s1+$0xFFFFFFD0];
	_ =	sdelay $0x1  }
0x17d: {  	v5 =	vor.u32 s7, v1;
	_ =	sdelay $0x2  }
0x17e: {  	v4 =	vmul.f32 $8.000000000e+00, v4;
	_ =	sdelay $0x1  }
0x17f: {  	[tilespmem:v5+s22+$0x0] =	vst.idx.msk $0xffff, v4  }
0x180: {  	v4 =	vld [tilespmem:s1+$0xFFFFFFE0];
	_ =	sdelay $0x1  }
0x181: {  	v5 =	vor.u32 s7, v2;
	_ =	sdelay $0x2  }
0x182: {  	v4 =	vmul.f32 $8.000000000e+00, v4;
	_ =	sdelay $0x1  }
0x183: {  	[tilespmem:v5+s22+$0x0] =	vst.idx.msk $0xffff, v4  }
0x184: {  	v4 =	vld [tilespmem:s1+$0xFFFFFFF0];
	_ =	sdelay $0x1  }
0x185: {  	v5 =	vor.u32 s7, v3;
	_ =	sdelay $0x2  }
0x186: {  	v4 =	vmul.f32 $8.000000000e+00, v4;
	_ =	sdelay $0x1  }
0x187: {  	s20 =	simm.s32 $0x2;
	[tilespmem:v5+s22+$0x0] =	vst.idx.msk $0xffff, v4  }
0x188: {  	s7 =	sand.u32 $0x7E, s20;
	v4 =	vld [tilespmem:s1+$0x0]  }
0x189: {  	s7 =	sor.u32 s9, s7  }
0x18a: {  	v5 =	vor.u32 s7, v0;
	_ =	sdelay $0x2  }
0x18b: {  	v4 =	vmul.f32 $8.000000000e+00, v4;
	_ =	sdelay $0x1  }
0x18c: {  	[tilespmem:v5+s22+$0x0] =	vst.idx.msk $0xffff, v4  }
0x18d: {  	v4 =	vld [tilespmem:s1+$0x10];
	_ =	sdelay $0x1  }
0x18e: {  	v5 =	vor.u32 s7, v1;
	_ =	sdelay $0x2  }
0x18f: {  	v4 =	vmul.f32 $8.000000000e+00, v4;
	_ =	sdelay $0x1  }
0x190: {  	[tilespmem:v5+s22+$0x0] =	vst.idx.msk $0xffff, v4  }
0x191: {  	v4 =	vld [tilespmem:s1+$0x20];
	_ =	sdelay $0x1  }
0x192: {  	v5 =	vor.u32 s7, v2;
	_ =	sdelay $0x2  }
0x193: {  	v4 =	vmul.f32 $8.000000000e+00, v4;
	_ =	sdelay $0x1  }
0x194: {  	[tilespmem:v5+s22+$0x0] =	vst.idx.msk $0xffff, v4  }
0x195: {  	v4 =	vld [tilespmem:s1+$0x30];
	_ =	sdelay $0x1  }
0x196: {  	v5 =	vor.u32 s7, v3;
	_ =	sdelay $0x2  }
0x197: {  	v4 =	vmul.f32 $8.000000000e+00, v4;
	_ =	sdelay $0x1  }
0x198: {  	s23 =	simm.s32 $0x3;
	[tilespmem:v5+s22+$0x0] =	vst.idx.msk $0xffff, v4  }
0x199: {  	s7 =	sand.u32 $0x7F, s23;
	v4 =	vld [tilespmem:s1+$0x40]  }
0x19a: {  	s7 =	sor.u32 s9, s7  }
0x19b: {  	v5 =	vor.u32 s7, v0;
	_ =	sdelay $0x2  }
0x19c: {  	v4 =	vmul.f32 $8.000000000e+00, v4;
	_ =	sdelay $0x1  }
0x19d: {  	[tilespmem:v5+s22+$0x0] =	vst.idx.msk $0xffff, v4  }
0x19e: {  	v4 =	vld [tilespmem:s1+$0x50];
	_ =	sdelay $0x1  }
0x19f: {  	v5 =	vor.u32 s7, v1;
	_ =	sdelay $0x2  }
0x1a0: {  	v4 =	vmul.f32 $8.000000000e+00, v4;
	_ =	sdelay $0x1  }
0x1a1: {  	[tilespmem:v5+s22+$0x0] =	vst.idx.msk $0xffff, v4  }
0x1a2: {  	v4 =	vld [tilespmem:s1+$0x60];
	_ =	sdelay $0x1  }
0x1a3: {  	v5 =	vor.u32 s7, v2;
	_ =	sdelay $0x2  }
0x1a4: {  	v4 =	vmul.f32 $8.000000000e+00, v4;
	_ =	sdelay $0x1  }
0x1a5: {  	[tilespmem:v5+s22+$0x0] =	vst.idx.msk $0xffff, v4  }
0x1a6: {  	v5 =	vld [tilespmem:s1+$0x70];
	_ =	sdelay $0x1  }
0x1a7: {  	v4 =	vor.u32 s7, v3;
	_ =	sdelay $0x2  }
0x1a8: {  	s30 =	simm.s32 $0xC980;
	s8 =	simm.s32 $0xB;
	s1 =	simm.s32 $0x7;
	v5 =	vmul.f32 $8.000000000e+00, v5  }
.LBB2_3:
0x1a9: {  	s7 =	sadd.s32 $0xFFFFFFFD, s1  }
0x1aa: {  	[tilespmem:v4+s22+$0x0] =	vst.idx.msk $0xffff, v5;
	s29 =	sadd.s32 $0x20, s29;
	s19 =	smov.u32 s8;
	s9 =	sadd.s32 $0x4, s8  }
0x1ab: {  	s23 =	sand.u32 $0x7F, s1;
	s20 =	sand.u32 $0x7C, s7;
	s7 =	sand.u32 $0x400, s29;
	v4 =	vld [tilespmem:s30+$0xFFFFFF80]  }
0x1ac: {  	p1 =	sne.s32 s8, $0xFF;
	s20 =	sor.u32 s20, s7;
	s8 =	sor.u32 s7, s23  }
0x1ad: {  	v5 =	vor.u32 s20, v0;
	_ =	sdelay $0x2  }
0x1ae: {  	v4 =	vmul.f32 $8.000000000e+00, v4;
	_ =	sdelay $0x1  }
0x1af: {  	[tilespmem:v5+s22+$0x0] =	vst.idx.msk $0xffff, v4  }
0x1b0: {  	v4 =	vld [tilespmem:s30+$0xFFFFFF90];
	_ =	sdelay $0x1  }
0x1b1: {  	v5 =	vor.u32 s20, v1;
	_ =	sdelay $0x2  }
0x1b2: {  	v4 =	vmul.f32 $8.000000000e+00, v4;
	_ =	sdelay $0x1  }
0x1b3: {  	[tilespmem:v5+s22+$0x0] =	vst.idx.msk $0xffff, v4  }
0x1b4: {  	v4 =	vld [tilespmem:s30+$0xFFFFFFA0];
	_ =	sdelay $0x1  }
0x1b5: {  	v5 =	vor.u32 s20, v2;
	_ =	sdelay $0x2  }
0x1b6: {  	v4 =	vmul.f32 $8.000000000e+00, v4;
	_ =	sdelay $0x1  }
0x1b7: {  	[tilespmem:v5+s22+$0x0] =	vst.idx.msk $0xffff, v4  }
0x1b8: {  	v4 =	vld [tilespmem:s30+$0xFFFFFFB0];
	_ =	sdelay $0x1  }
0x1b9: {  	v5 =	vor.u32 s20, v3;
	_ =	sdelay $0x2  }
0x1ba: {  	v4 =	vmul.f32 $8.000000000e+00, v4;
	_ =	sdelay $0x1  }
0x1bb: {  	s20 =	sadd.s32 $0xFFFFFFFE, s1;
	[tilespmem:v5+s22+$0x0] =	vst.idx.msk $0xffff, v4  }
0x1bc: {  	s20 =	sand.u32 $0x7D, s20;
	v4 =	vld [tilespmem:s30+$0xFFFFFFC0]  }
0x1bd: {  	s20 =	sor.u32 s7, s20  }
0x1be: {  	v5 =	vor.u32 s20, v0;
	_ =	sdelay $0x2  }
0x1bf: {  	v4 =	vmul.f32 $8.000000000e+00, v4;
	_ =	sdelay $0x1  }
0x1c0: {  	[tilespmem:v5+s22+$0x0] =	vst.idx.msk $0xffff, v4  }
0x1c1: {  	v4 =	vld [tilespmem:s30+$0xFFFFFFD0];
	_ =	sdelay $0x1  }
0x1c2: {  	v5 =	vor.u32 s20, v1;
	_ =	sdelay $0x2  }
0x1c3: {  	v4 =	vmul.f32 $8.000000000e+00, v4;
	_ =	sdelay $0x1  }
0x1c4: {  	[tilespmem:v5+s22+$0x0] =	vst.idx.msk $0xffff, v4  }
0x1c5: {  	v4 =	vld [tilespmem:s30+$0xFFFFFFE0];
	_ =	sdelay $0x1  }
0x1c6: {  	v5 =	vor.u32 s20, v2;
	_ =	sdelay $0x2  }
0x1c7: {  	v4 =	vmul.f32 $8.000000000e+00, v4;
	_ =	sdelay $0x1  }
0x1c8: {  	[tilespmem:v5+s22+$0x0] =	vst.idx.msk $0xffff, v4  }
0x1c9: {  	v4 =	vld [tilespmem:s30+$0xFFFFFFF0];
	_ =	sdelay $0x1  }
0x1ca: {  	v5 =	vor.u32 s20, v3;
	_ =	sdelay $0x2  }
0x1cb: {  	v4 =	vmul.f32 $8.000000000e+00, v4;
	_ =	sdelay $0x1  }
0x1cc: {  	s20 =	sadd.s32 $0xFFFFFFFF, s1;
	s1 =	smov.u32 s19;
	[tilespmem:v5+s22+$0x0] =	vst.idx.msk $0xffff, v4  }
0x1cd: {  	s19 =	sand.u32 $0x7E, s20;
	v4 =	vld [tilespmem:s30+$0x0]  }
0x1ce: {  	s7 =	sor.u32 s7, s19  }
0x1cf: {  	v5 =	vor.u32 s7, v0;
	_ =	sdelay $0x2  }
0x1d0: {  	v4 =	vmul.f32 $8.000000000e+00, v4;
	_ =	sdelay $0x1  }
0x1d1: {  	[tilespmem:v5+s22+$0x0] =	vst.idx.msk $0xffff, v4  }
0x1d2: {  	v4 =	vld [tilespmem:s30+$0x10];
	_ =	sdelay $0x1  }
0x1d3: {  	v5 =	vor.u32 s7, v1;
	_ =	sdelay $0x2  }
0x1d4: {  	v4 =	vmul.f32 $8.000000000e+00, v4;
	_ =	sdelay $0x1  }
0x1d5: {  	[tilespmem:v5+s22+$0x0] =	vst.idx.msk $0xffff, v4  }
0x1d6: {  	v4 =	vld [tilespmem:s30+$0x20];
	_ =	sdelay $0x1  }
0x1d7: {  	v5 =	vor.u32 s7, v2;
	_ =	sdelay $0x2  }
0x1d8: {  	v4 =	vmul.f32 $8.000000000e+00, v4;
	_ =	sdelay $0x1  }
0x1d9: {  	[tilespmem:v5+s22+$0x0] =	vst.idx.msk $0xffff, v4  }
0x1da: {  	v4 =	vld [tilespmem:s30+$0x30];
	_ =	sdelay $0x1  }
0x1db: {  	v5 =	vor.u32 s7, v3;
	_ =	sdelay $0x2  }
0x1dc: {  	v4 =	vmul.f32 $8.000000000e+00, v4;
	_ =	sdelay $0x1  }
0x1dd: {  	[tilespmem:v5+s22+$0x0] =	vst.idx.msk $0xffff, v4  }
0x1de: {  	v4 =	vld [tilespmem:s30+$0x40];
	_ =	sdelay $0x1  }
0x1df: {  	v5 =	vor.u32 s8, v0;
	_ =	sdelay $0x2  }
0x1e0: {  	v4 =	vmul.f32 $8.000000000e+00, v4;
	_ =	sdelay $0x1  }
0x1e1: {  	[tilespmem:v5+s22+$0x0] =	vst.idx.msk $0xffff, v4  }
0x1e2: {  	v4 =	vld [tilespmem:s30+$0x50];
	_ =	sdelay $0x1  }
0x1e3: {  	v5 =	vor.u32 s8, v1;
	_ =	sdelay $0x2  }
0x1e4: {  	v4 =	vmul.f32 $8.000000000e+00, v4;
	_ =	sdelay $0x1  }
0x1e5: {  	[tilespmem:v5+s22+$0x0] =	vst.idx.msk $0xffff, v4  }
0x1e6: {  	v4 =	vld [tilespmem:s30+$0x60];
	_ =	sdelay $0x1  }
0x1e7: {  	v5 =	vor.u32 s8, v2;
	_ =	sdelay $0x2  }
0x1e8: {  	v4 =	vmul.f32 $8.000000000e+00, v4;
	_ =	sdelay $0x1  }
0x1e9: {  	[tilespmem:v5+s22+$0x0] =	vst.idx.msk $0xffff, v4  }
0x1ea: {  	v5 =	vld [tilespmem:s30+$0x70];
	_ =	sdelay $0x1  }
.Ltmp0:
0x1eb: {  	v4 =	vor.u32 s8, v3;
	(pc) =	sbr.rel @p1 .LBB2_3-.Ltmp0, $3  }
0x1ec: {  	_ =	sdelay $0x1  }
0x1ed: {  	v5 =	vmul.f32 $8.000000000e+00, v5  }
0x1ee: {  	s8 =	smov.u32 s9;
	s30 =	sadd.s32 $0x100, s30  }
0x1ef: {  	_ =	sdelay $0x3  }
0x1f0: {  	s7 =	sadd.s32 $0xFFFFFFFD, s1;
	[tilespmem:v4+s22+$0x0] =	vst.idx.msk $0xffff, v5;
	s8 =	sadd.s32 $0x20, s29  }
0x1f1: {  	s7 =	sand.u32 $0x7C, s7;
	s8 =	sand.u32 $0x400, s8;
	v4 =	vld [tilespmem:s30+$0xFFFFFF80]  }
0x1f2: {  	s7 =	sor.u32 s7, s8  }
0x1f3: {  	v5 =	vor.u32 s7, v0;
	_ =	sdelay $0x2  }
0x1f4: {  	v4 =	vmul.f32 $8.000000000e+00, v4;
	_ =	sdelay $0x1  }
0x1f5: {  	[tilespmem:v5+s22+$0x0] =	vst.idx.msk $0xffff, v4  }
0x1f6: {  	v4 =	vld [tilespmem:s30+$0xFFFFFF90];
	_ =	sdelay $0x1  }
0x1f7: {  	v5 =	vor.u32 s7, v1;
	_ =	sdelay $0x2  }
0x1f8: {  	v4 =	vmul.f32 $8.000000000e+00, v4;
	_ =	sdelay $0x1  }
0x1f9: {  	[tilespmem:v5+s22+$0x0] =	vst.idx.msk $0xffff, v4  }
0x1fa: {  	v4 =	vld [tilespmem:s30+$0xFFFFFFA0];
	_ =	sdelay $0x1  }
0x1fb: {  	v5 =	vor.u32 s7, v2;
	_ =	sdelay $0x2  }
0x1fc: {  	v4 =	vmul.f32 $8.000000000e+00, v4;
	_ =	sdelay $0x1  }
0x1fd: {  	[tilespmem:v5+s22+$0x0] =	vst.idx.msk $0xffff, v4  }
0x1fe: {  	v4 =	vld [tilespmem:s30+$0xFFFFFFB0];
	_ =	sdelay $0x1  }
0x1ff: {  	v5 =	vor.u32 s7, v3;
	_ =	sdelay $0x2  }
0x200: {  	v4 =	vmul.f32 $8.000000000e+00, v4;
	_ =	sdelay $0x1  }
0x201: {  	s20 =	sadd.s32 $0xFFFFFFFE, s1;
	[tilespmem:v5+s22+$0x0] =	vst.idx.msk $0xffff, v4  }
0x202: {  	s7 =	sand.u32 $0x7D, s20;
	v4 =	vld [tilespmem:s30+$0xFFFFFFC0]  }
0x203: {  	s7 =	sor.u32 s8, s7  }
0x204: {  	v5 =	vor.u32 s7, v0;
	_ =	sdelay $0x2  }
0x205: {  	v4 =	vmul.f32 $8.000000000e+00, v4;
	_ =	sdelay $0x1  }
0x206: {  	[tilespmem:v5+s22+$0x0] =	vst.idx.msk $0xffff, v4  }
0x207: {  	v4 =	vld [tilespmem:s30+$0xFFFFFFD0];
	_ =	sdelay $0x1  }
0x208: {  	v5 =	vor.u32 s7, v1;
	_ =	sdelay $0x2  }
0x209: {  	v4 =	vmul.f32 $8.000000000e+00, v4;
	_ =	sdelay $0x1  }
0x20a: {  	[tilespmem:v5+s22+$0x0] =	vst.idx.msk $0xffff, v4  }
0x20b: {  	v4 =	vld [tilespmem:s30+$0xFFFFFFE0];
	_ =	sdelay $0x1  }
0x20c: {  	v5 =	vor.u32 s7, v2;
	_ =	sdelay $0x2  }
0x20d: {  	v4 =	vmul.f32 $8.000000000e+00, v4;
	_ =	sdelay $0x1  }
0x20e: {  	[tilespmem:v5+s22+$0x0] =	vst.idx.msk $0xffff, v4  }
0x20f: {  	v4 =	vld [tilespmem:s30+$0xFFFFFFF0];
	_ =	sdelay $0x1  }
0x210: {  	v5 =	vor.u32 s7, v3;
	_ =	sdelay $0x2  }
0x211: {  	v4 =	vmul.f32 $8.000000000e+00, v4;
	_ =	sdelay $0x1  }
0x212: {  	s23 =	sadd.s32 $0xFFFFFFFF, s1;
	[tilespmem:v5+s22+$0x0] =	vst.idx.msk $0xffff, v4  }
0x213: {  	s7 =	sand.u32 $0x7E, s23;
	v4 =	vld [tilespmem:s30+$0x0]  }
0x214: {  	s7 =	sor.u32 s8, s7  }
0x215: {  	v5 =	vor.u32 s7, v0;
	_ =	sdelay $0x2  }
0x216: {  	v4 =	vmul.f32 $8.000000000e+00, v4;
	_ =	sdelay $0x1  }
0x217: {  	[tilespmem:v5+s22+$0x0] =	vst.idx.msk $0xffff, v4  }
0x218: {  	v4 =	vld [tilespmem:s30+$0x10];
	_ =	sdelay $0x1  }
0x219: {  	v5 =	vor.u32 s7, v1;
	_ =	sdelay $0x2  }
0x21a: {  	v4 =	vmul.f32 $8.000000000e+00, v4;
	_ =	sdelay $0x1  }
0x21b: {  	[tilespmem:v5+s22+$0x0] =	vst.idx.msk $0xffff, v4  }
0x21c: {  	v4 =	vld [tilespmem:s30+$0x20];
	_ =	sdelay $0x1  }
0x21d: {  	v5 =	vor.u32 s7, v2;
	_ =	sdelay $0x2  }
0x21e: {  	v4 =	vmul.f32 $8.000000000e+00, v4;
	_ =	sdelay $0x1  }
0x21f: {  	[tilespmem:v5+s22+$0x0] =	vst.idx.msk $0xffff, v4  }
0x220: {  	v4 =	vld [tilespmem:s30+$0x30];
	_ =	sdelay $0x1  }
0x221: {  	v5 =	vor.u32 s7, v3;
	_ =	sdelay $0x2  }
0x222: {  	v4 =	vmul.f32 $8.000000000e+00, v4;
	_ =	sdelay $0x1  }
0x223: {  	[tilespmem:v5+s22+$0x0] =	vst.idx.msk $0xffff, v4  }
0x224: {  	s29 =	sand.u32 $0x7F, s1;
	v4 =	vld [tilespmem:s30+$0x40]  }
0x225: {  	s1 =	sor.u32 s8, s29  }
0x226: {  	v5 =	vor.u32 s1, v0;
	_ =	sdelay $0x2  }
0x227: {  	v4 =	vmul.f32 $8.000000000e+00, v4;
	_ =	sdelay $0x1  }
0x228: {  	[tilespmem:v5+s22+$0x0] =	vst.idx.msk $0xffff, v4  }
0x229: {  	v4 =	vld [tilespmem:s30+$0x50];
	_ =	sdelay $0x1  }
0x22a: {  	v5 =	vor.u32 s1, v1;
	_ =	sdelay $0x2  }
0x22b: {  	v4 =	vmul.f32 $8.000000000e+00, v4;
	_ =	sdelay $0x1  }
0x22c: {  	[tilespmem:v5+s22+$0x0] =	vst.idx.msk $0xffff, v4  }
0x22d: {  	v4 =	vld [tilespmem:s30+$0x60];
	_ =	sdelay $0x1  }
0x22e: {  	v5 =	vor.u32 s1, v2;
	_ =	sdelay $0x2  }
0x22f: {  	v4 =	vmul.f32 $8.000000000e+00, v4;
	_ =	sdelay $0x1  }
0x230: {  	[tilespmem:v5+s22+$0x0] =	vst.idx.msk $0xffff, v4  }
0x231: {  	v4 =	vld [tilespmem:s30+$0x70];
	_ =	sdelay $0x1  }
0x232: {  	v5 =	vor.u32 s1, v3;
	_ =	sdelay $0x2  }
0x233: {  	s7 =	sshll.u32 s28, $0xF;
	v4 =	vmul.f32 $8.000000000e+00, v4  }
0x234: {  	s1 =	sor.u32 s5, s7  }
0x235: {  	s8 =	sadd.s32 s2, s1;
	[tilespmem:v5+s22+$0x0] =	vst.idx.msk $0xffff, v4  }
0x236: {  	[hbm4b:s8+s3] =	stream.linear.scatter [tilespmem:s22], [sflag:$0x4], $0x800, $0x38;
	[tilespmem:$0x1C800] =	vst v63  }
0x237: {  	s19 =	simm.s32 $0x15000;
	s9 =	sadd.s32 s1, s10  }
0x238: {  	[hbm4b:s9+s3] =	stream.linear.scatter [tilespmem:s19], [sflag:$0x4], $0x800, $0x38;
	[tilespmem:$0x1C800] =	vst v63  }
0x239: {  	s23 =	simm.s32 $0x15800;
	s20 =	sadd.s32 s1, s11  }
0x23a: {  	[hbm4b:s20+s3] =	stream.linear.scatter [tilespmem:s23], [sflag:$0x4], $0x800, $0x38;
	[tilespmem:$0x1C800] =	vst v63  }
0x23b: {  	s29 =	sadd.s32 s1, s12;
	s30 =	simm.s32 $0x16000  }
0x23c: {  	[hbm4b:s29+s3] =	stream.linear.scatter [tilespmem:s30], [sflag:$0x4], $0x800, $0x38;
	[tilespmem:$0x1C800] =	vst v63  }
0x23d: {  	s9 =	sadd.s32 s1, s13;
	s19 =	simm.s32 $0x16800  }
0x23e: {  	[hbm4b:s9+s3] =	stream.linear.scatter [tilespmem:s19], [sflag:$0x4], $0x800, $0x38;
	[tilespmem:$0x1C800] =	vst v63  }
0x23f: {  	s20 =	sadd.s32 s1, s14;
	s23 =	simm.s32 $0x17000  }
0x240: {  	[hbm4b:s20+s3] =	stream.linear.scatter [tilespmem:s23], [sflag:$0x4], $0x800, $0x38;
	[tilespmem:$0x1C800] =	vst v63  }
0x241: {  	s29 =	sadd.s32 s1, s15;
	s30 =	simm.s32 $0x17800  }
0x242: {  	[hbm4b:s29+s3] =	stream.linear.scatter [tilespmem:s30], [sflag:$0x4], $0x800, $0x38;
	[tilespmem:$0x1C800] =	vst v63  }
0x243: {  	p1 =	seq.s32 s24, $0x31;
	s8 =	simm.s32 $0x18000;
	s1 =	sadd.s32 s1, s16  }
0x244: {  	[hbm4b:s1+s3] =	stream.linear.scatter [tilespmem:s8], [sflag:$0x4], $0x800, $0x38;
	[tilespmem:$0x1C800] =	vst v63  }
0x245: {  	s1 =	sadd.s32 @!p1 $0x4, s26  }
0x246: {  	s7 =	sor.u32 @!p1 s6, s1;
	s8 =	sand.u32 @!p1 $0x1F8, s1  }
0x247: {  	s7 =	ssub.s32 @!p1 s7, s8;
	s8 =	sshll.u32 @!p1 s1, $0x8;
	s1 =	sshll.u32 @!p1 s1, $0x1  }
0x248: {  	s19 =	simm.s32 @!p1 $0xC800;
	s9 =	sshll.u32 @!p1 s7, $0x9;
	s1 =	sand.u32 @!p1 $0xFFFFFFF0, s1  }
0x249: {  	s8 =	sand.u32 @!p1 $0x3FFFF800, s8;
	s9 =	sshra.s32 @!p1 s9, $0x2;
	s1 =	sadd.s32 @!p1 s1, s7  }
0x24a: {  	s8 =	sadd.s32 @!p1 s9, s8;
	s9 =	simm.s32 @!p1 $0x80;
	s1 =	sshll.u32 @!p1 s1, $0x9  }
0x24b: {  	[tilespmem:s19], [sflag:$0x2] =	stream.indirect.gather @!p1 [hbm4b:s4+s9], $0x40, s8, s9, $0xb8;
	[tilespmem:$0x1C800] =	vst v63  }
0x24c: {  	s1 =	sadd.s32 @!p1 $0x1000, s1  }
0x24d: {  	s7 =	simm.s32 @!p1 $0xE800;
	s1 =	sshra.s32 @!p1 s1, $0x2  }
0x24e: {  	[tilespmem:s7], [sflag:$0x2] =	stream.indirect.gather @!p1 [hbm4b:s4+s9], $0x40, s1, s9, $0xb8;
	[tilespmem:$0x1C800] =	vst v63  }
0x24f: {  	_ =	swait.ge [sflag:s31], $0x2000  }
0x250: {  	[sflag:s31] =	ssyncset.done $0x0  }
0x251: {  	[sflag:s31] =	ssyncadd.s32 $0xFFFFE000  }
0x252: {  	_ =	swait.ge [sflag:s31], $0x2000  }
0x253: {  	[sflag:s31] =	ssyncset.done $0x0  }
0x254: {  	s1 =	simm.s32 @!p0 $0x5;
	[sflag:s31] =	ssyncadd.s32 $0xFFFFE000  }
0x255: {  	_ =	swait.ge @!p0 [sflag:s1], $0x800  }
0x256: {  	[sflag:s1] =	ssyncset.done @!p0 $0x0  }
0x257: {  	[sflag:s1] =	ssyncadd.s32 @!p0 $0xFFFFF800  }
0x258: {  	_ =	swait.ge @!p0 [sflag:s1], $0x800  }
0x259: {  	[sflag:s1] =	ssyncset.done @!p0 $0x0  }
0x25a: {  	[sflag:s1] =	ssyncadd.s32 @!p0 $0xFFFFF800  }
0x25b: {  	_ =	swait.ge @!p0 [sflag:s1], $0x800  }
0x25c: {  	[sflag:s1] =	ssyncset.done @!p0 $0x0  }
0x25d: {  	[sflag:s1] =	ssyncadd.s32 @!p0 $0xFFFFF800  }
0x25e: {  	_ =	swait.ge @!p0 [sflag:s1], $0x800  }
0x25f: {  	[sflag:s1] =	ssyncset.done @!p0 $0x0  }
0x260: {  	[sflag:s1] =	ssyncadd.s32 @!p0 $0xFFFFF800  }
0x261: {  	_ =	swait.ge @!p0 [sflag:s1], $0x800  }
0x262: {  	[sflag:s1] =	ssyncset.done @!p0 $0x0  }
0x263: {  	[sflag:s1] =	ssyncadd.s32 @!p0 $0xFFFFF800  }
0x264: {  	_ =	swait.ge @!p0 [sflag:s1], $0x800  }
0x265: {  	[sflag:s1] =	ssyncset.done @!p0 $0x0  }
0x266: {  	[sflag:s1] =	ssyncadd.s32 @!p0 $0xFFFFF800  }
0x267: {  	_ =	swait.ge @!p0 [sflag:s1], $0x800  }
0x268: {  	[sflag:s1] =	ssyncset.done @!p0 $0x0  }
0x269: {  	[sflag:s1] =	ssyncadd.s32 @!p0 $0xFFFFF800  }
0x26a: {  	_ =	swait.ge @!p0 [sflag:s1], $0x800  }
0x26b: {  	s26 =	simm.s32 $0x0;
	[sflag:s1] =	ssyncset.done @!p0 $0x0  }
0x26c: {  	s19 =	simm.s32 $0x0;
	s9 =	simm.s32 $0x10880;
	[sflag:s1] =	ssyncadd.s32 @!p0 $0xFFFFF800  }
0x26d: {  	s20 =	sand.u32 $0x400, s26;
	s7 =	sand.u32 $0x7C, s19;
	v4 =	vld [tilespmem:s9+$0xFFFFFF80]  }
0x26e: {  	s7 =	sor.u32 s7, s20  }
0x26f: {  	v5 =	vor.u32 s7, v0;
	_ =	sdelay $0x2  }
0x270: {  	v4 =	vmul.f32 $8.000000000e+00, v4;
	_ =	sdelay $0x1  }
0x271: {  	[tilespmem:v5+s0+$0x0] =	vst.idx.msk $0xffff, v4  }
0x272: {  	v4 =	vld [tilespmem:s9+$0xFFFFFF90];
	_ =	sdelay $0x1  }
0x273: {  	v5 =	vor.u32 s7, v1;
	_ =	sdelay $0x2  }
0x274: {  	v4 =	vmul.f32 $8.000000000e+00, v4;
	_ =	sdelay $0x1  }
0x275: {  	[tilespmem:v5+s0+$0x0] =	vst.idx.msk $0xffff, v4  }
0x276: {  	v4 =	vld [tilespmem:s9+$0xFFFFFFA0];
	_ =	sdelay $0x1  }
0x277: {  	v5 =	vor.u32 s7, v2;
	_ =	sdelay $0x2  }
0x278: {  	v4 =	vmul.f32 $8.000000000e+00, v4;
	_ =	sdelay $0x1  }
0x279: {  	[tilespmem:v5+s0+$0x0] =	vst.idx.msk $0xffff, v4  }
0x27a: {  	v4 =	vld [tilespmem:s9+$0xFFFFFFB0];
	_ =	sdelay $0x1  }
0x27b: {  	v5 =	vor.u32 s7, v3;
	_ =	sdelay $0x2  }
0x27c: {  	v4 =	vmul.f32 $8.000000000e+00, v4;
	_ =	sdelay $0x1  }
0x27d: {  	s23 =	simm.s32 $0x1;
	[tilespmem:v5+s0+$0x0] =	vst.idx.msk $0xffff, v4  }
0x27e: {  	s7 =	sand.u32 $0x7D, s23;
	v4 =	vld [tilespmem:s9+$0xFFFFFFC0]  }
0x27f: {  	s7 =	sor.u32 s20, s7  }
0x280: {  	v5 =	vor.u32 s7, v0;
	_ =	sdelay $0x2  }
0x281: {  	v4 =	vmul.f32 $8.000000000e+00, v4;
	_ =	sdelay $0x1  }
0x282: {  	[tilespmem:v5+s0+$0x0] =	vst.idx.msk $0xffff, v4  }
0x283: {  	v4 =	vld [tilespmem:s9+$0xFFFFFFD0];
	_ =	sdelay $0x1  }
0x284: {  	v5 =	vor.u32 s7, v1;
	_ =	sdelay $0x2  }
0x285: {  	v4 =	vmul.f32 $8.000000000e+00, v4;
	_ =	sdelay $0x1  }
0x286: {  	[tilespmem:v5+s0+$0x0] =	vst.idx.msk $0xffff, v4  }
0x287: {  	v4 =	vld [tilespmem:s9+$0xFFFFFFE0];
	_ =	sdelay $0x1  }
0x288: {  	v5 =	vor.u32 s7, v2;
	_ =	sdelay $0x2  }
0x289: {  	v4 =	vmul.f32 $8.000000000e+00, v4;
	_ =	sdelay $0x1  }
0x28a: {  	[tilespmem:v5+s0+$0x0] =	vst.idx.msk $0xffff, v4  }
0x28b: {  	v4 =	vld [tilespmem:s9+$0xFFFFFFF0];
	_ =	sdelay $0x1  }
0x28c: {  	v5 =	vor.u32 s7, v3;
	_ =	sdelay $0x2  }
0x28d: {  	v4 =	vmul.f32 $8.000000000e+00, v4;
	_ =	sdelay $0x1  }
0x28e: {  	s29 =	simm.s32 $0x2;
	[tilespmem:v5+s0+$0x0] =	vst.idx.msk $0xffff, v4  }
0x28f: {  	s7 =	sand.u32 $0x7E, s29;
	v4 =	vld [tilespmem:s9+$0x0]  }
0x290: {  	s7 =	sor.u32 s20, s7  }
0x291: {  	v5 =	vor.u32 s7, v0;
	_ =	sdelay $0x2  }
0x292: {  	v4 =	vmul.f32 $8.000000000e+00, v4;
	_ =	sdelay $0x1  }
0x293: {  	[tilespmem:v5+s0+$0x0] =	vst.idx.msk $0xffff, v4  }
0x294: {  	v4 =	vld [tilespmem:s9+$0x10];
	_ =	sdelay $0x1  }
0x295: {  	v5 =	vor.u32 s7, v1;
	_ =	sdelay $0x2  }
0x296: {  	v4 =	vmul.f32 $8.000000000e+00, v4;
	_ =	sdelay $0x1  }
0x297: {  	[tilespmem:v5+s0+$0x0] =	vst.idx.msk $0xffff, v4  }
0x298: {  	v4 =	vld [tilespmem:s9+$0x20];
	_ =	sdelay $0x1  }
0x299: {  	v5 =	vor.u32 s7, v2;
	_ =	sdelay $0x2  }
0x29a: {  	v4 =	vmul.f32 $8.000000000e+00, v4;
	_ =	sdelay $0x1  }
0x29b: {  	[tilespmem:v5+s0+$0x0] =	vst.idx.msk $0xffff, v4  }
0x29c: {  	v4 =	vld [tilespmem:s9+$0x30];
	_ =	sdelay $0x1  }
0x29d: {  	v5 =	vor.u32 s7, v3;
	_ =	sdelay $0x2  }
0x29e: {  	v4 =	vmul.f32 $8.000000000e+00, v4;
	_ =	sdelay $0x1  }
0x29f: {  	s30 =	simm.s32 $0x3;
	[tilespmem:v5+s0+$0x0] =	vst.idx.msk $0xffff, v4  }
0x2a0: {  	s7 =	sand.u32 $0x7F, s30;
	v4 =	vld [tilespmem:s9+$0x40]  }
0x2a1: {  	s7 =	sor.u32 s20, s7  }
0x2a2: {  	v5 =	vor.u32 s7, v0;
	_ =	sdelay $0x2  }
0x2a3: {  	v4 =	vmul.f32 $8.000000000e+00, v4;
	_ =	sdelay $0x1  }
0x2a4: {  	[tilespmem:v5+s0+$0x0] =	vst.idx.msk $0xffff, v4  }
0x2a5: {  	v4 =	vld [tilespmem:s9+$0x50];
	_ =	sdelay $0x1  }
0x2a6: {  	v5 =	vor.u32 s7, v1;
	_ =	sdelay $0x2  }
0x2a7: {  	v4 =	vmul.f32 $8.000000000e+00, v4;
	_ =	sdelay $0x1  }
0x2a8: {  	[tilespmem:v5+s0+$0x0] =	vst.idx.msk $0xffff, v4  }
0x2a9: {  	v4 =	vld [tilespmem:s9+$0x60];
	_ =	sdelay $0x1  }
0x2aa: {  	v5 =	vor.u32 s7, v2;
	_ =	sdelay $0x2  }
0x2ab: {  	v4 =	vmul.f32 $8.000000000e+00, v4;
	_ =	sdelay $0x1  }
0x2ac: {  	[tilespmem:v5+s0+$0x0] =	vst.idx.msk $0xffff, v4  }
0x2ad: {  	v5 =	vld [tilespmem:s9+$0x70];
	_ =	sdelay $0x1  }
0x2ae: {  	v4 =	vor.u32 s7, v3;
	_ =	sdelay $0x2  }
0x2af: {  	s28 =	simm.s32 $0x10980;
	s8 =	simm.s32 $0xB;
	s1 =	simm.s32 $0x7;
	v5 =	vmul.f32 $8.000000000e+00, v5  }
.LBB2_5:
0x2b0: {  	s7 =	sadd.s32 $0xFFFFFFFD, s1  }
0x2b1: {  	[tilespmem:v4+s0+$0x0] =	vst.idx.msk $0xffff, v5;
	s26 =	sadd.s32 $0x20, s26;
	s19 =	smov.u32 s8;
	s9 =	sadd.s32 $0x4, s8  }
0x2b2: {  	s23 =	sand.u32 $0x7F, s1;
	s20 =	sand.u32 $0x7C, s7;
	s7 =	sand.u32 $0x400, s26;
	v4 =	vld [tilespmem:s28+$0xFFFFFF80]  }
0x2b3: {  	p0 =	sne.s32 s8, $0xFF;
	s20 =	sor.u32 s20, s7;
	s8 =	sor.u32 s7, s23  }
0x2b4: {  	v5 =	vor.u32 s20, v0;
	_ =	sdelay $0x2  }
0x2b5: {  	v4 =	vmul.f32 $8.000000000e+00, v4;
	_ =	sdelay $0x1  }
0x2b6: {  	[tilespmem:v5+s0+$0x0] =	vst.idx.msk $0xffff, v4  }
0x2b7: {  	v4 =	vld [tilespmem:s28+$0xFFFFFF90];
	_ =	sdelay $0x1  }
0x2b8: {  	v5 =	vor.u32 s20, v1;
	_ =	sdelay $0x2  }
0x2b9: {  	v4 =	vmul.f32 $8.000000000e+00, v4;
	_ =	sdelay $0x1  }
0x2ba: {  	[tilespmem:v5+s0+$0x0] =	vst.idx.msk $0xffff, v4  }
0x2bb: {  	v4 =	vld [tilespmem:s28+$0xFFFFFFA0];
	_ =	sdelay $0x1  }
0x2bc: {  	v5 =	vor.u32 s20, v2;
	_ =	sdelay $0x2  }
0x2bd: {  	v4 =	vmul.f32 $8.000000000e+00, v4;
	_ =	sdelay $0x1  }
0x2be: {  	[tilespmem:v5+s0+$0x0] =	vst.idx.msk $0xffff, v4  }
0x2bf: {  	v4 =	vld [tilespmem:s28+$0xFFFFFFB0];
	_ =	sdelay $0x1  }
0x2c0: {  	v5 =	vor.u32 s20, v3;
	_ =	sdelay $0x2  }
0x2c1: {  	v4 =	vmul.f32 $8.000000000e+00, v4;
	_ =	sdelay $0x1  }
0x2c2: {  	s20 =	sadd.s32 $0xFFFFFFFE, s1;
	[tilespmem:v5+s0+$0x0] =	vst.idx.msk $0xffff, v4  }
0x2c3: {  	s20 =	sand.u32 $0x7D, s20;
	v4 =	vld [tilespmem:s28+$0xFFFFFFC0]  }
0x2c4: {  	s20 =	sor.u32 s7, s20  }
0x2c5: {  	v5 =	vor.u32 s20, v0;
	_ =	sdelay $0x2  }
0x2c6: {  	v4 =	vmul.f32 $8.000000000e+00, v4;
	_ =	sdelay $0x1  }
0x2c7: {  	[tilespmem:v5+s0+$0x0] =	vst.idx.msk $0xffff, v4  }
0x2c8: {  	v4 =	vld [tilespmem:s28+$0xFFFFFFD0];
	_ =	sdelay $0x1  }
0x2c9: {  	v5 =	vor.u32 s20, v1;
	_ =	sdelay $0x2  }
0x2ca: {  	v4 =	vmul.f32 $8.000000000e+00, v4;
	_ =	sdelay $0x1  }
0x2cb: {  	[tilespmem:v5+s0+$0x0] =	vst.idx.msk $0xffff, v4  }
0x2cc: {  	v4 =	vld [tilespmem:s28+$0xFFFFFFE0];
	_ =	sdelay $0x1  }
0x2cd: {  	v5 =	vor.u32 s20, v2;
	_ =	sdelay $0x2  }
0x2ce: {  	v4 =	vmul.f32 $8.000000000e+00, v4;
	_ =	sdelay $0x1  }
0x2cf: {  	[tilespmem:v5+s0+$0x0] =	vst.idx.msk $0xffff, v4  }
0x2d0: {  	v4 =	vld [tilespmem:s28+$0xFFFFFFF0];
	_ =	sdelay $0x1  }
0x2d1: {  	v5 =	vor.u32 s20, v3;
	_ =	sdelay $0x2  }
0x2d2: {  	v4 =	vmul.f32 $8.000000000e+00, v4;
	_ =	sdelay $0x1  }
0x2d3: {  	s20 =	sadd.s32 $0xFFFFFFFF, s1;
	s1 =	smov.u32 s19;
	[tilespmem:v5+s0+$0x0] =	vst.idx.msk $0xffff, v4  }
0x2d4: {  	s19 =	sand.u32 $0x7E, s20;
	v4 =	vld [tilespmem:s28+$0x0]  }
0x2d5: {  	s7 =	sor.u32 s7, s19  }
0x2d6: {  	v5 =	vor.u32 s7, v0;
	_ =	sdelay $0x2  }
0x2d7: {  	v4 =	vmul.f32 $8.000000000e+00, v4;
	_ =	sdelay $0x1  }
0x2d8: {  	[tilespmem:v5+s0+$0x0] =	vst.idx.msk $0xffff, v4  }
0x2d9: {  	v4 =	vld [tilespmem:s28+$0x10];
	_ =	sdelay $0x1  }
0x2da: {  	v5 =	vor.u32 s7, v1;
	_ =	sdelay $0x2  }
0x2db: {  	v4 =	vmul.f32 $8.000000000e+00, v4;
	_ =	sdelay $0x1  }
0x2dc: {  	[tilespmem:v5+s0+$0x0] =	vst.idx.msk $0xffff, v4  }
0x2dd: {  	v4 =	vld [tilespmem:s28+$0x20];
	_ =	sdelay $0x1  }
0x2de: {  	v5 =	vor.u32 s7, v2;
	_ =	sdelay $0x2  }
0x2df: {  	v4 =	vmul.f32 $8.000000000e+00, v4;
	_ =	sdelay $0x1  }
0x2e0: {  	[tilespmem:v5+s0+$0x0] =	vst.idx.msk $0xffff, v4  }
0x2e1: {  	v4 =	vld [tilespmem:s28+$0x30];
	_ =	sdelay $0x1  }
0x2e2: {  	v5 =	vor.u32 s7, v3;
	_ =	sdelay $0x2  }
0x2e3: {  	v4 =	vmul.f32 $8.000000000e+00, v4;
	_ =	sdelay $0x1  }
0x2e4: {  	[tilespmem:v5+s0+$0x0] =	vst.idx.msk $0xffff, v4  }
0x2e5: {  	v4 =	vld [tilespmem:s28+$0x40];
	_ =	sdelay $0x1  }
0x2e6: {  	v5 =	vor.u32 s8, v0;
	_ =	sdelay $0x2  }
0x2e7: {  	v4 =	vmul.f32 $8.000000000e+00, v4;
	_ =	sdelay $0x1  }
0x2e8: {  	[tilespmem:v5+s0+$0x0] =	vst.idx.msk $0xffff, v4  }
0x2e9: {  	v4 =	vld [tilespmem:s28+$0x50];
	_ =	sdelay $0x1  }
0x2ea: {  	v5 =	vor.u32 s8, v1;
	_ =	sdelay $0x2  }
0x2eb: {  	v4 =	vmul.f32 $8.000000000e+00, v4;
	_ =	sdelay $0x1  }
0x2ec: {  	[tilespmem:v5+s0+$0x0] =	vst.idx.msk $0xffff, v4  }
0x2ed: {  	v4 =	vld [tilespmem:s28+$0x60];
	_ =	sdelay $0x1  }
0x2ee: {  	v5 =	vor.u32 s8, v2;
	_ =	sdelay $0x2  }
0x2ef: {  	v4 =	vmul.f32 $8.000000000e+00, v4;
	_ =	sdelay $0x1  }
0x2f0: {  	[tilespmem:v5+s0+$0x0] =	vst.idx.msk $0xffff, v4  }
0x2f1: {  	v5 =	vld [tilespmem:s28+$0x70];
	_ =	sdelay $0x1  }
.Ltmp1:
0x2f2: {  	v4 =	vor.u32 s8, v3;
	(pc) =	sbr.rel @p0 .LBB2_5-.Ltmp1, $3  }
0x2f3: {  	_ =	sdelay $0x1  }
0x2f4: {  	v5 =	vmul.f32 $8.000000000e+00, v5  }
0x2f5: {  	s8 =	smov.u32 s9;
	s28 =	sadd.s32 $0x100, s28  }
0x2f6: {  	_ =	sdelay $0x3  }
0x2f7: {  	s7 =	sadd.s32 $0xFFFFFFFD, s1;
	[tilespmem:v4+s0+$0x0] =	vst.idx.msk $0xffff, v5;
	s8 =	sadd.s32 $0x20, s26  }
0x2f8: {  	s7 =	sand.u32 $0x7C, s7;
	s8 =	sand.u32 $0x400, s8;
	v4 =	vld [tilespmem:s28+$0xFFFFFF80]  }
0x2f9: {  	s7 =	sor.u32 s7, s8  }
0x2fa: {  	v5 =	vor.u32 s7, v0;
	_ =	sdelay $0x2  }
0x2fb: {  	v4 =	vmul.f32 $8.000000000e+00, v4;
	_ =	sdelay $0x1  }
0x2fc: {  	[tilespmem:v5+s0+$0x0] =	vst.idx.msk $0xffff, v4  }
0x2fd: {  	v4 =	vld [tilespmem:s28+$0xFFFFFF90];
	_ =	sdelay $0x1  }
0x2fe: {  	v5 =	vor.u32 s7, v1;
	_ =	sdelay $0x2  }
0x2ff: {  	v4 =	vmul.f32 $8.000000000e+00, v4;
	_ =	sdelay $0x1  }
0x300: {  	[tilespmem:v5+s0+$0x0] =	vst.idx.msk $0xffff, v4  }
0x301: {  	v4 =	vld [tilespmem:s28+$0xFFFFFFA0];
	_ =	sdelay $0x1  }
0x302: {  	v5 =	vor.u32 s7, v2;
	_ =	sdelay $0x2  }
0x303: {  	v4 =	vmul.f32 $8.000000000e+00, v4;
	_ =	sdelay $0x1  }
0x304: {  	[tilespmem:v5+s0+$0x0] =	vst.idx.msk $0xffff, v4  }
0x305: {  	v4 =	vld [tilespmem:s28+$0xFFFFFFB0];
	_ =	sdelay $0x1  }
0x306: {  	v5 =	vor.u32 s7, v3;
	_ =	sdelay $0x2  }
0x307: {  	v4 =	vmul.f32 $8.000000000e+00, v4;
	_ =	sdelay $0x1  }
0x308: {  	s9 =	sadd.s32 $0xFFFFFFFE, s1;
	[tilespmem:v5+s0+$0x0] =	vst.idx.msk $0xffff, v4  }
0x309: {  	s7 =	sand.u32 $0x7D, s9;
	v4 =	vld [tilespmem:s28+$0xFFFFFFC0]  }
0x30a: {  	s7 =	sor.u32 s8, s7  }
0x30b: {  	v5 =	vor.u32 s7, v0;
	_ =	sdelay $0x2  }
0x30c: {  	v4 =	vmul.f32 $8.000000000e+00, v4;
	_ =	sdelay $0x1  }
0x30d: {  	[tilespmem:v5+s0+$0x0] =	vst.idx.msk $0xffff, v4  }
0x30e: {  	v4 =	vld [tilespmem:s28+$0xFFFFFFD0];
	_ =	sdelay $0x1  }
0x30f: {  	v5 =	vor.u32 s7, v1;
	_ =	sdelay $0x2  }
0x310: {  	v4 =	vmul.f32 $8.000000000e+00, v4;
	_ =	sdelay $0x1  }
0x311: {  	[tilespmem:v5+s0+$0x0] =	vst.idx.msk $0xffff, v4  }
0x312: {  	v4 =	vld [tilespmem:s28+$0xFFFFFFE0];
	_ =	sdelay $0x1  }
0x313: {  	v5 =	vor.u32 s7, v2;
	_ =	sdelay $0x2  }
0x314: {  	v4 =	vmul.f32 $8.000000000e+00, v4;
	_ =	sdelay $0x1  }
0x315: {  	[tilespmem:v5+s0+$0x0] =	vst.idx.msk $0xffff, v4  }
0x316: {  	v4 =	vld [tilespmem:s28+$0xFFFFFFF0];
	_ =	sdelay $0x1  }
0x317: {  	v5 =	vor.u32 s7, v3;
	_ =	sdelay $0x2  }
0x318: {  	v4 =	vmul.f32 $8.000000000e+00, v4;
	_ =	sdelay $0x1  }
0x319: {  	s19 =	sadd.s32 $0xFFFFFFFF, s1;
	[tilespmem:v5+s0+$0x0] =	vst.idx.msk $0xffff, v4  }
0x31a: {  	s7 =	sand.u32 $0x7E, s19;
	v4 =	vld [tilespmem:s28+$0x0]  }
0x31b: {  	s7 =	sor.u32 s8, s7  }
0x31c: {  	v5 =	vor.u32 s7, v0;
	_ =	sdelay $0x2  }
0x31d: {  	v4 =	vmul.f32 $8.000000000e+00, v4;
	_ =	sdelay $0x1  }
0x31e: {  	[tilespmem:v5+s0+$0x0] =	vst.idx.msk $0xffff, v4  }
0x31f: {  	v4 =	vld [tilespmem:s28+$0x10];
	_ =	sdelay $0x1  }
0x320: {  	v5 =	vor.u32 s7, v1;
	_ =	sdelay $0x2  }
0x321: {  	v4 =	vmul.f32 $8.000000000e+00, v4;
	_ =	sdelay $0x1  }
0x322: {  	[tilespmem:v5+s0+$0x0] =	vst.idx.msk $0xffff, v4  }
0x323: {  	v4 =	vld [tilespmem:s28+$0x20];
	_ =	sdelay $0x1  }
0x324: {  	v5 =	vor.u32 s7, v2;
	_ =	sdelay $0x2  }
0x325: {  	v4 =	vmul.f32 $8.000000000e+00, v4;
	_ =	sdelay $0x1  }
0x326: {  	[tilespmem:v5+s0+$0x0] =	vst.idx.msk $0xffff, v4  }
0x327: {  	v4 =	vld [tilespmem:s28+$0x30];
	_ =	sdelay $0x1  }
0x328: {  	v5 =	vor.u32 s7, v3;
	_ =	sdelay $0x2  }
0x329: {  	v4 =	vmul.f32 $8.000000000e+00, v4;
	_ =	sdelay $0x1  }
0x32a: {  	[tilespmem:v5+s0+$0x0] =	vst.idx.msk $0xffff, v4  }
0x32b: {  	s20 =	sand.u32 $0x7F, s1;
	v4 =	vld [tilespmem:s28+$0x40]  }
0x32c: {  	s1 =	sor.u32 s8, s20  }
0x32d: {  	v5 =	vor.u32 s1, v0;
	_ =	sdelay $0x2  }
0x32e: {  	v4 =	vmul.f32 $8.000000000e+00, v4;
	_ =	sdelay $0x1  }
0x32f: {  	[tilespmem:v5+s0+$0x0] =	vst.idx.msk $0xffff, v4  }
0x330: {  	v4 =	vld [tilespmem:s28+$0x50];
	_ =	sdelay $0x1  }
0x331: {  	v5 =	vor.u32 s1, v1;
	_ =	sdelay $0x2  }
0x332: {  	v4 =	vmul.f32 $8.000000000e+00, v4;
	_ =	sdelay $0x1  }
0x333: {  	[tilespmem:v5+s0+$0x0] =	vst.idx.msk $0xffff, v4  }
0x334: {  	v4 =	vld [tilespmem:s28+$0x60];
	_ =	sdelay $0x1  }
0x335: {  	v5 =	vor.u32 s1, v2;
	_ =	sdelay $0x2  }
0x336: {  	v4 =	vmul.f32 $8.000000000e+00, v4;
	_ =	sdelay $0x1  }
0x337: {  	[tilespmem:v5+s0+$0x0] =	vst.idx.msk $0xffff, v4  }
0x338: {  	v4 =	vld [tilespmem:s28+$0x70];
	_ =	sdelay $0x1  }
0x339: {  	v5 =	vor.u32 s1, v3;
	_ =	sdelay $0x2  }
0x33a: {  	s23 =	sshll.u32 s25, $0xF;
	v4 =	vmul.f32 $8.000000000e+00, v4  }
0x33b: {  	s1 =	sor.u32 s5, s23  }
0x33c: {  	s25 =	sadd.s32 s2, s1;
	[tilespmem:v5+s0+$0x0] =	vst.idx.msk $0xffff, v4  }
0x33d: {  	[hbm4b:s25+s3] =	stream.linear.scatter [tilespmem:s0], [sflag:$0x5], $0x800, $0x38;
	[tilespmem:$0x1C800] =	vst v63  }
0x33e: {  	s26 =	sadd.s32 s1, s10;
	s28 =	simm.s32 $0x19000  }
0x33f: {  	[hbm4b:s26+s3] =	stream.linear.scatter [tilespmem:s28], [sflag:$0x5], $0x800, $0x38;
	[tilespmem:$0x1C800] =	vst v63  }
0x340: {  	s30 =	simm.s32 $0x19800;
	s29 =	sadd.s32 s1, s11  }
0x341: {  	[hbm4b:s29+s3] =	stream.linear.scatter [tilespmem:s30], [sflag:$0x5], $0x800, $0x38;
	[tilespmem:$0x1C800] =	vst v63  }
0x342: {  	s19 =	simm.s32 $0x1A000;
	s9 =	sadd.s32 s1, s12  }
0x343: {  	[hbm4b:s9+s3] =	stream.linear.scatter [tilespmem:s19], [sflag:$0x5], $0x800, $0x38;
	[tilespmem:$0x1C800] =	vst v63  }
0x344: {  	s24 =	sadd.s32 $0x1, s24;
	s23 =	simm.s32 $0x1A800;
	s20 =	sadd.s32 s1, s13  }
0x345: {  	[hbm4b:s20+s3] =	stream.linear.scatter [tilespmem:s23], [sflag:$0x5], $0x800, $0x38;
	[tilespmem:$0x1C800] =	vst v63  }
0x346: {  	p0 =	sne.s32 s24, $0x32;
	s25 =	sadd.s32 s1, s14;
	s26 =	simm.s32 $0x1B000  }
0x347: {  	[hbm4b:s25+s3] =	stream.linear.scatter [tilespmem:s26], [sflag:$0x5], $0x800, $0x38;
	[tilespmem:$0x1C800] =	vst v63  }
.Ltmp2:
0x348: {  	_ = 	snop;
	(pc) =	sbr.rel @p0 .LBB2_2-.Ltmp2, $4  }
0x349: {  	s28 =	sadd.s32 s1, s15;
	s29 =	simm.s32 $0x1B800  }
0x34a: {  	[hbm4b:s28+s3] =	stream.linear.scatter [tilespmem:s29], [sflag:$0x5], $0x800, $0x38;
	[tilespmem:$0x1C800] =	vst v63  }
0x34b: {  	s1 =	sadd.s32 s1, s16;
	s30 =	simm.s32 $0x1C000  }
0x34c: {  	[hbm4b:s1+s3] =	stream.linear.scatter [tilespmem:s30], [sflag:$0x5], $0x800, $0x38;
	[tilespmem:$0x1C800] =	vst v63  }
0x34d: {  	s1 =	simm.s32 $0x4  }
0x34e: {  	_ =	swait.ge [sflag:s1], $0x800  }
0x34f: {  	[sflag:s1] =	ssyncset.done $0x0  }
0x350: {  	[sflag:s1] =	ssyncadd.s32 $0xFFFFF800  }
0x351: {  	_ =	swait.ge [sflag:s1], $0x800  }
0x352: {  	[sflag:s1] =	ssyncset.done $0x0  }
0x353: {  	[sflag:s1] =	ssyncadd.s32 $0xFFFFF800  }
0x354: {  	_ =	swait.ge [sflag:s1], $0x800  }
0x355: {  	[sflag:s1] =	ssyncset.done $0x0  }
0x356: {  	[sflag:s1] =	ssyncadd.s32 $0xFFFFF800  }
0x357: {  	_ =	swait.ge [sflag:s1], $0x800  }
0x358: {  	[sflag:s1] =	ssyncset.done $0x0  }
0x359: {  	[sflag:s1] =	ssyncadd.s32 $0xFFFFF800  }
0x35a: {  	_ =	swait.ge [sflag:s1], $0x800  }
0x35b: {  	[sflag:s1] =	ssyncset.done $0x0  }
0x35c: {  	[sflag:s1] =	ssyncadd.s32 $0xFFFFF800  }
0x35d: {  	_ =	swait.ge [sflag:s1], $0x800  }
0x35e: {  	[sflag:s1] =	ssyncset.done $0x0  }
0x35f: {  	[sflag:s1] =	ssyncadd.s32 $0xFFFFF800  }
0x360: {  	_ =	swait.ge [sflag:s1], $0x800  }
0x361: {  	[sflag:s1] =	ssyncset.done $0x0  }
0x362: {  	[sflag:s1] =	ssyncadd.s32 $0xFFFFF800  }
0x363: {  	_ =	swait.ge [sflag:s1], $0x800  }
0x364: {  	[sflag:s1] =	ssyncset.done $0x0  }
0x365: {  	s7 =	simm.s32 $0x5;
	[sflag:s1] =	ssyncadd.s32 $0xFFFFF800  }
0x366: {  	_ =	swait.ge [sflag:s7], $0x800  }
0x367: {  	[sflag:s7] =	ssyncset.done $0x0  }
0x368: {  	[sflag:s7] =	ssyncadd.s32 $0xFFFFF800  }
0x369: {  	_ =	swait.ge [sflag:s7], $0x800  }
0x36a: {  	[sflag:s7] =	ssyncset.done $0x0  }
0x36b: {  	[sflag:s7] =	ssyncadd.s32 $0xFFFFF800  }
0x36c: {  	_ =	swait.ge [sflag:s7], $0x800  }
0x36d: {  	[sflag:s7] =	ssyncset.done $0x0  }
0x36e: {  	[sflag:s7] =	ssyncadd.s32 $0xFFFFF800  }
0x36f: {  	_ =	swait.ge [sflag:s7], $0x800  }
0x370: {  	[sflag:s7] =	ssyncset.done $0x0  }
0x371: {  	[sflag:s7] =	ssyncadd.s32 $0xFFFFF800  }
0x372: {  	_ =	swait.ge [sflag:s7], $0x800  }
0x373: {  	[sflag:s7] =	ssyncset.done $0x0  }
0x374: {  	[sflag:s7] =	ssyncadd.s32 $0xFFFFF800  }
0x375: {  	_ =	swait.ge [sflag:s7], $0x800  }
0x376: {  	[sflag:s7] =	ssyncset.done $0x0  }
0x377: {  	[sflag:s7] =	ssyncadd.s32 $0xFFFFF800  }
0x378: {  	_ =	swait.ge [sflag:s7], $0x800  }
0x379: {  	[sflag:s7] =	ssyncset.done $0x0  }
0x37a: {  	[sflag:s7] =	ssyncadd.s32 $0xFFFFF800  }
0x37b: {  	_ =	swait.ge [sflag:s7], $0x800  }
0x37c: {  	s8 =	sld [smem:$0x7E4];
	_ =	sdelay $0x2  }
0x37d: {  	s30 =	rddreg [dreg:$0x16];
	s8 =	sadd.s32 $0x1, s8  }
0x37e: {  	p0 =	sne.s32 s8, s30  }
.Ltmp3:
0x37f: {  	_ = 	snop;
	(pc) =	sbr.rel @p0 .LBB2_1-.Ltmp3, $3  }
0x380: {  	_ =	sdelay $0x1  }
0x381: {  	[sflag:s7] =	ssyncset.done $0x0  }
0x382: {  	[sflag:s7] =	ssyncadd.s32 $0xFFFFF800  }
0x383: {  	_ =	sfence.sel $0x180000  }
0x384: {  	[bflag:$0x0] =	sbarrier.arrive $0xFFFF  }
0x385: {  	_ =	strace $0x90000047  }
0x386: {  	s0 =	stileid.u32;
	[bflag:$0x2] =	sbarrier.arrive $0xFFFF  }
0x387: {  	p0 =	sne.s32 s0, $0x0;
	s0 =	rddreg [dreg:$0x3]  }
0x388: {  	s0 =	sadd.s32 @!p0 $0x100000, s0  }
0x389: {  	[sflag:s0] =	ssyncadd.tile.s32 @!p0 $0x1;
	_ =	shalt  }
.Lfunc_end2:
_tile_overlayer_lowered:
.L_overlay_start_2:
0x38a: {  	(tag) =	ssettag $0x2  }
0x38b: {  	s0 =	rddreg [dreg:$0x0];
	s2 =	stileid.u32  }
0x38c: {  	s1 =	rddreg [dreg:$0x1];
	p0 =	sne.s32 s2, $0x0  }
0x38d: {  	s3 =	rddreg [dreg:$0x2];
	[bflag:$0x3] =	sbarrier.arrive $0xFFFF;
	s2 =	simm.s32 @!p0 $0x1C06  }
0x38e: {  	[timem:s3], [sflag:s2] =	dma.local @!p0 [hbm:s0], s1  }
0x38f: {  	s0 =	simm.s32 @!p0 $0x6  }
0x390: {  	_ =	swait.ge @!p0 [sflag:s0], s1  }
0x391: {  	s1 =	ssub.s32 @!p0 $0x0, s1;
	[sflag:s0] =	ssyncset.done @!p0 $0x0  }
0x392: {  	[sflag:s0] =	ssyncadd.s32 @!p0 s1  }
0x393: {  	[bflag:$0x3] =	sbarrier.arrive $0xFFFF  }
0x394: {  	_ =	shalt  }

</sc_bundles>
